<compile_context>
chip_gen: v7x
topology: tpu7x:2x2x1
jax: 0.10.2.dev20260603
libtpu: 0.0.44.dev20260713+nightly
codegen_flags: <defaults>
</compile_context>

<pallas_src>
import functools

import jax
import jax.numpy as jnp
from jax import lax
from jax.experimental import pallas as pl
from jax.experimental.pallas import tpu as pltpu
from jax.experimental.pallas import tpu_sc as plsc

N_ROWS = 524288
N_CLS = 10
N_BINS = 15
N_WORKERS = 32
ROWS_PER_W = N_ROWS // N_WORKERS
CHUNK = 2048
N_CHUNKS = ROWS_PER_W // CHUNK
GROUPS = CHUNK // 16
LANE_STRIDE = 256
TABLE_WORDS = 16 * LANE_STRIDE
OUT_W = 512
PACK = 4096.0


def _sc_hist_body(lt_hbm, lab_hbm, out_hbm,
                  col0, col1, lb0, lb1, table, ctable, orow, sem0, sem1):
    wid = lax.axis_index("s") * 2 + lax.axis_index("c")
    iota = lax.iota(jnp.int32, 16)
    laneoff = iota * LANE_STRIDE
    zeros = jnp.zeros((16,), jnp.float32)
    cbufs, lbufs, sems = (col0, col1), (lb0, lb1), (sem0, sem1)
    cls_base = [laneoff + (i * N_BINS) for i in range(N_CLS)]

    def start(bufi, ci):
        row0 = wid * ROWS_PER_W + ci * CHUNK
        for i in range(N_CLS):
            pltpu.async_copy(lt_hbm.at[pl.ds(i * N_ROWS + row0, CHUNK)],
                             cbufs[bufi].at[pl.ds(i * CHUNK, CHUNK)],
                             sems[bufi])
        pltpu.async_copy(lab_hbm.at[pl.ds(row0, CHUNK)], lbufs[bufi],
                         sems[bufi])

    def wait(bufi):
        for i in range(N_CLS):
            pltpu.make_async_copy(lt_hbm.at[pl.ds(i * N_ROWS, CHUNK)],
                                  cbufs[bufi].at[pl.ds(i * CHUNK, CHUNK)],
                                  sems[bufi]).wait()
        pltpu.make_async_copy(lab_hbm.at[pl.ds(0, CHUNK)], lbufs[bufi],
                              sems[bufi]).wait()

    @plsc.parallel_loop(0, TABLE_WORDS // 16, unroll=8)
    def _(j):
        table[pl.ds(j * 16, 16)] = zeros
        ctable[pl.ds(j * 16, 16)] = zeros

    start(0, 0)

    def one_group(cbuf, lbuf, g):
        cols = [cbuf[pl.ds(i * CHUNK + g * 16, 16)] for i in range(N_CLS)]
        lv = lbuf[pl.ds(g * 16, 16)]
        es = [jnp.exp(c) for c in cols]
        z01 = es[0] + es[1]
        z23 = es[2] + es[3]
        z45 = es[4] + es[5]
        z67 = es[6] + es[7]
        z89 = es[8] + es[9]
        z = ((z01 + z23) + (z45 + z67)) + z89
        inv15 = 15.0 / z
        for i in range(N_CLS):
            if i == 1:
                continue
            t = es[i] * inv15
            bi = jnp.minimum(t.astype(jnp.int32), N_BINS - 1)
            pv = jnp.where(lv == i, 1.0 + PACK, 1.0)
            slot = cls_base[i] + bi
            plsc.addupdate_scatter(table, [slot], pv)
            plsc.addupdate_scatter(ctable, [slot], t)

    def outer(o, carry):
        for b in range(2):
            ci = o * 2 + b
            wait(b)

            @pl.when(ci + 1 < N_CHUNKS)
            def _():
                start(1 - b, ci + 1)

            @plsc.parallel_loop(0, GROUPS, unroll=8)
            def _(g):
                one_group(cbufs[b], lbufs[b], g)
        return carry

    lax.fori_loop(0, N_CHUNKS // 2, outer, 0)

    @plsc.parallel_loop(0, 160 // 16, unroll=2)
    def _(jb):
        cnt = jnp.zeros((16,), jnp.float32)
        acc = jnp.zeros((16,), jnp.float32)
        for l in range(16):
            cv = table[pl.ds(jb * 16 + l * LANE_STRIDE, 16)]
            r = jnp.mod(cv, PACK)
            cnt = cnt + r
            acc = acc + (cv - r)
        orow[pl.ds(jb * 16, 16)] = cnt
        orow[pl.ds(320 + jb * 16, 16)] = acc * (1.0 / PACK)

    @plsc.parallel_loop(0, 160 // 16, unroll=2)
    def _(jb):
        s = jnp.zeros((16,), jnp.float32)
        for l in range(16):
            s = s + ctable[pl.ds(jb * 16 + l * LANE_STRIDE, 16)]
        orow[pl.ds(160 + jb * 16, 16)] = s

    orow[pl.ds(480, 16)] = zeros
    orow[pl.ds(496, 16)] = zeros
    pltpu.sync_copy(orow, out_hbm.at[pl.ds(wid * OUT_W, OUT_W)])


_sc_hist = functools.partial(
    pl.kernel,
    mesh=plsc.VectorSubcoreMesh(core_axis_name="c", subcore_axis_name="s"),
    out_type=jax.ShapeDtypeStruct((N_WORKERS * OUT_W,), jnp.float32),
    compiler_params=pltpu.CompilerParams(needs_layout_passes=False),
    scratch_types=[
        pltpu.VMEM((CHUNK * N_CLS,), jnp.float32),
        pltpu.VMEM((CHUNK * N_CLS,), jnp.float32),
        pltpu.VMEM((CHUNK,), jnp.int32),
        pltpu.VMEM((CHUNK,), jnp.int32),
        pltpu.VMEM((TABLE_WORDS,), jnp.float32),
        pltpu.VMEM((TABLE_WORDS,), jnp.float32),
        pltpu.VMEM((OUT_W,), jnp.float32),
        pltpu.SemaphoreType.DMA,
        pltpu.SemaphoreType.DMA,
    ],
)(_sc_hist_body)


def _finalize_body(p_ref, l_ref, o_ref):
    x = p_ref[...]
    tot = jnp.sum(x, axis=0, keepdims=True)
    count = lax.slice(tot, (0, 0), (1, 150))
    conf = lax.slice(tot, (0, 160), (1, 310)) * (1.0 / 15.0)
    acc = lax.slice(tot, (0, 320), (1, 470))
    mx = jnp.max(l_ref[...]).astype(jnp.float32)
    ncls = mx + 1.0
    safe = jnp.maximum(count, 1.0)
    prop = count * (1.0 / N_ROWS)
    contrib = jnp.where(count > 0.0,
                        jnp.abs(conf / safe - acc / safe) * prop, 0.0)
    ci = (lax.broadcasted_iota(jnp.int32, (1, 150), 1) // N_BINS)
    contrib = jnp.where(ci.astype(jnp.float32) < ncls, contrib, 0.0)
    o_ref[...] = (jnp.sum(contrib) / ncls).reshape(1, 1)


def kernel(logits, labels):
    labels32 = labels.astype(jnp.int32)
    partials = _sc_hist(logits.T.reshape(-1), labels32)
    out = pl.pallas_call(
        _finalize_body,
        out_shape=jax.ShapeDtypeStruct((1, 1), jnp.float32),
    )(partials.reshape(N_WORKERS, OUT_W), labels32.reshape(N_ROWS // 128, 128))
    return out[0, 0]

# --- scband reference (transcript-rebuilt; emitter-appended) ---
"""Pipeline reference for scband-sceloss-sst-49443663511584 (READ-ONLY COPY).

The authoritative reference and input builder live on the scoring server;
editing this copy changes nothing except your own understanding.
"""

import jax, jax.numpy as jnp
import numpy as np

N_BINS = 15


def setup_inputs(seed: int = 0) -> dict:
    key = jax.random.key(seed)
    k1, k2 = jax.random.split(key)
    logits = jax.random.normal(k1, (524288, 10), dtype=jnp.float32)
    labels = jax.random.randint(k2, (524288,), 0, 10, dtype=jnp.int64)
    return {"logits": logits, "labels": labels}


def reference(logits, labels):
    num_classes = jnp.max(labels) + 1
    bin_boundaries = jnp.linspace(0.0, 1.0, N_BINS + 1)
    bin_lowers = bin_boundaries[:-1]
    bin_uppers = bin_boundaries[1:]

    softmaxes = jax.nn.softmax(logits, axis=1)
    # faithful to the torch in-place write: softmaxes[:, 1] = -9999
    softmaxes = softmaxes.at[:, 1].set(-9999.0)

    per_class_sce = []
    for i in range(logits.shape[1]):
        class_confidences = softmaxes[:, i]
        labels_in_class = (labels == i).astype(jnp.float32)
        # [n_bins, N] membership mask (detached in the original)
        in_bin = (class_confidences[None, :] > bin_lowers[:, None]) & (
            class_confidences[None, :] <= bin_uppers[:, None]
        )
        in_bin = jax.lax.stop_gradient(in_bin)
        in_bin_f = in_bin.astype(jnp.float32)
        count_in_bin = in_bin_f.sum(axis=1)
        prop_in_bin = count_in_bin / class_confidences.shape[0]
        safe_count = jnp.maximum(count_in_bin, 1.0)
        accuracy_in_bin = (in_bin_f * labels_in_class[None, :]).sum(axis=1) / safe_count
        avg_confidence_in_bin = (in_bin_f * class_confidences[None, :]).sum(axis=1) / safe_count
        contrib = jnp.where(
            prop_in_bin > 0,
            jnp.abs(avg_confidence_in_bin - accuracy_in_bin) * prop_in_bin,
            0.0,
        )
        per_class_sce.append(jnp.where(i < num_classes, contrib.sum(), 0.0))

    sce = jnp.stack(per_class_sce).sum() / num_classes.astype(jnp.float32)
    return sce

if __name__ == "__main__":
    import jax
    _d = setup_inputs()
    print(jax.jit(kernel)(*tuple(_d.values())))

</pallas_src>

<mosaic_0001>
#map = affine_map<(d0, d1) -> (0)>
module attributes {stable_mosaic.version = 14 : i64} {
  func.func @_sc_hist_body(%arg0: i32, %arg1: i32, %arg2: memref<5242880xf32, #tpu.memory_space<hbm>>, %arg3: memref<524288xi32, #tpu.memory_space<hbm>>, %arg4: memref<16384xf32, #tpu.memory_space<hbm>>, %arg5: memref<20480xf32, #tpu.memory_space<vmem>>, %arg6: memref<20480xf32, #tpu.memory_space<vmem>>, %arg7: memref<2048xi32, #tpu.memory_space<vmem>>, %arg8: memref<2048xi32, #tpu.memory_space<vmem>>, %arg9: memref<4096xf32, #tpu.memory_space<vmem>>, %arg10: memref<4096xf32, #tpu.memory_space<vmem>>, %arg11: memref<512xf32, #tpu.memory_space<vmem>>, %arg12: memref<!tpu.dma_semaphore, #tpu.memory_space<semaphore_mem>>, %arg13: memref<!tpu.dma_semaphore, #tpu.memory_space<semaphore_mem>>) attributes {dimension_semantics = [#tpu.dimension_semantics<core_parallel>, #tpu.dimension_semantics<subcore_parallel>], iteration_bounds = array<i64: 2, 16>, scalar_prefetch = 0 : i64, scratch_operands = 9 : i64, tpu.core_type = #tpu.core_type<sc_vector_subcore>, window_params = [{transform_indices = #map}, {transform_indices = #map}, {transform_indices = #map}]} {
    %mul3A = arith.constant 2 : i32
    %mul3A_0 = arith.muli %arg1, %mul3A : i32
    %add3A = arith.addi %mul3A_0, %arg0 : i32
    %iota3A = tpu.iota {dimensions = array<i32: 0>} : vector<16xi32>
    %mul3A_1 = arith.constant 256 : i32
    %mul3A_2 = vector.broadcast %mul3A_1 : i32 to vector<16xi32>
    %mul3A_3 = arith.muli %iota3A, %mul3A_2 : vector<16xi32>
    %broadcast_in_dim3A = arith.constant 0.000000e+00 : f32
    %broadcast_in_dim3A_4 = vector.broadcast %broadcast_in_dim3A : f32 to vector<16xf32>
    %add3A_5 = arith.constant 0 : i32
    %add3A_6 = vector.broadcast %add3A_5 : i32 to vector<16xi32>
    %add3A_7 = arith.addi %mul3A_3, %add3A_6 : vector<16xi32>
    %add3A_8 = arith.constant 15 : i32
    %add3A_9 = vector.broadcast %add3A_8 : i32 to vector<16xi32>
    %add3A_10 = arith.addi %mul3A_3, %add3A_9 : vector<16xi32>
    %add3A_11 = arith.constant 30 : i32
    %add3A_12 = vector.broadcast %add3A_11 : i32 to vector<16xi32>
    %add3A_13 = arith.addi %mul3A_3, %add3A_12 : vector<16xi32>
    %add3A_14 = arith.constant 45 : i32
    %add3A_15 = vector.broadcast %add3A_14 : i32 to vector<16xi32>
    %add3A_16 = arith.addi %mul3A_3, %add3A_15 : vector<16xi32>
    %add3A_17 = arith.constant 60 : i32
    %add3A_18 = vector.broadcast %add3A_17 : i32 to vector<16xi32>
    %add3A_19 = arith.addi %mul3A_3, %add3A_18 : vector<16xi32>
    %add3A_20 = arith.constant 75 : i32
    %add3A_21 = vector.broadcast %add3A_20 : i32 to vector<16xi32>
    %add3A_22 = arith.addi %mul3A_3, %add3A_21 : vector<16xi32>
    %add3A_23 = arith.constant 90 : i32
    %add3A_24 = vector.broadcast %add3A_23 : i32 to vector<16xi32>
    %add3A_25 = arith.addi %mul3A_3, %add3A_24 : vector<16xi32>
    %add3A_26 = arith.constant 105 : i32
    %add3A_27 = vector.broadcast %add3A_26 : i32 to vector<16xi32>
    %add3A_28 = arith.addi %mul3A_3, %add3A_27 : vector<16xi32>
    %add3A_29 = arith.constant 120 : i32
    %add3A_30 = vector.broadcast %add3A_29 : i32 to vector<16xi32>
    %add3A_31 = arith.addi %mul3A_3, %add3A_30 : vector<16xi32>
    %add3A_32 = arith.constant 135 : i32
    %add3A_33 = vector.broadcast %add3A_32 : i32 to vector<16xi32>
    %add3A_34 = arith.addi %mul3A_3, %add3A_33 : vector<16xi32>
    %parallel_loop3A = arith.constant 0 : i32
    %parallel_loop3A_35 = arith.constant 256 : i32
    %parallel_loop3A_36 = arith.constant 1 : i32
    scf.for %parallel_loop3A_138 = %parallel_loop3A to %parallel_loop3A_35 step %parallel_loop3A_36  : i32 {
      %parallel_loop3A_139 = arith.constant 16 : i32
      %parallel_loop3A_140 = arith.muli %parallel_loop3A_138, %parallel_loop3A_139 : i32
      %parallel_loop3A_141 = arith.index_cast %parallel_loop3A_140 : i32 to index
      %parallel_loop3A_142 = tpu.vector_load %arg9[%parallel_loop3A_141] {strides = array<i32>} : memref<4096xf32, #tpu.memory_space<vmem>>, vector<16xf32>,
      tpu.vector_store %arg9[%parallel_loop3A_141], %broadcast_in_dim3A_4 {strides = array<i32>} : memref<4096xf32, #tpu.memory_space<vmem>>, vector<16xf32>,
      %parallel_loop3A_143 = arith.constant 16 : i32
      %parallel_loop3A_144 = arith.muli %parallel_loop3A_138, %parallel_loop3A_143 : i32
      %parallel_loop3A_145 = arith.index_cast %parallel_loop3A_144 : i32 to index
      %parallel_loop3A_146 = tpu.vector_load %arg10[%parallel_loop3A_145] {strides = array<i32>} : memref<4096xf32, #tpu.memory_space<vmem>>, vector<16xf32>,
      tpu.vector_store %arg10[%parallel_loop3A_145], %broadcast_in_dim3A_4 {strides = array<i32>} : memref<4096xf32, #tpu.memory_space<vmem>>, vector<16xf32>,
    } {sc.loop_unroll_factor = 8 : i64, sc.parallel_access}
    %mul3A_37 = arith.constant 16384 : i32
    %mul3A_38 = arith.muli %add3A, %mul3A_37 : i32
    %add3A_39 = arith.constant 0 : i32
    %add3A_40 = arith.addi %mul3A_38, %add3A_39 : i32
    %add3A_41 = arith.constant 0 : i32
    %add3A_42 = arith.addi %add3A_41, %add3A_40 : i32
    %dma_start3A = arith.constant 0 : i32
    %dma_start3A_43 = tpu.memref_slice %arg5[%dma_start3A] : memref<20480xf32, #tpu.memory_space<vmem>> -> memref<2048xf32, #tpu.memory_space<vmem>>
    %dma_start3A_44 = tpu.memref_slice %arg2[%add3A_42] : memref<5242880xf32, #tpu.memory_space<hbm>> -> memref<2048xf32, #tpu.memory_space<hbm>>
    %dma_start3A_45 = arith.constant 0 : i32
    %dma_start3A_46 = tpu.memref_slice %arg5[%dma_start3A_45] : memref<20480xf32, #tpu.memory_space<vmem>> -> memref<2048xf32, #tpu.memory_space<vmem>>
    %dma_start3A_47 = tpu.memref_slice %arg2[%add3A_42] : memref<5242880xf32, #tpu.memory_space<hbm>> -> memref<2048xf32, #tpu.memory_space<hbm>>
    tpu.enqueue_dma source(%dma_start3A_47 : memref<2048xf32, #tpu.memory_space<hbm>>) target(%dma_start3A_46 : memref<2048xf32, #tpu.memory_space<vmem>>) target_semaphore(%arg12 : memref<!tpu.dma_semaphore, #tpu.memory_space<semaphore_mem>>)
    %add3A_48 = arith.constant 524288 : i32
    %add3A_49 = arith.addi %add3A_48, %add3A_40 : i32
    %dma_start3A_50 = arith.constant 2048 : i32
    %dma_start3A_51 = tpu.memref_slice %arg5[%dma_start3A_50] : memref<20480xf32, #tpu.memory_space<vmem>> -> memref<2048xf32, #tpu.memory_space<vmem>>
    %dma_start3A_52 = tpu.memref_slice %arg2[%add3A_49] : memref<5242880xf32, #tpu.memory_space<hbm>> -> memref<2048xf32, #tpu.memory_space<hbm>>
    %dma_start3A_53 = arith.constant 2048 : i32
    %dma_start3A_54 = tpu.memref_slice %arg5[%dma_start3A_53] : memref<20480xf32, #tpu.memory_space<vmem>> -> memref<2048xf32, #tpu.memory_space<vmem>>
    %dma_start3A_55 = tpu.memref_slice %arg2[%add3A_49] : memref<5242880xf32, #tpu.memory_space<hbm>> -> memref<2048xf32, #tpu.memory_space<hbm>>
    tpu.enqueue_dma source(%dma_start3A_55 : memref<2048xf32, #tpu.memory_space<hbm>>) target(%dma_start3A_54 : memref<2048xf32, #tpu.memory_space<vmem>>) target_semaphore(%arg12 : memref<!tpu.dma_semaphore, #tpu.memory_space<semaphore_mem>>)
    %add3A_56 = arith.constant 1048576 : i32
    %add3A_57 = arith.addi %add3A_56, %add3A_40 : i32
    %dma_start3A_58 = arith.constant 4096 : i32
    %dma_start3A_59 = tpu.memref_slice %arg5[%dma_start3A_58] : memref<20480xf32, #tpu.memory_space<vmem>> -> memref<2048xf32, #tpu.memory_space<vmem>>
    %dma_start3A_60 = tpu.memref_slice %arg2[%add3A_57] : memref<5242880xf32, #tpu.memory_space<hbm>> -> memref<2048xf32, #tpu.memory_space<hbm>>
    %dma_start3A_61 = arith.constant 4096 : i32
    %dma_start3A_62 = tpu.memref_slice %arg5[%dma_start3A_61] : memref<20480xf32, #tpu.memory_space<vmem>> -> memref<2048xf32, #tpu.memory_space<vmem>>
    %dma_start3A_63 = tpu.memref_slice %arg2[%add3A_57] : memref<5242880xf32, #tpu.memory_space<hbm>> -> memref<2048xf32, #tpu.memory_space<hbm>>
    tpu.enqueue_dma source(%dma_start3A_63 : memref<2048xf32, #tpu.memory_space<hbm>>) target(%dma_start3A_62 : memref<2048xf32, #tpu.memory_space<vmem>>) target_semaphore(%arg12 : memref<!tpu.dma_semaphore, #tpu.memory_space<semaphore_mem>>)
    %add3A_64 = arith.constant 1572864 : i32
    %add3A_65 = arith.addi %add3A_64, %add3A_40 : i32
    %dma_start3A_66 = arith.constant 6144 : i32
    %dma_start3A_67 = tpu.memref_slice %arg5[%dma_start3A_66] : memref<20480xf32, #tpu.memory_space<vmem>> -> memref<2048xf32, #tpu.memory_space<vmem>>
    %dma_start3A_68 = tpu.memref_slice %arg2[%add3A_65] : memref<5242880xf32, #tpu.memory_space<hbm>> -> memref<2048xf32, #tpu.memory_space<hbm>>
    %dma_start3A_69 = arith.constant 6144 : i32
    %dma_start3A_70 = tpu.memref_slice %arg5[%dma_start3A_69] : memref<20480xf32, #tpu.memory_space<vmem>> -> memref<2048xf32, #tpu.memory_space<vmem>>
    %dma_start3A_71 = tpu.memref_slice %arg2[%add3A_65] : memref<5242880xf32, #tpu.memory_space<hbm>> -> memref<2048xf32, #tpu.memory_space<hbm>>
    tpu.enqueue_dma source(%dma_start3A_71 : memref<2048xf32, #tpu.memory_space<hbm>>) target(%dma_start3A_70 : memref<2048xf32, #tpu.memory_space<vmem>>) target_semaphore(%arg12 : memref<!tpu.dma_semaphore, #tpu.memory_space<semaphore_mem>>)
    %add3A_72 = arith.constant 2097152 : i32
    %add3A_73 = arith.addi %add3A_72, %add3A_40 : i32
    %dma_start3A_74 = arith.constant 8192 : i32
    %dma_start3A_75 = tpu.memref_slice %arg5[%dma_start3A_74] : memref<20480xf32, #tpu.memory_space<vmem>> -> memref<2048xf32, #tpu.memory_space<vmem>>
    %dma_start3A_76 = tpu.memref_slice %arg2[%add3A_73] : memref<5242880xf32, #tpu.memory_space<hbm>> -> memref<2048xf32, #tpu.memory_space<hbm>>
    %dma_start3A_77 = arith.constant 8192 : i32
    %dma_start3A_78 = tpu.memref_slice %arg5[%dma_start3A_77] : memref<20480xf32, #tpu.memory_space<vmem>> -> memref<2048xf32, #tpu.memory_space<vmem>>
    %dma_start3A_79 = tpu.memref_slice %arg2[%add3A_73] : memref<5242880xf32, #tpu.memory_space<hbm>> -> memref<2048xf32, #tpu.memory_space<hbm>>
    tpu.enqueue_dma source(%dma_start3A_79 : memref<2048xf32, #tpu.memory_space<hbm>>) target(%dma_start3A_78 : memref<2048xf32, #tpu.memory_space<vmem>>) target_semaphore(%arg12 : memref<!tpu.dma_semaphore, #tpu.memory_space<semaphore_mem>>)
    %add3A_80 = arith.constant 2621440 : i32
    %add3A_81 = arith.addi %add3A_80, %add3A_40 : i32
    %dma_start3A_82 = arith.constant 10240 : i32
    %dma_start3A_83 = tpu.memref_slice %arg5[%dma_start3A_82] : memref<20480xf32, #tpu.memory_space<vmem>> -> memref<2048xf32, #tpu.memory_space<vmem>>
    %dma_start3A_84 = tpu.memref_slice %arg2[%add3A_81] : memref<5242880xf32, #tpu.memory_space<hbm>> -> memref<2048xf32, #tpu.memory_space<hbm>>
    %dma_start3A_85 = arith.constant 10240 : i32
    %dma_start3A_86 = tpu.memref_slice %arg5[%dma_start3A_85] : memref<20480xf32, #tpu.memory_space<vmem>> -> memref<2048xf32, #tpu.memory_space<vmem>>
    %dma_start3A_87 = tpu.memref_slice %arg2[%add3A_81] : memref<5242880xf32, #tpu.memory_space<hbm>> -> memref<2048xf32, #tpu.memory_space<hbm>>
    tpu.enqueue_dma source(%dma_start3A_87 : memref<2048xf32, #tpu.memory_space<hbm>>) target(%dma_start3A_86 : memref<2048xf32, #tpu.memory_space<vmem>>) target_semaphore(%arg12 : memref<!tpu.dma_semaphore, #tpu.memory_space<semaphore_mem>>)
    %add3A_88 = arith.constant 3145728 : i32
    %add3A_89 = arith.addi %add3A_88, %add3A_40 : i32
    %dma_start3A_90 = arith.constant 12288 : i32
    %dma_start3A_91 = tpu.memref_slice %arg5[%dma_start3A_90] : memref<20480xf32, #tpu.memory_space<vmem>> -> memref<2048xf32, #tpu.memory_space<vmem>>
    %dma_start3A_92 = tpu.memref_slice %arg2[%add3A_89] : memref<5242880xf32, #tpu.memory_space<hbm>> -> memref<2048xf32, #tpu.memory_space<hbm>>
    %dma_start3A_93 = arith.constant 12288 : i32
    %dma_start3A_94 = tpu.memref_slice %arg5[%dma_start3A_93] : memref<20480xf32, #tpu.memory_space<vmem>> -> memref<2048xf32, #tpu.memory_space<vmem>>
    %dma_start3A_95 = tpu.memref_slice %arg2[%add3A_89] : memref<5242880xf32, #tpu.memory_space<hbm>> -> memref<2048xf32, #tpu.memory_space<hbm>>
    tpu.enqueue_dma source(%dma_start3A_95 : memref<2048xf32, #tpu.memory_space<hbm>>) target(%dma_start3A_94 : memref<2048xf32, #tpu.memory_space<vmem>>) target_semaphore(%arg12 : memref<!tpu.dma_semaphore, #tpu.memory_space<semaphore_mem>>)
    %add3A_96 = arith.constant 3670016 : i32
    %add3A_97 = arith.addi %add3A_96, %add3A_40 : i32
    %dma_start3A_98 = arith.constant 14336 : i32
    %dma_start3A_99 = tpu.memref_slice %arg5[%dma_start3A_98] : memref<20480xf32, #tpu.memory_space<vmem>> -> memref<2048xf32, #tpu.memory_space<vmem>>
    %dma_start3A_100 = tpu.memref_slice %arg2[%add3A_97] : memref<5242880xf32, #tpu.memory_space<hbm>> -> memref<2048xf32, #tpu.memory_space<hbm>>
    %dma_start3A_101 = arith.constant 14336 : i32
    %dma_start3A_102 = tpu.memref_slice %arg5[%dma_start3A_101] : memref<20480xf32, #tpu.memory_space<vmem>> -> memref<2048xf32, #tpu.memory_space<vmem>>
    %dma_start3A_103 = tpu.memref_slice %arg2[%add3A_97] : memref<5242880xf32, #tpu.memory_space<hbm>> -> memref<2048xf32, #tpu.memory_space<hbm>>
    tpu.enqueue_dma source(%dma_start3A_103 : memref<2048xf32, #tpu.memory_space<hbm>>) target(%dma_start3A_102 : memref<2048xf32, #tpu.memory_space<vmem>>) target_semaphore(%arg12 : memref<!tpu.dma_semaphore, #tpu.memory_space<semaphore_mem>>)
    %add3A_104 = arith.constant 4194304 : i32
    %add3A_105 = arith.addi %add3A_104, %add3A_40 : i32
    %dma_start3A_106 = arith.constant 16384 : i32
    %dma_start3A_107 = tpu.memref_slice %arg5[%dma_start3A_106] : memref<20480xf32, #tpu.memory_space<vmem>> -> memref<2048xf32, #tpu.memory_space<vmem>>
    %dma_start3A_108 = tpu.memref_slice %arg2[%add3A_105] : memref<5242880xf32, #tpu.memory_space<hbm>> -> memref<2048xf32, #tpu.memory_space<hbm>>
    %dma_start3A_109 = arith.constant 16384 : i32
    %dma_start3A_110 = tpu.memref_slice %arg5[%dma_start3A_109] : memref<20480xf32, #tpu.memory_space<vmem>> -> memref<2048xf32, #tpu.memory_space<vmem>>
    %dma_start3A_111 = tpu.memref_slice %arg2[%add3A_105] : memref<5242880xf32, #tpu.memory_space<hbm>> -> memref<2048xf32, #tpu.memory_space<hbm>>
    tpu.enqueue_dma source(%dma_start3A_111 : memref<2048xf32, #tpu.memory_space<hbm>>) target(%dma_start3A_110 : memref<2048xf32, #tpu.memory_space<vmem>>) target_semaphore(%arg12 : memref<!tpu.dma_semaphore, #tpu.memory_space<semaphore_mem>>)
    %add3A_112 = arith.constant 4718592 : i32
    %add3A_113 = arith.addi %add3A_112, %add3A_40 : i32
    %dma_start3A_114 = arith.constant 18432 : i32
    %dma_start3A_115 = tpu.memref_slice %arg5[%dma_start3A_114] : memref<20480xf32, #tpu.memory_space<vmem>> -> memref<2048xf32, #tpu.memory_space<vmem>>
    %dma_start3A_116 = tpu.memref_slice %arg2[%add3A_113] : memref<5242880xf32, #tpu.memory_space<hbm>> -> memref<2048xf32, #tpu.memory_space<hbm>>
    %dma_start3A_117 = arith.constant 18432 : i32
    %dma_start3A_118 = tpu.memref_slice %arg5[%dma_start3A_117] : memref<20480xf32, #tpu.memory_space<vmem>> -> memref<2048xf32, #tpu.memory_space<vmem>>
    %dma_start3A_119 = tpu.memref_slice %arg2[%add3A_113] : memref<5242880xf32, #tpu.memory_space<hbm>> -> memref<2048xf32, #tpu.memory_space<hbm>>
    tpu.enqueue_dma source(%dma_start3A_119 : memref<2048xf32, #tpu.memory_space<hbm>>) target(%dma_start3A_118 : memref<2048xf32, #tpu.memory_space<vmem>>) target_semaphore(%arg12 : memref<!tpu.dma_semaphore, #tpu.memory_space<semaphore_mem>>)
    %dma_start3A_120 = tpu.memref_slice %arg3[%add3A_40] : memref<524288xi32, #tpu.memory_space<hbm>> -> memref<2048xi32, #tpu.memory_space<hbm>>
    %dma_start3A_121 = tpu.memref_slice %arg3[%add3A_40] : memref<524288xi32, #tpu.memory_space<hbm>> -> memref<2048xi32, #tpu.memory_space<hbm>>
    tpu.enqueue_dma source(%dma_start3A_121 : memref<2048xi32, #tpu.memory_space<hbm>>) target(%arg7 : memref<2048xi32, #tpu.memory_space<vmem>>) target_semaphore(%arg12 : memref<!tpu.dma_semaphore, #tpu.memory_space<semaphore_mem>>)
    %scan3A = arith.constant 0 : i32
    %scan3A_122 = arith.constant 0 : i32
    %scan3A_123 = arith.constant 4 : i32
    %scan3A_124 = arith.addi %scan3A_122, %scan3A_123 : i32
    %scan3A_125 = arith.constant 1 : i32
    scf.for %scan3A_138 = %scan3A_122 to %scan3A_124 step %scan3A_125  : i32 {
      %mul3A_139 = arith.constant 2 : i32
      %mul3A_140 = arith.muli %scan3A_138, %mul3A_139 : i32
      %add3A_141 = arith.constant 0 : i32
      %add3A_142 = arith.addi %mul3A_140, %add3A_141 : i32
      %dma_wait3A = arith.constant 0 : i32
      %dma_wait3A_143 = tpu.memref_slice %arg5[%dma_wait3A] : memref<20480xf32, #tpu.memory_space<vmem>> -> memref<2048xf32, #tpu.memory_space<vmem>>
      %dma_wait3A_144 = arith.constant 0 : i32
      %dma_wait3A_145 = tpu.memref_slice %arg2[%dma_wait3A_144] : memref<5242880xf32, #tpu.memory_space<hbm>> -> memref<2048xf32, #tpu.memory_space<hbm>>
      %dma_wait3A_146 = arith.constant 0 : i32
      %dma_wait3A_147 = tpu.memref_slice %arg5[%dma_wait3A_146] : memref<20480xf32, #tpu.memory_space<vmem>> -> memref<2048xf32, #tpu.memory_space<vmem>>
      %dma_wait3A_148 = arith.constant 0 : i32
      %dma_wait3A_149 = tpu.memref_slice %arg2[%dma_wait3A_148] : memref<5242880xf32, #tpu.memory_space<hbm>> -> memref<2048xf32, #tpu.memory_space<hbm>>
      tpu.wait_dma2 semaphore(%arg12 : memref<!tpu.dma_semaphore, #tpu.memory_space<semaphore_mem>>) src(%dma_wait3A_149 : memref<2048xf32, #tpu.memory_space<hbm>>) dst(%dma_wait3A_147 : memref<2048xf32, #tpu.memory_space<vmem>>)
      %dma_wait3A_150 = arith.constant 2048 : i32
      %dma_wait3A_151 = tpu.memref_slice %arg5[%dma_wait3A_150] : memref<20480xf32, #tpu.memory_space<vmem>> -> memref<2048xf32, #tpu.memory_space<vmem>>
      %dma_wait3A_152 = arith.constant 524288 : i32
      %dma_wait3A_153 = tpu.memref_slice %arg2[%dma_wait3A_152] : memref<5242880xf32, #tpu.memory_space<hbm>> -> memref<2048xf32, #tpu.memory_space<hbm>>
      %dma_wait3A_154 = arith.constant 2048 : i32
      %dma_wait3A_155 = tpu.memref_slice %arg5[%dma_wait3A_154] : memref<20480xf32, #tpu.memory_space<vmem>> -> memref<2048xf32, #tpu.memory_space<vmem>>
      %dma_wait3A_156 = arith.constant 524288 : i32
      %dma_wait3A_157 = tpu.memref_slice %arg2[%dma_wait3A_156] : memref<5242880xf32, #tpu.memory_space<hbm>> -> memref<2048xf32, #tpu.memory_space<hbm>>
      tpu.wait_dma2 semaphore(%arg12 : memref<!tpu.dma_semaphore, #tpu.memory_space<semaphore_mem>>) src(%dma_wait3A_157 : memref<2048xf32, #tpu.memory_space<hbm>>) dst(%dma_wait3A_155 : memref<2048xf32, #tpu.memory_space<vmem>>)
      %dma_wait3A_158 = arith.constant 4096 : i32
      %dma_wait3A_159 = tpu.memref_slice %arg5[%dma_wait3A_158] : memref<20480xf32, #tpu.memory_space<vmem>> -> memref<2048xf32, #tpu.memory_space<vmem>>
      %dma_wait3A_160 = arith.constant 1048576 : i32
      %dma_wait3A_161 = tpu.memref_slice %arg2[%dma_wait3A_160] : memref<5242880xf32, #tpu.memory_space<hbm>> -> memref<2048xf32, #tpu.memory_space<hbm>>
      %dma_wait3A_162 = arith.constant 4096 : i32
      %dma_wait3A_163 = tpu.memref_slice %arg5[%dma_wait3A_162] : memref<20480xf32, #tpu.memory_space<vmem>> -> memref<2048xf32, #tpu.memory_space<vmem>>
      %dma_wait3A_164 = arith.constant 1048576 : i32
      %dma_wait3A_165 = tpu.memref_slice %arg2[%dma_wait3A_164] : memref<5242880xf32, #tpu.memory_space<hbm>> -> memref<2048xf32, #tpu.memory_space<hbm>>
      tpu.wait_dma2 semaphore(%arg12 : memref<!tpu.dma_semaphore, #tpu.memory_space<semaphore_mem>>) src(%dma_wait3A_165 : memref<2048xf32, #tpu.memory_space<hbm>>) dst(%dma_wait3A_163 : memref<2048xf32, #tpu.memory_space<vmem>>)
      %dma_wait3A_166 = arith.constant 6144 : i32
      %dma_wait3A_167 = tpu.memref_slice %arg5[%dma_wait3A_166] : memref<20480xf32, #tpu.memory_space<vmem>> -> memref<2048xf32, #tpu.memory_space<vmem>>
      %dma_wait3A_168 = arith.constant 1572864 : i32
      %dma_wait3A_169 = tpu.memref_slice %arg2[%dma_wait3A_168] : memref<5242880xf32, #tpu.memory_space<hbm>> -> memref<2048xf32, #tpu.memory_space<hbm>>
      %dma_wait3A_170 = arith.constant 6144 : i32
      %dma_wait3A_171 = tpu.memref_slice %arg5[%dma_wait3A_170] : memref<20480xf32, #tpu.memory_space<vmem>> -> memref<2048xf32, #tpu.memory_space<vmem>>
      %dma_wait3A_172 = arith.constant 1572864 : i32
      %dma_wait3A_173 = tpu.memref_slice %arg2[%dma_wait3A_172] : memref<5242880xf32, #tpu.memory_space<hbm>> -> memref<2048xf32, #tpu.memory_space<hbm>>
      tpu.wait_dma2 semaphore(%arg12 : memref<!tpu.dma_semaphore, #tpu.memory_space<semaphore_mem>>) src(%dma_wait3A_173 : memref<2048xf32, #tpu.memory_space<hbm>>) dst(%dma_wait3A_171 : memref<2048xf32, #tpu.memory_space<vmem>>)
      %dma_wait3A_174 = arith.constant 8192 : i32
      %dma_wait3A_175 = tpu.memref_slice %arg5[%dma_wait3A_174] : memref<20480xf32, #tpu.memory_space<vmem>> -> memref<2048xf32, #tpu.memory_space<vmem>>
      %dma_wait3A_176 = arith.constant 2097152 : i32
      %dma_wait3A_177 = tpu.memref_slice %arg2[%dma_wait3A_176] : memref<5242880xf32, #tpu.memory_space<hbm>> -> memref<2048xf32, #tpu.memory_space<hbm>>
      %dma_wait3A_178 = arith.constant 8192 : i32
      %dma_wait3A_179 = tpu.memref_slice %arg5[%dma_wait3A_178] : memref<20480xf32, #tpu.memory_space<vmem>> -> memref<2048xf32, #tpu.memory_space<vmem>>
      %dma_wait3A_180 = arith.constant 2097152 : i32
      %dma_wait3A_181 = tpu.memref_slice %arg2[%dma_wait3A_180] : memref<5242880xf32, #tpu.memory_space<hbm>> -> memref<2048xf32, #tpu.memory_space<hbm>>
      tpu.wait_dma2 semaphore(%arg12 : memref<!tpu.dma_semaphore, #tpu.memory_space<semaphore_mem>>) src(%dma_wait3A_181 : memref<2048xf32, #tpu.memory_space<hbm>>) dst(%dma_wait3A_179 : memref<2048xf32, #tpu.memory_space<vmem>>)
      %dma_wait3A_182 = arith.constant 10240 : i32
      %dma_wait3A_183 = tpu.memref_slice %arg5[%dma_wait3A_182] : memref<20480xf32, #tpu.memory_space<vmem>> -> memref<2048xf32, #tpu.memory_space<vmem>>
      %dma_wait3A_184 = arith.constant 2621440 : i32
      %dma_wait3A_185 = tpu.memref_slice %arg2[%dma_wait3A_184] : memref<5242880xf32, #tpu.memory_space<hbm>> -> memref<2048xf32, #tpu.memory_space<hbm>>
      %dma_wait3A_186 = arith.constant 10240 : i32
      %dma_wait3A_187 = tpu.memref_slice %arg5[%dma_wait3A_186] : memref<20480xf32, #tpu.memory_space<vmem>> -> memref<2048xf32, #tpu.memory_space<vmem>>
      %dma_wait3A_188 = arith.constant 2621440 : i32
      %dma_wait3A_189 = tpu.memref_slice %arg2[%dma_wait3A_188] : memref<5242880xf32, #tpu.memory_space<hbm>> -> memref<2048xf32, #tpu.memory_space<hbm>>
      tpu.wait_dma2 semaphore(%arg12 : memref<!tpu.dma_semaphore, #tpu.memory_space<semaphore_mem>>) src(%dma_wait3A_189 : memref<2048xf32, #tpu.memory_space<hbm>>) dst(%dma_wait3A_187 : memref<2048xf32, #tpu.memory_space<vmem>>)
      %dma_wait3A_190 = arith.constant 12288 : i32
      %dma_wait3A_191 = tpu.memref_slice %arg5[%dma_wait3A_190] : memref<20480xf32, #tpu.memory_space<vmem>> -> memref<2048xf32, #tpu.memory_space<vmem>>
      %dma_wait3A_192 = arith.constant 3145728 : i32
      %dma_wait3A_193 = tpu.memref_slice %arg2[%dma_wait3A_192] : memref<5242880xf32, #tpu.memory_space<hbm>> -> memref<2048xf32, #tpu.memory_space<hbm>>
      %dma_wait3A_194 = arith.constant 12288 : i32
      %dma_wait3A_195 = tpu.memref_slice %arg5[%dma_wait3A_194] : memref<20480xf32, #tpu.memory_space<vmem>> -> memref<2048xf32, #tpu.memory_space<vmem>>
      %dma_wait3A_196 = arith.constant 3145728 : i32
      %dma_wait3A_197 = tpu.memref_slice %arg2[%dma_wait3A_196] : memref<5242880xf32, #tpu.memory_space<hbm>> -> memref<2048xf32, #tpu.memory_space<hbm>>
      tpu.wait_dma2 semaphore(%arg12 : memref<!tpu.dma_semaphore, #tpu.memory_space<semaphore_mem>>) src(%dma_wait3A_197 : memref<2048xf32, #tpu.memory_space<hbm>>) dst(%dma_wait3A_195 : memref<2048xf32, #tpu.memory_space<vmem>>)
      %dma_wait3A_198 = arith.constant 14336 : i32
      %dma_wait3A_199 = tpu.memref_slice %arg5[%dma_wait3A_198] : memref<20480xf32, #tpu.memory_space<vmem>> -> memref<2048xf32, #tpu.memory_space<vmem>>
      %dma_wait3A_200 = arith.constant 3670016 : i32
      %dma_wait3A_201 = tpu.memref_slice %arg2[%dma_wait3A_200] : memref<5242880xf32, #tpu.memory_space<hbm>> -> memref<2048xf32, #tpu.memory_space<hbm>>
      %dma_wait3A_202 = arith.constant 14336 : i32
      %dma_wait3A_203 = tpu.memref_slice %arg5[%dma_wait3A_202] : memref<20480xf32, #tpu.memory_space<vmem>> -> memref<2048xf32, #tpu.memory_space<vmem>>
      %dma_wait3A_204 = arith.constant 3670016 : i32
      %dma_wait3A_205 = tpu.memref_slice %arg2[%dma_wait3A_204] : memref<5242880xf32, #tpu.memory_space<hbm>> -> memref<2048xf32, #tpu.memory_space<hbm>>
      tpu.wait_dma2 semaphore(%arg12 : memref<!tpu.dma_semaphore, #tpu.memory_space<semaphore_mem>>) src(%dma_wait3A_205 : memref<2048xf32, #tpu.memory_space<hbm>>) dst(%dma_wait3A_203 : memref<2048xf32, #tpu.memory_space<vmem>>)
      %dma_wait3A_206 = arith.constant 16384 : i32
      %dma_wait3A_207 = tpu.memref_slice %arg5[%dma_wait3A_206] : memref<20480xf32, #tpu.memory_space<vmem>> -> memref<2048xf32, #tpu.memory_space<vmem>>
      %dma_wait3A_208 = arith.constant 4194304 : i32
      %dma_wait3A_209 = tpu.memref_slice %arg2[%dma_wait3A_208] : memref<5242880xf32, #tpu.memory_space<hbm>> -> memref<2048xf32, #tpu.memory_space<hbm>>
      %dma_wait3A_210 = arith.constant 16384 : i32
      %dma_wait3A_211 = tpu.memref_slice %arg5[%dma_wait3A_210] : memref<20480xf32, #tpu.memory_space<vmem>> -> memref<2048xf32, #tpu.memory_space<vmem>>
      %dma_wait3A_212 = arith.constant 4194304 : i32
      %dma_wait3A_213 = tpu.memref_slice %arg2[%dma_wait3A_212] : memref<5242880xf32, #tpu.memory_space<hbm>> -> memref<2048xf32, #tpu.memory_space<hbm>>
      tpu.wait_dma2 semaphore(%arg12 : memref<!tpu.dma_semaphore, #tpu.memory_space<semaphore_mem>>) src(%dma_wait3A_213 : memref<2048xf32, #tpu.memory_space<hbm>>) dst(%dma_wait3A_211 : memref<2048xf32, #tpu.memory_space<vmem>>)
      %dma_wait3A_214 = arith.constant 18432 : i32
      %dma_wait3A_215 = tpu.memref_slice %arg5[%dma_wait3A_214] : memref<20480xf32, #tpu.memory_space<vmem>> -> memref<2048xf32, #tpu.memory_space<vmem>>
      %dma_wait3A_216 = arith.constant 4718592 : i32
      %dma_wait3A_217 = tpu.memref_slice %arg2[%dma_wait3A_216] : memref<5242880xf32, #tpu.memory_space<hbm>> -> memref<2048xf32, #tpu.memory_space<hbm>>
      %dma_wait3A_218 = arith.constant 18432 : i32
      %dma_wait3A_219 = tpu.memref_slice %arg5[%dma_wait3A_218] : memref<20480xf32, #tpu.memory_space<vmem>> -> memref<2048xf32, #tpu.memory_space<vmem>>
      %dma_wait3A_220 = arith.constant 4718592 : i32
      %dma_wait3A_221 = tpu.memref_slice %arg2[%dma_wait3A_220] : memref<5242880xf32, #tpu.memory_space<hbm>> -> memref<2048xf32, #tpu.memory_space<hbm>>
      tpu.wait_dma2 semaphore(%arg12 : memref<!tpu.dma_semaphore, #tpu.memory_space<semaphore_mem>>) src(%dma_wait3A_221 : memref<2048xf32, #tpu.memory_space<hbm>>) dst(%dma_wait3A_219 : memref<2048xf32, #tpu.memory_space<vmem>>)
      %dma_wait3A_222 = arith.constant 0 : i32
      %dma_wait3A_223 = tpu.memref_slice %arg3[%dma_wait3A_222] : memref<524288xi32, #tpu.memory_space<hbm>> -> memref<2048xi32, #tpu.memory_space<hbm>>
      %dma_wait3A_224 = arith.constant 0 : i32
      %dma_wait3A_225 = tpu.memref_slice %arg3[%dma_wait3A_224] : memref<524288xi32, #tpu.memory_space<hbm>> -> memref<2048xi32, #tpu.memory_space<hbm>>
      tpu.wait_dma2 semaphore(%arg12 : memref<!tpu.dma_semaphore, #tpu.memory_space<semaphore_mem>>) src(%dma_wait3A_225 : memref<2048xi32, #tpu.memory_space<hbm>>) dst(%arg7 : memref<2048xi32, #tpu.memory_space<vmem>>)
      %add3A_226 = arith.constant 1 : i32
      %add3A_227 = arith.addi %add3A_142, %add3A_226 : i32
      %lt3A = arith.constant 8 : i32
      %lt3A_228 = arith.cmpi slt, %add3A_227, %lt3A : i32
      %convert_element_type3A = arith.extui %lt3A_228 : i1 to i32
      %cond3A = arith.constant 0 : i32
      %cond3A_229 = arith.cmpi ne, %convert_element_type3A, %cond3A : i32
      scf.if %cond3A_229 {
        %add3A_331 = arith.constant 1 : i32
        %add3A_332 = arith.addi %add3A_142, %add3A_331 : i32
        %mul3A_333 = arith.constant 16384 : i32
        %mul3A_334 = arith.muli %add3A, %mul3A_333 : i32
        %mul3A_335 = arith.constant 2048 : i32
        %mul3A_336 = arith.muli %add3A_332, %mul3A_335 : i32
        %add3A_337 = arith.addi %mul3A_334, %mul3A_336 : i32
        %add3A_338 = arith.constant 0 : i32
        %add3A_339 = arith.addi %add3A_338, %add3A_337 : i32
        %dma_start3A_340 = arith.constant 0 : i32
        %dma_start3A_341 = tpu.memref_slice %arg6[%dma_start3A_340] : memref<20480xf32, #tpu.memory_space<vmem>> -> memref<2048xf32, #tpu.memory_space<vmem>>
        %dma_start3A_342 = tpu.memref_slice %arg2[%add3A_339] : memref<5242880xf32, #tpu.memory_space<hbm>> -> memref<2048xf32, #tpu.memory_space<hbm>>
        %dma_start3A_343 = arith.constant 0 : i32
        %dma_start3A_344 = tpu.memref_slice %arg6[%dma_start3A_343] : memref<20480xf32, #tpu.memory_space<vmem>> -> memref<2048xf32, #tpu.memory_space<vmem>>
        %dma_start3A_345 = tpu.memref_slice %arg2[%add3A_339] : memref<5242880xf32, #tpu.memory_space<hbm>> -> memref<2048xf32, #tpu.memory_space<hbm>>
        tpu.enqueue_dma source(%dma_start3A_345 : memref<2048xf32, #tpu.memory_space<hbm>>) target(%dma_start3A_344 : memref<2048xf32, #tpu.memory_space<vmem>>) target_semaphore(%arg13 : memref<!tpu.dma_semaphore, #tpu.memory_space<semaphore_mem>>)
        %add3A_346 = arith.constant 524288 : i32
        %add3A_347 = arith.addi %add3A_346, %add3A_337 : i32
        %dma_start3A_348 = arith.constant 2048 : i32
        %dma_start3A_349 = tpu.memref_slice %arg6[%dma_start3A_348] : memref<20480xf32, #tpu.memory_space<vmem>> -> memref<2048xf32, #tpu.memory_space<vmem>>
        %dma_start3A_350 = tpu.memref_slice %arg2[%add3A_347] : memref<5242880xf32, #tpu.memory_space<hbm>> -> memref<2048xf32, #tpu.memory_space<hbm>>
        %dma_start3A_351 = arith.constant 2048 : i32
        %dma_start3A_352 = tpu.memref_slice %arg6[%dma_start3A_351] : memref<20480xf32, #tpu.memory_space<vmem>> -> memref<2048xf32, #tpu.memory_space<vmem>>
        %dma_start3A_353 = tpu.memref_slice %arg2[%add3A_347] : memref<5242880xf32, #tpu.memory_space<hbm>> -> memref<2048xf32, #tpu.memory_space<hbm>>
        tpu.enqueue_dma source(%dma_start3A_353 : memref<2048xf32, #tpu.memory_space<hbm>>) target(%dma_start3A_352 : memref<2048xf32, #tpu.memory_space<vmem>>) target_semaphore(%arg13 : memref<!tpu.dma_semaphore, #tpu.memory_space<semaphore_mem>>)
        %add3A_354 = arith.constant 1048576 : i32
        %add3A_355 = arith.addi %add3A_354, %add3A_337 : i32
        %dma_start3A_356 = arith.constant 4096 : i32
        %dma_start3A_357 = tpu.memref_slice %arg6[%dma_start3A_356] : memref<20480xf32, #tpu.memory_space<vmem>> -> memref<2048xf32, #tpu.memory_space<vmem>>
        %dma_start3A_358 = tpu.memref_slice %arg2[%add3A_355] : memref<5242880xf32, #tpu.memory_space<hbm>> -> memref<2048xf32, #tpu.memory_space<hbm>>
        %dma_start3A_359 = arith.constant 4096 : i32
        %dma_start3A_360 = tpu.memref_slice %arg6[%dma_start3A_359] : memref<20480xf32, #tpu.memory_space<vmem>> -> memref<2048xf32, #tpu.memory_space<vmem>>
        %dma_start3A_361 = tpu.memref_slice %arg2[%add3A_355] : memref<5242880xf32, #tpu.memory_space<hbm>> -> memref<2048xf32, #tpu.memory_space<hbm>>
        tpu.enqueue_dma source(%dma_start3A_361 : memref<2048xf32, #tpu.memory_space<hbm>>) target(%dma_start3A_360 : memref<2048xf32, #tpu.memory_space<vmem>>) target_semaphore(%arg13 : memref<!tpu.dma_semaphore, #tpu.memory_space<semaphore_mem>>)
        %add3A_362 = arith.constant 1572864 : i32
        %add3A_363 = arith.addi %add3A_362, %add3A_337 : i32
        %dma_start3A_364 = arith.constant 6144 : i32
        %dma_start3A_365 = tpu.memref_slice %arg6[%dma_start3A_364] : memref<20480xf32, #tpu.memory_space<vmem>> -> memref<2048xf32, #tpu.memory_space<vmem>>
        %dma_start3A_366 = tpu.memref_slice %arg2[%add3A_363] : memref<5242880xf32, #tpu.memory_space<hbm>> -> memref<2048xf32, #tpu.memory_space<hbm>>
        %dma_start3A_367 = arith.constant 6144 : i32
        %dma_start3A_368 = tpu.memref_slice %arg6[%dma_start3A_367] : memref<20480xf32, #tpu.memory_space<vmem>> -> memref<2048xf32, #tpu.memory_space<vmem>>
        %dma_start3A_369 = tpu.memref_slice %arg2[%add3A_363] : memref<5242880xf32, #tpu.memory_space<hbm>> -> memref<2048xf32, #tpu.memory_space<hbm>>
        tpu.enqueue_dma source(%dma_start3A_369 : memref<2048xf32, #tpu.memory_space<hbm>>) target(%dma_start3A_368 : memref<2048xf32, #tpu.memory_space<vmem>>) target_semaphore(%arg13 : memref<!tpu.dma_semaphore, #tpu.memory_space<semaphore_mem>>)
        %add3A_370 = arith.constant 2097152 : i32
        %add3A_371 = arith.addi %add3A_370, %add3A_337 : i32
        %dma_start3A_372 = arith.constant 8192 : i32
        %dma_start3A_373 = tpu.memref_slice %arg6[%dma_start3A_372] : memref<20480xf32, #tpu.memory_space<vmem>> -> memref<2048xf32, #tpu.memory_space<vmem>>
        %dma_start3A_374 = tpu.memref_slice %arg2[%add3A_371] : memref<5242880xf32, #tpu.memory_space<hbm>> -> memref<2048xf32, #tpu.memory_space<hbm>>
        %dma_start3A_375 = arith.constant 8192 : i32
        %dma_start3A_376 = tpu.memref_slice %arg6[%dma_start3A_375] : memref<20480xf32, #tpu.memory_space<vmem>> -> memref<2048xf32, #tpu.memory_space<vmem>>
        %dma_start3A_377 = tpu.memref_slice %arg2[%add3A_371] : memref<5242880xf32, #tpu.memory_space<hbm>> -> memref<2048xf32, #tpu.memory_space<hbm>>
        tpu.enqueue_dma source(%dma_start3A_377 : memref<2048xf32, #tpu.memory_space<hbm>>) target(%dma_start3A_376 : memref<2048xf32, #tpu.memory_space<vmem>>) target_semaphore(%arg13 : memref<!tpu.dma_semaphore, #tpu.memory_space<semaphore_mem>>)
        %add3A_378 = arith.constant 2621440 : i32
        %add3A_379 = arith.addi %add3A_378, %add3A_337 : i32
        %dma_start3A_380 = arith.constant 10240 : i32
        %dma_start3A_381 = tpu.memref_slice %arg6[%dma_start3A_380] : memref<20480xf32, #tpu.memory_space<vmem>> -> memref<2048xf32, #tpu.memory_space<vmem>>
        %dma_start3A_382 = tpu.memref_slice %arg2[%add3A_379] : memref<5242880xf32, #tpu.memory_space<hbm>> -> memref<2048xf32, #tpu.memory_space<hbm>>
        %dma_start3A_383 = arith.constant 10240 : i32
        %dma_start3A_384 = tpu.memref_slice %arg6[%dma_start3A_383] : memref<20480xf32, #tpu.memory_space<vmem>> -> memref<2048xf32, #tpu.memory_space<vmem>>
        %dma_start3A_385 = tpu.memref_slice %arg2[%add3A_379] : memref<5242880xf32, #tpu.memory_space<hbm>> -> memref<2048xf32, #tpu.memory_space<hbm>>
        tpu.enqueue_dma source(%dma_start3A_385 : memref<2048xf32, #tpu.memory_space<hbm>>) target(%dma_start3A_384 : memref<2048xf32, #tpu.memory_space<vmem>>) target_semaphore(%arg13 : memref<!tpu.dma_semaphore, #tpu.memory_space<semaphore_mem>>)
        %add3A_386 = arith.constant 3145728 : i32
        %add3A_387 = arith.addi %add3A_386, %add3A_337 : i32
        %dma_start3A_388 = arith.constant 12288 : i32
        %dma_start3A_389 = tpu.memref_slice %arg6[%dma_start3A_388] : memref<20480xf32, #tpu.memory_space<vmem>> -> memref<2048xf32, #tpu.memory_space<vmem>>
        %dma_start3A_390 = tpu.memref_slice %arg2[%add3A_387] : memref<5242880xf32, #tpu.memory_space<hbm>> -> memref<2048xf32, #tpu.memory_space<hbm>>
        %dma_start3A_391 = arith.constant 12288 : i32
        %dma_start3A_392 = tpu.memref_slice %arg6[%dma_start3A_391] : memref<20480xf32, #tpu.memory_space<vmem>> -> memref<2048xf32, #tpu.memory_space<vmem>>
        %dma_start3A_393 = tpu.memref_slice %arg2[%add3A_387] : memref<5242880xf32, #tpu.memory_space<hbm>> -> memref<2048xf32, #tpu.memory_space<hbm>>
        tpu.enqueue_dma source(%dma_start3A_393 : memref<2048xf32, #tpu.memory_space<hbm>>) target(%dma_start3A_392 : memref<2048xf32, #tpu.memory_space<vmem>>) target_semaphore(%arg13 : memref<!tpu.dma_semaphore, #tpu.memory_space<semaphore_mem>>)
        %add3A_394 = arith.constant 3670016 : i32
        %add3A_395 = arith.addi %add3A_394, %add3A_337 : i32
        %dma_start3A_396 = arith.constant 14336 : i32
        %dma_start3A_397 = tpu.memref_slice %arg6[%dma_start3A_396] : memref<20480xf32, #tpu.memory_space<vmem>> -> memref<2048xf32, #tpu.memory_space<vmem>>
        %dma_start3A_398 = tpu.memref_slice %arg2[%add3A_395] : memref<5242880xf32, #tpu.memory_space<hbm>> -> memref<2048xf32, #tpu.memory_space<hbm>>
        %dma_start3A_399 = arith.constant 14336 : i32
        %dma_start3A_400 = tpu.memref_slice %arg6[%dma_start3A_399] : memref<20480xf32, #tpu.memory_space<vmem>> -> memref<2048xf32, #tpu.memory_space<vmem>>
        %dma_start3A_401 = tpu.memref_slice %arg2[%add3A_395] : memref<5242880xf32, #tpu.memory_space<hbm>> -> memref<2048xf32, #tpu.memory_space<hbm>>
        tpu.enqueue_dma source(%dma_start3A_401 : memref<2048xf32, #tpu.memory_space<hbm>>) target(%dma_start3A_400 : memref<2048xf32, #tpu.memory_space<vmem>>) target_semaphore(%arg13 : memref<!tpu.dma_semaphore, #tpu.memory_space<semaphore_mem>>)
        %add3A_402 = arith.constant 4194304 : i32
        %add3A_403 = arith.addi %add3A_402, %add3A_337 : i32
        %dma_start3A_404 = arith.constant 16384 : i32
        %dma_start3A_405 = tpu.memref_slice %arg6[%dma_start3A_404] : memref<20480xf32, #tpu.memory_space<vmem>> -> memref<2048xf32, #tpu.memory_space<vmem>>
        %dma_start3A_406 = tpu.memref_slice %arg2[%add3A_403] : memref<5242880xf32, #tpu.memory_space<hbm>> -> memref<2048xf32, #tpu.memory_space<hbm>>
        %dma_start3A_407 = arith.constant 16384 : i32
        %dma_start3A_408 = tpu.memref_slice %arg6[%dma_start3A_407] : memref<20480xf32, #tpu.memory_space<vmem>> -> memref<2048xf32, #tpu.memory_space<vmem>>
        %dma_start3A_409 = tpu.memref_slice %arg2[%add3A_403] : memref<5242880xf32, #tpu.memory_space<hbm>> -> memref<2048xf32, #tpu.memory_space<hbm>>
        tpu.enqueue_dma source(%dma_start3A_409 : memref<2048xf32, #tpu.memory_space<hbm>>) target(%dma_start3A_408 : memref<2048xf32, #tpu.memory_space<vmem>>) target_semaphore(%arg13 : memref<!tpu.dma_semaphore, #tpu.memory_space<semaphore_mem>>)
        %add3A_410 = arith.constant 4718592 : i32
        %add3A_411 = arith.addi %add3A_410, %add3A_337 : i32
        %dma_start3A_412 = arith.constant 18432 : i32
        %dma_start3A_413 = tpu.memref_slice %arg6[%dma_start3A_412] : memref<20480xf32, #tpu.memory_space<vmem>> -> memref<2048xf32, #tpu.memory_space<vmem>>
        %dma_start3A_414 = tpu.memref_slice %arg2[%add3A_411] : memref<5242880xf32, #tpu.memory_space<hbm>> -> memref<2048xf32, #tpu.memory_space<hbm>>
        %dma_start3A_415 = arith.constant 18432 : i32
        %dma_start3A_416 = tpu.memref_slice %arg6[%dma_start3A_415] : memref<20480xf32, #tpu.memory_space<vmem>> -> memref<2048xf32, #tpu.memory_space<vmem>>
        %dma_start3A_417 = tpu.memref_slice %arg2[%add3A_411] : memref<5242880xf32, #tpu.memory_space<hbm>> -> memref<2048xf32, #tpu.memory_space<hbm>>
        tpu.enqueue_dma source(%dma_start3A_417 : memref<2048xf32, #tpu.memory_space<hbm>>) target(%dma_start3A_416 : memref<2048xf32, #tpu.memory_space<vmem>>) target_semaphore(%arg13 : memref<!tpu.dma_semaphore, #tpu.memory_space<semaphore_mem>>)
        %dma_start3A_418 = tpu.memref_slice %arg3[%add3A_337] : memref<524288xi32, #tpu.memory_space<hbm>> -> memref<2048xi32, #tpu.memory_space<hbm>>
        %dma_start3A_419 = tpu.memref_slice %arg3[%add3A_337] : memref<524288xi32, #tpu.memory_space<hbm>> -> memref<2048xi32, #tpu.memory_space<hbm>>
        tpu.enqueue_dma source(%dma_start3A_419 : memref<2048xi32, #tpu.memory_space<hbm>>) target(%arg8 : memref<2048xi32, #tpu.memory_space<vmem>>) target_semaphore(%arg13 : memref<!tpu.dma_semaphore, #tpu.memory_space<semaphore_mem>>)
      } else {
      }
      %parallel_loop3A_230 = arith.constant 0 : i32
      %parallel_loop3A_231 = arith.constant 128 : i32
      %parallel_loop3A_232 = arith.constant 1 : i32
      scf.for %parallel_loop3A_331 = %parallel_loop3A_230 to %parallel_loop3A_231 step %parallel_loop3A_232  : i32 {
        %parallel_loop3A_332 = arith.constant 16 : i32
        %parallel_loop3A_333 = arith.muli %parallel_loop3A_331, %parallel_loop3A_332 : i32
        %parallel_loop3A_334 = arith.constant 0 : i32
        %parallel_loop3A_335 = arith.addi %parallel_loop3A_334, %parallel_loop3A_333 : i32
        %parallel_loop3A_336 = arith.index_cast %parallel_loop3A_335 : i32 to index
        %parallel_loop3A_337 = tpu.vector_load %arg5[%parallel_loop3A_336] {strides = array<i32>} : memref<20480xf32, #tpu.memory_space<vmem>>, vector<16xf32>,
        %parallel_loop3A_338 = arith.constant 16 : i32
        %parallel_loop3A_339 = arith.muli %parallel_loop3A_331, %parallel_loop3A_338 : i32
        %parallel_loop3A_340 = arith.constant 2048 : i32
        %parallel_loop3A_341 = arith.addi %parallel_loop3A_340, %parallel_loop3A_339 : i32
        %parallel_loop3A_342 = arith.index_cast %parallel_loop3A_341 : i32 to index
        %parallel_loop3A_343 = tpu.vector_load %arg5[%parallel_loop3A_342] {strides = array<i32>} : memref<20480xf32, #tpu.memory_space<vmem>>, vector<16xf32>,
        %parallel_loop3A_344 = arith.constant 16 : i32
        %parallel_loop3A_345 = arith.muli %parallel_loop3A_331, %parallel_loop3A_344 : i32
        %parallel_loop3A_346 = arith.constant 4096 : i32
        %parallel_loop3A_347 = arith.addi %parallel_loop3A_346, %parallel_loop3A_345 : i32
        %parallel_loop3A_348 = arith.index_cast %parallel_loop3A_347 : i32 to index
        %parallel_loop3A_349 = tpu.vector_load %arg5[%parallel_loop3A_348] {strides = array<i32>} : memref<20480xf32, #tpu.memory_space<vmem>>, vector<16xf32>,
        %parallel_loop3A_350 = arith.constant 16 : i32
        %parallel_loop3A_351 = arith.muli %parallel_loop3A_331, %parallel_loop3A_350 : i32
        %parallel_loop3A_352 = arith.constant 6144 : i32
        %parallel_loop3A_353 = arith.addi %parallel_loop3A_352, %parallel_loop3A_351 : i32
        %parallel_loop3A_354 = arith.index_cast %parallel_loop3A_353 : i32 to index
        %parallel_loop3A_355 = tpu.vector_load %arg5[%parallel_loop3A_354] {strides = array<i32>} : memref<20480xf32, #tpu.memory_space<vmem>>, vector<16xf32>,
        %parallel_loop3A_356 = arith.constant 16 : i32
        %parallel_loop3A_357 = arith.muli %parallel_loop3A_331, %parallel_loop3A_356 : i32
        %parallel_loop3A_358 = arith.constant 8192 : i32
        %parallel_loop3A_359 = arith.addi %parallel_loop3A_358, %parallel_loop3A_357 : i32
        %parallel_loop3A_360 = arith.index_cast %parallel_loop3A_359 : i32 to index
        %parallel_loop3A_361 = tpu.vector_load %arg5[%parallel_loop3A_360] {strides = array<i32>} : memref<20480xf32, #tpu.memory_space<vmem>>, vector<16xf32>,
        %parallel_loop3A_362 = arith.constant 16 : i32
        %parallel_loop3A_363 = arith.muli %parallel_loop3A_331, %parallel_loop3A_362 : i32
        %parallel_loop3A_364 = arith.constant 10240 : i32
        %parallel_loop3A_365 = arith.addi %parallel_loop3A_364, %parallel_loop3A_363 : i32
        %parallel_loop3A_366 = arith.index_cast %parallel_loop3A_365 : i32 to index
        %parallel_loop3A_367 = tpu.vector_load %arg5[%parallel_loop3A_366] {strides = array<i32>} : memref<20480xf32, #tpu.memory_space<vmem>>, vector<16xf32>,
        %parallel_loop3A_368 = arith.constant 16 : i32
        %parallel_loop3A_369 = arith.muli %parallel_loop3A_331, %parallel_loop3A_368 : i32
        %parallel_loop3A_370 = arith.constant 12288 : i32
        %parallel_loop3A_371 = arith.addi %parallel_loop3A_370, %parallel_loop3A_369 : i32
        %parallel_loop3A_372 = arith.index_cast %parallel_loop3A_371 : i32 to index
        %parallel_loop3A_373 = tpu.vector_load %arg5[%parallel_loop3A_372] {strides = array<i32>} : memref<20480xf32, #tpu.memory_space<vmem>>, vector<16xf32>,
        %parallel_loop3A_374 = arith.constant 16 : i32
        %parallel_loop3A_375 = arith.muli %parallel_loop3A_331, %parallel_loop3A_374 : i32
        %parallel_loop3A_376 = arith.constant 14336 : i32
        %parallel_loop3A_377 = arith.addi %parallel_loop3A_376, %parallel_loop3A_375 : i32
        %parallel_loop3A_378 = arith.index_cast %parallel_loop3A_377 : i32 to index
        %parallel_loop3A_379 = tpu.vector_load %arg5[%parallel_loop3A_378] {strides = array<i32>} : memref<20480xf32, #tpu.memory_space<vmem>>, vector<16xf32>,
        %parallel_loop3A_380 = arith.constant 16 : i32
        %parallel_loop3A_381 = arith.muli %parallel_loop3A_331, %parallel_loop3A_380 : i32
        %parallel_loop3A_382 = arith.constant 16384 : i32
        %parallel_loop3A_383 = arith.addi %parallel_loop3A_382, %parallel_loop3A_381 : i32
        %parallel_loop3A_384 = arith.index_cast %parallel_loop3A_383 : i32 to index
        %parallel_loop3A_385 = tpu.vector_load %arg5[%parallel_loop3A_384] {strides = array<i32>} : memref<20480xf32, #tpu.memory_space<vmem>>, vector<16xf32>,
        %parallel_loop3A_386 = arith.constant 16 : i32
        %parallel_loop3A_387 = arith.muli %parallel_loop3A_331, %parallel_loop3A_386 : i32
        %parallel_loop3A_388 = arith.constant 18432 : i32
        %parallel_loop3A_389 = arith.addi %parallel_loop3A_388, %parallel_loop3A_387 : i32
        %parallel_loop3A_390 = arith.index_cast %parallel_loop3A_389 : i32 to index
        %parallel_loop3A_391 = tpu.vector_load %arg5[%parallel_loop3A_390] {strides = array<i32>} : memref<20480xf32, #tpu.memory_space<vmem>>, vector<16xf32>,
        %parallel_loop3A_392 = arith.constant 16 : i32
        %parallel_loop3A_393 = arith.muli %parallel_loop3A_331, %parallel_loop3A_392 : i32
        %parallel_loop3A_394 = arith.index_cast %parallel_loop3A_393 : i32 to index
        %parallel_loop3A_395 = tpu.vector_load %arg7[%parallel_loop3A_394] {strides = array<i32>} : memref<2048xi32, #tpu.memory_space<vmem>>, vector<16xi32>,
        %parallel_loop3A_396 = math.exp %parallel_loop3A_337 : vector<16xf32>
        %parallel_loop3A_397 = math.exp %parallel_loop3A_343 : vector<16xf32>
        %parallel_loop3A_398 = math.exp %parallel_loop3A_349 : vector<16xf32>
        %parallel_loop3A_399 = math.exp %parallel_loop3A_355 : vector<16xf32>
        %parallel_loop3A_400 = math.exp %parallel_loop3A_361 : vector<16xf32>
        %parallel_loop3A_401 = math.exp %parallel_loop3A_367 : vector<16xf32>
        %parallel_loop3A_402 = math.exp %parallel_loop3A_373 : vector<16xf32>
        %parallel_loop3A_403 = math.exp %parallel_loop3A_379 : vector<16xf32>
        %parallel_loop3A_404 = math.exp %parallel_loop3A_385 : vector<16xf32>
        %parallel_loop3A_405 = math.exp %parallel_loop3A_391 : vector<16xf32>
        %parallel_loop3A_406 = arith.addf %parallel_loop3A_396, %parallel_loop3A_397 : vector<16xf32>
        %parallel_loop3A_407 = arith.addf %parallel_loop3A_398, %parallel_loop3A_399 : vector<16xf32>
        %parallel_loop3A_408 = arith.addf %parallel_loop3A_400, %parallel_loop3A_401 : vector<16xf32>
        %parallel_loop3A_409 = arith.addf %parallel_loop3A_402, %parallel_loop3A_403 : vector<16xf32>
        %parallel_loop3A_410 = arith.addf %parallel_loop3A_404, %parallel_loop3A_405 : vector<16xf32>
        %parallel_loop3A_411 = arith.addf %parallel_loop3A_406, %parallel_loop3A_407 : vector<16xf32>
        %parallel_loop3A_412 = arith.addf %parallel_loop3A_408, %parallel_loop3A_409 : vector<16xf32>
        %parallel_loop3A_413 = arith.addf %parallel_loop3A_411, %parallel_loop3A_412 : vector<16xf32>
        %parallel_loop3A_414 = arith.addf %parallel_loop3A_413, %parallel_loop3A_410 : vector<16xf32>
        %parallel_loop3A_415 = arith.constant 1.500000e+01 : f32
        %parallel_loop3A_416 = vector.broadcast %parallel_loop3A_415 : f32 to vector<16xf32>
        %parallel_loop3A_417 = arith.divf %parallel_loop3A_416, %parallel_loop3A_414 : vector<16xf32>
        %parallel_loop3A_418 = arith.mulf %parallel_loop3A_396, %parallel_loop3A_417 : vector<16xf32>
        %parallel_loop3A_419 = arith.fptosi %parallel_loop3A_418 : vector<16xf32> to vector<16xi32>
        %parallel_loop3A_420 = arith.constant 14 : i32
        %parallel_loop3A_421 = vector.broadcast %parallel_loop3A_420 : i32 to vector<16xi32>
        %parallel_loop3A_422 = arith.minsi %parallel_loop3A_419, %parallel_loop3A_421 : vector<16xi32>
        %parallel_loop3A_423 = arith.constant 0 : i32
        %parallel_loop3A_424 = vector.broadcast %parallel_loop3A_423 : i32 to vector<16xi32>
        %parallel_loop3A_425 = arith.cmpi eq, %parallel_loop3A_395, %parallel_loop3A_424 : vector<16xi32>
        %parallel_loop3A_426 = arith.constant 4.097000e+03 : f32
        %parallel_loop3A_427 = arith.constant 1.000000e+00 : f32
        %parallel_loop3A_428 = vector.broadcast %parallel_loop3A_426 : f32 to vector<16xf32>
        %parallel_loop3A_429 = vector.broadcast %parallel_loop3A_427 : f32 to vector<16xf32>
        %parallel_loop3A_430 = arith.select %parallel_loop3A_425, %parallel_loop3A_428, %parallel_loop3A_429 : vector<16xi1>, vector<16xf32>
        %parallel_loop3A_431 = arith.addi %add3A_7, %parallel_loop3A_422 : vector<16xi32>
        tpu.vector_store_idx %arg9[%parallel_loop3A_431], %parallel_loop3A_430 {add = true} : memref<4096xf32, #tpu.memory_space<vmem>>[vector<16xi32>], vector<16xf32>,
        tpu.vector_store_idx %arg10[%parallel_loop3A_431], %parallel_loop3A_418 {add = true} : memref<4096xf32, #tpu.memory_space<vmem>>[vector<16xi32>], vector<16xf32>,
        %parallel_loop3A_432 = arith.mulf %parallel_loop3A_398, %parallel_loop3A_417 : vector<16xf32>
        %parallel_loop3A_433 = arith.fptosi %parallel_loop3A_432 : vector<16xf32> to vector<16xi32>
        %parallel_loop3A_434 = arith.constant 14 : i32
        %parallel_loop3A_435 = vector.broadcast %parallel_loop3A_434 : i32 to vector<16xi32>
        %parallel_loop3A_436 = arith.minsi %parallel_loop3A_433, %parallel_loop3A_435 : vector<16xi32>
        %parallel_loop3A_437 = arith.constant 2 : i32
        %parallel_loop3A_438 = vector.broadcast %parallel_loop3A_437 : i32 to vector<16xi32>
        %parallel_loop3A_439 = arith.cmpi eq, %parallel_loop3A_395, %parallel_loop3A_438 : vector<16xi32>
        %parallel_loop3A_440 = arith.constant 4.097000e+03 : f32
        %parallel_loop3A_441 = arith.constant 1.000000e+00 : f32
        %parallel_loop3A_442 = vector.broadcast %parallel_loop3A_440 : f32 to vector<16xf32>
        %parallel_loop3A_443 = vector.broadcast %parallel_loop3A_441 : f32 to vector<16xf32>
        %parallel_loop3A_444 = arith.select %parallel_loop3A_439, %parallel_loop3A_442, %parallel_loop3A_443 : vector<16xi1>, vector<16xf32>
        %parallel_loop3A_445 = arith.addi %add3A_13, %parallel_loop3A_436 : vector<16xi32>
        tpu.vector_store_idx %arg9[%parallel_loop3A_445], %parallel_loop3A_444 {add = true} : memref<4096xf32, #tpu.memory_space<vmem>>[vector<16xi32>], vector<16xf32>,
        tpu.vector_store_idx %arg10[%parallel_loop3A_445], %parallel_loop3A_432 {add = true} : memref<4096xf32, #tpu.memory_space<vmem>>[vector<16xi32>], vector<16xf32>,
        %parallel_loop3A_446 = arith.mulf %parallel_loop3A_399, %parallel_loop3A_417 : vector<16xf32>
        %parallel_loop3A_447 = arith.fptosi %parallel_loop3A_446 : vector<16xf32> to vector<16xi32>
        %parallel_loop3A_448 = arith.constant 14 : i32
        %parallel_loop3A_449 = vector.broadcast %parallel_loop3A_448 : i32 to vector<16xi32>
        %parallel_loop3A_450 = arith.minsi %parallel_loop3A_447, %parallel_loop3A_449 : vector<16xi32>
        %parallel_loop3A_451 = arith.constant 3 : i32
        %parallel_loop3A_452 = vector.broadcast %parallel_loop3A_451 : i32 to vector<16xi32>
        %parallel_loop3A_453 = arith.cmpi eq, %parallel_loop3A_395, %parallel_loop3A_452 : vector<16xi32>
        %parallel_loop3A_454 = arith.constant 4.097000e+03 : f32
        %parallel_loop3A_455 = arith.constant 1.000000e+00 : f32
        %parallel_loop3A_456 = vector.broadcast %parallel_loop3A_454 : f32 to vector<16xf32>
        %parallel_loop3A_457 = vector.broadcast %parallel_loop3A_455 : f32 to vector<16xf32>
        %parallel_loop3A_458 = arith.select %parallel_loop3A_453, %parallel_loop3A_456, %parallel_loop3A_457 : vector<16xi1>, vector<16xf32>
        %parallel_loop3A_459 = arith.addi %add3A_16, %parallel_loop3A_450 : vector<16xi32>
        tpu.vector_store_idx %arg9[%parallel_loop3A_459], %parallel_loop3A_458 {add = true} : memref<4096xf32, #tpu.memory_space<vmem>>[vector<16xi32>], vector<16xf32>,
        tpu.vector_store_idx %arg10[%parallel_loop3A_459], %parallel_loop3A_446 {add = true} : memref<4096xf32, #tpu.memory_space<vmem>>[vector<16xi32>], vector<16xf32>,
        %parallel_loop3A_460 = arith.mulf %parallel_loop3A_400, %parallel_loop3A_417 : vector<16xf32>
        %parallel_loop3A_461 = arith.fptosi %parallel_loop3A_460 : vector<16xf32> to vector<16xi32>
        %parallel_loop3A_462 = arith.constant 14 : i32
        %parallel_loop3A_463 = vector.broadcast %parallel_loop3A_462 : i32 to vector<16xi32>
        %parallel_loop3A_464 = arith.minsi %parallel_loop3A_461, %parallel_loop3A_463 : vector<16xi32>
        %parallel_loop3A_465 = arith.constant 4 : i32
        %parallel_loop3A_466 = vector.broadcast %parallel_loop3A_465 : i32 to vector<16xi32>
        %parallel_loop3A_467 = arith.cmpi eq, %parallel_loop3A_395, %parallel_loop3A_466 : vector<16xi32>
        %parallel_loop3A_468 = arith.constant 4.097000e+03 : f32
        %parallel_loop3A_469 = arith.constant 1.000000e+00 : f32
        %parallel_loop3A_470 = vector.broadcast %parallel_loop3A_468 : f32 to vector<16xf32>
        %parallel_loop3A_471 = vector.broadcast %parallel_loop3A_469 : f32 to vector<16xf32>
        %parallel_loop3A_472 = arith.select %parallel_loop3A_467, %parallel_loop3A_470, %parallel_loop3A_471 : vector<16xi1>, vector<16xf32>
        %parallel_loop3A_473 = arith.addi %add3A_19, %parallel_loop3A_464 : vector<16xi32>
        tpu.vector_store_idx %arg9[%parallel_loop3A_473], %parallel_loop3A_472 {add = true} : memref<4096xf32, #tpu.memory_space<vmem>>[vector<16xi32>], vector<16xf32>,
        tpu.vector_store_idx %arg10[%parallel_loop3A_473], %parallel_loop3A_460 {add = true} : memref<4096xf32, #tpu.memory_space<vmem>>[vector<16xi32>], vector<16xf32>,
        %parallel_loop3A_474 = arith.mulf %parallel_loop3A_401, %parallel_loop3A_417 : vector<16xf32>
        %parallel_loop3A_475 = arith.fptosi %parallel_loop3A_474 : vector<16xf32> to vector<16xi32>
        %parallel_loop3A_476 = arith.constant 14 : i32
        %parallel_loop3A_477 = vector.broadcast %parallel_loop3A_476 : i32 to vector<16xi32>
        %parallel_loop3A_478 = arith.minsi %parallel_loop3A_475, %parallel_loop3A_477 : vector<16xi32>
        %parallel_loop3A_479 = arith.constant 5 : i32
        %parallel_loop3A_480 = vector.broadcast %parallel_loop3A_479 : i32 to vector<16xi32>
        %parallel_loop3A_481 = arith.cmpi eq, %parallel_loop3A_395, %parallel_loop3A_480 : vector<16xi32>
        %parallel_loop3A_482 = arith.constant 4.097000e+03 : f32
        %parallel_loop3A_483 = arith.constant 1.000000e+00 : f32
        %parallel_loop3A_484 = vector.broadcast %parallel_loop3A_482 : f32 to vector<16xf32>
        %parallel_loop3A_485 = vector.broadcast %parallel_loop3A_483 : f32 to vector<16xf32>
        %parallel_loop3A_486 = arith.select %parallel_loop3A_481, %parallel_loop3A_484, %parallel_loop3A_485 : vector<16xi1>, vector<16xf32>
        %parallel_loop3A_487 = arith.addi %add3A_22, %parallel_loop3A_478 : vector<16xi32>
        tpu.vector_store_idx %arg9[%parallel_loop3A_487], %parallel_loop3A_486 {add = true} : memref<4096xf32, #tpu.memory_space<vmem>>[vector<16xi32>], vector<16xf32>,
        tpu.vector_store_idx %arg10[%parallel_loop3A_487], %parallel_loop3A_474 {add = true} : memref<4096xf32, #tpu.memory_space<vmem>>[vector<16xi32>], vector<16xf32>,
        %parallel_loop3A_488 = arith.mulf %parallel_loop3A_402, %parallel_loop3A_417 : vector<16xf32>
        %parallel_loop3A_489 = arith.fptosi %parallel_loop3A_488 : vector<16xf32> to vector<16xi32>
        %parallel_loop3A_490 = arith.constant 14 : i32
        %parallel_loop3A_491 = vector.broadcast %parallel_loop3A_490 : i32 to vector<16xi32>
        %parallel_loop3A_492 = arith.minsi %parallel_loop3A_489, %parallel_loop3A_491 : vector<16xi32>
        %parallel_loop3A_493 = arith.constant 6 : i32
        %parallel_loop3A_494 = vector.broadcast %parallel_loop3A_493 : i32 to vector<16xi32>
        %parallel_loop3A_495 = arith.cmpi eq, %parallel_loop3A_395, %parallel_loop3A_494 : vector<16xi32>
        %parallel_loop3A_496 = arith.constant 4.097000e+03 : f32
        %parallel_loop3A_497 = arith.constant 1.000000e+00 : f32
        %parallel_loop3A_498 = vector.broadcast %parallel_loop3A_496 : f32 to vector<16xf32>
        %parallel_loop3A_499 = vector.broadcast %parallel_loop3A_497 : f32 to vector<16xf32>
        %parallel_loop3A_500 = arith.select %parallel_loop3A_495, %parallel_loop3A_498, %parallel_loop3A_499 : vector<16xi1>, vector<16xf32>
        %parallel_loop3A_501 = arith.addi %add3A_25, %parallel_loop3A_492 : vector<16xi32>
        tpu.vector_store_idx %arg9[%parallel_loop3A_501], %parallel_loop3A_500 {add = true} : memref<4096xf32, #tpu.memory_space<vmem>>[vector<16xi32>], vector<16xf32>,
        tpu.vector_store_idx %arg10[%parallel_loop3A_501], %parallel_loop3A_488 {add = true} : memref<4096xf32, #tpu.memory_space<vmem>>[vector<16xi32>], vector<16xf32>,
        %parallel_loop3A_502 = arith.mulf %parallel_loop3A_403, %parallel_loop3A_417 : vector<16xf32>
        %parallel_loop3A_503 = arith.fptosi %parallel_loop3A_502 : vector<16xf32> to vector<16xi32>
        %parallel_loop3A_504 = arith.constant 14 : i32
        %parallel_loop3A_505 = vector.broadcast %parallel_loop3A_504 : i32 to vector<16xi32>
        %parallel_loop3A_506 = arith.minsi %parallel_loop3A_503, %parallel_loop3A_505 : vector<16xi32>
        %parallel_loop3A_507 = arith.constant 7 : i32
        %parallel_loop3A_508 = vector.broadcast %parallel_loop3A_507 : i32 to vector<16xi32>
        %parallel_loop3A_509 = arith.cmpi eq, %parallel_loop3A_395, %parallel_loop3A_508 : vector<16xi32>
        %parallel_loop3A_510 = arith.constant 4.097000e+03 : f32
        %parallel_loop3A_511 = arith.constant 1.000000e+00 : f32
        %parallel_loop3A_512 = vector.broadcast %parallel_loop3A_510 : f32 to vector<16xf32>
        %parallel_loop3A_513 = vector.broadcast %parallel_loop3A_511 : f32 to vector<16xf32>
        %parallel_loop3A_514 = arith.select %parallel_loop3A_509, %parallel_loop3A_512, %parallel_loop3A_513 : vector<16xi1>, vector<16xf32>
        %parallel_loop3A_515 = arith.addi %add3A_28, %parallel_loop3A_506 : vector<16xi32>
        tpu.vector_store_idx %arg9[%parallel_loop3A_515], %parallel_loop3A_514 {add = true} : memref<4096xf32, #tpu.memory_space<vmem>>[vector<16xi32>], vector<16xf32>,
        tpu.vector_store_idx %arg10[%parallel_loop3A_515], %parallel_loop3A_502 {add = true} : memref<4096xf32, #tpu.memory_space<vmem>>[vector<16xi32>], vector<16xf32>,
        %parallel_loop3A_516 = arith.mulf %parallel_loop3A_404, %parallel_loop3A_417 : vector<16xf32>
        %parallel_loop3A_517 = arith.fptosi %parallel_loop3A_516 : vector<16xf32> to vector<16xi32>
        %parallel_loop3A_518 = arith.constant 14 : i32
        %parallel_loop3A_519 = vector.broadcast %parallel_loop3A_518 : i32 to vector<16xi32>
        %parallel_loop3A_520 = arith.minsi %parallel_loop3A_517, %parallel_loop3A_519 : vector<16xi32>
        %parallel_loop3A_521 = arith.constant 8 : i32
        %parallel_loop3A_522 = vector.broadcast %parallel_loop3A_521 : i32 to vector<16xi32>
        %parallel_loop3A_523 = arith.cmpi eq, %parallel_loop3A_395, %parallel_loop3A_522 : vector<16xi32>
        %parallel_loop3A_524 = arith.constant 4.097000e+03 : f32
        %parallel_loop3A_525 = arith.constant 1.000000e+00 : f32
        %parallel_loop3A_526 = vector.broadcast %parallel_loop3A_524 : f32 to vector<16xf32>
        %parallel_loop3A_527 = vector.broadcast %parallel_loop3A_525 : f32 to vector<16xf32>
        %parallel_loop3A_528 = arith.select %parallel_loop3A_523, %parallel_loop3A_526, %parallel_loop3A_527 : vector<16xi1>, vector<16xf32>
        %parallel_loop3A_529 = arith.addi %add3A_31, %parallel_loop3A_520 : vector<16xi32>
        tpu.vector_store_idx %arg9[%parallel_loop3A_529], %parallel_loop3A_528 {add = true} : memref<4096xf32, #tpu.memory_space<vmem>>[vector<16xi32>], vector<16xf32>,
        tpu.vector_store_idx %arg10[%parallel_loop3A_529], %parallel_loop3A_516 {add = true} : memref<4096xf32, #tpu.memory_space<vmem>>[vector<16xi32>], vector<16xf32>,
        %parallel_loop3A_530 = arith.mulf %parallel_loop3A_405, %parallel_loop3A_417 : vector<16xf32>
        %parallel_loop3A_531 = arith.fptosi %parallel_loop3A_530 : vector<16xf32> to vector<16xi32>
        %parallel_loop3A_532 = arith.constant 14 : i32
        %parallel_loop3A_533 = vector.broadcast %parallel_loop3A_532 : i32 to vector<16xi32>
        %parallel_loop3A_534 = arith.minsi %parallel_loop3A_531, %parallel_loop3A_533 : vector<16xi32>
        %parallel_loop3A_535 = arith.constant 9 : i32
        %parallel_loop3A_536 = vector.broadcast %parallel_loop3A_535 : i32 to vector<16xi32>
        %parallel_loop3A_537 = arith.cmpi eq, %parallel_loop3A_395, %parallel_loop3A_536 : vector<16xi32>
        %parallel_loop3A_538 = arith.constant 4.097000e+03 : f32
        %parallel_loop3A_539 = arith.constant 1.000000e+00 : f32
        %parallel_loop3A_540 = vector.broadcast %parallel_loop3A_538 : f32 to vector<16xf32>
        %parallel_loop3A_541 = vector.broadcast %parallel_loop3A_539 : f32 to vector<16xf32>
        %parallel_loop3A_542 = arith.select %parallel_loop3A_537, %parallel_loop3A_540, %parallel_loop3A_541 : vector<16xi1>, vector<16xf32>
        %parallel_loop3A_543 = arith.addi %add3A_34, %parallel_loop3A_534 : vector<16xi32>
        tpu.vector_store_idx %arg9[%parallel_loop3A_543], %parallel_loop3A_542 {add = true} : memref<4096xf32, #tpu.memory_space<vmem>>[vector<16xi32>], vector<16xf32>,
        tpu.vector_store_idx %arg10[%parallel_loop3A_543], %parallel_loop3A_530 {add = true} : memref<4096xf32, #tpu.memory_space<vmem>>[vector<16xi32>], vector<16xf32>,
      } {sc.loop_unroll_factor = 8 : i64, sc.parallel_access}
      %mul3A_233 = arith.constant 2 : i32
      %mul3A_234 = arith.muli %scan3A_138, %mul3A_233 : i32
      %add3A_235 = arith.constant 1 : i32
      %add3A_236 = arith.addi %mul3A_234, %add3A_235 : i32
      %dma_wait3A_237 = arith.constant 0 : i32
      %dma_wait3A_238 = tpu.memref_slice %arg6[%dma_wait3A_237] : memref<20480xf32, #tpu.memory_space<vmem>> -> memref<2048xf32, #tpu.memory_space<vmem>>
      %dma_wait3A_239 = arith.constant 0 : i32
      %dma_wait3A_240 = tpu.memref_slice %arg2[%dma_wait3A_239] : memref<5242880xf32, #tpu.memory_space<hbm>> -> memref<2048xf32, #tpu.memory_space<hbm>>
      %dma_wait3A_241 = arith.constant 0 : i32
      %dma_wait3A_242 = tpu.memref_slice %arg6[%dma_wait3A_241] : memref<20480xf32, #tpu.memory_space<vmem>> -> memref<2048xf32, #tpu.memory_space<vmem>>
      %dma_wait3A_243 = arith.constant 0 : i32
      %dma_wait3A_244 = tpu.memref_slice %arg2[%dma_wait3A_243] : memref<5242880xf32, #tpu.memory_space<hbm>> -> memref<2048xf32, #tpu.memory_space<hbm>>
      tpu.wait_dma2 semaphore(%arg13 : memref<!tpu.dma_semaphore, #tpu.memory_space<semaphore_mem>>) src(%dma_wait3A_244 : memref<2048xf32, #tpu.memory_space<hbm>>) dst(%dma_wait3A_242 : memref<2048xf32, #tpu.memory_space<vmem>>)
      %dma_wait3A_245 = arith.constant 2048 : i32
      %dma_wait3A_246 = tpu.memref_slice %arg6[%dma_wait3A_245] : memref<20480xf32, #tpu.memory_space<vmem>> -> memref<2048xf32, #tpu.memory_space<vmem>>
      %dma_wait3A_247 = arith.constant 524288 : i32
      %dma_wait3A_248 = tpu.memref_slice %arg2[%dma_wait3A_247] : memref<5242880xf32, #tpu.memory_space<hbm>> -> memref<2048xf32, #tpu.memory_space<hbm>>
      %dma_wait3A_249 = arith.constant 2048 : i32
      %dma_wait3A_250 = tpu.memref_slice %arg6[%dma_wait3A_249] : memref<20480xf32, #tpu.memory_space<vmem>> -> memref<2048xf32, #tpu.memory_space<vmem>>
      %dma_wait3A_251 = arith.constant 524288 : i32
      %dma_wait3A_252 = tpu.memref_slice %arg2[%dma_wait3A_251] : memref<5242880xf32, #tpu.memory_space<hbm>> -> memref<2048xf32, #tpu.memory_space<hbm>>
      tpu.wait_dma2 semaphore(%arg13 : memref<!tpu.dma_semaphore, #tpu.memory_space<semaphore_mem>>) src(%dma_wait3A_252 : memref<2048xf32, #tpu.memory_space<hbm>>) dst(%dma_wait3A_250 : memref<2048xf32, #tpu.memory_space<vmem>>)
      %dma_wait3A_253 = arith.constant 4096 : i32
      %dma_wait3A_254 = tpu.memref_slice %arg6[%dma_wait3A_253] : memref<20480xf32, #tpu.memory_space<vmem>> -> memref<2048xf32, #tpu.memory_space<vmem>>
      %dma_wait3A_255 = arith.constant 1048576 : i32
      %dma_wait3A_256 = tpu.memref_slice %arg2[%dma_wait3A_255] : memref<5242880xf32, #tpu.memory_space<hbm>> -> memref<2048xf32, #tpu.memory_space<hbm>>
      %dma_wait3A_257 = arith.constant 4096 : i32
      %dma_wait3A_258 = tpu.memref_slice %arg6[%dma_wait3A_257] : memref<20480xf32, #tpu.memory_space<vmem>> -> memref<2048xf32, #tpu.memory_space<vmem>>
      %dma_wait3A_259 = arith.constant 1048576 : i32
      %dma_wait3A_260 = tpu.memref_slice %arg2[%dma_wait3A_259] : memref<5242880xf32, #tpu.memory_space<hbm>> -> memref<2048xf32, #tpu.memory_space<hbm>>
      tpu.wait_dma2 semaphore(%arg13 : memref<!tpu.dma_semaphore, #tpu.memory_space<semaphore_mem>>) src(%dma_wait3A_260 : memref<2048xf32, #tpu.memory_space<hbm>>) dst(%dma_wait3A_258 : memref<2048xf32, #tpu.memory_space<vmem>>)
      %dma_wait3A_261 = arith.constant 6144 : i32
      %dma_wait3A_262 = tpu.memref_slice %arg6[%dma_wait3A_261] : memref<20480xf32, #tpu.memory_space<vmem>> -> memref<2048xf32, #tpu.memory_space<vmem>>
      %dma_wait3A_263 = arith.constant 1572864 : i32
      %dma_wait3A_264 = tpu.memref_slice %arg2[%dma_wait3A_263] : memref<5242880xf32, #tpu.memory_space<hbm>> -> memref<2048xf32, #tpu.memory_space<hbm>>
      %dma_wait3A_265 = arith.constant 6144 : i32
      %dma_wait3A_266 = tpu.memref_slice %arg6[%dma_wait3A_265] : memref<20480xf32, #tpu.memory_space<vmem>> -> memref<2048xf32, #tpu.memory_space<vmem>>
      %dma_wait3A_267 = arith.constant 1572864 : i32
      %dma_wait3A_268 = tpu.memref_slice %arg2[%dma_wait3A_267] : memref<5242880xf32, #tpu.memory_space<hbm>> -> memref<2048xf32, #tpu.memory_space<hbm>>
      tpu.wait_dma2 semaphore(%arg13 : memref<!tpu.dma_semaphore, #tpu.memory_space<semaphore_mem>>) src(%dma_wait3A_268 : memref<2048xf32, #tpu.memory_space<hbm>>) dst(%dma_wait3A_266 : memref<2048xf32, #tpu.memory_space<vmem>>)
      %dma_wait3A_269 = arith.constant 8192 : i32
      %dma_wait3A_270 = tpu.memref_slice %arg6[%dma_wait3A_269] : memref<20480xf32, #tpu.memory_space<vmem>> -> memref<2048xf32, #tpu.memory_space<vmem>>
      %dma_wait3A_271 = arith.constant 2097152 : i32
      %dma_wait3A_272 = tpu.memref_slice %arg2[%dma_wait3A_271] : memref<5242880xf32, #tpu.memory_space<hbm>> -> memref<2048xf32, #tpu.memory_space<hbm>>
      %dma_wait3A_273 = arith.constant 8192 : i32
      %dma_wait3A_274 = tpu.memref_slice %arg6[%dma_wait3A_273] : memref<20480xf32, #tpu.memory_space<vmem>> -> memref<2048xf32, #tpu.memory_space<vmem>>
      %dma_wait3A_275 = arith.constant 2097152 : i32
      %dma_wait3A_276 = tpu.memref_slice %arg2[%dma_wait3A_275] : memref<5242880xf32, #tpu.memory_space<hbm>> -> memref<2048xf32, #tpu.memory_space<hbm>>
      tpu.wait_dma2 semaphore(%arg13 : memref<!tpu.dma_semaphore, #tpu.memory_space<semaphore_mem>>) src(%dma_wait3A_276 : memref<2048xf32, #tpu.memory_space<hbm>>) dst(%dma_wait3A_274 : memref<2048xf32, #tpu.memory_space<vmem>>)
      %dma_wait3A_277 = arith.constant 10240 : i32
      %dma_wait3A_278 = tpu.memref_slice %arg6[%dma_wait3A_277] : memref<20480xf32, #tpu.memory_space<vmem>> -> memref<2048xf32, #tpu.memory_space<vmem>>
      %dma_wait3A_279 = arith.constant 2621440 : i32
      %dma_wait3A_280 = tpu.memref_slice %arg2[%dma_wait3A_279] : memref<5242880xf32, #tpu.memory_space<hbm>> -> memref<2048xf32, #tpu.memory_space<hbm>>
      %dma_wait3A_281 = arith.constant 10240 : i32
      %dma_wait3A_282 = tpu.memref_slice %arg6[%dma_wait3A_281] : memref<20480xf32, #tpu.memory_space<vmem>> -> memref<2048xf32, #tpu.memory_space<vmem>>
      %dma_wait3A_283 = arith.constant 2621440 : i32
      %dma_wait3A_284 = tpu.memref_slice %arg2[%dma_wait3A_283] : memref<5242880xf32, #tpu.memory_space<hbm>> -> memref<2048xf32, #tpu.memory_space<hbm>>
      tpu.wait_dma2 semaphore(%arg13 : memref<!tpu.dma_semaphore, #tpu.memory_space<semaphore_mem>>) src(%dma_wait3A_284 : memref<2048xf32, #tpu.memory_space<hbm>>) dst(%dma_wait3A_282 : memref<2048xf32, #tpu.memory_space<vmem>>)
      %dma_wait3A_285 = arith.constant 12288 : i32
      %dma_wait3A_286 = tpu.memref_slice %arg6[%dma_wait3A_285] : memref<20480xf32, #tpu.memory_space<vmem>> -> memref<2048xf32, #tpu.memory_space<vmem>>
      %dma_wait3A_287 = arith.constant 3145728 : i32
      %dma_wait3A_288 = tpu.memref_slice %arg2[%dma_wait3A_287] : memref<5242880xf32, #tpu.memory_space<hbm>> -> memref<2048xf32, #tpu.memory_space<hbm>>
      %dma_wait3A_289 = arith.constant 12288 : i32
      %dma_wait3A_290 = tpu.memref_slice %arg6[%dma_wait3A_289] : memref<20480xf32, #tpu.memory_space<vmem>> -> memref<2048xf32, #tpu.memory_space<vmem>>
      %dma_wait3A_291 = arith.constant 3145728 : i32
      %dma_wait3A_292 = tpu.memref_slice %arg2[%dma_wait3A_291] : memref<5242880xf32, #tpu.memory_space<hbm>> -> memref<2048xf32, #tpu.memory_space<hbm>>
      tpu.wait_dma2 semaphore(%arg13 : memref<!tpu.dma_semaphore, #tpu.memory_space<semaphore_mem>>) src(%dma_wait3A_292 : memref<2048xf32, #tpu.memory_space<hbm>>) dst(%dma_wait3A_290 : memref<2048xf32, #tpu.memory_space<vmem>>)
      %dma_wait3A_293 = arith.constant 14336 : i32
      %dma_wait3A_294 = tpu.memref_slice %arg6[%dma_wait3A_293] : memref<20480xf32, #tpu.memory_space<vmem>> -> memref<2048xf32, #tpu.memory_space<vmem>>
      %dma_wait3A_295 = arith.constant 3670016 : i32
      %dma_wait3A_296 = tpu.memref_slice %arg2[%dma_wait3A_295] : memref<5242880xf32, #tpu.memory_space<hbm>> -> memref<2048xf32, #tpu.memory_space<hbm>>
      %dma_wait3A_297 = arith.constant 14336 : i32
      %dma_wait3A_298 = tpu.memref_slice %arg6[%dma_wait3A_297] : memref<20480xf32, #tpu.memory_space<vmem>> -> memref<2048xf32, #tpu.memory_space<vmem>>
      %dma_wait3A_299 = arith.constant 3670016 : i32
      %dma_wait3A_300 = tpu.memref_slice %arg2[%dma_wait3A_299] : memref<5242880xf32, #tpu.memory_space<hbm>> -> memref<2048xf32, #tpu.memory_space<hbm>>
      tpu.wait_dma2 semaphore(%arg13 : memref<!tpu.dma_semaphore, #tpu.memory_space<semaphore_mem>>) src(%dma_wait3A_300 : memref<2048xf32, #tpu.memory_space<hbm>>) dst(%dma_wait3A_298 : memref<2048xf32, #tpu.memory_space<vmem>>)
      %dma_wait3A_301 = arith.constant 16384 : i32
      %dma_wait3A_302 = tpu.memref_slice %arg6[%dma_wait3A_301] : memref<20480xf32, #tpu.memory_space<vmem>> -> memref<2048xf32, #tpu.memory_space<vmem>>
      %dma_wait3A_303 = arith.constant 4194304 : i32
      %dma_wait3A_304 = tpu.memref_slice %arg2[%dma_wait3A_303] : memref<5242880xf32, #tpu.memory_space<hbm>> -> memref<2048xf32, #tpu.memory_space<hbm>>
      %dma_wait3A_305 = arith.constant 16384 : i32
      %dma_wait3A_306 = tpu.memref_slice %arg6[%dma_wait3A_305] : memref<20480xf32, #tpu.memory_space<vmem>> -> memref<2048xf32, #tpu.memory_space<vmem>>
      %dma_wait3A_307 = arith.constant 4194304 : i32
      %dma_wait3A_308 = tpu.memref_slice %arg2[%dma_wait3A_307] : memref<5242880xf32, #tpu.memory_space<hbm>> -> memref<2048xf32, #tpu.memory_space<hbm>>
      tpu.wait_dma2 semaphore(%arg13 : memref<!tpu.dma_semaphore, #tpu.memory_space<semaphore_mem>>) src(%dma_wait3A_308 : memref<2048xf32, #tpu.memory_space<hbm>>) dst(%dma_wait3A_306 : memref<2048xf32, #tpu.memory_space<vmem>>)
      %dma_wait3A_309 = arith.constant 18432 : i32
      %dma_wait3A_310 = tpu.memref_slice %arg6[%dma_wait3A_309] : memref<20480xf32, #tpu.memory_space<vmem>> -> memref<2048xf32, #tpu.memory_space<vmem>>
      %dma_wait3A_311 = arith.constant 4718592 : i32
      %dma_wait3A_312 = tpu.memref_slice %arg2[%dma_wait3A_311] : memref<5242880xf32, #tpu.memory_space<hbm>> -> memref<2048xf32, #tpu.memory_space<hbm>>
      %dma_wait3A_313 = arith.constant 18432 : i32
      %dma_wait3A_314 = tpu.memref_slice %arg6[%dma_wait3A_313] : memref<20480xf32, #tpu.memory_space<vmem>> -> memref<2048xf32, #tpu.memory_space<vmem>>
      %dma_wait3A_315 = arith.constant 4718592 : i32
      %dma_wait3A_316 = tpu.memref_slice %arg2[%dma_wait3A_315] : memref<5242880xf32, #tpu.memory_space<hbm>> -> memref<2048xf32, #tpu.memory_space<hbm>>
      tpu.wait_dma2 semaphore(%arg13 : memref<!tpu.dma_semaphore, #tpu.memory_space<semaphore_mem>>) src(%dma_wait3A_316 : memref<2048xf32, #tpu.memory_space<hbm>>) dst(%dma_wait3A_314 : memref<2048xf32, #tpu.memory_space<vmem>>)
      %dma_wait3A_317 = arith.constant 0 : i32
      %dma_wait3A_318 = tpu.memref_slice %arg3[%dma_wait3A_317] : memref<524288xi32, #tpu.memory_space<hbm>> -> memref<2048xi32, #tpu.memory_space<hbm>>
      %dma_wait3A_319 = arith.constant 0 : i32
      %dma_wait3A_320 = tpu.memref_slice %arg3[%dma_wait3A_319] : memref<524288xi32, #tpu.memory_space<hbm>> -> memref<2048xi32, #tpu.memory_space<hbm>>
      tpu.wait_dma2 semaphore(%arg13 : memref<!tpu.dma_semaphore, #tpu.memory_space<semaphore_mem>>) src(%dma_wait3A_320 : memref<2048xi32, #tpu.memory_space<hbm>>) dst(%arg8 : memref<2048xi32, #tpu.memory_space<vmem>>)
      %add3A_321 = arith.constant 1 : i32
      %add3A_322 = arith.addi %add3A_236, %add3A_321 : i32
      %lt3A_323 = arith.constant 8 : i32
      %lt3A_324 = arith.cmpi slt, %add3A_322, %lt3A_323 : i32
      %convert_element_type3A_325 = arith.extui %lt3A_324 : i1 to i32
      %cond3A_326 = arith.constant 0 : i32
      %cond3A_327 = arith.cmpi ne, %convert_element_type3A_325, %cond3A_326 : i32
      scf.if %cond3A_327 {
        %add3A_331 = arith.constant 1 : i32
        %add3A_332 = arith.addi %add3A_236, %add3A_331 : i32
        %mul3A_333 = arith.constant 16384 : i32
        %mul3A_334 = arith.muli %add3A, %mul3A_333 : i32
        %mul3A_335 = arith.constant 2048 : i32
        %mul3A_336 = arith.muli %add3A_332, %mul3A_335 : i32
        %add3A_337 = arith.addi %mul3A_334, %mul3A_336 : i32
        %add3A_338 = arith.constant 0 : i32
        %add3A_339 = arith.addi %add3A_338, %add3A_337 : i32
        %dma_start3A_340 = arith.constant 0 : i32
        %dma_start3A_341 = tpu.memref_slice %arg5[%dma_start3A_340] : memref<20480xf32, #tpu.memory_space<vmem>> -> memref<2048xf32, #tpu.memory_space<vmem>>
        %dma_start3A_342 = tpu.memref_slice %arg2[%add3A_339] : memref<5242880xf32, #tpu.memory_space<hbm>> -> memref<2048xf32, #tpu.memory_space<hbm>>
        %dma_start3A_343 = arith.constant 0 : i32
        %dma_start3A_344 = tpu.memref_slice %arg5[%dma_start3A_343] : memref<20480xf32, #tpu.memory_space<vmem>> -> memref<2048xf32, #tpu.memory_space<vmem>>
        %dma_start3A_345 = tpu.memref_slice %arg2[%add3A_339] : memref<5242880xf32, #tpu.memory_space<hbm>> -> memref<2048xf32, #tpu.memory_space<hbm>>
        tpu.enqueue_dma source(%dma_start3A_345 : memref<2048xf32, #tpu.memory_space<hbm>>) target(%dma_start3A_344 : memref<2048xf32, #tpu.memory_space<vmem>>) target_semaphore(%arg12 : memref<!tpu.dma_semaphore, #tpu.memory_space<semaphore_mem>>)
        %add3A_346 = arith.constant 524288 : i32
        %add3A_347 = arith.addi %add3A_346, %add3A_337 : i32
        %dma_start3A_348 = arith.constant 2048 : i32
        %dma_start3A_349 = tpu.memref_slice %arg5[%dma_start3A_348] : memref<20480xf32, #tpu.memory_space<vmem>> -> memref<2048xf32, #tpu.memory_space<vmem>>
        %dma_start3A_350 = tpu.memref_slice %arg2[%add3A_347] : memref<5242880xf32, #tpu.memory_space<hbm>> -> memref<2048xf32, #tpu.memory_space<hbm>>
        %dma_start3A_351 = arith.constant 2048 : i32
        %dma_start3A_352 = tpu.memref_slice %arg5[%dma_start3A_351] : memref<20480xf32, #tpu.memory_space<vmem>> -> memref<2048xf32, #tpu.memory_space<vmem>>
        %dma_start3A_353 = tpu.memref_slice %arg2[%add3A_347] : memref<5242880xf32, #tpu.memory_space<hbm>> -> memref<2048xf32, #tpu.memory_space<hbm>>
        tpu.enqueue_dma source(%dma_start3A_353 : memref<2048xf32, #tpu.memory_space<hbm>>) target(%dma_start3A_352 : memref<2048xf32, #tpu.memory_space<vmem>>) target_semaphore(%arg12 : memref<!tpu.dma_semaphore, #tpu.memory_space<semaphore_mem>>)
        %add3A_354 = arith.constant 1048576 : i32
        %add3A_355 = arith.addi %add3A_354, %add3A_337 : i32
        %dma_start3A_356 = arith.constant 4096 : i32
        %dma_start3A_357 = tpu.memref_slice %arg5[%dma_start3A_356] : memref<20480xf32, #tpu.memory_space<vmem>> -> memref<2048xf32, #tpu.memory_space<vmem>>
        %dma_start3A_358 = tpu.memref_slice %arg2[%add3A_355] : memref<5242880xf32, #tpu.memory_space<hbm>> -> memref<2048xf32, #tpu.memory_space<hbm>>
        %dma_start3A_359 = arith.constant 4096 : i32
        %dma_start3A_360 = tpu.memref_slice %arg5[%dma_start3A_359] : memref<20480xf32, #tpu.memory_space<vmem>> -> memref<2048xf32, #tpu.memory_space<vmem>>
        %dma_start3A_361 = tpu.memref_slice %arg2[%add3A_355] : memref<5242880xf32, #tpu.memory_space<hbm>> -> memref<2048xf32, #tpu.memory_space<hbm>>
        tpu.enqueue_dma source(%dma_start3A_361 : memref<2048xf32, #tpu.memory_space<hbm>>) target(%dma_start3A_360 : memref<2048xf32, #tpu.memory_space<vmem>>) target_semaphore(%arg12 : memref<!tpu.dma_semaphore, #tpu.memory_space<semaphore_mem>>)
        %add3A_362 = arith.constant 1572864 : i32
        %add3A_363 = arith.addi %add3A_362, %add3A_337 : i32
        %dma_start3A_364 = arith.constant 6144 : i32
        %dma_start3A_365 = tpu.memref_slice %arg5[%dma_start3A_364] : memref<20480xf32, #tpu.memory_space<vmem>> -> memref<2048xf32, #tpu.memory_space<vmem>>
        %dma_start3A_366 = tpu.memref_slice %arg2[%add3A_363] : memref<5242880xf32, #tpu.memory_space<hbm>> -> memref<2048xf32, #tpu.memory_space<hbm>>
        %dma_start3A_367 = arith.constant 6144 : i32
        %dma_start3A_368 = tpu.memref_slice %arg5[%dma_start3A_367] : memref<20480xf32, #tpu.memory_space<vmem>> -> memref<2048xf32, #tpu.memory_space<vmem>>
        %dma_start3A_369 = tpu.memref_slice %arg2[%add3A_363] : memref<5242880xf32, #tpu.memory_space<hbm>> -> memref<2048xf32, #tpu.memory_space<hbm>>
        tpu.enqueue_dma source(%dma_start3A_369 : memref<2048xf32, #tpu.memory_space<hbm>>) target(%dma_start3A_368 : memref<2048xf32, #tpu.memory_space<vmem>>) target_semaphore(%arg12 : memref<!tpu.dma_semaphore, #tpu.memory_space<semaphore_mem>>)
        %add3A_370 = arith.constant 2097152 : i32
        %add3A_371 = arith.addi %add3A_370, %add3A_337 : i32
        %dma_start3A_372 = arith.constant 8192 : i32
        %dma_start3A_373 = tpu.memref_slice %arg5[%dma_start3A_372] : memref<20480xf32, #tpu.memory_space<vmem>> -> memref<2048xf32, #tpu.memory_space<vmem>>
        %dma_start3A_374 = tpu.memref_slice %arg2[%add3A_371] : memref<5242880xf32, #tpu.memory_space<hbm>> -> memref<2048xf32, #tpu.memory_space<hbm>>
        %dma_start3A_375 = arith.constant 8192 : i32
        %dma_start3A_376 = tpu.memref_slice %arg5[%dma_start3A_375] : memref<20480xf32, #tpu.memory_space<vmem>> -> memref<2048xf32, #tpu.memory_space<vmem>>
        %dma_start3A_377 = tpu.memref_slice %arg2[%add3A_371] : memref<5242880xf32, #tpu.memory_space<hbm>> -> memref<2048xf32, #tpu.memory_space<hbm>>
        tpu.enqueue_dma source(%dma_start3A_377 : memref<2048xf32, #tpu.memory_space<hbm>>) target(%dma_start3A_376 : memref<2048xf32, #tpu.memory_space<vmem>>) target_semaphore(%arg12 : memref<!tpu.dma_semaphore, #tpu.memory_space<semaphore_mem>>)
        %add3A_378 = arith.constant 2621440 : i32
        %add3A_379 = arith.addi %add3A_378, %add3A_337 : i32
        %dma_start3A_380 = arith.constant 10240 : i32
        %dma_start3A_381 = tpu.memref_slice %arg5[%dma_start3A_380] : memref<20480xf32, #tpu.memory_space<vmem>> -> memref<2048xf32, #tpu.memory_space<vmem>>
        %dma_start3A_382 = tpu.memref_slice %arg2[%add3A_379] : memref<5242880xf32, #tpu.memory_space<hbm>> -> memref<2048xf32, #tpu.memory_space<hbm>>
        %dma_start3A_383 = arith.constant 10240 : i32
        %dma_start3A_384 = tpu.memref_slice %arg5[%dma_start3A_383] : memref<20480xf32, #tpu.memory_space<vmem>> -> memref<2048xf32, #tpu.memory_space<vmem>>
        %dma_start3A_385 = tpu.memref_slice %arg2[%add3A_379] : memref<5242880xf32, #tpu.memory_space<hbm>> -> memref<2048xf32, #tpu.memory_space<hbm>>
        tpu.enqueue_dma source(%dma_start3A_385 : memref<2048xf32, #tpu.memory_space<hbm>>) target(%dma_start3A_384 : memref<2048xf32, #tpu.memory_space<vmem>>) target_semaphore(%arg12 : memref<!tpu.dma_semaphore, #tpu.memory_space<semaphore_mem>>)
        %add3A_386 = arith.constant 3145728 : i32
        %add3A_387 = arith.addi %add3A_386, %add3A_337 : i32
        %dma_start3A_388 = arith.constant 12288 : i32
        %dma_start3A_389 = tpu.memref_slice %arg5[%dma_start3A_388] : memref<20480xf32, #tpu.memory_space<vmem>> -> memref<2048xf32, #tpu.memory_space<vmem>>
        %dma_start3A_390 = tpu.memref_slice %arg2[%add3A_387] : memref<5242880xf32, #tpu.memory_space<hbm>> -> memref<2048xf32, #tpu.memory_space<hbm>>
        %dma_start3A_391 = arith.constant 12288 : i32
        %dma_start3A_392 = tpu.memref_slice %arg5[%dma_start3A_391] : memref<20480xf32, #tpu.memory_space<vmem>> -> memref<2048xf32, #tpu.memory_space<vmem>>
        %dma_start3A_393 = tpu.memref_slice %arg2[%add3A_387] : memref<5242880xf32, #tpu.memory_space<hbm>> -> memref<2048xf32, #tpu.memory_space<hbm>>
        tpu.enqueue_dma source(%dma_start3A_393 : memref<2048xf32, #tpu.memory_space<hbm>>) target(%dma_start3A_392 : memref<2048xf32, #tpu.memory_space<vmem>>) target_semaphore(%arg12 : memref<!tpu.dma_semaphore, #tpu.memory_space<semaphore_mem>>)
        %add3A_394 = arith.constant 3670016 : i32
        %add3A_395 = arith.addi %add3A_394, %add3A_337 : i32
        %dma_start3A_396 = arith.constant 14336 : i32
        %dma_start3A_397 = tpu.memref_slice %arg5[%dma_start3A_396] : memref<20480xf32, #tpu.memory_space<vmem>> -> memref<2048xf32, #tpu.memory_space<vmem>>
        %dma_start3A_398 = tpu.memref_slice %arg2[%add3A_395] : memref<5242880xf32, #tpu.memory_space<hbm>> -> memref<2048xf32, #tpu.memory_space<hbm>>
        %dma_start3A_399 = arith.constant 14336 : i32
        %dma_start3A_400 = tpu.memref_slice %arg5[%dma_start3A_399] : memref<20480xf32, #tpu.memory_space<vmem>> -> memref<2048xf32, #tpu.memory_space<vmem>>
        %dma_start3A_401 = tpu.memref_slice %arg2[%add3A_395] : memref<5242880xf32, #tpu.memory_space<hbm>> -> memref<2048xf32, #tpu.memory_space<hbm>>
        tpu.enqueue_dma source(%dma_start3A_401 : memref<2048xf32, #tpu.memory_space<hbm>>) target(%dma_start3A_400 : memref<2048xf32, #tpu.memory_space<vmem>>) target_semaphore(%arg12 : memref<!tpu.dma_semaphore, #tpu.memory_space<semaphore_mem>>)
        %add3A_402 = arith.constant 4194304 : i32
        %add3A_403 = arith.addi %add3A_402, %add3A_337 : i32
        %dma_start3A_404 = arith.constant 16384 : i32
        %dma_start3A_405 = tpu.memref_slice %arg5[%dma_start3A_404] : memref<20480xf32, #tpu.memory_space<vmem>> -> memref<2048xf32, #tpu.memory_space<vmem>>
        %dma_start3A_406 = tpu.memref_slice %arg2[%add3A_403] : memref<5242880xf32, #tpu.memory_space<hbm>> -> memref<2048xf32, #tpu.memory_space<hbm>>
        %dma_start3A_407 = arith.constant 16384 : i32
        %dma_start3A_408 = tpu.memref_slice %arg5[%dma_start3A_407] : memref<20480xf32, #tpu.memory_space<vmem>> -> memref<2048xf32, #tpu.memory_space<vmem>>
        %dma_start3A_409 = tpu.memref_slice %arg2[%add3A_403] : memref<5242880xf32, #tpu.memory_space<hbm>> -> memref<2048xf32, #tpu.memory_space<hbm>>
        tpu.enqueue_dma source(%dma_start3A_409 : memref<2048xf32, #tpu.memory_space<hbm>>) target(%dma_start3A_408 : memref<2048xf32, #tpu.memory_space<vmem>>) target_semaphore(%arg12 : memref<!tpu.dma_semaphore, #tpu.memory_space<semaphore_mem>>)
        %add3A_410 = arith.constant 4718592 : i32
        %add3A_411 = arith.addi %add3A_410, %add3A_337 : i32
        %dma_start3A_412 = arith.constant 18432 : i32
        %dma_start3A_413 = tpu.memref_slice %arg5[%dma_start3A_412] : memref<20480xf32, #tpu.memory_space<vmem>> -> memref<2048xf32, #tpu.memory_space<vmem>>
        %dma_start3A_414 = tpu.memref_slice %arg2[%add3A_411] : memref<5242880xf32, #tpu.memory_space<hbm>> -> memref<2048xf32, #tpu.memory_space<hbm>>
        %dma_start3A_415 = arith.constant 18432 : i32
        %dma_start3A_416 = tpu.memref_slice %arg5[%dma_start3A_415] : memref<20480xf32, #tpu.memory_space<vmem>> -> memref<2048xf32, #tpu.memory_space<vmem>>
        %dma_start3A_417 = tpu.memref_slice %arg2[%add3A_411] : memref<5242880xf32, #tpu.memory_space<hbm>> -> memref<2048xf32, #tpu.memory_space<hbm>>
        tpu.enqueue_dma source(%dma_start3A_417 : memref<2048xf32, #tpu.memory_space<hbm>>) target(%dma_start3A_416 : memref<2048xf32, #tpu.memory_space<vmem>>) target_semaphore(%arg12 : memref<!tpu.dma_semaphore, #tpu.memory_space<semaphore_mem>>)
        %dma_start3A_418 = tpu.memref_slice %arg3[%add3A_337] : memref<524288xi32, #tpu.memory_space<hbm>> -> memref<2048xi32, #tpu.memory_space<hbm>>
        %dma_start3A_419 = tpu.memref_slice %arg3[%add3A_337] : memref<524288xi32, #tpu.memory_space<hbm>> -> memref<2048xi32, #tpu.memory_space<hbm>>
        tpu.enqueue_dma source(%dma_start3A_419 : memref<2048xi32, #tpu.memory_space<hbm>>) target(%arg7 : memref<2048xi32, #tpu.memory_space<vmem>>) target_semaphore(%arg12 : memref<!tpu.dma_semaphore, #tpu.memory_space<semaphore_mem>>)
      } else {
      }
      %parallel_loop3A_328 = arith.constant 0 : i32
      %parallel_loop3A_329 = arith.constant 128 : i32
      %parallel_loop3A_330 = arith.constant 1 : i32
      scf.for %parallel_loop3A_331 = %parallel_loop3A_328 to %parallel_loop3A_329 step %parallel_loop3A_330  : i32 {
        %parallel_loop3A_332 = arith.constant 16 : i32
        %parallel_loop3A_333 = arith.muli %parallel_loop3A_331, %parallel_loop3A_332 : i32
        %parallel_loop3A_334 = arith.constant 0 : i32
        %parallel_loop3A_335 = arith.addi %parallel_loop3A_334, %parallel_loop3A_333 : i32
        %parallel_loop3A_336 = arith.index_cast %parallel_loop3A_335 : i32 to index
        %parallel_loop3A_337 = tpu.vector_load %arg6[%parallel_loop3A_336] {strides = array<i32>} : memref<20480xf32, #tpu.memory_space<vmem>>, vector<16xf32>,
        %parallel_loop3A_338 = arith.constant 16 : i32
        %parallel_loop3A_339 = arith.muli %parallel_loop3A_331, %parallel_loop3A_338 : i32
        %parallel_loop3A_340 = arith.constant 2048 : i32
        %parallel_loop3A_341 = arith.addi %parallel_loop3A_340, %parallel_loop3A_339 : i32
        %parallel_loop3A_342 = arith.index_cast %parallel_loop3A_341 : i32 to index
        %parallel_loop3A_343 = tpu.vector_load %arg6[%parallel_loop3A_342] {strides = array<i32>} : memref<20480xf32, #tpu.memory_space<vmem>>, vector<16xf32>,
        %parallel_loop3A_344 = arith.constant 16 : i32
        %parallel_loop3A_345 = arith.muli %parallel_loop3A_331, %parallel_loop3A_344 : i32
        %parallel_loop3A_346 = arith.constant 4096 : i32
        %parallel_loop3A_347 = arith.addi %parallel_loop3A_346, %parallel_loop3A_345 : i32
        %parallel_loop3A_348 = arith.index_cast %parallel_loop3A_347 : i32 to index
        %parallel_loop3A_349 = tpu.vector_load %arg6[%parallel_loop3A_348] {strides = array<i32>} : memref<20480xf32, #tpu.memory_space<vmem>>, vector<16xf32>,
        %parallel_loop3A_350 = arith.constant 16 : i32
        %parallel_loop3A_351 = arith.muli %parallel_loop3A_331, %parallel_loop3A_350 : i32
        %parallel_loop3A_352 = arith.constant 6144 : i32
        %parallel_loop3A_353 = arith.addi %parallel_loop3A_352, %parallel_loop3A_351 : i32
        %parallel_loop3A_354 = arith.index_cast %parallel_loop3A_353 : i32 to index
        %parallel_loop3A_355 = tpu.vector_load %arg6[%parallel_loop3A_354] {strides = array<i32>} : memref<20480xf32, #tpu.memory_space<vmem>>, vector<16xf32>,
        %parallel_loop3A_356 = arith.constant 16 : i32
        %parallel_loop3A_357 = arith.muli %parallel_loop3A_331, %parallel_loop3A_356 : i32
        %parallel_loop3A_358 = arith.constant 8192 : i32
        %parallel_loop3A_359 = arith.addi %parallel_loop3A_358, %parallel_loop3A_357 : i32
        %parallel_loop3A_360 = arith.index_cast %parallel_loop3A_359 : i32 to index
        %parallel_loop3A_361 = tpu.vector_load %arg6[%parallel_loop3A_360] {strides = array<i32>} : memref<20480xf32, #tpu.memory_space<vmem>>, vector<16xf32>,
        %parallel_loop3A_362 = arith.constant 16 : i32
        %parallel_loop3A_363 = arith.muli %parallel_loop3A_331, %parallel_loop3A_362 : i32
        %parallel_loop3A_364 = arith.constant 10240 : i32
        %parallel_loop3A_365 = arith.addi %parallel_loop3A_364, %parallel_loop3A_363 : i32
        %parallel_loop3A_366 = arith.index_cast %parallel_loop3A_365 : i32 to index
        %parallel_loop3A_367 = tpu.vector_load %arg6[%parallel_loop3A_366] {strides = array<i32>} : memref<20480xf32, #tpu.memory_space<vmem>>, vector<16xf32>,
        %parallel_loop3A_368 = arith.constant 16 : i32
        %parallel_loop3A_369 = arith.muli %parallel_loop3A_331, %parallel_loop3A_368 : i32
        %parallel_loop3A_370 = arith.constant 12288 : i32
        %parallel_loop3A_371 = arith.addi %parallel_loop3A_370, %parallel_loop3A_369 : i32
        %parallel_loop3A_372 = arith.index_cast %parallel_loop3A_371 : i32 to index
        %parallel_loop3A_373 = tpu.vector_load %arg6[%parallel_loop3A_372] {strides = array<i32>} : memref<20480xf32, #tpu.memory_space<vmem>>, vector<16xf32>,
        %parallel_loop3A_374 = arith.constant 16 : i32
        %parallel_loop3A_375 = arith.muli %parallel_loop3A_331, %parallel_loop3A_374 : i32
        %parallel_loop3A_376 = arith.constant 14336 : i32
        %parallel_loop3A_377 = arith.addi %parallel_loop3A_376, %parallel_loop3A_375 : i32
        %parallel_loop3A_378 = arith.index_cast %parallel_loop3A_377 : i32 to index
        %parallel_loop3A_379 = tpu.vector_load %arg6[%parallel_loop3A_378] {strides = array<i32>} : memref<20480xf32, #tpu.memory_space<vmem>>, vector<16xf32>,
        %parallel_loop3A_380 = arith.constant 16 : i32
        %parallel_loop3A_381 = arith.muli %parallel_loop3A_331, %parallel_loop3A_380 : i32
        %parallel_loop3A_382 = arith.constant 16384 : i32
        %parallel_loop3A_383 = arith.addi %parallel_loop3A_382, %parallel_loop3A_381 : i32
        %parallel_loop3A_384 = arith.index_cast %parallel_loop3A_383 : i32 to index
        %parallel_loop3A_385 = tpu.vector_load %arg6[%parallel_loop3A_384] {strides = array<i32>} : memref<20480xf32, #tpu.memory_space<vmem>>, vector<16xf32>,
        %parallel_loop3A_386 = arith.constant 16 : i32
        %parallel_loop3A_387 = arith.muli %parallel_loop3A_331, %parallel_loop3A_386 : i32
        %parallel_loop3A_388 = arith.constant 18432 : i32
        %parallel_loop3A_389 = arith.addi %parallel_loop3A_388, %parallel_loop3A_387 : i32
        %parallel_loop3A_390 = arith.index_cast %parallel_loop3A_389 : i32 to index
        %parallel_loop3A_391 = tpu.vector_load %arg6[%parallel_loop3A_390] {strides = array<i32>} : memref<20480xf32, #tpu.memory_space<vmem>>, vector<16xf32>,
        %parallel_loop3A_392 = arith.constant 16 : i32
        %parallel_loop3A_393 = arith.muli %parallel_loop3A_331, %parallel_loop3A_392 : i32
        %parallel_loop3A_394 = arith.index_cast %parallel_loop3A_393 : i32 to index
        %parallel_loop3A_395 = tpu.vector_load %arg8[%parallel_loop3A_394] {strides = array<i32>} : memref<2048xi32, #tpu.memory_space<vmem>>, vector<16xi32>,
        %parallel_loop3A_396 = math.exp %parallel_loop3A_337 : vector<16xf32>
        %parallel_loop3A_397 = math.exp %parallel_loop3A_343 : vector<16xf32>
        %parallel_loop3A_398 = math.exp %parallel_loop3A_349 : vector<16xf32>
        %parallel_loop3A_399 = math.exp %parallel_loop3A_355 : vector<16xf32>
        %parallel_loop3A_400 = math.exp %parallel_loop3A_361 : vector<16xf32>
        %parallel_loop3A_401 = math.exp %parallel_loop3A_367 : vector<16xf32>
        %parallel_loop3A_402 = math.exp %parallel_loop3A_373 : vector<16xf32>
        %parallel_loop3A_403 = math.exp %parallel_loop3A_379 : vector<16xf32>
        %parallel_loop3A_404 = math.exp %parallel_loop3A_385 : vector<16xf32>
        %parallel_loop3A_405 = math.exp %parallel_loop3A_391 : vector<16xf32>
        %parallel_loop3A_406 = arith.addf %parallel_loop3A_396, %parallel_loop3A_397 : vector<16xf32>
        %parallel_loop3A_407 = arith.addf %parallel_loop3A_398, %parallel_loop3A_399 : vector<16xf32>
        %parallel_loop3A_408 = arith.addf %parallel_loop3A_400, %parallel_loop3A_401 : vector<16xf32>
        %parallel_loop3A_409 = arith.addf %parallel_loop3A_402, %parallel_loop3A_403 : vector<16xf32>
        %parallel_loop3A_410 = arith.addf %parallel_loop3A_404, %parallel_loop3A_405 : vector<16xf32>
        %parallel_loop3A_411 = arith.addf %parallel_loop3A_406, %parallel_loop3A_407 : vector<16xf32>
        %parallel_loop3A_412 = arith.addf %parallel_loop3A_408, %parallel_loop3A_409 : vector<16xf32>
        %parallel_loop3A_413 = arith.addf %parallel_loop3A_411, %parallel_loop3A_412 : vector<16xf32>
        %parallel_loop3A_414 = arith.addf %parallel_loop3A_413, %parallel_loop3A_410 : vector<16xf32>
        %parallel_loop3A_415 = arith.constant 1.500000e+01 : f32
        %parallel_loop3A_416 = vector.broadcast %parallel_loop3A_415 : f32 to vector<16xf32>
        %parallel_loop3A_417 = arith.divf %parallel_loop3A_416, %parallel_loop3A_414 : vector<16xf32>
        %parallel_loop3A_418 = arith.mulf %parallel_loop3A_396, %parallel_loop3A_417 : vector<16xf32>
        %parallel_loop3A_419 = arith.fptosi %parallel_loop3A_418 : vector<16xf32> to vector<16xi32>
        %parallel_loop3A_420 = arith.constant 14 : i32
        %parallel_loop3A_421 = vector.broadcast %parallel_loop3A_420 : i32 to vector<16xi32>
        %parallel_loop3A_422 = arith.minsi %parallel_loop3A_419, %parallel_loop3A_421 : vector<16xi32>
        %parallel_loop3A_423 = arith.constant 0 : i32
        %parallel_loop3A_424 = vector.broadcast %parallel_loop3A_423 : i32 to vector<16xi32>
        %parallel_loop3A_425 = arith.cmpi eq, %parallel_loop3A_395, %parallel_loop3A_424 : vector<16xi32>
        %parallel_loop3A_426 = arith.constant 4.097000e+03 : f32
        %parallel_loop3A_427 = arith.constant 1.000000e+00 : f32
        %parallel_loop3A_428 = vector.broadcast %parallel_loop3A_426 : f32 to vector<16xf32>
        %parallel_loop3A_429 = vector.broadcast %parallel_loop3A_427 : f32 to vector<16xf32>
        %parallel_loop3A_430 = arith.select %parallel_loop3A_425, %parallel_loop3A_428, %parallel_loop3A_429 : vector<16xi1>, vector<16xf32>
        %parallel_loop3A_431 = arith.addi %add3A_7, %parallel_loop3A_422 : vector<16xi32>
        tpu.vector_store_idx %arg9[%parallel_loop3A_431], %parallel_loop3A_430 {add = true} : memref<4096xf32, #tpu.memory_space<vmem>>[vector<16xi32>], vector<16xf32>,
        tpu.vector_store_idx %arg10[%parallel_loop3A_431], %parallel_loop3A_418 {add = true} : memref<4096xf32, #tpu.memory_space<vmem>>[vector<16xi32>], vector<16xf32>,
        %parallel_loop3A_432 = arith.mulf %parallel_loop3A_398, %parallel_loop3A_417 : vector<16xf32>
        %parallel_loop3A_433 = arith.fptosi %parallel_loop3A_432 : vector<16xf32> to vector<16xi32>
        %parallel_loop3A_434 = arith.constant 14 : i32
        %parallel_loop3A_435 = vector.broadcast %parallel_loop3A_434 : i32 to vector<16xi32>
        %parallel_loop3A_436 = arith.minsi %parallel_loop3A_433, %parallel_loop3A_435 : vector<16xi32>
        %parallel_loop3A_437 = arith.constant 2 : i32
        %parallel_loop3A_438 = vector.broadcast %parallel_loop3A_437 : i32 to vector<16xi32>
        %parallel_loop3A_439 = arith.cmpi eq, %parallel_loop3A_395, %parallel_loop3A_438 : vector<16xi32>
        %parallel_loop3A_440 = arith.constant 4.097000e+03 : f32
        %parallel_loop3A_441 = arith.constant 1.000000e+00 : f32
        %parallel_loop3A_442 = vector.broadcast %parallel_loop3A_440 : f32 to vector<16xf32>
        %parallel_loop3A_443 = vector.broadcast %parallel_loop3A_441 : f32 to vector<16xf32>
        %parallel_loop3A_444 = arith.select %parallel_loop3A_439, %parallel_loop3A_442, %parallel_loop3A_443 : vector<16xi1>, vector<16xf32>
        %parallel_loop3A_445 = arith.addi %add3A_13, %parallel_loop3A_436 : vector<16xi32>
        tpu.vector_store_idx %arg9[%parallel_loop3A_445], %parallel_loop3A_444 {add = true} : memref<4096xf32, #tpu.memory_space<vmem>>[vector<16xi32>], vector<16xf32>,
        tpu.vector_store_idx %arg10[%parallel_loop3A_445], %parallel_loop3A_432 {add = true} : memref<4096xf32, #tpu.memory_space<vmem>>[vector<16xi32>], vector<16xf32>,
        %parallel_loop3A_446 = arith.mulf %parallel_loop3A_399, %parallel_loop3A_417 : vector<16xf32>
        %parallel_loop3A_447 = arith.fptosi %parallel_loop3A_446 : vector<16xf32> to vector<16xi32>
        %parallel_loop3A_448 = arith.constant 14 : i32
        %parallel_loop3A_449 = vector.broadcast %parallel_loop3A_448 : i32 to vector<16xi32>
        %parallel_loop3A_450 = arith.minsi %parallel_loop3A_447, %parallel_loop3A_449 : vector<16xi32>
        %parallel_loop3A_451 = arith.constant 3 : i32
        %parallel_loop3A_452 = vector.broadcast %parallel_loop3A_451 : i32 to vector<16xi32>
        %parallel_loop3A_453 = arith.cmpi eq, %parallel_loop3A_395, %parallel_loop3A_452 : vector<16xi32>
        %parallel_loop3A_454 = arith.constant 4.097000e+03 : f32
        %parallel_loop3A_455 = arith.constant 1.000000e+00 : f32
        %parallel_loop3A_456 = vector.broadcast %parallel_loop3A_454 : f32 to vector<16xf32>
        %parallel_loop3A_457 = vector.broadcast %parallel_loop3A_455 : f32 to vector<16xf32>
        %parallel_loop3A_458 = arith.select %parallel_loop3A_453, %parallel_loop3A_456, %parallel_loop3A_457 : vector<16xi1>, vector<16xf32>
        %parallel_loop3A_459 = arith.addi %add3A_16, %parallel_loop3A_450 : vector<16xi32>
        tpu.vector_store_idx %arg9[%parallel_loop3A_459], %parallel_loop3A_458 {add = true} : memref<4096xf32, #tpu.memory_space<vmem>>[vector<16xi32>], vector<16xf32>,
        tpu.vector_store_idx %arg10[%parallel_loop3A_459], %parallel_loop3A_446 {add = true} : memref<4096xf32, #tpu.memory_space<vmem>>[vector<16xi32>], vector<16xf32>,
        %parallel_loop3A_460 = arith.mulf %parallel_loop3A_400, %parallel_loop3A_417 : vector<16xf32>
        %parallel_loop3A_461 = arith.fptosi %parallel_loop3A_460 : vector<16xf32> to vector<16xi32>
        %parallel_loop3A_462 = arith.constant 14 : i32
        %parallel_loop3A_463 = vector.broadcast %parallel_loop3A_462 : i32 to vector<16xi32>
        %parallel_loop3A_464 = arith.minsi %parallel_loop3A_461, %parallel_loop3A_463 : vector<16xi32>
        %parallel_loop3A_465 = arith.constant 4 : i32
        %parallel_loop3A_466 = vector.broadcast %parallel_loop3A_465 : i32 to vector<16xi32>
        %parallel_loop3A_467 = arith.cmpi eq, %parallel_loop3A_395, %parallel_loop3A_466 : vector<16xi32>
        %parallel_loop3A_468 = arith.constant 4.097000e+03 : f32
        %parallel_loop3A_469 = arith.constant 1.000000e+00 : f32
        %parallel_loop3A_470 = vector.broadcast %parallel_loop3A_468 : f32 to vector<16xf32>
        %parallel_loop3A_471 = vector.broadcast %parallel_loop3A_469 : f32 to vector<16xf32>
        %parallel_loop3A_472 = arith.select %parallel_loop3A_467, %parallel_loop3A_470, %parallel_loop3A_471 : vector<16xi1>, vector<16xf32>
        %parallel_loop3A_473 = arith.addi %add3A_19, %parallel_loop3A_464 : vector<16xi32>
        tpu.vector_store_idx %arg9[%parallel_loop3A_473], %parallel_loop3A_472 {add = true} : memref<4096xf32, #tpu.memory_space<vmem>>[vector<16xi32>], vector<16xf32>,
        tpu.vector_store_idx %arg10[%parallel_loop3A_473], %parallel_loop3A_460 {add = true} : memref<4096xf32, #tpu.memory_space<vmem>>[vector<16xi32>], vector<16xf32>,
        %parallel_loop3A_474 = arith.mulf %parallel_loop3A_401, %parallel_loop3A_417 : vector<16xf32>
        %parallel_loop3A_475 = arith.fptosi %parallel_loop3A_474 : vector<16xf32> to vector<16xi32>
        %parallel_loop3A_476 = arith.constant 14 : i32
        %parallel_loop3A_477 = vector.broadcast %parallel_loop3A_476 : i32 to vector<16xi32>
        %parallel_loop3A_478 = arith.minsi %parallel_loop3A_475, %parallel_loop3A_477 : vector<16xi32>
        %parallel_loop3A_479 = arith.constant 5 : i32
        %parallel_loop3A_480 = vector.broadcast %parallel_loop3A_479 : i32 to vector<16xi32>
        %parallel_loop3A_481 = arith.cmpi eq, %parallel_loop3A_395, %parallel_loop3A_480 : vector<16xi32>
        %parallel_loop3A_482 = arith.constant 4.097000e+03 : f32
        %parallel_loop3A_483 = arith.constant 1.000000e+00 : f32
        %parallel_loop3A_484 = vector.broadcast %parallel_loop3A_482 : f32 to vector<16xf32>
        %parallel_loop3A_485 = vector.broadcast %parallel_loop3A_483 : f32 to vector<16xf32>
        %parallel_loop3A_486 = arith.select %parallel_loop3A_481, %parallel_loop3A_484, %parallel_loop3A_485 : vector<16xi1>, vector<16xf32>
        %parallel_loop3A_487 = arith.addi %add3A_22, %parallel_loop3A_478 : vector<16xi32>
        tpu.vector_store_idx %arg9[%parallel_loop3A_487], %parallel_loop3A_486 {add = true} : memref<4096xf32, #tpu.memory_space<vmem>>[vector<16xi32>], vector<16xf32>,
        tpu.vector_store_idx %arg10[%parallel_loop3A_487], %parallel_loop3A_474 {add = true} : memref<4096xf32, #tpu.memory_space<vmem>>[vector<16xi32>], vector<16xf32>,
        %parallel_loop3A_488 = arith.mulf %parallel_loop3A_402, %parallel_loop3A_417 : vector<16xf32>
        %parallel_loop3A_489 = arith.fptosi %parallel_loop3A_488 : vector<16xf32> to vector<16xi32>
        %parallel_loop3A_490 = arith.constant 14 : i32
        %parallel_loop3A_491 = vector.broadcast %parallel_loop3A_490 : i32 to vector<16xi32>
        %parallel_loop3A_492 = arith.minsi %parallel_loop3A_489, %parallel_loop3A_491 : vector<16xi32>
        %parallel_loop3A_493 = arith.constant 6 : i32
        %parallel_loop3A_494 = vector.broadcast %parallel_loop3A_493 : i32 to vector<16xi32>
        %parallel_loop3A_495 = arith.cmpi eq, %parallel_loop3A_395, %parallel_loop3A_494 : vector<16xi32>
        %parallel_loop3A_496 = arith.constant 4.097000e+03 : f32
        %parallel_loop3A_497 = arith.constant 1.000000e+00 : f32
        %parallel_loop3A_498 = vector.broadcast %parallel_loop3A_496 : f32 to vector<16xf32>
        %parallel_loop3A_499 = vector.broadcast %parallel_loop3A_497 : f32 to vector<16xf32>
        %parallel_loop3A_500 = arith.select %parallel_loop3A_495, %parallel_loop3A_498, %parallel_loop3A_499 : vector<16xi1>, vector<16xf32>
        %parallel_loop3A_501 = arith.addi %add3A_25, %parallel_loop3A_492 : vector<16xi32>
        tpu.vector_store_idx %arg9[%parallel_loop3A_501], %parallel_loop3A_500 {add = true} : memref<4096xf32, #tpu.memory_space<vmem>>[vector<16xi32>], vector<16xf32>,
        tpu.vector_store_idx %arg10[%parallel_loop3A_501], %parallel_loop3A_488 {add = true} : memref<4096xf32, #tpu.memory_space<vmem>>[vector<16xi32>], vector<16xf32>,
        %parallel_loop3A_502 = arith.mulf %parallel_loop3A_403, %parallel_loop3A_417 : vector<16xf32>
        %parallel_loop3A_503 = arith.fptosi %parallel_loop3A_502 : vector<16xf32> to vector<16xi32>
        %parallel_loop3A_504 = arith.constant 14 : i32
        %parallel_loop3A_505 = vector.broadcast %parallel_loop3A_504 : i32 to vector<16xi32>
        %parallel_loop3A_506 = arith.minsi %parallel_loop3A_503, %parallel_loop3A_505 : vector<16xi32>
        %parallel_loop3A_507 = arith.constant 7 : i32
        %parallel_loop3A_508 = vector.broadcast %parallel_loop3A_507 : i32 to vector<16xi32>
        %parallel_loop3A_509 = arith.cmpi eq, %parallel_loop3A_395, %parallel_loop3A_508 : vector<16xi32>
        %parallel_loop3A_510 = arith.constant 4.097000e+03 : f32
        %parallel_loop3A_511 = arith.constant 1.000000e+00 : f32
        %parallel_loop3A_512 = vector.broadcast %parallel_loop3A_510 : f32 to vector<16xf32>
        %parallel_loop3A_513 = vector.broadcast %parallel_loop3A_511 : f32 to vector<16xf32>
        %parallel_loop3A_514 = arith.select %parallel_loop3A_509, %parallel_loop3A_512, %parallel_loop3A_513 : vector<16xi1>, vector<16xf32>
        %parallel_loop3A_515 = arith.addi %add3A_28, %parallel_loop3A_506 : vector<16xi32>
        tpu.vector_store_idx %arg9[%parallel_loop3A_515], %parallel_loop3A_514 {add = true} : memref<4096xf32, #tpu.memory_space<vmem>>[vector<16xi32>], vector<16xf32>,
        tpu.vector_store_idx %arg10[%parallel_loop3A_515], %parallel_loop3A_502 {add = true} : memref<4096xf32, #tpu.memory_space<vmem>>[vector<16xi32>], vector<16xf32>,
        %parallel_loop3A_516 = arith.mulf %parallel_loop3A_404, %parallel_loop3A_417 : vector<16xf32>
        %parallel_loop3A_517 = arith.fptosi %parallel_loop3A_516 : vector<16xf32> to vector<16xi32>
        %parallel_loop3A_518 = arith.constant 14 : i32
        %parallel_loop3A_519 = vector.broadcast %parallel_loop3A_518 : i32 to vector<16xi32>
        %parallel_loop3A_520 = arith.minsi %parallel_loop3A_517, %parallel_loop3A_519 : vector<16xi32>
        %parallel_loop3A_521 = arith.constant 8 : i32
        %parallel_loop3A_522 = vector.broadcast %parallel_loop3A_521 : i32 to vector<16xi32>
        %parallel_loop3A_523 = arith.cmpi eq, %parallel_loop3A_395, %parallel_loop3A_522 : vector<16xi32>
        %parallel_loop3A_524 = arith.constant 4.097000e+03 : f32
        %parallel_loop3A_525 = arith.constant 1.000000e+00 : f32
        %parallel_loop3A_526 = vector.broadcast %parallel_loop3A_524 : f32 to vector<16xf32>
        %parallel_loop3A_527 = vector.broadcast %parallel_loop3A_525 : f32 to vector<16xf32>
        %parallel_loop3A_528 = arith.select %parallel_loop3A_523, %parallel_loop3A_526, %parallel_loop3A_527 : vector<16xi1>, vector<16xf32>
        %parallel_loop3A_529 = arith.addi %add3A_31, %parallel_loop3A_520 : vector<16xi32>
        tpu.vector_store_idx %arg9[%parallel_loop3A_529], %parallel_loop3A_528 {add = true} : memref<4096xf32, #tpu.memory_space<vmem>>[vector<16xi32>], vector<16xf32>,
        tpu.vector_store_idx %arg10[%parallel_loop3A_529], %parallel_loop3A_516 {add = true} : memref<4096xf32, #tpu.memory_space<vmem>>[vector<16xi32>], vector<16xf32>,
        %parallel_loop3A_530 = arith.mulf %parallel_loop3A_405, %parallel_loop3A_417 : vector<16xf32>
        %parallel_loop3A_531 = arith.fptosi %parallel_loop3A_530 : vector<16xf32> to vector<16xi32>
        %parallel_loop3A_532 = arith.constant 14 : i32
        %parallel_loop3A_533 = vector.broadcast %parallel_loop3A_532 : i32 to vector<16xi32>
        %parallel_loop3A_534 = arith.minsi %parallel_loop3A_531, %parallel_loop3A_533 : vector<16xi32>
        %parallel_loop3A_535 = arith.constant 9 : i32
        %parallel_loop3A_536 = vector.broadcast %parallel_loop3A_535 : i32 to vector<16xi32>
        %parallel_loop3A_537 = arith.cmpi eq, %parallel_loop3A_395, %parallel_loop3A_536 : vector<16xi32>
        %parallel_loop3A_538 = arith.constant 4.097000e+03 : f32
        %parallel_loop3A_539 = arith.constant 1.000000e+00 : f32
        %parallel_loop3A_540 = vector.broadcast %parallel_loop3A_538 : f32 to vector<16xf32>
        %parallel_loop3A_541 = vector.broadcast %parallel_loop3A_539 : f32 to vector<16xf32>
        %parallel_loop3A_542 = arith.select %parallel_loop3A_537, %parallel_loop3A_540, %parallel_loop3A_541 : vector<16xi1>, vector<16xf32>
        %parallel_loop3A_543 = arith.addi %add3A_34, %parallel_loop3A_534 : vector<16xi32>
        tpu.vector_store_idx %arg9[%parallel_loop3A_543], %parallel_loop3A_542 {add = true} : memref<4096xf32, #tpu.memory_space<vmem>>[vector<16xi32>], vector<16xf32>,
        tpu.vector_store_idx %arg10[%parallel_loop3A_543], %parallel_loop3A_530 {add = true} : memref<4096xf32, #tpu.memory_space<vmem>>[vector<16xi32>], vector<16xf32>,
      } {sc.loop_unroll_factor = 8 : i64, sc.parallel_access}
    }
    %scan3A_126 = arith.constant 4 : i32
    %parallel_loop3A_127 = arith.constant 0 : i32
    %parallel_loop3A_128 = arith.constant 10 : i32
    %parallel_loop3A_129 = arith.constant 1 : i32
    scf.for %parallel_loop3A_138 = %parallel_loop3A_127 to %parallel_loop3A_128 step %parallel_loop3A_129  : i32 {
      %parallel_loop3A_139 = arith.constant 0.000000e+00 : f32
      %parallel_loop3A_140 = vector.broadcast %parallel_loop3A_139 : f32 to vector<16xf32>
      %parallel_loop3A_141 = arith.constant 0.000000e+00 : f32
      %parallel_loop3A_142 = vector.broadcast %parallel_loop3A_141 : f32 to vector<16xf32>
      %parallel_loop3A_143 = arith.constant 16 : i32
      %parallel_loop3A_144 = arith.muli %parallel_loop3A_138, %parallel_loop3A_143 : i32
      %parallel_loop3A_145 = arith.constant 0 : i32
      %parallel_loop3A_146 = arith.addi %parallel_loop3A_144, %parallel_loop3A_145 : i32
      %parallel_loop3A_147 = arith.index_cast %parallel_loop3A_146 : i32 to index
      %parallel_loop3A_148 = tpu.vector_load %arg9[%parallel_loop3A_147] {strides = array<i32>} : memref<4096xf32, #tpu.memory_space<vmem>>, vector<16xf32>,
      %parallel_loop3A_149 = arith.constant 4.096000e+03 : f32
      %parallel_loop3A_150 = vector.broadcast %parallel_loop3A_149 : f32 to vector<16xf32>
      %parallel_loop3A_151 = arith.remf %parallel_loop3A_148, %parallel_loop3A_150 : vector<16xf32>
      %parallel_loop3A_152 = arith.constant 0.000000e+00 : f32
      %parallel_loop3A_153 = vector.broadcast %parallel_loop3A_152 : f32 to vector<16xf32>
      %parallel_loop3A_154 = arith.cmpf one, %parallel_loop3A_151, %parallel_loop3A_153 : vector<16xf32>
      %parallel_loop3A_155 = arith.constant 0.000000e+00 : f32
      %parallel_loop3A_156 = vector.broadcast %parallel_loop3A_155 : f32 to vector<16xf32>
      %parallel_loop3A_157 = arith.cmpf olt, %parallel_loop3A_151, %parallel_loop3A_156 : vector<16xf32>
      %parallel_loop3A_158 = arith.constant 0.000000e+00 : f32
      %parallel_loop3A_159 = arith.cmpf olt, %parallel_loop3A_149, %parallel_loop3A_158 : f32
      %parallel_loop3A_160 = vector.broadcast %parallel_loop3A_159 : i1 to vector<16xi1>
      %parallel_loop3A_161 = vector.broadcast %parallel_loop3A_160 : vector<16xi1> to vector<16xi1>
      %parallel_loop3A_162 = arith.xori %parallel_loop3A_157, %parallel_loop3A_161 : vector<16xi1>
      %parallel_loop3A_163 = arith.andi %parallel_loop3A_162, %parallel_loop3A_154 : vector<16xi1>
      %parallel_loop3A_164 = vector.broadcast %parallel_loop3A_149 : f32 to vector<16xf32>
      %parallel_loop3A_165 = arith.addf %parallel_loop3A_151, %parallel_loop3A_164 : vector<16xf32>
      %parallel_loop3A_166 = arith.select %parallel_loop3A_163, %parallel_loop3A_165, %parallel_loop3A_151 : vector<16xi1>, vector<16xf32>
      %parallel_loop3A_167 = arith.addf %parallel_loop3A_140, %parallel_loop3A_166 : vector<16xf32>
      %parallel_loop3A_168 = arith.subf %parallel_loop3A_148, %parallel_loop3A_166 : vector<16xf32>
      %parallel_loop3A_169 = arith.addf %parallel_loop3A_142, %parallel_loop3A_168 : vector<16xf32>
      %parallel_loop3A_170 = arith.constant 16 : i32
      %parallel_loop3A_171 = arith.muli %parallel_loop3A_138, %parallel_loop3A_170 : i32
      %parallel_loop3A_172 = arith.constant 256 : i32
      %parallel_loop3A_173 = arith.addi %parallel_loop3A_171, %parallel_loop3A_172 : i32
      %parallel_loop3A_174 = arith.index_cast %parallel_loop3A_173 : i32 to index
      %parallel_loop3A_175 = tpu.vector_load %arg9[%parallel_loop3A_174] {strides = array<i32>} : memref<4096xf32, #tpu.memory_space<vmem>>, vector<16xf32>,
      %parallel_loop3A_176 = arith.constant 4.096000e+03 : f32
      %parallel_loop3A_177 = vector.broadcast %parallel_loop3A_176 : f32 to vector<16xf32>
      %parallel_loop3A_178 = arith.remf %parallel_loop3A_175, %parallel_loop3A_177 : vector<16xf32>
      %parallel_loop3A_179 = arith.constant 0.000000e+00 : f32
      %parallel_loop3A_180 = vector.broadcast %parallel_loop3A_179 : f32 to vector<16xf32>
      %parallel_loop3A_181 = arith.cmpf one, %parallel_loop3A_178, %parallel_loop3A_180 : vector<16xf32>
      %parallel_loop3A_182 = arith.constant 0.000000e+00 : f32
      %parallel_loop3A_183 = vector.broadcast %parallel_loop3A_182 : f32 to vector<16xf32>
      %parallel_loop3A_184 = arith.cmpf olt, %parallel_loop3A_178, %parallel_loop3A_183 : vector<16xf32>
      %parallel_loop3A_185 = arith.constant 0.000000e+00 : f32
      %parallel_loop3A_186 = arith.cmpf olt, %parallel_loop3A_176, %parallel_loop3A_185 : f32
      %parallel_loop3A_187 = vector.broadcast %parallel_loop3A_186 : i1 to vector<16xi1>
      %parallel_loop3A_188 = vector.broadcast %parallel_loop3A_187 : vector<16xi1> to vector<16xi1>
      %parallel_loop3A_189 = arith.xori %parallel_loop3A_184, %parallel_loop3A_188 : vector<16xi1>
      %parallel_loop3A_190 = arith.andi %parallel_loop3A_189, %parallel_loop3A_181 : vector<16xi1>
      %parallel_loop3A_191 = vector.broadcast %parallel_loop3A_176 : f32 to vector<16xf32>
      %parallel_loop3A_192 = arith.addf %parallel_loop3A_178, %parallel_loop3A_191 : vector<16xf32>
      %parallel_loop3A_193 = arith.select %parallel_loop3A_190, %parallel_loop3A_192, %parallel_loop3A_178 : vector<16xi1>, vector<16xf32>
      %parallel_loop3A_194 = arith.addf %parallel_loop3A_167, %parallel_loop3A_193 : vector<16xf32>
      %parallel_loop3A_195 = arith.subf %parallel_loop3A_175, %parallel_loop3A_193 : vector<16xf32>
      %parallel_loop3A_196 = arith.addf %parallel_loop3A_169, %parallel_loop3A_195 : vector<16xf32>
      %parallel_loop3A_197 = arith.constant 16 : i32
      %parallel_loop3A_198 = arith.muli %parallel_loop3A_138, %parallel_loop3A_197 : i32
      %parallel_loop3A_199 = arith.constant 512 : i32
      %parallel_loop3A_200 = arith.addi %parallel_loop3A_198, %parallel_loop3A_199 : i32
      %parallel_loop3A_201 = arith.index_cast %parallel_loop3A_200 : i32 to index
      %parallel_loop3A_202 = tpu.vector_load %arg9[%parallel_loop3A_201] {strides = array<i32>} : memref<4096xf32, #tpu.memory_space<vmem>>, vector<16xf32>,
      %parallel_loop3A_203 = arith.constant 4.096000e+03 : f32
      %parallel_loop3A_204 = vector.broadcast %parallel_loop3A_203 : f32 to vector<16xf32>
      %parallel_loop3A_205 = arith.remf %parallel_loop3A_202, %parallel_loop3A_204 : vector<16xf32>
      %parallel_loop3A_206 = arith.constant 0.000000e+00 : f32
      %parallel_loop3A_207 = vector.broadcast %parallel_loop3A_206 : f32 to vector<16xf32>
      %parallel_loop3A_208 = arith.cmpf one, %parallel_loop3A_205, %parallel_loop3A_207 : vector<16xf32>
      %parallel_loop3A_209 = arith.constant 0.000000e+00 : f32
      %parallel_loop3A_210 = vector.broadcast %parallel_loop3A_209 : f32 to vector<16xf32>
      %parallel_loop3A_211 = arith.cmpf olt, %parallel_loop3A_205, %parallel_loop3A_210 : vector<16xf32>
      %parallel_loop3A_212 = arith.constant 0.000000e+00 : f32
      %parallel_loop3A_213 = arith.cmpf olt, %parallel_loop3A_203, %parallel_loop3A_212 : f32
      %parallel_loop3A_214 = vector.broadcast %parallel_loop3A_213 : i1 to vector<16xi1>
      %parallel_loop3A_215 = vector.broadcast %parallel_loop3A_214 : vector<16xi1> to vector<16xi1>
      %parallel_loop3A_216 = arith.xori %parallel_loop3A_211, %parallel_loop3A_215 : vector<16xi1>
      %parallel_loop3A_217 = arith.andi %parallel_loop3A_216, %parallel_loop3A_208 : vector<16xi1>
      %parallel_loop3A_218 = vector.broadcast %parallel_loop3A_203 : f32 to vector<16xf32>
      %parallel_loop3A_219 = arith.addf %parallel_loop3A_205, %parallel_loop3A_218 : vector<16xf32>
      %parallel_loop3A_220 = arith.select %parallel_loop3A_217, %parallel_loop3A_219, %parallel_loop3A_205 : vector<16xi1>, vector<16xf32>
      %parallel_loop3A_221 = arith.addf %parallel_loop3A_194, %parallel_loop3A_220 : vector<16xf32>
      %parallel_loop3A_222 = arith.subf %parallel_loop3A_202, %parallel_loop3A_220 : vector<16xf32>
      %parallel_loop3A_223 = arith.addf %parallel_loop3A_196, %parallel_loop3A_222 : vector<16xf32>
      %parallel_loop3A_224 = arith.constant 16 : i32
      %parallel_loop3A_225 = arith.muli %parallel_loop3A_138, %parallel_loop3A_224 : i32
      %parallel_loop3A_226 = arith.constant 768 : i32
      %parallel_loop3A_227 = arith.addi %parallel_loop3A_225, %parallel_loop3A_226 : i32
      %parallel_loop3A_228 = arith.index_cast %parallel_loop3A_227 : i32 to index
      %parallel_loop3A_229 = tpu.vector_load %arg9[%parallel_loop3A_228] {strides = array<i32>} : memref<4096xf32, #tpu.memory_space<vmem>>, vector<16xf32>,
      %parallel_loop3A_230 = arith.constant 4.096000e+03 : f32
      %parallel_loop3A_231 = vector.broadcast %parallel_loop3A_230 : f32 to vector<16xf32>
      %parallel_loop3A_232 = arith.remf %parallel_loop3A_229, %parallel_loop3A_231 : vector<16xf32>
      %parallel_loop3A_233 = arith.constant 0.000000e+00 : f32
      %parallel_loop3A_234 = vector.broadcast %parallel_loop3A_233 : f32 to vector<16xf32>
      %parallel_loop3A_235 = arith.cmpf one, %parallel_loop3A_232, %parallel_loop3A_234 : vector<16xf32>
      %parallel_loop3A_236 = arith.constant 0.000000e+00 : f32
      %parallel_loop3A_237 = vector.broadcast %parallel_loop3A_236 : f32 to vector<16xf32>
      %parallel_loop3A_238 = arith.cmpf olt, %parallel_loop3A_232, %parallel_loop3A_237 : vector<16xf32>
      %parallel_loop3A_239 = arith.constant 0.000000e+00 : f32
      %parallel_loop3A_240 = arith.cmpf olt, %parallel_loop3A_230, %parallel_loop3A_239 : f32
      %parallel_loop3A_241 = vector.broadcast %parallel_loop3A_240 : i1 to vector<16xi1>
      %parallel_loop3A_242 = vector.broadcast %parallel_loop3A_241 : vector<16xi1> to vector<16xi1>
      %parallel_loop3A_243 = arith.xori %parallel_loop3A_238, %parallel_loop3A_242 : vector<16xi1>
      %parallel_loop3A_244 = arith.andi %parallel_loop3A_243, %parallel_loop3A_235 : vector<16xi1>
      %parallel_loop3A_245 = vector.broadcast %parallel_loop3A_230 : f32 to vector<16xf32>
      %parallel_loop3A_246 = arith.addf %parallel_loop3A_232, %parallel_loop3A_245 : vector<16xf32>
      %parallel_loop3A_247 = arith.select %parallel_loop3A_244, %parallel_loop3A_246, %parallel_loop3A_232 : vector<16xi1>, vector<16xf32>
      %parallel_loop3A_248 = arith.addf %parallel_loop3A_221, %parallel_loop3A_247 : vector<16xf32>
      %parallel_loop3A_249 = arith.subf %parallel_loop3A_229, %parallel_loop3A_247 : vector<16xf32>
      %parallel_loop3A_250 = arith.addf %parallel_loop3A_223, %parallel_loop3A_249 : vector<16xf32>
      %parallel_loop3A_251 = arith.constant 16 : i32
      %parallel_loop3A_252 = arith.muli %parallel_loop3A_138, %parallel_loop3A_251 : i32
      %parallel_loop3A_253 = arith.constant 1024 : i32
      %parallel_loop3A_254 = arith.addi %parallel_loop3A_252, %parallel_loop3A_253 : i32
      %parallel_loop3A_255 = arith.index_cast %parallel_loop3A_254 : i32 to index
      %parallel_loop3A_256 = tpu.vector_load %arg9[%parallel_loop3A_255] {strides = array<i32>} : memref<4096xf32, #tpu.memory_space<vmem>>, vector<16xf32>,
      %parallel_loop3A_257 = arith.constant 4.096000e+03 : f32
      %parallel_loop3A_258 = vector.broadcast %parallel_loop3A_257 : f32 to vector<16xf32>
      %parallel_loop3A_259 = arith.remf %parallel_loop3A_256, %parallel_loop3A_258 : vector<16xf32>
      %parallel_loop3A_260 = arith.constant 0.000000e+00 : f32
      %parallel_loop3A_261 = vector.broadcast %parallel_loop3A_260 : f32 to vector<16xf32>
      %parallel_loop3A_262 = arith.cmpf one, %parallel_loop3A_259, %parallel_loop3A_261 : vector<16xf32>
      %parallel_loop3A_263 = arith.constant 0.000000e+00 : f32
      %parallel_loop3A_264 = vector.broadcast %parallel_loop3A_263 : f32 to vector<16xf32>
      %parallel_loop3A_265 = arith.cmpf olt, %parallel_loop3A_259, %parallel_loop3A_264 : vector<16xf32>
      %parallel_loop3A_266 = arith.constant 0.000000e+00 : f32
      %parallel_loop3A_267 = arith.cmpf olt, %parallel_loop3A_257, %parallel_loop3A_266 : f32
      %parallel_loop3A_268 = vector.broadcast %parallel_loop3A_267 : i1 to vector<16xi1>
      %parallel_loop3A_269 = vector.broadcast %parallel_loop3A_268 : vector<16xi1> to vector<16xi1>
      %parallel_loop3A_270 = arith.xori %parallel_loop3A_265, %parallel_loop3A_269 : vector<16xi1>
      %parallel_loop3A_271 = arith.andi %parallel_loop3A_270, %parallel_loop3A_262 : vector<16xi1>
      %parallel_loop3A_272 = vector.broadcast %parallel_loop3A_257 : f32 to vector<16xf32>
      %parallel_loop3A_273 = arith.addf %parallel_loop3A_259, %parallel_loop3A_272 : vector<16xf32>
      %parallel_loop3A_274 = arith.select %parallel_loop3A_271, %parallel_loop3A_273, %parallel_loop3A_259 : vector<16xi1>, vector<16xf32>
      %parallel_loop3A_275 = arith.addf %parallel_loop3A_248, %parallel_loop3A_274 : vector<16xf32>
      %parallel_loop3A_276 = arith.subf %parallel_loop3A_256, %parallel_loop3A_274 : vector<16xf32>
      %parallel_loop3A_277 = arith.addf %parallel_loop3A_250, %parallel_loop3A_276 : vector<16xf32>
      %parallel_loop3A_278 = arith.constant 16 : i32
      %parallel_loop3A_279 = arith.muli %parallel_loop3A_138, %parallel_loop3A_278 : i32
      %parallel_loop3A_280 = arith.constant 1280 : i32
      %parallel_loop3A_281 = arith.addi %parallel_loop3A_279, %parallel_loop3A_280 : i32
      %parallel_loop3A_282 = arith.index_cast %parallel_loop3A_281 : i32 to index
      %parallel_loop3A_283 = tpu.vector_load %arg9[%parallel_loop3A_282] {strides = array<i32>} : memref<4096xf32, #tpu.memory_space<vmem>>, vector<16xf32>,
      %parallel_loop3A_284 = arith.constant 4.096000e+03 : f32
      %parallel_loop3A_285 = vector.broadcast %parallel_loop3A_284 : f32 to vector<16xf32>
      %parallel_loop3A_286 = arith.remf %parallel_loop3A_283, %parallel_loop3A_285 : vector<16xf32>
      %parallel_loop3A_287 = arith.constant 0.000000e+00 : f32
      %parallel_loop3A_288 = vector.broadcast %parallel_loop3A_287 : f32 to vector<16xf32>
      %parallel_loop3A_289 = arith.cmpf one, %parallel_loop3A_286, %parallel_loop3A_288 : vector<16xf32>
      %parallel_loop3A_290 = arith.constant 0.000000e+00 : f32
      %parallel_loop3A_291 = vector.broadcast %parallel_loop3A_290 : f32 to vector<16xf32>
      %parallel_loop3A_292 = arith.cmpf olt, %parallel_loop3A_286, %parallel_loop3A_291 : vector<16xf32>
      %parallel_loop3A_293 = arith.constant 0.000000e+00 : f32
      %parallel_loop3A_294 = arith.cmpf olt, %parallel_loop3A_284, %parallel_loop3A_293 : f32
      %parallel_loop3A_295 = vector.broadcast %parallel_loop3A_294 : i1 to vector<16xi1>
      %parallel_loop3A_296 = vector.broadcast %parallel_loop3A_295 : vector<16xi1> to vector<16xi1>
      %parallel_loop3A_297 = arith.xori %parallel_loop3A_292, %parallel_loop3A_296 : vector<16xi1>
      %parallel_loop3A_298 = arith.andi %parallel_loop3A_297, %parallel_loop3A_289 : vector<16xi1>
      %parallel_loop3A_299 = vector.broadcast %parallel_loop3A_284 : f32 to vector<16xf32>
      %parallel_loop3A_300 = arith.addf %parallel_loop3A_286, %parallel_loop3A_299 : vector<16xf32>
      %parallel_loop3A_301 = arith.select %parallel_loop3A_298, %parallel_loop3A_300, %parallel_loop3A_286 : vector<16xi1>, vector<16xf32>
      %parallel_loop3A_302 = arith.addf %parallel_loop3A_275, %parallel_loop3A_301 : vector<16xf32>
      %parallel_loop3A_303 = arith.subf %parallel_loop3A_283, %parallel_loop3A_301 : vector<16xf32>
      %parallel_loop3A_304 = arith.addf %parallel_loop3A_277, %parallel_loop3A_303 : vector<16xf32>
      %parallel_loop3A_305 = arith.constant 16 : i32
      %parallel_loop3A_306 = arith.muli %parallel_loop3A_138, %parallel_loop3A_305 : i32
      %parallel_loop3A_307 = arith.constant 1536 : i32
      %parallel_loop3A_308 = arith.addi %parallel_loop3A_306, %parallel_loop3A_307 : i32
      %parallel_loop3A_309 = arith.index_cast %parallel_loop3A_308 : i32 to index
      %parallel_loop3A_310 = tpu.vector_load %arg9[%parallel_loop3A_309] {strides = array<i32>} : memref<4096xf32, #tpu.memory_space<vmem>>, vector<16xf32>,
      %parallel_loop3A_311 = arith.constant 4.096000e+03 : f32
      %parallel_loop3A_312 = vector.broadcast %parallel_loop3A_311 : f32 to vector<16xf32>
      %parallel_loop3A_313 = arith.remf %parallel_loop3A_310, %parallel_loop3A_312 : vector<16xf32>
      %parallel_loop3A_314 = arith.constant 0.000000e+00 : f32
      %parallel_loop3A_315 = vector.broadcast %parallel_loop3A_314 : f32 to vector<16xf32>
      %parallel_loop3A_316 = arith.cmpf one, %parallel_loop3A_313, %parallel_loop3A_315 : vector<16xf32>
      %parallel_loop3A_317 = arith.constant 0.000000e+00 : f32
      %parallel_loop3A_318 = vector.broadcast %parallel_loop3A_317 : f32 to vector<16xf32>
      %parallel_loop3A_319 = arith.cmpf olt, %parallel_loop3A_313, %parallel_loop3A_318 : vector<16xf32>
      %parallel_loop3A_320 = arith.constant 0.000000e+00 : f32
      %parallel_loop3A_321 = arith.cmpf olt, %parallel_loop3A_311, %parallel_loop3A_320 : f32
      %parallel_loop3A_322 = vector.broadcast %parallel_loop3A_321 : i1 to vector<16xi1>
      %parallel_loop3A_323 = vector.broadcast %parallel_loop3A_322 : vector<16xi1> to vector<16xi1>
      %parallel_loop3A_324 = arith.xori %parallel_loop3A_319, %parallel_loop3A_323 : vector<16xi1>
      %parallel_loop3A_325 = arith.andi %parallel_loop3A_324, %parallel_loop3A_316 : vector<16xi1>
      %parallel_loop3A_326 = vector.broadcast %parallel_loop3A_311 : f32 to vector<16xf32>
      %parallel_loop3A_327 = arith.addf %parallel_loop3A_313, %parallel_loop3A_326 : vector<16xf32>
      %parallel_loop3A_328 = arith.select %parallel_loop3A_325, %parallel_loop3A_327, %parallel_loop3A_313 : vector<16xi1>, vector<16xf32>
      %parallel_loop3A_329 = arith.addf %parallel_loop3A_302, %parallel_loop3A_328 : vector<16xf32>
      %parallel_loop3A_330 = arith.subf %parallel_loop3A_310, %parallel_loop3A_328 : vector<16xf32>
      %parallel_loop3A_331 = arith.addf %parallel_loop3A_304, %parallel_loop3A_330 : vector<16xf32>
      %parallel_loop3A_332 = arith.constant 16 : i32
      %parallel_loop3A_333 = arith.muli %parallel_loop3A_138, %parallel_loop3A_332 : i32
      %parallel_loop3A_334 = arith.constant 1792 : i32
      %parallel_loop3A_335 = arith.addi %parallel_loop3A_333, %parallel_loop3A_334 : i32
      %parallel_loop3A_336 = arith.index_cast %parallel_loop3A_335 : i32 to index
      %parallel_loop3A_337 = tpu.vector_load %arg9[%parallel_loop3A_336] {strides = array<i32>} : memref<4096xf32, #tpu.memory_space<vmem>>, vector<16xf32>,
      %parallel_loop3A_338 = arith.constant 4.096000e+03 : f32
      %parallel_loop3A_339 = vector.broadcast %parallel_loop3A_338 : f32 to vector<16xf32>
      %parallel_loop3A_340 = arith.remf %parallel_loop3A_337, %parallel_loop3A_339 : vector<16xf32>
      %parallel_loop3A_341 = arith.constant 0.000000e+00 : f32
      %parallel_loop3A_342 = vector.broadcast %parallel_loop3A_341 : f32 to vector<16xf32>
      %parallel_loop3A_343 = arith.cmpf one, %parallel_loop3A_340, %parallel_loop3A_342 : vector<16xf32>
      %parallel_loop3A_344 = arith.constant 0.000000e+00 : f32
      %parallel_loop3A_345 = vector.broadcast %parallel_loop3A_344 : f32 to vector<16xf32>
      %parallel_loop3A_346 = arith.cmpf olt, %parallel_loop3A_340, %parallel_loop3A_345 : vector<16xf32>
      %parallel_loop3A_347 = arith.constant 0.000000e+00 : f32
      %parallel_loop3A_348 = arith.cmpf olt, %parallel_loop3A_338, %parallel_loop3A_347 : f32
      %parallel_loop3A_349 = vector.broadcast %parallel_loop3A_348 : i1 to vector<16xi1>
      %parallel_loop3A_350 = vector.broadcast %parallel_loop3A_349 : vector<16xi1> to vector<16xi1>
      %parallel_loop3A_351 = arith.xori %parallel_loop3A_346, %parallel_loop3A_350 : vector<16xi1>
      %parallel_loop3A_352 = arith.andi %parallel_loop3A_351, %parallel_loop3A_343 : vector<16xi1>
      %parallel_loop3A_353 = vector.broadcast %parallel_loop3A_338 : f32 to vector<16xf32>
      %parallel_loop3A_354 = arith.addf %parallel_loop3A_340, %parallel_loop3A_353 : vector<16xf32>
      %parallel_loop3A_355 = arith.select %parallel_loop3A_352, %parallel_loop3A_354, %parallel_loop3A_340 : vector<16xi1>, vector<16xf32>
      %parallel_loop3A_356 = arith.addf %parallel_loop3A_329, %parallel_loop3A_355 : vector<16xf32>
      %parallel_loop3A_357 = arith.subf %parallel_loop3A_337, %parallel_loop3A_355 : vector<16xf32>
      %parallel_loop3A_358 = arith.addf %parallel_loop3A_331, %parallel_loop3A_357 : vector<16xf32>
      %parallel_loop3A_359 = arith.constant 16 : i32
      %parallel_loop3A_360 = arith.muli %parallel_loop3A_138, %parallel_loop3A_359 : i32
      %parallel_loop3A_361 = arith.constant 2048 : i32
      %parallel_loop3A_362 = arith.addi %parallel_loop3A_360, %parallel_loop3A_361 : i32
      %parallel_loop3A_363 = arith.index_cast %parallel_loop3A_362 : i32 to index
      %parallel_loop3A_364 = tpu.vector_load %arg9[%parallel_loop3A_363] {strides = array<i32>} : memref<4096xf32, #tpu.memory_space<vmem>>, vector<16xf32>,
      %parallel_loop3A_365 = arith.constant 4.096000e+03 : f32
      %parallel_loop3A_366 = vector.broadcast %parallel_loop3A_365 : f32 to vector<16xf32>
      %parallel_loop3A_367 = arith.remf %parallel_loop3A_364, %parallel_loop3A_366 : vector<16xf32>
      %parallel_loop3A_368 = arith.constant 0.000000e+00 : f32
      %parallel_loop3A_369 = vector.broadcast %parallel_loop3A_368 : f32 to vector<16xf32>
      %parallel_loop3A_370 = arith.cmpf one, %parallel_loop3A_367, %parallel_loop3A_369 : vector<16xf32>
      %parallel_loop3A_371 = arith.constant 0.000000e+00 : f32
      %parallel_loop3A_372 = vector.broadcast %parallel_loop3A_371 : f32 to vector<16xf32>
      %parallel_loop3A_373 = arith.cmpf olt, %parallel_loop3A_367, %parallel_loop3A_372 : vector<16xf32>
      %parallel_loop3A_374 = arith.constant 0.000000e+00 : f32
      %parallel_loop3A_375 = arith.cmpf olt, %parallel_loop3A_365, %parallel_loop3A_374 : f32
      %parallel_loop3A_376 = vector.broadcast %parallel_loop3A_375 : i1 to vector<16xi1>
      %parallel_loop3A_377 = vector.broadcast %parallel_loop3A_376 : vector<16xi1> to vector<16xi1>
      %parallel_loop3A_378 = arith.xori %parallel_loop3A_373, %parallel_loop3A_377 : vector<16xi1>
      %parallel_loop3A_379 = arith.andi %parallel_loop3A_378, %parallel_loop3A_370 : vector<16xi1>
      %parallel_loop3A_380 = vector.broadcast %parallel_loop3A_365 : f32 to vector<16xf32>
      %parallel_loop3A_381 = arith.addf %parallel_loop3A_367, %parallel_loop3A_380 : vector<16xf32>
      %parallel_loop3A_382 = arith.select %parallel_loop3A_379, %parallel_loop3A_381, %parallel_loop3A_367 : vector<16xi1>, vector<16xf32>
      %parallel_loop3A_383 = arith.addf %parallel_loop3A_356, %parallel_loop3A_382 : vector<16xf32>
      %parallel_loop3A_384 = arith.subf %parallel_loop3A_364, %parallel_loop3A_382 : vector<16xf32>
      %parallel_loop3A_385 = arith.addf %parallel_loop3A_358, %parallel_loop3A_384 : vector<16xf32>
      %parallel_loop3A_386 = arith.constant 16 : i32
      %parallel_loop3A_387 = arith.muli %parallel_loop3A_138, %parallel_loop3A_386 : i32
      %parallel_loop3A_388 = arith.constant 2304 : i32
      %parallel_loop3A_389 = arith.addi %parallel_loop3A_387, %parallel_loop3A_388 : i32
      %parallel_loop3A_390 = arith.index_cast %parallel_loop3A_389 : i32 to index
      %parallel_loop3A_391 = tpu.vector_load %arg9[%parallel_loop3A_390] {strides = array<i32>} : memref<4096xf32, #tpu.memory_space<vmem>>, vector<16xf32>,
      %parallel_loop3A_392 = arith.constant 4.096000e+03 : f32
      %parallel_loop3A_393 = vector.broadcast %parallel_loop3A_392 : f32 to vector<16xf32>
      %parallel_loop3A_394 = arith.remf %parallel_loop3A_391, %parallel_loop3A_393 : vector<16xf32>
      %parallel_loop3A_395 = arith.constant 0.000000e+00 : f32
      %parallel_loop3A_396 = vector.broadcast %parallel_loop3A_395 : f32 to vector<16xf32>
      %parallel_loop3A_397 = arith.cmpf one, %parallel_loop3A_394, %parallel_loop3A_396 : vector<16xf32>
      %parallel_loop3A_398 = arith.constant 0.000000e+00 : f32
      %parallel_loop3A_399 = vector.broadcast %parallel_loop3A_398 : f32 to vector<16xf32>
      %parallel_loop3A_400 = arith.cmpf olt, %parallel_loop3A_394, %parallel_loop3A_399 : vector<16xf32>
      %parallel_loop3A_401 = arith.constant 0.000000e+00 : f32
      %parallel_loop3A_402 = arith.cmpf olt, %parallel_loop3A_392, %parallel_loop3A_401 : f32
      %parallel_loop3A_403 = vector.broadcast %parallel_loop3A_402 : i1 to vector<16xi1>
      %parallel_loop3A_404 = vector.broadcast %parallel_loop3A_403 : vector<16xi1> to vector<16xi1>
      %parallel_loop3A_405 = arith.xori %parallel_loop3A_400, %parallel_loop3A_404 : vector<16xi1>
      %parallel_loop3A_406 = arith.andi %parallel_loop3A_405, %parallel_loop3A_397 : vector<16xi1>
      %parallel_loop3A_407 = vector.broadcast %parallel_loop3A_392 : f32 to vector<16xf32>
      %parallel_loop3A_408 = arith.addf %parallel_loop3A_394, %parallel_loop3A_407 : vector<16xf32>
      %parallel_loop3A_409 = arith.select %parallel_loop3A_406, %parallel_loop3A_408, %parallel_loop3A_394 : vector<16xi1>, vector<16xf32>
      %parallel_loop3A_410 = arith.addf %parallel_loop3A_383, %parallel_loop3A_409 : vector<16xf32>
      %parallel_loop3A_411 = arith.subf %parallel_loop3A_391, %parallel_loop3A_409 : vector<16xf32>
      %parallel_loop3A_412 = arith.addf %parallel_loop3A_385, %parallel_loop3A_411 : vector<16xf32>
      %parallel_loop3A_413 = arith.constant 16 : i32
      %parallel_loop3A_414 = arith.muli %parallel_loop3A_138, %parallel_loop3A_413 : i32
      %parallel_loop3A_415 = arith.constant 2560 : i32
      %parallel_loop3A_416 = arith.addi %parallel_loop3A_414, %parallel_loop3A_415 : i32
      %parallel_loop3A_417 = arith.index_cast %parallel_loop3A_416 : i32 to index
      %parallel_loop3A_418 = tpu.vector_load %arg9[%parallel_loop3A_417] {strides = array<i32>} : memref<4096xf32, #tpu.memory_space<vmem>>, vector<16xf32>,
      %parallel_loop3A_419 = arith.constant 4.096000e+03 : f32
      %parallel_loop3A_420 = vector.broadcast %parallel_loop3A_419 : f32 to vector<16xf32>
      %parallel_loop3A_421 = arith.remf %parallel_loop3A_418, %parallel_loop3A_420 : vector<16xf32>
      %parallel_loop3A_422 = arith.constant 0.000000e+00 : f32
      %parallel_loop3A_423 = vector.broadcast %parallel_loop3A_422 : f32 to vector<16xf32>
      %parallel_loop3A_424 = arith.cmpf one, %parallel_loop3A_421, %parallel_loop3A_423 : vector<16xf32>
      %parallel_loop3A_425 = arith.constant 0.000000e+00 : f32
      %parallel_loop3A_426 = vector.broadcast %parallel_loop3A_425 : f32 to vector<16xf32>
      %parallel_loop3A_427 = arith.cmpf olt, %parallel_loop3A_421, %parallel_loop3A_426 : vector<16xf32>
      %parallel_loop3A_428 = arith.constant 0.000000e+00 : f32
      %parallel_loop3A_429 = arith.cmpf olt, %parallel_loop3A_419, %parallel_loop3A_428 : f32
      %parallel_loop3A_430 = vector.broadcast %parallel_loop3A_429 : i1 to vector<16xi1>
      %parallel_loop3A_431 = vector.broadcast %parallel_loop3A_430 : vector<16xi1> to vector<16xi1>
      %parallel_loop3A_432 = arith.xori %parallel_loop3A_427, %parallel_loop3A_431 : vector<16xi1>
      %parallel_loop3A_433 = arith.andi %parallel_loop3A_432, %parallel_loop3A_424 : vector<16xi1>
      %parallel_loop3A_434 = vector.broadcast %parallel_loop3A_419 : f32 to vector<16xf32>
      %parallel_loop3A_435 = arith.addf %parallel_loop3A_421, %parallel_loop3A_434 : vector<16xf32>
      %parallel_loop3A_436 = arith.select %parallel_loop3A_433, %parallel_loop3A_435, %parallel_loop3A_421 : vector<16xi1>, vector<16xf32>
      %parallel_loop3A_437 = arith.addf %parallel_loop3A_410, %parallel_loop3A_436 : vector<16xf32>
      %parallel_loop3A_438 = arith.subf %parallel_loop3A_418, %parallel_loop3A_436 : vector<16xf32>
      %parallel_loop3A_439 = arith.addf %parallel_loop3A_412, %parallel_loop3A_438 : vector<16xf32>
      %parallel_loop3A_440 = arith.constant 16 : i32
      %parallel_loop3A_441 = arith.muli %parallel_loop3A_138, %parallel_loop3A_440 : i32
      %parallel_loop3A_442 = arith.constant 2816 : i32
      %parallel_loop3A_443 = arith.addi %parallel_loop3A_441, %parallel_loop3A_442 : i32
      %parallel_loop3A_444 = arith.index_cast %parallel_loop3A_443 : i32 to index
      %parallel_loop3A_445 = tpu.vector_load %arg9[%parallel_loop3A_444] {strides = array<i32>} : memref<4096xf32, #tpu.memory_space<vmem>>, vector<16xf32>,
      %parallel_loop3A_446 = arith.constant 4.096000e+03 : f32
      %parallel_loop3A_447 = vector.broadcast %parallel_loop3A_446 : f32 to vector<16xf32>
      %parallel_loop3A_448 = arith.remf %parallel_loop3A_445, %parallel_loop3A_447 : vector<16xf32>
      %parallel_loop3A_449 = arith.constant 0.000000e+00 : f32
      %parallel_loop3A_450 = vector.broadcast %parallel_loop3A_449 : f32 to vector<16xf32>
      %parallel_loop3A_451 = arith.cmpf one, %parallel_loop3A_448, %parallel_loop3A_450 : vector<16xf32>
      %parallel_loop3A_452 = arith.constant 0.000000e+00 : f32
      %parallel_loop3A_453 = vector.broadcast %parallel_loop3A_452 : f32 to vector<16xf32>
      %parallel_loop3A_454 = arith.cmpf olt, %parallel_loop3A_448, %parallel_loop3A_453 : vector<16xf32>
      %parallel_loop3A_455 = arith.constant 0.000000e+00 : f32
      %parallel_loop3A_456 = arith.cmpf olt, %parallel_loop3A_446, %parallel_loop3A_455 : f32
      %parallel_loop3A_457 = vector.broadcast %parallel_loop3A_456 : i1 to vector<16xi1>
      %parallel_loop3A_458 = vector.broadcast %parallel_loop3A_457 : vector<16xi1> to vector<16xi1>
      %parallel_loop3A_459 = arith.xori %parallel_loop3A_454, %parallel_loop3A_458 : vector<16xi1>
      %parallel_loop3A_460 = arith.andi %parallel_loop3A_459, %parallel_loop3A_451 : vector<16xi1>
      %parallel_loop3A_461 = vector.broadcast %parallel_loop3A_446 : f32 to vector<16xf32>
      %parallel_loop3A_462 = arith.addf %parallel_loop3A_448, %parallel_loop3A_461 : vector<16xf32>
      %parallel_loop3A_463 = arith.select %parallel_loop3A_460, %parallel_loop3A_462, %parallel_loop3A_448 : vector<16xi1>, vector<16xf32>
      %parallel_loop3A_464 = arith.addf %parallel_loop3A_437, %parallel_loop3A_463 : vector<16xf32>
      %parallel_loop3A_465 = arith.subf %parallel_loop3A_445, %parallel_loop3A_463 : vector<16xf32>
      %parallel_loop3A_466 = arith.addf %parallel_loop3A_439, %parallel_loop3A_465 : vector<16xf32>
      %parallel_loop3A_467 = arith.constant 16 : i32
      %parallel_loop3A_468 = arith.muli %parallel_loop3A_138, %parallel_loop3A_467 : i32
      %parallel_loop3A_469 = arith.constant 3072 : i32
      %parallel_loop3A_470 = arith.addi %parallel_loop3A_468, %parallel_loop3A_469 : i32
      %parallel_loop3A_471 = arith.index_cast %parallel_loop3A_470 : i32 to index
      %parallel_loop3A_472 = tpu.vector_load %arg9[%parallel_loop3A_471] {strides = array<i32>} : memref<4096xf32, #tpu.memory_space<vmem>>, vector<16xf32>,
      %parallel_loop3A_473 = arith.constant 4.096000e+03 : f32
      %parallel_loop3A_474 = vector.broadcast %parallel_loop3A_473 : f32 to vector<16xf32>
      %parallel_loop3A_475 = arith.remf %parallel_loop3A_472, %parallel_loop3A_474 : vector<16xf32>
      %parallel_loop3A_476 = arith.constant 0.000000e+00 : f32
      %parallel_loop3A_477 = vector.broadcast %parallel_loop3A_476 : f32 to vector<16xf32>
      %parallel_loop3A_478 = arith.cmpf one, %parallel_loop3A_475, %parallel_loop3A_477 : vector<16xf32>
      %parallel_loop3A_479 = arith.constant 0.000000e+00 : f32
      %parallel_loop3A_480 = vector.broadcast %parallel_loop3A_479 : f32 to vector<16xf32>
      %parallel_loop3A_481 = arith.cmpf olt, %parallel_loop3A_475, %parallel_loop3A_480 : vector<16xf32>
      %parallel_loop3A_482 = arith.constant 0.000000e+00 : f32
      %parallel_loop3A_483 = arith.cmpf olt, %parallel_loop3A_473, %parallel_loop3A_482 : f32
      %parallel_loop3A_484 = vector.broadcast %parallel_loop3A_483 : i1 to vector<16xi1>
      %parallel_loop3A_485 = vector.broadcast %parallel_loop3A_484 : vector<16xi1> to vector<16xi1>
      %parallel_loop3A_486 = arith.xori %parallel_loop3A_481, %parallel_loop3A_485 : vector<16xi1>
      %parallel_loop3A_487 = arith.andi %parallel_loop3A_486, %parallel_loop3A_478 : vector<16xi1>
      %parallel_loop3A_488 = vector.broadcast %parallel_loop3A_473 : f32 to vector<16xf32>
      %parallel_loop3A_489 = arith.addf %parallel_loop3A_475, %parallel_loop3A_488 : vector<16xf32>
      %parallel_loop3A_490 = arith.select %parallel_loop3A_487, %parallel_loop3A_489, %parallel_loop3A_475 : vector<16xi1>, vector<16xf32>
      %parallel_loop3A_491 = arith.addf %parallel_loop3A_464, %parallel_loop3A_490 : vector<16xf32>
      %parallel_loop3A_492 = arith.subf %parallel_loop3A_472, %parallel_loop3A_490 : vector<16xf32>
      %parallel_loop3A_493 = arith.addf %parallel_loop3A_466, %parallel_loop3A_492 : vector<16xf32>
      %parallel_loop3A_494 = arith.constant 16 : i32
      %parallel_loop3A_495 = arith.muli %parallel_loop3A_138, %parallel_loop3A_494 : i32
      %parallel_loop3A_496 = arith.constant 3328 : i32
      %parallel_loop3A_497 = arith.addi %parallel_loop3A_495, %parallel_loop3A_496 : i32
      %parallel_loop3A_498 = arith.index_cast %parallel_loop3A_497 : i32 to index
      %parallel_loop3A_499 = tpu.vector_load %arg9[%parallel_loop3A_498] {strides = array<i32>} : memref<4096xf32, #tpu.memory_space<vmem>>, vector<16xf32>,
      %parallel_loop3A_500 = arith.constant 4.096000e+03 : f32
      %parallel_loop3A_501 = vector.broadcast %parallel_loop3A_500 : f32 to vector<16xf32>
      %parallel_loop3A_502 = arith.remf %parallel_loop3A_499, %parallel_loop3A_501 : vector<16xf32>
      %parallel_loop3A_503 = arith.constant 0.000000e+00 : f32
      %parallel_loop3A_504 = vector.broadcast %parallel_loop3A_503 : f32 to vector<16xf32>
      %parallel_loop3A_505 = arith.cmpf one, %parallel_loop3A_502, %parallel_loop3A_504 : vector<16xf32>
      %parallel_loop3A_506 = arith.constant 0.000000e+00 : f32
      %parallel_loop3A_507 = vector.broadcast %parallel_loop3A_506 : f32 to vector<16xf32>
      %parallel_loop3A_508 = arith.cmpf olt, %parallel_loop3A_502, %parallel_loop3A_507 : vector<16xf32>
      %parallel_loop3A_509 = arith.constant 0.000000e+00 : f32
      %parallel_loop3A_510 = arith.cmpf olt, %parallel_loop3A_500, %parallel_loop3A_509 : f32
      %parallel_loop3A_511 = vector.broadcast %parallel_loop3A_510 : i1 to vector<16xi1>
      %parallel_loop3A_512 = vector.broadcast %parallel_loop3A_511 : vector<16xi1> to vector<16xi1>
      %parallel_loop3A_513 = arith.xori %parallel_loop3A_508, %parallel_loop3A_512 : vector<16xi1>
      %parallel_loop3A_514 = arith.andi %parallel_loop3A_513, %parallel_loop3A_505 : vector<16xi1>
      %parallel_loop3A_515 = vector.broadcast %parallel_loop3A_500 : f32 to vector<16xf32>
      %parallel_loop3A_516 = arith.addf %parallel_loop3A_502, %parallel_loop3A_515 : vector<16xf32>
      %parallel_loop3A_517 = arith.select %parallel_loop3A_514, %parallel_loop3A_516, %parallel_loop3A_502 : vector<16xi1>, vector<16xf32>
      %parallel_loop3A_518 = arith.addf %parallel_loop3A_491, %parallel_loop3A_517 : vector<16xf32>
      %parallel_loop3A_519 = arith.subf %parallel_loop3A_499, %parallel_loop3A_517 : vector<16xf32>
      %parallel_loop3A_520 = arith.addf %parallel_loop3A_493, %parallel_loop3A_519 : vector<16xf32>
      %parallel_loop3A_521 = arith.constant 16 : i32
      %parallel_loop3A_522 = arith.muli %parallel_loop3A_138, %parallel_loop3A_521 : i32
      %parallel_loop3A_523 = arith.constant 3584 : i32
      %parallel_loop3A_524 = arith.addi %parallel_loop3A_522, %parallel_loop3A_523 : i32
      %parallel_loop3A_525 = arith.index_cast %parallel_loop3A_524 : i32 to index
      %parallel_loop3A_526 = tpu.vector_load %arg9[%parallel_loop3A_525] {strides = array<i32>} : memref<4096xf32, #tpu.memory_space<vmem>>, vector<16xf32>,
      %parallel_loop3A_527 = arith.constant 4.096000e+03 : f32
      %parallel_loop3A_528 = vector.broadcast %parallel_loop3A_527 : f32 to vector<16xf32>
      %parallel_loop3A_529 = arith.remf %parallel_loop3A_526, %parallel_loop3A_528 : vector<16xf32>
      %parallel_loop3A_530 = arith.constant 0.000000e+00 : f32
      %parallel_loop3A_531 = vector.broadcast %parallel_loop3A_530 : f32 to vector<16xf32>
      %parallel_loop3A_532 = arith.cmpf one, %parallel_loop3A_529, %parallel_loop3A_531 : vector<16xf32>
      %parallel_loop3A_533 = arith.constant 0.000000e+00 : f32
      %parallel_loop3A_534 = vector.broadcast %parallel_loop3A_533 : f32 to vector<16xf32>
      %parallel_loop3A_535 = arith.cmpf olt, %parallel_loop3A_529, %parallel_loop3A_534 : vector<16xf32>
      %parallel_loop3A_536 = arith.constant 0.000000e+00 : f32
      %parallel_loop3A_537 = arith.cmpf olt, %parallel_loop3A_527, %parallel_loop3A_536 : f32
      %parallel_loop3A_538 = vector.broadcast %parallel_loop3A_537 : i1 to vector<16xi1>
      %parallel_loop3A_539 = vector.broadcast %parallel_loop3A_538 : vector<16xi1> to vector<16xi1>
      %parallel_loop3A_540 = arith.xori %parallel_loop3A_535, %parallel_loop3A_539 : vector<16xi1>
      %parallel_loop3A_541 = arith.andi %parallel_loop3A_540, %parallel_loop3A_532 : vector<16xi1>
      %parallel_loop3A_542 = vector.broadcast %parallel_loop3A_527 : f32 to vector<16xf32>
      %parallel_loop3A_543 = arith.addf %parallel_loop3A_529, %parallel_loop3A_542 : vector<16xf32>
      %parallel_loop3A_544 = arith.select %parallel_loop3A_541, %parallel_loop3A_543, %parallel_loop3A_529 : vector<16xi1>, vector<16xf32>
      %parallel_loop3A_545 = arith.addf %parallel_loop3A_518, %parallel_loop3A_544 : vector<16xf32>
      %parallel_loop3A_546 = arith.subf %parallel_loop3A_526, %parallel_loop3A_544 : vector<16xf32>
      %parallel_loop3A_547 = arith.addf %parallel_loop3A_520, %parallel_loop3A_546 : vector<16xf32>
      %parallel_loop3A_548 = arith.constant 16 : i32
      %parallel_loop3A_549 = arith.muli %parallel_loop3A_138, %parallel_loop3A_548 : i32
      %parallel_loop3A_550 = arith.constant 3840 : i32
      %parallel_loop3A_551 = arith.addi %parallel_loop3A_549, %parallel_loop3A_550 : i32
      %parallel_loop3A_552 = arith.index_cast %parallel_loop3A_551 : i32 to index
      %parallel_loop3A_553 = tpu.vector_load %arg9[%parallel_loop3A_552] {strides = array<i32>} : memref<4096xf32, #tpu.memory_space<vmem>>, vector<16xf32>,
      %parallel_loop3A_554 = arith.constant 4.096000e+03 : f32
      %parallel_loop3A_555 = vector.broadcast %parallel_loop3A_554 : f32 to vector<16xf32>
      %parallel_loop3A_556 = arith.remf %parallel_loop3A_553, %parallel_loop3A_555 : vector<16xf32>
      %parallel_loop3A_557 = arith.constant 0.000000e+00 : f32
      %parallel_loop3A_558 = vector.broadcast %parallel_loop3A_557 : f32 to vector<16xf32>
      %parallel_loop3A_559 = arith.cmpf one, %parallel_loop3A_556, %parallel_loop3A_558 : vector<16xf32>
      %parallel_loop3A_560 = arith.constant 0.000000e+00 : f32
      %parallel_loop3A_561 = vector.broadcast %parallel_loop3A_560 : f32 to vector<16xf32>
      %parallel_loop3A_562 = arith.cmpf olt, %parallel_loop3A_556, %parallel_loop3A_561 : vector<16xf32>
      %parallel_loop3A_563 = arith.constant 0.000000e+00 : f32
      %parallel_loop3A_564 = arith.cmpf olt, %parallel_loop3A_554, %parallel_loop3A_563 : f32
      %parallel_loop3A_565 = vector.broadcast %parallel_loop3A_564 : i1 to vector<16xi1>
      %parallel_loop3A_566 = vector.broadcast %parallel_loop3A_565 : vector<16xi1> to vector<16xi1>
      %parallel_loop3A_567 = arith.xori %parallel_loop3A_562, %parallel_loop3A_566 : vector<16xi1>
      %parallel_loop3A_568 = arith.andi %parallel_loop3A_567, %parallel_loop3A_559 : vector<16xi1>
      %parallel_loop3A_569 = vector.broadcast %parallel_loop3A_554 : f32 to vector<16xf32>
      %parallel_loop3A_570 = arith.addf %parallel_loop3A_556, %parallel_loop3A_569 : vector<16xf32>
      %parallel_loop3A_571 = arith.select %parallel_loop3A_568, %parallel_loop3A_570, %parallel_loop3A_556 : vector<16xi1>, vector<16xf32>
      %parallel_loop3A_572 = arith.addf %parallel_loop3A_545, %parallel_loop3A_571 : vector<16xf32>
      %parallel_loop3A_573 = arith.subf %parallel_loop3A_553, %parallel_loop3A_571 : vector<16xf32>
      %parallel_loop3A_574 = arith.addf %parallel_loop3A_547, %parallel_loop3A_573 : vector<16xf32>
      %parallel_loop3A_575 = arith.constant 16 : i32
      %parallel_loop3A_576 = arith.muli %parallel_loop3A_138, %parallel_loop3A_575 : i32
      %parallel_loop3A_577 = arith.index_cast %parallel_loop3A_576 : i32 to index
      %parallel_loop3A_578 = tpu.vector_load %arg11[%parallel_loop3A_577] {strides = array<i32>} : memref<512xf32, #tpu.memory_space<vmem>>, vector<16xf32>,
      tpu.vector_store %arg11[%parallel_loop3A_577], %parallel_loop3A_572 {strides = array<i32>} : memref<512xf32, #tpu.memory_space<vmem>>, vector<16xf32>,
      %parallel_loop3A_579 = arith.constant 2.44140625E-4 : f32
      %parallel_loop3A_580 = vector.broadcast %parallel_loop3A_579 : f32 to vector<16xf32>
      %parallel_loop3A_581 = arith.mulf %parallel_loop3A_574, %parallel_loop3A_580 : vector<16xf32>
      %parallel_loop3A_582 = arith.constant 16 : i32
      %parallel_loop3A_583 = arith.muli %parallel_loop3A_138, %parallel_loop3A_582 : i32
      %parallel_loop3A_584 = arith.constant 320 : i32
      %parallel_loop3A_585 = arith.addi %parallel_loop3A_584, %parallel_loop3A_583 : i32
      %parallel_loop3A_586 = arith.index_cast %parallel_loop3A_585 : i32 to index
      %parallel_loop3A_587 = tpu.vector_load %arg11[%parallel_loop3A_586] {strides = array<i32>} : memref<512xf32, #tpu.memory_space<vmem>>, vector<16xf32>,
      tpu.vector_store %arg11[%parallel_loop3A_586], %parallel_loop3A_581 {strides = array<i32>} : memref<512xf32, #tpu.memory_space<vmem>>, vector<16xf32>,
    } {sc.loop_unroll_factor = 2 : i64, sc.parallel_access}
    %parallel_loop3A_130 = arith.constant 0 : i32
    %parallel_loop3A_131 = arith.constant 10 : i32
    %parallel_loop3A_132 = arith.constant 1 : i32
    scf.for %parallel_loop3A_138 = %parallel_loop3A_130 to %parallel_loop3A_131 step %parallel_loop3A_132  : i32 {
      %parallel_loop3A_139 = arith.constant 0.000000e+00 : f32
      %parallel_loop3A_140 = vector.broadcast %parallel_loop3A_139 : f32 to vector<16xf32>
      %parallel_loop3A_141 = arith.constant 16 : i32
      %parallel_loop3A_142 = arith.muli %parallel_loop3A_138, %parallel_loop3A_141 : i32
      %parallel_loop3A_143 = arith.constant 0 : i32
      %parallel_loop3A_144 = arith.addi %parallel_loop3A_142, %parallel_loop3A_143 : i32
      %parallel_loop3A_145 = arith.index_cast %parallel_loop3A_144 : i32 to index
      %parallel_loop3A_146 = tpu.vector_load %arg10[%parallel_loop3A_145] {strides = array<i32>} : memref<4096xf32, #tpu.memory_space<vmem>>, vector<16xf32>,
      %parallel_loop3A_147 = arith.addf %parallel_loop3A_140, %parallel_loop3A_146 : vector<16xf32>
      %parallel_loop3A_148 = arith.constant 16 : i32
      %parallel_loop3A_149 = arith.muli %parallel_loop3A_138, %parallel_loop3A_148 : i32
      %parallel_loop3A_150 = arith.constant 256 : i32
      %parallel_loop3A_151 = arith.addi %parallel_loop3A_149, %parallel_loop3A_150 : i32
      %parallel_loop3A_152 = arith.index_cast %parallel_loop3A_151 : i32 to index
      %parallel_loop3A_153 = tpu.vector_load %arg10[%parallel_loop3A_152] {strides = array<i32>} : memref<4096xf32, #tpu.memory_space<vmem>>, vector<16xf32>,
      %parallel_loop3A_154 = arith.addf %parallel_loop3A_147, %parallel_loop3A_153 : vector<16xf32>
      %parallel_loop3A_155 = arith.constant 16 : i32
      %parallel_loop3A_156 = arith.muli %parallel_loop3A_138, %parallel_loop3A_155 : i32
      %parallel_loop3A_157 = arith.constant 512 : i32
      %parallel_loop3A_158 = arith.addi %parallel_loop3A_156, %parallel_loop3A_157 : i32
      %parallel_loop3A_159 = arith.index_cast %parallel_loop3A_158 : i32 to index
      %parallel_loop3A_160 = tpu.vector_load %arg10[%parallel_loop3A_159] {strides = array<i32>} : memref<4096xf32, #tpu.memory_space<vmem>>, vector<16xf32>,
      %parallel_loop3A_161 = arith.addf %parallel_loop3A_154, %parallel_loop3A_160 : vector<16xf32>
      %parallel_loop3A_162 = arith.constant 16 : i32
      %parallel_loop3A_163 = arith.muli %parallel_loop3A_138, %parallel_loop3A_162 : i32
      %parallel_loop3A_164 = arith.constant 768 : i32
      %parallel_loop3A_165 = arith.addi %parallel_loop3A_163, %parallel_loop3A_164 : i32
      %parallel_loop3A_166 = arith.index_cast %parallel_loop3A_165 : i32 to index
      %parallel_loop3A_167 = tpu.vector_load %arg10[%parallel_loop3A_166] {strides = array<i32>} : memref<4096xf32, #tpu.memory_space<vmem>>, vector<16xf32>,
      %parallel_loop3A_168 = arith.addf %parallel_loop3A_161, %parallel_loop3A_167 : vector<16xf32>
      %parallel_loop3A_169 = arith.constant 16 : i32
      %parallel_loop3A_170 = arith.muli %parallel_loop3A_138, %parallel_loop3A_169 : i32
      %parallel_loop3A_171 = arith.constant 1024 : i32
      %parallel_loop3A_172 = arith.addi %parallel_loop3A_170, %parallel_loop3A_171 : i32
      %parallel_loop3A_173 = arith.index_cast %parallel_loop3A_172 : i32 to index
      %parallel_loop3A_174 = tpu.vector_load %arg10[%parallel_loop3A_173] {strides = array<i32>} : memref<4096xf32, #tpu.memory_space<vmem>>, vector<16xf32>,
      %parallel_loop3A_175 = arith.addf %parallel_loop3A_168, %parallel_loop3A_174 : vector<16xf32>
      %parallel_loop3A_176 = arith.constant 16 : i32
      %parallel_loop3A_177 = arith.muli %parallel_loop3A_138, %parallel_loop3A_176 : i32
      %parallel_loop3A_178 = arith.constant 1280 : i32
      %parallel_loop3A_179 = arith.addi %parallel_loop3A_177, %parallel_loop3A_178 : i32
      %parallel_loop3A_180 = arith.index_cast %parallel_loop3A_179 : i32 to index
      %parallel_loop3A_181 = tpu.vector_load %arg10[%parallel_loop3A_180] {strides = array<i32>} : memref<4096xf32, #tpu.memory_space<vmem>>, vector<16xf32>,
      %parallel_loop3A_182 = arith.addf %parallel_loop3A_175, %parallel_loop3A_181 : vector<16xf32>
      %parallel_loop3A_183 = arith.constant 16 : i32
      %parallel_loop3A_184 = arith.muli %parallel_loop3A_138, %parallel_loop3A_183 : i32
      %parallel_loop3A_185 = arith.constant 1536 : i32
      %parallel_loop3A_186 = arith.addi %parallel_loop3A_184, %parallel_loop3A_185 : i32
      %parallel_loop3A_187 = arith.index_cast %parallel_loop3A_186 : i32 to index
      %parallel_loop3A_188 = tpu.vector_load %arg10[%parallel_loop3A_187] {strides = array<i32>} : memref<4096xf32, #tpu.memory_space<vmem>>, vector<16xf32>,
      %parallel_loop3A_189 = arith.addf %parallel_loop3A_182, %parallel_loop3A_188 : vector<16xf32>
      %parallel_loop3A_190 = arith.constant 16 : i32
      %parallel_loop3A_191 = arith.muli %parallel_loop3A_138, %parallel_loop3A_190 : i32
      %parallel_loop3A_192 = arith.constant 1792 : i32
      %parallel_loop3A_193 = arith.addi %parallel_loop3A_191, %parallel_loop3A_192 : i32
      %parallel_loop3A_194 = arith.index_cast %parallel_loop3A_193 : i32 to index
      %parallel_loop3A_195 = tpu.vector_load %arg10[%parallel_loop3A_194] {strides = array<i32>} : memref<4096xf32, #tpu.memory_space<vmem>>, vector<16xf32>,
      %parallel_loop3A_196 = arith.addf %parallel_loop3A_189, %parallel_loop3A_195 : vector<16xf32>
      %parallel_loop3A_197 = arith.constant 16 : i32
      %parallel_loop3A_198 = arith.muli %parallel_loop3A_138, %parallel_loop3A_197 : i32
      %parallel_loop3A_199 = arith.constant 2048 : i32
      %parallel_loop3A_200 = arith.addi %parallel_loop3A_198, %parallel_loop3A_199 : i32
      %parallel_loop3A_201 = arith.index_cast %parallel_loop3A_200 : i32 to index
      %parallel_loop3A_202 = tpu.vector_load %arg10[%parallel_loop3A_201] {strides = array<i32>} : memref<4096xf32, #tpu.memory_space<vmem>>, vector<16xf32>,
      %parallel_loop3A_203 = arith.addf %parallel_loop3A_196, %parallel_loop3A_202 : vector<16xf32>
      %parallel_loop3A_204 = arith.constant 16 : i32
      %parallel_loop3A_205 = arith.muli %parallel_loop3A_138, %parallel_loop3A_204 : i32
      %parallel_loop3A_206 = arith.constant 2304 : i32
      %parallel_loop3A_207 = arith.addi %parallel_loop3A_205, %parallel_loop3A_206 : i32
      %parallel_loop3A_208 = arith.index_cast %parallel_loop3A_207 : i32 to index
      %parallel_loop3A_209 = tpu.vector_load %arg10[%parallel_loop3A_208] {strides = array<i32>} : memref<4096xf32, #tpu.memory_space<vmem>>, vector<16xf32>,
      %parallel_loop3A_210 = arith.addf %parallel_loop3A_203, %parallel_loop3A_209 : vector<16xf32>
      %parallel_loop3A_211 = arith.constant 16 : i32
      %parallel_loop3A_212 = arith.muli %parallel_loop3A_138, %parallel_loop3A_211 : i32
      %parallel_loop3A_213 = arith.constant 2560 : i32
      %parallel_loop3A_214 = arith.addi %parallel_loop3A_212, %parallel_loop3A_213 : i32
      %parallel_loop3A_215 = arith.index_cast %parallel_loop3A_214 : i32 to index
      %parallel_loop3A_216 = tpu.vector_load %arg10[%parallel_loop3A_215] {strides = array<i32>} : memref<4096xf32, #tpu.memory_space<vmem>>, vector<16xf32>,
      %parallel_loop3A_217 = arith.addf %parallel_loop3A_210, %parallel_loop3A_216 : vector<16xf32>
      %parallel_loop3A_218 = arith.constant 16 : i32
      %parallel_loop3A_219 = arith.muli %parallel_loop3A_138, %parallel_loop3A_218 : i32
      %parallel_loop3A_220 = arith.constant 2816 : i32
      %parallel_loop3A_221 = arith.addi %parallel_loop3A_219, %parallel_loop3A_220 : i32
      %parallel_loop3A_222 = arith.index_cast %parallel_loop3A_221 : i32 to index
      %parallel_loop3A_223 = tpu.vector_load %arg10[%parallel_loop3A_222] {strides = array<i32>} : memref<4096xf32, #tpu.memory_space<vmem>>, vector<16xf32>,
      %parallel_loop3A_224 = arith.addf %parallel_loop3A_217, %parallel_loop3A_223 : vector<16xf32>
      %parallel_loop3A_225 = arith.constant 16 : i32
      %parallel_loop3A_226 = arith.muli %parallel_loop3A_138, %parallel_loop3A_225 : i32
      %parallel_loop3A_227 = arith.constant 3072 : i32
      %parallel_loop3A_228 = arith.addi %parallel_loop3A_226, %parallel_loop3A_227 : i32
      %parallel_loop3A_229 = arith.index_cast %parallel_loop3A_228 : i32 to index
      %parallel_loop3A_230 = tpu.vector_load %arg10[%parallel_loop3A_229] {strides = array<i32>} : memref<4096xf32, #tpu.memory_space<vmem>>, vector<16xf32>,
      %parallel_loop3A_231 = arith.addf %parallel_loop3A_224, %parallel_loop3A_230 : vector<16xf32>
      %parallel_loop3A_232 = arith.constant 16 : i32
      %parallel_loop3A_233 = arith.muli %parallel_loop3A_138, %parallel_loop3A_232 : i32
      %parallel_loop3A_234 = arith.constant 3328 : i32
      %parallel_loop3A_235 = arith.addi %parallel_loop3A_233, %parallel_loop3A_234 : i32
      %parallel_loop3A_236 = arith.index_cast %parallel_loop3A_235 : i32 to index
      %parallel_loop3A_237 = tpu.vector_load %arg10[%parallel_loop3A_236] {strides = array<i32>} : memref<4096xf32, #tpu.memory_space<vmem>>, vector<16xf32>,
      %parallel_loop3A_238 = arith.addf %parallel_loop3A_231, %parallel_loop3A_237 : vector<16xf32>
      %parallel_loop3A_239 = arith.constant 16 : i32
      %parallel_loop3A_240 = arith.muli %parallel_loop3A_138, %parallel_loop3A_239 : i32
      %parallel_loop3A_241 = arith.constant 3584 : i32
      %parallel_loop3A_242 = arith.addi %parallel_loop3A_240, %parallel_loop3A_241 : i32
      %parallel_loop3A_243 = arith.index_cast %parallel_loop3A_242 : i32 to index
      %parallel_loop3A_244 = tpu.vector_load %arg10[%parallel_loop3A_243] {strides = array<i32>} : memref<4096xf32, #tpu.memory_space<vmem>>, vector<16xf32>,
      %parallel_loop3A_245 = arith.addf %parallel_loop3A_238, %parallel_loop3A_244 : vector<16xf32>
      %parallel_loop3A_246 = arith.constant 16 : i32
      %parallel_loop3A_247 = arith.muli %parallel_loop3A_138, %parallel_loop3A_246 : i32
      %parallel_loop3A_248 = arith.constant 3840 : i32
      %parallel_loop3A_249 = arith.addi %parallel_loop3A_247, %parallel_loop3A_248 : i32
      %parallel_loop3A_250 = arith.index_cast %parallel_loop3A_249 : i32 to index
      %parallel_loop3A_251 = tpu.vector_load %arg10[%parallel_loop3A_250] {strides = array<i32>} : memref<4096xf32, #tpu.memory_space<vmem>>, vector<16xf32>,
      %parallel_loop3A_252 = arith.addf %parallel_loop3A_245, %parallel_loop3A_251 : vector<16xf32>
      %parallel_loop3A_253 = arith.constant 16 : i32
      %parallel_loop3A_254 = arith.muli %parallel_loop3A_138, %parallel_loop3A_253 : i32
      %parallel_loop3A_255 = arith.constant 160 : i32
      %parallel_loop3A_256 = arith.addi %parallel_loop3A_255, %parallel_loop3A_254 : i32
      %parallel_loop3A_257 = arith.index_cast %parallel_loop3A_256 : i32 to index
      %parallel_loop3A_258 = tpu.vector_load %arg11[%parallel_loop3A_257] {strides = array<i32>} : memref<512xf32, #tpu.memory_space<vmem>>, vector<16xf32>,
      tpu.vector_store %arg11[%parallel_loop3A_257], %parallel_loop3A_252 {strides = array<i32>} : memref<512xf32, #tpu.memory_space<vmem>>, vector<16xf32>,
    } {sc.loop_unroll_factor = 2 : i64, sc.parallel_access}
    %swap3A = arith.constant 480 : index
    %swap3A_133 = tpu.vector_load %arg11[%swap3A] {strides = array<i32>} : memref<512xf32, #tpu.memory_space<vmem>>, vector<16xf32>,
    tpu.vector_store %arg11[%swap3A], %broadcast_in_dim3A_4 {strides = array<i32>} : memref<512xf32, #tpu.memory_space<vmem>>, vector<16xf32>,
    %swap3A_134 = arith.constant 496 : index
    %swap3A_135 = tpu.vector_load %arg11[%swap3A_134] {strides = array<i32>} : memref<512xf32, #tpu.memory_space<vmem>>, vector<16xf32>,
    tpu.vector_store %arg11[%swap3A_134], %broadcast_in_dim3A_4 {strides = array<i32>} : memref<512xf32, #tpu.memory_space<vmem>>, vector<16xf32>,
    %mul3A_136 = arith.constant 512 : i32
    %mul3A_137 = arith.muli %add3A, %mul3A_136 : i32
    "tpu.region"() ({
      %run_scoped3A = tpu.sem_alloc : memref<!tpu.dma_semaphore, #tpu.memory_space<semaphore_mem>>
      %dma_start3A_138 = tpu.memref_slice %arg4[%mul3A_137] : memref<16384xf32, #tpu.memory_space<hbm>> -> memref<512xf32, #tpu.memory_space<hbm>>
      %dma_start3A_139 = tpu.memref_slice %arg4[%mul3A_137] : memref<16384xf32, #tpu.memory_space<hbm>> -> memref<512xf32, #tpu.memory_space<hbm>>
      tpu.enqueue_dma source(%arg11 : memref<512xf32, #tpu.memory_space<vmem>>) target(%dma_start3A_139 : memref<512xf32, #tpu.memory_space<hbm>>) target_semaphore(%run_scoped3A : memref<!tpu.dma_semaphore, #tpu.memory_space<semaphore_mem>>)
      %dma_wait3A = tpu.memref_slice %arg4[%mul3A_137] : memref<16384xf32, #tpu.memory_space<hbm>> -> memref<512xf32, #tpu.memory_space<hbm>>
      %dma_wait3A_140 = tpu.memref_slice %arg4[%mul3A_137] : memref<16384xf32, #tpu.memory_space<hbm>> -> memref<512xf32, #tpu.memory_space<hbm>>
      tpu.wait_dma2 semaphore(%run_scoped3A : memref<!tpu.dma_semaphore, #tpu.memory_space<semaphore_mem>>) src(%arg11 : memref<512xf32, #tpu.memory_space<vmem>>) dst(%dma_wait3A_140 : memref<512xf32, #tpu.memory_space<hbm>>)
      tpu.yield
    }) : () -> ()
    return
  }
}

module attributes {stable_mosaic.version = 14 : i64} {
  func.func @_finalize_body(%arg0: memref<32x512xf32, #tpu.memory_space<vmem>>, %arg1: memref<4096x128xi32, #tpu.memory_space<vmem>>, %arg2: memref<1x1xf32, #tpu.memory_space<vmem>>) attributes {dimension_semantics = [], scalar_prefetch = 0 : i64, scratch_operands = 0 : i64, tpu.core_type = #tpu.core_type<tc>} {
    %get3A = arith.constant 0 : index
    %get3A_0 = arith.constant 0 : index
    %get3A_1 = vector.load %arg0[%get3A, %get3A_0] : memref<32x512xf32, #tpu.memory_space<vmem>>, vector<32x512xf32>
    %reduce_sum3A = arith.constant dense<0.000000e+00> : vector<512xf32>
    %reduce_sum3A_2 = vector.multi_reduction <add>, %get3A_1, %reduce_sum3A [0] : vector<32x512xf32> to vector<512xf32>
    %broadcast_in_dim3A = vector.shape_cast %reduce_sum3A_2 : vector<512xf32> to vector<1x512xf32>
    %slice3A = vector.extract_strided_slice %broadcast_in_dim3A {offsets = [0, 0], sizes = [1, 150], strides = [1, 1]} : vector<1x512xf32> to vector<1x150xf32>
    %slice3A_3 = vector.extract_strided_slice %broadcast_in_dim3A {offsets = [0, 160], sizes = [1, 150], strides = [1, 1]} : vector<1x512xf32> to vector<1x150xf32>
    %mul3A = arith.constant 0.0666666701 : f32
    %mul3A_4 = vector.broadcast %mul3A : f32 to vector<1x150xf32>
    %mul3A_5 = arith.mulf %slice3A_3, %mul3A_4 : vector<1x150xf32>
    %slice3A_6 = vector.extract_strided_slice %broadcast_in_dim3A {offsets = [0, 320], sizes = [1, 150], strides = [1, 1]} : vector<1x512xf32> to vector<1x150xf32>
    %get3A_7 = arith.constant 0 : index
    %get3A_8 = arith.constant 0 : index
    %get3A_9 = vector.load %arg1[%get3A_7, %get3A_8] : memref<4096x128xi32, #tpu.memory_space<vmem>>, vector<4096x128xi32>
    %reduce_max3A = vector.shape_cast %get3A_9 : vector<4096x128xi32> to vector<1x4096x128xi32>
    %reduce_max3A_10 = arith.constant dense<-2147483648> : vector<1xi32>
    %reduce_max3A_11 = vector.multi_reduction <maxsi>, %reduce_max3A, %reduce_max3A_10 [1, 2] : vector<1x4096x128xi32> to vector<1xi32>
    %reduce_max3A_12 = vector.shape_cast %reduce_max3A_11 : vector<1xi32> to vector<1x1x1xi32>
    %reduce_max3A_13 = vector.extract %reduce_max3A_12[0, 0, 0] : i32 from vector<1x1x1xi32>
    %convert_element_type3A = arith.sitofp %reduce_max3A_13 : i32 to f32
    %add3A = arith.constant 1.000000e+00 : f32
    %add3A_14 = arith.addf %convert_element_type3A, %add3A : f32
    %max3A = arith.constant 1.000000e+00 : f32
    %max3A_15 = vector.broadcast %max3A : f32 to vector<1x150xf32>
    %max3A_16 = arith.maximumf %slice3A, %max3A_15 : vector<1x150xf32>
    %mul3A_17 = arith.constant 1.90734863E-6 : f32
    %mul3A_18 = vector.broadcast %mul3A_17 : f32 to vector<1x150xf32>
    %mul3A_19 = arith.mulf %slice3A, %mul3A_18 : vector<1x150xf32>
    %gt3A = arith.constant 0.000000e+00 : f32
    %gt3A_20 = vector.broadcast %gt3A : f32 to vector<1x150xf32>
    %gt3A_21 = arith.cmpf ogt, %slice3A, %gt3A_20 : vector<1x150xf32>
    %div3A = arith.divf %mul3A_5, %max3A_16 : vector<1x150xf32>
    %div3A_22 = arith.divf %slice3A_6, %max3A_16 : vector<1x150xf32>
    %sub3A = arith.subf %div3A, %div3A_22 : vector<1x150xf32>
    %abs3A = math.absf %sub3A : vector<1x150xf32>
    %mul3A_23 = arith.mulf %abs3A, %mul3A_19 : vector<1x150xf32>
    %jit3A = arith.constant 0.000000e+00 : f32
    %broadcast_in_dim3A_24 = vector.broadcast %jit3A : f32 to vector<1x150xf32>
    %select_n3A = arith.select %gt3A_21, %mul3A_23, %broadcast_in_dim3A_24 : vector<1x150xi1>, vector<1x150xf32>
    %iota3A = tpu.iota {dimensions = array<i32: 1>} : vector<1x150xi32>
    %jit3A_25 = arith.constant 15 : i32
    %div3A_26 = vector.broadcast %jit3A_25 : i32 to vector<1x150xi32>
    %div3A_27 = arith.divsi %iota3A, %div3A_26 : vector<1x150xi32>
    %sign3A = arith.constant 0 : i32
    %sign3A_28 = vector.broadcast %sign3A : i32 to vector<1x150xi32>
    %sign3A_29 = arith.cmpi sgt, %iota3A, %sign3A_28 : vector<1x150xi32>
    %sign3A_30 = arith.extui %sign3A_29 : vector<1x150xi1> to vector<1x150xi32>
    %sign3A_31 = arith.constant 0 : i32
    %sign3A_32 = vector.broadcast %sign3A_31 : i32 to vector<1x150xi32>
    %sign3A_33 = arith.cmpi slt, %iota3A, %sign3A_32 : vector<1x150xi32>
    %sign3A_34 = arith.extui %sign3A_33 : vector<1x150xi1> to vector<1x150xi32>
    %sign3A_35 = arith.subi %sign3A_30, %sign3A_34 : vector<1x150xi32>
    %sign3A_36 = arith.constant 0 : i32
    %sign3A_37 = arith.cmpi sgt, %jit3A_25, %sign3A_36 : i32
    %sign3A_38 = arith.extui %sign3A_37 : i1 to i32
    %sign3A_39 = arith.constant 0 : i32
    %sign3A_40 = arith.cmpi slt, %jit3A_25, %sign3A_39 : i32
    %sign3A_41 = arith.extui %sign3A_40 : i1 to i32
    %sign3A_42 = arith.subi %sign3A_38, %sign3A_41 : i32
    %ne3A = vector.broadcast %sign3A_42 : i32 to vector<1x150xi32>
    %ne3A_43 = arith.cmpi ne, %sign3A_35, %ne3A : vector<1x150xi32>
    %rem3A = vector.broadcast %jit3A_25 : i32 to vector<1x150xi32>
    %rem3A_44 = arith.remsi %iota3A, %rem3A : vector<1x150xi32>
    %ne3A_45 = arith.constant 0 : i32
    %ne3A_46 = vector.broadcast %ne3A_45 : i32 to vector<1x150xi32>
    %ne3A_47 = arith.cmpi ne, %rem3A_44, %ne3A_46 : vector<1x150xi32>
    %and3A = arith.andi %ne3A_43, %ne3A_47 : vector<1x150xi1>
    %sub3A_48 = arith.constant 1 : i32
    %sub3A_49 = vector.broadcast %sub3A_48 : i32 to vector<1x150xi32>
    %sub3A_50 = arith.subi %div3A_27, %sub3A_49 : vector<1x150xi32>
    %select_n3A_51 = arith.select %and3A, %sub3A_50, %div3A_27 : vector<1x150xi1>, vector<1x150xi32>
    %convert_element_type3A_52 = arith.sitofp %select_n3A_51 : vector<1x150xi32> to vector<1x150xf32>
    %lt3A = vector.broadcast %add3A_14 : f32 to vector<1x150xf32>
    %lt3A_53 = arith.cmpf olt, %convert_element_type3A_52, %lt3A : vector<1x150xf32>
    %jit3A_54 = arith.constant 0.000000e+00 : f32
    %broadcast_in_dim3A_55 = vector.broadcast %jit3A_54 : f32 to vector<1x150xf32>
    %select_n3A_56 = arith.select %lt3A_53, %select_n3A, %broadcast_in_dim3A_55 : vector<1x150xi1>, vector<1x150xf32>
    %reduce_sum3A_57 = vector.shape_cast %select_n3A_56 : vector<1x150xf32> to vector<1x1x150xf32>
    %reduce_sum3A_58 = arith.constant dense<0.000000e+00> : vector<1xf32>
    %reduce_sum3A_59 = vector.multi_reduction <add>, %reduce_sum3A_57, %reduce_sum3A_58 [1, 2] : vector<1x1x150xf32> to vector<1xf32>
    %reduce_sum3A_60 = vector.shape_cast %reduce_sum3A_59 : vector<1xf32> to vector<1x1x1xf32>
    %reduce_sum3A_61 = vector.extract %reduce_sum3A_60[0, 0, 0] : f32 from vector<1x1x1xf32>
    %div3A_62 = arith.divf %reduce_sum3A_61, %add3A_14 : f32
    %reshape3A = vector.broadcast %div3A_62 : f32 to vector<1x1xf32>
    %swap3A = arith.constant 0 : index
    %swap3A_63 = arith.constant 0 : index
    %swap3A_64 = vector.load %arg2[%swap3A, %swap3A_63] : memref<1x1xf32, #tpu.memory_space<vmem>>, vector<1x1xf32>
    tpu.vector_store %arg2[%swap3A, %swap3A_63], %reshape3A {strides = array<i32>} : memref<1x1xf32, #tpu.memory_space<vmem>>, vector<1x1xf32>,
    return
  }
}

</mosaic_0001>

<sc_bundles>
// kernel: kernel.4.cloned.1.call-start
scs
__scs_entry_jumppad:
0x0: {  	(pc) =	sbr.rel $0x88, $3  }
0x1: {  	(tag) =	ssettag $0x0;
	lr =	simm.s32 $0x1  }
0x2: {  	[smem:$0x3F9F] =	sst lr;
	_ =	strace $0xD0000000  }
0x3: {  	_ = 	snop  }
0x4: {  	_ = 	snop  }
0x5: {  	_ = 	snop  }
0x6: {  	_ = 	snop  }
0x7: {  	_ = 	snop  }
__scs_overlays_trampoline_lowered:
0x8: {  	[smem:$0x3FAE] =	sst s0  }
0x9: {  	[smem:$0x3FAF] =	sst s1  }
0xa: {  	[smem:$0x3FB0] =	sst s2  }
0xb: {  	[smem:$0x3FB1] =	sst s3  }
0xc: {  	[smem:$0x3FB2] =	sst s4  }
0xd: {  	[smem:$0x3FB3] =	sst s5  }
0xe: {  	[smem:$0x3FB4] =	sst s6  }
0xf: {  	[smem:$0x3FB5] =	sst s7  }
0x10: {  	[smem:$0x3FB6] =	sst s8  }
0x11: {  	[smem:$0x3FB7] =	sst s9;
	s0 =	simm.s32 @!p0 $0x0  }
0x12: {  	s1 =	sld [smem:$0x3F9D];
	s0 =	simm.s32 @p0 $0x1  }
0x13: {  	[smem:$0x3FB8] =	sst s0;
	s0 =	simm.s32 @!p1 $0x0  }
0x14: {  	s2 =	sld [smem:$0x3F9C];
	s0 =	simm.s32 @p1 $0x1  }
0x15: {  	[smem:$0x3FB9] =	sst s0;
	s0 =	simm.s32 @!p2 $0x0  }
0x16: {  	s3 =	sld [smem:$0x3FDB];
	s0 =	simm.s32 @p2 $0x1  }
0x17: {  	s4 =	simm.s32 $0x1BF5;
	[smem:$0x3FBB] =	sst s0  }
0x18: {  	s0 =	sld [smem:$0x3F9E];
	_ =	swait.ge [sflag:s4], $0x0  }
0x19: {  	s7 =	sld [smem:$0x3F9F]  }
0x1a: {  	s8 =	sadd.s32 $0xFFFFE003, lr  }
0x1b: {  	s9 =	sadd.s32 $0xFFFFFEF7, lr;
	s5 =	simm.s32 $0xFFFFFFFF;
	p2 =	slt.u32 s8, $0xFFFFF086  }
0x1c: {  	p1 =	slt.u32 s9, $0xF7A;
	s5 =	simm.s32 @!p2 $0x0  }
0x1d: {  	s5 =	simm.s32 @p1 $0x1;
	p0 =	seq.s32 s7, s2  }
0x1e: {  	s7 =	smul.u32 @!p0 $0xF7A, s2;
	p2 =	seq.s32 @!p0 s5, $0x0  }
0x1f: {  	s9 =	smul.u32 $0xF7A, s1;
	s8 =	simm.s32 @!p0 $0x1BF5;
	p2 =	por !p2, p0  }
0x20: {  	[sflag:s8] =	ssyncset.s32 @!p0 $0xFFFFF086;
	s6 =	sadd.s32 @!p0 s3, s7;
	s7 =	simm.s32 @!p0 $0x108  }
0x21: {  	s3 =	sadd.s32 s3, s9;
	s6 =	sadd.s32 @!p0 $0x88, s6;
	s7 =	simm.s32 @p2 $0x1082  }
0x22: {  	[simem:s7], [sflag:s8] =	dma.local @!p0 [hbm:s6], $0xF7A  }
0x23: {  	s9 =	sor.u32 $0xD0000000, s2;
	s6 =	simm.s32 $0x108;
	_ =	swait.ge @!p0 [sflag:s8], $0x0  }
0x24: {  	s3 =	sadd.s32 $0x88, s3;
	s6 =	simm.s32 @!p1 $0x1082;
	[sflag:s4] =	ssyncset.s32 $0xFFFFF086  }
0x25: {  	[simem:s6], [sflag:s4] =	dma.local [hbm:s3], $0xF7A  }
0x26: {  	[smem:$0x3F9F] =	sst s1;
	(tag) =	ssettag s2;
	_ =	strace s9  }
0x27: {  	s1 =	sld [smem:$0x3FAF]  }
0x28: {  	s2 =	sld [smem:$0x3FB0]  }
0x29: {  	s4 =	sld [smem:$0x3FB2]  }
0x2a: {  	p0 =	seq.s32 s5, $0x0;
	s5 =	sld [smem:$0x3FB3]  }
0x2b: {  	s6 =	sld [smem:$0x3FB4]  }
0x2c: {  	s7 =	sld [smem:$0x3FB5]  }
0x2d: {  	s3 =	simm.s32 $0x108;
	s8 =	sld [smem:$0x3FB6]  }
0x2e: {  	s3 =	simm.s32 @!p0 $0x1082;
	s9 =	sld [smem:$0x3FB7]  }
0x2f: {  	lr =	sadd.s32 s0, s3;
	s0 =	sld [smem:$0x3FAE]  }
0x30: {  	s3 =	sld [smem:$0x3FB1]  }
0x31: {  	[smem:$0x3FBA] =	sst s10  }
0x32: {  	s10 =	sld [smem:$0x3FB8];
	_ =	sdelay $0x3  }
0x33: {  	p0 =	seq.s32 s10, $0x1;
	s10 =	sld [smem:$0x3FBA];
	_ =	sdelay $0x3  }
0x34: {  	[smem:$0x3FBA] =	sst s10  }
0x35: {  	s10 =	sld [smem:$0x3FB9];
	_ =	sdelay $0x3  }
0x36: {  	p1 =	seq.s32 s10, $0x1;
	s10 =	sld [smem:$0x3FBA];
	_ =	sdelay $0x3  }
0x37: {  	[smem:$0x3FBA] =	sst s10  }
0x38: {  	s10 =	sld [smem:$0x3FBB]  }
0x39: {  	_ = 	snop;
	(pc) =	sbr.ind lr, $3  }
0x3a: {  	_ = 	snop  }
0x3b: {  	_ = 	snop  }
0x3c: {  	p2 =	seq.s32 s10, $0x1;
	s10 =	sld [smem:$0x3FBA]  }
0x3d: {  	_ =	shalt  }
0x3e: {  	_ =	shalt  }
0x3f: {  	_ =	shalt  }
0x40: {  	_ =	shalt  }
0x41: {  	_ =	shalt  }
0x42: {  	_ =	shalt  }
0x43: {  	_ =	shalt  }
0x44: {  	_ =	shalt  }
0x45: {  	_ =	shalt  }
0x46: {  	_ =	shalt  }
0x47: {  	_ =	shalt  }
0x48: {  	_ =	shalt  }
0x49: {  	_ =	shalt  }
0x4a: {  	_ =	shalt  }
0x4b: {  	_ =	shalt  }
0x4c: {  	_ =	shalt  }
0x4d: {  	_ =	shalt  }
0x4e: {  	_ =	shalt  }
0x4f: {  	_ =	shalt  }
0x50: {  	_ =	shalt  }
0x51: {  	_ =	shalt  }
0x52: {  	_ =	shalt  }
0x53: {  	_ =	shalt  }
0x54: {  	_ =	shalt  }
0x55: {  	_ =	shalt  }
0x56: {  	_ =	shalt  }
0x57: {  	_ =	shalt  }
0x58: {  	_ =	shalt  }
0x59: {  	_ =	shalt  }
0x5a: {  	_ =	shalt  }
0x5b: {  	_ =	shalt  }
0x5c: {  	_ =	shalt  }
0x5d: {  	_ =	shalt  }
0x5e: {  	_ =	shalt  }
0x5f: {  	_ =	shalt  }
0x60: {  	_ =	shalt  }
0x61: {  	_ =	shalt  }
0x62: {  	_ =	shalt  }
0x63: {  	_ =	shalt  }
0x64: {  	_ =	shalt  }
0x65: {  	_ =	shalt  }
0x66: {  	_ =	shalt  }
0x67: {  	_ =	shalt  }
0x68: {  	_ =	shalt  }
0x69: {  	_ =	shalt  }
0x6a: {  	_ =	shalt  }
0x6b: {  	_ =	shalt  }
0x6c: {  	_ =	shalt  }
0x6d: {  	_ =	shalt  }
0x6e: {  	_ =	shalt  }
0x6f: {  	_ =	shalt  }
0x70: {  	_ =	shalt  }
0x71: {  	_ =	shalt  }
0x72: {  	_ =	shalt  }
0x73: {  	_ =	shalt  }
0x74: {  	_ =	shalt  }
0x75: {  	_ =	shalt  }
0x76: {  	_ =	shalt  }
0x77: {  	_ =	shalt  }
0x78: {  	_ =	shalt  }
0x79: {  	_ =	shalt  }
0x7a: {  	_ =	shalt  }
0x7b: {  	_ =	shalt  }
0x7c: {  	_ =	shalt  }
0x7d: {  	_ =	shalt  }
0x7e: {  	_ =	shalt  }
0x7f: {  	_ =	shalt  }
0x80: {  	_ =	shalt  }
0x81: {  	_ =	shalt  }
0x82: {  	_ =	shalt  }
0x83: {  	_ =	shalt  }
0x84: {  	_ =	shalt  }
0x85: {  	_ =	shalt  }
0x86: {  	_ =	shalt  }
0x87: {  	_ =	shalt  }
.Lfunc_end0:
.L_simem_size_0:
called_computation_lowered:
.L_overlay_start_0:
0x88: {  	s2 =	sld [smem:$0x3FD9]  }
0x89: {  	s3 =	sld [smem:$0x3FFE];
	_ =	sdelay $0x1  }
0x8a: {  	s1 =	srdreg.scid  }
0x8b: {  	s0 =	sand.u32 $0x1, s1  }
0x8c: {  	s17 =	sshll.u32 s0, $0xA;
	s2 =	sadd.s32 s3, s2  }
0x8d: {  	s2 =	sadd.s32 s2, s17  }
0x8e: {  	[smem:$0x3FC6] =	sst s2  }
0x8f: {  	_ = 	snop  }
0x90: {  	s2 =	sld [smem:$0x3FC8];
	(tm) =	ssettm $0x1  }
0x91: {  	s18 =	sld [smem:$0x3FFB];
	_ =	sdelay $0x3  }
0x92: {  	_ =	strace s18  }
0x93: {  	s3 =	sld [smem:$0x3FFC];
	_ =	sdelay $0x3  }
0x94: {  	_ =	strace s3  }
0x95: {  	s3 =	sld [smem:$0x3FFD];
	_ =	sdelay $0x3  }
0x96: {  	_ =	strace s3  }
0x97: {  	_ =	strace $0x8FFFFFFF  }
0x98: {  	s19 =	sld [smem:$0x3FDB];
	_ =	sdelay $0x1  }
0x99: {  	s4 =	simm.s32 $_scs_section_size  }
0x9a: {  	s5 =	simm.s32 $_size__tile_overlayer_lowered;
	s6 =	simm.s32 $_tile_overlayer_lowered  }
0x9b: {  	s22 =	simm.s32 $0x1BFF;
	s21 =	sshll.u32 s6, $0x1;
	s3 =	sadd.s32 s4, s19  }
0x9c: {  	s7 =	simm.s32 $0x0;
	s20 =	sshll.u32 s5, $0x1;
	s5 =	sadd.s32 s21, s3  }
0x9d: {  	[timem:s7], [sflag:s22] =	dma.local [hbm:s5], s20  }
0x9e: {  	_ =	swait.ge [sflag:s22], s20  }
0x9f: {  	s4 =	ssub.s32 $0x0, s20;
	[sflag:s22] =	ssyncset.done $0x0  }
0xa0: {  	[sflag:s22] =	ssyncadd.s32 s4;
	_ =	sdelay $0x1  }
0xa1: {  	s23 =	simm.s32 $0x1B8B  }
0xa2: {  	_ =	swait.ge [sflag:s23], $0x1  }
0xa3: {  	[sflag:s23] =	ssyncset.done $0x0  }
0xa4: {  	s25 =	simm.s32 $0x1B8E;
	s24 =	sld [smem:$0x3FFE];
	[sflag:s23] =	ssyncadd.s32 $0xFFFFFFFF  }
0xa5: {  	s26 =	simm.s32 $execute0_lowered;
	[smem:$0x3FD2] =	sst s25  }
0xa6: {  	s5 =	sshll.u32 s26, $0x1;
	_ =	strace $0x80000046;
	[dreg:$0x1] =	wrdreg $0xFFFFFFFF  }
0xa7: {  	s28 =	simm.s32 $_size_execute0_lowered;
	s3 =	sadd.s32 s3, s5;
	[dreg:$0x0] =	wrdreg $0x0  }
0xa8: {  	s5 =	sshll.u32 s28, $0x1;
	[dreg:$0x2] =	wrdreg s3  }
0xa9: {  	[dreg:$0x3] =	wrdreg s5  }
0xaa: {  	[dreg:$0x4] =	wrdreg $0xC0  }
0xab: {  	_ =	task [dreg:s7], $0x5FFFF  }
0xac: {  	[dreg:$0x1] =	wrdreg $0xFFFFFFFF  }
0xad: {  	[dreg:$0x0] =	wrdreg $0x60  }
0xae: {  	[dreg:$0x2] =	wrdreg s24  }
0xaf: {  	[dreg:$0x3] =	wrdreg s2  }
0xb0: {  	[dreg:$0x4] =	wrdreg $0x9  }
0xb1: {  	_ =	task.clear_ibuf [dreg:s7], $0x5FFFF;
	_ =	strace $0x90000046  }
0xb2: {  	s29 =	simm.s32 $0x9;
	_ =	strace $0x80000048  }
0xb3: {  	_ =	swait.ge [sflag:s29], $0x1  }
0xb4: {  	[sflag:s29] =	ssyncadd.s32 $0xFFFFFFFF  }
0xb5: {  	_ =	strace $0x90000048  }
0xb6: {  	_ =	sfence  }
0xb7: {  	s30 =	sld [smem:$0x0];
	_ =	sdelay $0x2  }
0xb8: {  	s31 =	sshll.u32 s1, $0xD;
	s1 =	sshrl.u32 s1, $0x2  }
0xb9: {  	s3 =	sand.u32 $0x4000, s31;
	s1 =	sadd.s32 s1, s30  }
0xba: {  	s0 =	sor.u32 s3, s0;
	s1 =	sshll.u32 s1, $0x11  }
0xbb: {  	s0 =	sor.u32 s1, s0  }
0xbc: {  	s0 =	sadd.s32 $0x8F2B, s0  }
0xbd: {  	[sflag:s0] =	ssyncadd.remote.s32 $0x1  }
0xbe: {  	_ =	sfence.sel $0xFFFF  }
0xbf: {  	[dreg:$0x0] =	wrdreg $0xFFFFFFFF;
	(pc) =	sbr.abs _section_cstart, $3  }
0xc0: {  	[dreg:$0x1] =	wrdreg $0xFFFFFFFF  }
0xc1: {  	_ =	task.clear_ibuf [dreg:s7], $0x2FFFF;
	_ =	strace $0x9FFFFFFF  }
0xc2: {  	(tm) =	ssettm $0x7FFFFFFF  }
0xc3: {  	_ =	shalt  }
tec
execute0_lowered:
.L_overlay_start_1:
0x0: {  	(tag) =	ssettag $0x1  }
0x1: {  	s0 =	rddreg [dreg:$0x0]  }
0x2: {  	s1 =	rddreg [dreg:$0x1];
	s2 =	simm.s32 $0x0  }
0x3: {  	s16 =	srdreg.scid;
	s3 =	stileid.u32;
	s31 =	simm.s32 $0x1  }
0x4: {  	[smem:$0x7FF] =	sst s2;
	s2 =	sand.u32 $0x1, s16;
	s3 =	sshll.u32 s3, $0x1  }
0x5: {  	s28 =	simm.s32 $0x9800;
	s29 =	simm.s32 $0xA800;
	s3 =	sor.u32 s2, s3  }
0x6: {  	s4 =	sadd.s32 $0x600, s0;
	s5 =	sshll.u32 s3, $0x6;
	s7 =	sshll.u32 s3, $0xB  }
0x7: {  	s0 =	sadd.s32 s5, s0;
	s5 =	sadd.s32 s4, s7;
	s26 =	sadd.s32 s1, s7  }
0x8: {  	v0 =	vimm.f32 $4.096000000e+03;
	_ =	strace $0x80000047;
	s17 =	sadd.s32 $0x10000, s5;
	[dreg:$0xc] =	wrdreg s26  }
0x9: {  	s30 =	simm.s32 $0xB000;
	(erf) = vrcp.f32 v0;
	v0 =	vlaneseq.u32;
	s18 =	sadd.s32 $0x20000, s5;
	[dreg:$0x3] =	wrdreg s17  }
0xa: {  	s8 =	simm.s32 $0x3;
	v53 =	vmul.u32 $0x100, v0;
	s19 =	sadd.s32 $0x30000, s5;
	[dreg:$0x4] =	wrdreg s18  }
0xb: {  	s9 =	simm.s32 $0x0;
	s20 =	sadd.s32 $0x40000, s5;
	[dreg:$0x5] =	wrdreg s19  }
0xc: {  	s2 =	ssub.s32 $0x2, s2;
	s21 =	sadd.s32 $0x50000, s5;
	[dreg:$0x6] =	wrdreg s20;
	v1 =	vor.u32 $0x1E, v53;
	[tilespmem:$0x1FF60] =	vst v53  }
0xd: {  	s6 =	sshrl.u32 s2, $0x1;
	s22 =	sadd.s32 $0x60000, s5;
	[dreg:$0x7] =	wrdreg s21;
	v2 =	vor.u32 $0x2D, v53;
	[tilespmem:$0x1FF70] =	vst v1  }
0xe: {  	s2 =	ssub.s32 s2, s6;
	s23 =	sadd.s32 $0x70000, s5;
	[dreg:$0x8] =	wrdreg s22;
	v3 =	vor.u32 $0x3C, v53;
	[tilespmem:$0x1FF80] =	vst v2  }
0xf: {  	s6 =	sshll.u32 s3, $0xE;
	s24 =	sadd.s32 $0x80000, s5;
	[dreg:$0x9] =	wrdreg s23;
	v4 =	vor.u32 $0x4B, v53;
	[tilespmem:$0x1FF90] =	vst v3  }
0x10: {  	s3 =	simm.s32 $0xC000;
	s25 =	sadd.s32 $0x90000, s5;
	[dreg:$0xa] =	wrdreg s24;
	v5 =	vor.u32 $0x5A, v53;
	[tilespmem:$0x1FFA0] =	vst v4  }
0x11: {  	s7 =	simm.s32 $0x2;
	s0 =	sadd.s32 $0xA0600, s0;
	[dreg:$0xb] =	wrdreg s25;
	v6 =	vor.u32 $0x69, v53;
	[tilespmem:$0x1FFB0] =	vst v5  }
0x12: {  	s26 =	simm.s32 $0x9000;
	s17 =	sor.u32 $0x1000, s6;
	[dreg:$0xd] =	wrdreg s0;
	v7 =	vor.u32 $0x78, v53;
	[tilespmem:$0x1FFD0] =	vst v6  }
0x13: {  	s19 =	smax.u32 s2, $0x1;
	s0 =	simm.s32 $0x5000;
	s2 =	simm.s32 $0x5800;
	v8 =	vor.u32 $0x87, v53;
	[tilespmem:$0x1FFE0] =	vst v7  }
0x14: {  	s20 =	simm.s32 $0x6000;
	s21 =	simm.s32 $0x6800;
	s22 =	simm.s32 $0x7000;
	[tilespmem:$0x1FFF0] =	vst v8;
	v50 =	vpop (erf)  }
0x15: {  	v32 =	vimm.f32 $1.000000000e+00;
	v0 =	vimm.f32 $0.0e+00;
	s23 =	simm.s32 $0x7800;
	s24 =	simm.s32 $0x8000;
	s25 =	simm.s32 $0x8800;
	[tilespmem:$0x1FFC0] =	vst v50  }
.LBB2_1:
0x16: {  	s10 =	simm.s32 $0xB040  }
0x17: {  	[tilespmem:s10+$0x30] =	vst v0  }
0x18: {  	[tilespmem:s10+$0xFFFFFFF0] =	vst v0  }
0x19: {  	[tilespmem:s10+$0xFFFFFFC0] =	vst v0  }
0x1a: {  	[tilespmem:s10+$0xFFFFFFE0] =	vst v0  }
0x1b: {  	[tilespmem:s10+$0x10] =	vst v0  }
0x1c: {  	[tilespmem:s10+$0x20] =	vst v0  }
0x1d: {  	[tilespmem:s10+$0x0] =	vst v0  }
0x1e: {  	s11 =	simm.s32 $0xC040;
	[tilespmem:s10+$0xFFFFFFD0] =	vst v0  }
0x1f: {  	[tilespmem:s11+$0xFFFFFFC0] =	vst v0  }
0x20: {  	[tilespmem:s11+$0x30] =	vst v0  }
0x21: {  	[tilespmem:s11+$0x20] =	vst v0  }
0x22: {  	[tilespmem:s11+$0x10] =	vst v0  }
0x23: {  	[tilespmem:s11+$0xFFFFFFE0] =	vst v0  }
0x24: {  	[tilespmem:s11+$0x0] =	vst v0  }
0x25: {  	s12 =	simm.s32 $0x0;
	[tilespmem:s11+$0xFFFFFFF0] =	vst v0  }
.LBB2_2:
0x26: {  	s12 =	sadd.s32 $0x8, s12;
	[tilespmem:s11+$0xFFFFFFD0] =	vst v0;
	s10 =	sadd.s32 $0x80, s10;
	s11 =	sadd.s32 $0x80, s11  }
0x27: {  	[tilespmem:s10+$0x30] =	vst v0;
	p0 =	slt.u32 s12, $0xF8  }
0x28: {  	[tilespmem:s10+$0xFFFFFFF0] =	vst v0  }
0x29: {  	[tilespmem:s10+$0xFFFFFFC0] =	vst v0  }
0x2a: {  	[tilespmem:s11+$0xFFFFFFC0] =	vst v0  }
0x2b: {  	[tilespmem:s11+$0x30] =	vst v0  }
0x2c: {  	[tilespmem:s10+$0xFFFFFFE0] =	vst v0  }
0x2d: {  	[tilespmem:s10+$0x10] =	vst v0  }
0x2e: {  	[tilespmem:s10+$0x20] =	vst v0  }
0x2f: {  	[tilespmem:s11+$0x20] =	vst v0  }
0x30: {  	[tilespmem:s11+$0x10] =	vst v0  }
.Ltmp0:
0x31: {  	[tilespmem:s11+$0xFFFFFFE0] =	vst v0;
	(pc) =	sbr.rel @p0 .LBB2_2-.Ltmp0, $4  }
0x32: {  	[tilespmem:s10+$0x0] =	vst v0  }
0x33: {  	[tilespmem:s11+$0x0] =	vst v0  }
0x34: {  	[tilespmem:s11+$0xFFFFFFF0] =	vst v0  }
0x35: {  	[tilespmem:s10+$0xFFFFFFD0] =	vst v0  }
0x36: {  	[tilespmem:s11+$0xFFFFFFD0] =	vst v0;
	s10 =	simm.s32 $0x0  }
0x37: {  	[tilespmem:s10], [sflag:$0x1] =	stream.linear.gather [hbm4b:s5+s10], $0x800, $0x38;
	[tilespmem:$0xD200] =	vst v63  }
0x38: {  	s12 =	simm.s32 $0x800;
	s11 =	rddreg [dreg:$0x3]  }
0x39: {  	[tilespmem:s12], [sflag:$0x1] =	stream.linear.gather [hbm4b:s11+s10], $0x800, $0x38;
	[tilespmem:$0xD200] =	vst v63  }
0x3a: {  	s13 =	simm.s32 $0x1000;
	s12 =	rddreg [dreg:$0x4]  }
0x3b: {  	[tilespmem:s13], [sflag:$0x1] =	stream.linear.gather [hbm4b:s12+s10], $0x800, $0x38;
	[tilespmem:$0xD200] =	vst v63  }
0x3c: {  	s15 =	simm.s32 $0x1800;
	s14 =	rddreg [dreg:$0x5]  }
0x3d: {  	[tilespmem:s15], [sflag:$0x1] =	stream.linear.gather [hbm4b:s14+s10], $0x800, $0x38;
	[tilespmem:$0xD200] =	vst v63  }
0x3e: {  	s18 =	simm.s32 $0x2000;
	s16 =	rddreg [dreg:$0x6]  }
0x3f: {  	[tilespmem:s18], [sflag:$0x1] =	stream.linear.gather [hbm4b:s16+s10], $0x800, $0x38;
	[tilespmem:$0xD200] =	vst v63  }
0x40: {  	s12 =	rddreg [dreg:$0x7];
	s13 =	simm.s32 $0x2800  }
0x41: {  	[tilespmem:s13], [sflag:$0x1] =	stream.linear.gather [hbm4b:s12+s10], $0x800, $0x38;
	[tilespmem:$0xD200] =	vst v63  }
0x42: {  	s14 =	rddreg [dreg:$0x8];
	s15 =	simm.s32 $0x3000  }
0x43: {  	[tilespmem:s15], [sflag:$0x1] =	stream.linear.gather [hbm4b:s14+s10], $0x800, $0x38;
	[tilespmem:$0xD200] =	vst v63  }
0x44: {  	s16 =	rddreg [dreg:$0x9];
	s18 =	simm.s32 $0x3800  }
0x45: {  	[tilespmem:s18], [sflag:$0x1] =	stream.linear.gather [hbm4b:s16+s10], $0x800, $0x38;
	[tilespmem:$0xD200] =	vst v63  }
0x46: {  	s12 =	rddreg [dreg:$0xa];
	s13 =	simm.s32 $0x4000  }
0x47: {  	[tilespmem:s13], [sflag:$0x1] =	stream.linear.gather [hbm4b:s12+s10], $0x800, $0x38;
	[tilespmem:$0xD200] =	vst v63  }
0x48: {  	s14 =	rddreg [dreg:$0xb];
	s15 =	simm.s32 $0x4800  }
0x49: {  	[tilespmem:s15], [sflag:$0x1] =	stream.linear.gather [hbm4b:s14+s10], $0x800, $0x38;
	[tilespmem:$0xD200] =	vst v63  }
0x4a: {  	s11 =	simm.s32 $0x0;
	s16 =	rddreg [dreg:$0xc];
	s18 =	simm.s32 $0xA000  }
0x4b: {  	[tilespmem:s18], [sflag:$0x1] =	stream.linear.gather [hbm4b:s16+s10], $0x800, $0x38;
	[tilespmem:$0xD200] =	vst v63  }
.LBB2_4:
0x4c: {  	_ =	swait.ge [sflag:s31], $0x800  }
0x4d: {  	[sflag:s31] =	ssyncset.done $0x0  }
0x4e: {  	[sflag:s31] =	ssyncadd.s32 $0xFFFFF800  }
0x4f: {  	_ =	swait.ge [sflag:s31], $0x800  }
0x50: {  	[sflag:s31] =	ssyncset.done $0x0  }
0x51: {  	[sflag:s31] =	ssyncadd.s32 $0xFFFFF800  }
0x52: {  	_ =	swait.ge [sflag:s31], $0x800  }
0x53: {  	[sflag:s31] =	ssyncset.done $0x0  }
0x54: {  	[sflag:s31] =	ssyncadd.s32 $0xFFFFF800  }
0x55: {  	_ =	swait.ge [sflag:s31], $0x800  }
0x56: {  	[sflag:s31] =	ssyncset.done $0x0  }
0x57: {  	[sflag:s31] =	ssyncadd.s32 $0xFFFFF800  }
0x58: {  	_ =	swait.ge [sflag:s31], $0x800  }
0x59: {  	[sflag:s31] =	ssyncset.done $0x0  }
0x5a: {  	[sflag:s31] =	ssyncadd.s32 $0xFFFFF800  }
0x5b: {  	_ =	swait.ge [sflag:s31], $0x800  }
0x5c: {  	[sflag:s31] =	ssyncset.done $0x0  }
0x5d: {  	[sflag:s31] =	ssyncadd.s32 $0xFFFFF800  }
0x5e: {  	_ =	swait.ge [sflag:s31], $0x800  }
0x5f: {  	[sflag:s31] =	ssyncset.done $0x0  }
0x60: {  	[sflag:s31] =	ssyncadd.s32 $0xFFFFF800  }
0x61: {  	_ =	swait.ge [sflag:s31], $0x800  }
0x62: {  	[sflag:s31] =	ssyncset.done $0x0  }
0x63: {  	[sflag:s31] =	ssyncadd.s32 $0xFFFFF800  }
0x64: {  	_ =	swait.ge [sflag:s31], $0x800  }
0x65: {  	[sflag:s31] =	ssyncset.done $0x0  }
0x66: {  	[sflag:s31] =	ssyncadd.s32 $0xFFFFF800  }
0x67: {  	_ =	swait.ge [sflag:s31], $0x800  }
0x68: {  	s12 =	sshll.u32 s11, $0xC;
	[sflag:s31] =	ssyncset.done $0x0  }
0x69: {  	s13 =	sor.u32 s12, s6;
	[sflag:s31] =	ssyncadd.s32 $0xFFFFF800  }
0x6a: {  	s13 =	sshrl.u32 s13, $0x3;
	_ =	swait.ge [sflag:s31], $0x800  }
0x6b: {  	s14 =	sor.u32 $0x100, s13;
	[sflag:s31] =	ssyncset.done $0x0  }
0x6c: {  	s18 =	sor.u32 $0x10100, s13;
	s15 =	sadd.s32 s4, s14;
	[sflag:s31] =	ssyncadd.s32 $0xFFFFF800  }
0x6d: {  	[tilespmem:s0], [sflag:$0x2] =	stream.linear.gather [hbm4b:s15+s10], $0x800, $0x38;
	[tilespmem:$0xD200] =	vst v63  }
0x6e: {  	s16 =	sor.u32 $0x20100, s13;
	s15 =	sadd.s32 s4, s18  }
0x6f: {  	[tilespmem:s2], [sflag:$0x2] =	stream.linear.gather [hbm4b:s15+s10], $0x800, $0x38;
	[tilespmem:$0xD200] =	vst v63  }
0x70: {  	s18 =	sor.u32 $0x30100, s13;
	s15 =	sadd.s32 s4, s16  }
0x71: {  	[tilespmem:s20], [sflag:$0x2] =	stream.linear.gather [hbm4b:s15+s10], $0x800, $0x38;
	[tilespmem:$0xD200] =	vst v63  }
0x72: {  	s16 =	sor.u32 $0x40100, s13;
	s15 =	sadd.s32 s4, s18  }
0x73: {  	[tilespmem:s21], [sflag:$0x2] =	stream.linear.gather [hbm4b:s15+s10], $0x800, $0x38;
	[tilespmem:$0xD200] =	vst v63  }
0x74: {  	s18 =	sor.u32 $0x50100, s13;
	s15 =	sadd.s32 s4, s16  }
0x75: {  	[tilespmem:s22], [sflag:$0x2] =	stream.linear.gather [hbm4b:s15+s10], $0x800, $0x38;
	[tilespmem:$0xD200] =	vst v63  }
0x76: {  	s16 =	sor.u32 $0x60100, s13;
	s15 =	sadd.s32 s4, s18  }
0x77: {  	[tilespmem:s23], [sflag:$0x2] =	stream.linear.gather [hbm4b:s15+s10], $0x800, $0x38;
	[tilespmem:$0xD200] =	vst v63  }
0x78: {  	s18 =	sor.u32 $0x70100, s13;
	s15 =	sadd.s32 s4, s16  }
0x79: {  	[tilespmem:s24], [sflag:$0x2] =	stream.linear.gather [hbm4b:s15+s10], $0x800, $0x38;
	[tilespmem:$0xD200] =	vst v63  }
0x7a: {  	s16 =	sor.u32 $0x80100, s13;
	s15 =	sadd.s32 s4, s18  }
0x7b: {  	[tilespmem:s25], [sflag:$0x2] =	stream.linear.gather [hbm4b:s15+s10], $0x800, $0x38;
	[tilespmem:$0xD200] =	vst v63  }
0x7c: {  	s13 =	sor.u32 $0x90100, s13;
	s15 =	sadd.s32 s4, s16  }
0x7d: {  	[tilespmem:s26], [sflag:$0x2] =	stream.linear.gather [hbm4b:s15+s10], $0x800, $0x38;
	[tilespmem:$0xD200] =	vst v63  }
0x7e: {  	s13 =	sadd.s32 s4, s13  }
0x7f: {  	v34 =	vld [tilespmem:$0x1FF70];
	[tilespmem:s28], [sflag:$0x2] =	stream.linear.gather [hbm4b:s13+s10], $0x800, $0x38  }
0x80: {  	v45 =	vld [tilespmem:$0x1FF80];
	s18 =	sadd.s32 s1, s14;
	s14 =	simm.s32 $0x0;
	s13 =	simm.s32 $0xFFFFFFF8  }
0x81: {  	v63 =	vld [tilespmem:$0x1FF90];
	[tilespmem:s29], [sflag:$0x2] =	stream.linear.gather [hbm4b:s18+s10], $0x800, $0x38  }
.LBB2_5:
0x82: {  	s15 =	sshra.s32 s14, $0x2  }
0x83: {  	v0 =	vld [tilespmem:s15+$0x0]  }
0x84: {  	v1 =	vld [tilespmem:s15+$0x800]  }
0x85: {  	v3 =	vld [tilespmem:s15+$0x1000]  }
0x86: {  	v4 =	vld [tilespmem:s15+$0x1800]  }
0x87: {  	v5 =	vld [tilespmem:s15+$0x2000]  }
0x88: {  	v6 =	vld [tilespmem:s15+$0x2800];
	v0 =	vmul.f32 $1.442695020e+00, v0  }
0x89: {  	v7 =	vld [tilespmem:s15+$0x3000];
	v1 =	vmul.f32 $1.442695020e+00, v1  }
0x8a: {  	v8 =	vld [tilespmem:s15+$0x3800];
	v18 =	vmul.f32 $1.442695020e+00, v3;
	(erf) = vpow2.f32 v0  }
0x8b: {  	v19 =	vmul.f32 $1.442695020e+00, v4;
	(erf) = vpow2.f32 v1  }
0x8c: {  	v20 =	vmul.f32 $1.442695020e+00, v5;
	(erf) = vpow2.f32 v18  }
0x8d: {  	v22 =	vmul.f32 $1.442695020e+00, v6;
	v21 =	vld [tilespmem:s15+$0x4000];
	(erf) = vpow2.f32 v19  }
0x8e: {  	v24 =	vmul.f32 $1.442695020e+00, v7;
	v23 =	vld [tilespmem:s15+$0x4800];
	(erf) = vpow2.f32 v20  }
0x8f: {  	v25 =	vmul.f32 $1.442695020e+00, v8;
	(erf) = vpow2.f32 v22  }
0x90: {  	(erf) = vpow2.f32 v24  }
0x91: {  	(erf) = vpow2.f32 v25  }
0x92: {  	v26 =	vmul.f32 $1.442695020e+00, v21  }
0x93: {  	v28 =	vmul.f32 $1.442695020e+00, v23;
	v27 =	vpop (erf)  }
0x94: {  	(erf) = vpow2.f32 v26;
	v29 =	vpop (erf)  }
0x95: {  	(erf) = vpow2.f32 v28;
	v30 =	vpop (erf)  }
0x96: {  	v15 =	vpop (erf)  }
0x97: {  	v16 =	vpop (erf)  }
0x98: {  	v17 =	vpop (erf)  }
0x99: {  	v4 =	vpop (erf)  }
0x9a: {  	v31 =	vadd.f32 v29, v27;
	v33 =	vadd.f32 v15, v30;
	v8 =	vpop (erf)  }
0x9b: {  	v35 =	vadd.f32 v17, v16;
	v36 =	vadd.f32 v8, v4;
	_ =	sdelay $0x1  }
0x9c: {  	v37 =	vld [tilespmem:s15+$0x10];
	v1 =	vadd.f32 v33, v31;
	v11 =	vpop (erf);
	v5 =	vadd.f32 v36, v35  }
0x9d: {  	v9 =	vld [tilespmem:s15+$0x810];
	v3 =	vpop (erf)  }
0x9e: {  	v38 =	vld [tilespmem:s15+$0x1010];
	v10 =	vadd.f32 v3, v11;
	v1 =	vadd.f32 v5, v1  }
0x9f: {  	v12 =	vld [tilespmem:s15+$0x1810]  }
0xa0: {  	v39 =	vld [tilespmem:s15+$0x2010];
	v1 =	vadd.f32 v10, v1  }
0xa1: {  	v13 =	vld [tilespmem:s15+$0x2810];
	v6 =	vmul.f32 $1.442695020e+00, v37  }
0xa2: {  	v40 =	vld [tilespmem:s15+$0x3010];
	v9 =	vmul.f32 $1.442695020e+00, v9;
	(erf) = vrcp.f32 v1  }
0xa3: {  	v14 =	vld [tilespmem:s15+$0x3810];
	v5 =	vmul.f32 $1.442695020e+00, v38;
	(erf) = vpow2.f32 v6  }
0xa4: {  	v41 =	vmul.f32 $1.442695020e+00, v12;
	(erf) = vpow2.f32 v9  }
0xa5: {  	v42 =	vmul.f32 $1.442695020e+00, v39;
	(erf) = vpow2.f32 v5  }
0xa6: {  	v43 =	vld [tilespmem:s15+$0x4010];
	v44 =	vmul.f32 $1.442695020e+00, v13;
	(erf) = vpow2.f32 v41  }
0xa7: {  	v46 =	vld [tilespmem:s15+$0x4810];
	v1 =	vmul.f32 $1.442695020e+00, v40;
	(erf) = vpow2.f32 v42  }
0xa8: {  	v47 =	vmul.f32 $1.442695020e+00, v14;
	(erf) = vpow2.f32 v44  }
0xa9: {  	(erf) = vpow2.f32 v1  }
0xaa: {  	(erf) = vpow2.f32 v47  }
0xab: {  	v49 =	vmul.f32 $1.442695020e+00, v43;
	v48 =	vpop (erf)  }
0xac: {  	v54 =	vld [tilespmem:s15+$0x820];
	v50 =	vmul.f32 $1.442695020e+00, v46;
	v18 =	vpop (erf)  }
0xad: {  	v57 =	vld [tilespmem:s15+$0x1820];
	(erf) = vpow2.f32 v49;
	v51 =	vpop (erf)  }
0xae: {  	v25 =	vld [tilespmem:s15+$0x20];
	v10 =	vpop (erf);
	(erf) = vpow2.f32 v50  }
0xaf: {  	v58 =	vld [tilespmem:s15+$0x2020];
	v13 =	vpop (erf)  }
0xb0: {  	v14 =	vld [tilespmem:s15+$0xA000];
	v9 =	vpop (erf)  }
0xb1: {  	v1 =	vpop (erf)  }
0xb2: {  	v0 =	vmul.f32 $1.442695020e+00, v54;
	v61 =	vmul.f32 $1.442695020e+00, v57;
	v6 =	vpop (erf)  }
0xb3: {  	v25 =	vmul.f32 $1.442695020e+00, v25;
	v19 =	vadd.f32 v51, v18;
	v20 =	vadd.f32 v13, v10;
	v5 =	vpop (erf)  }
0xb4: {  	v23 =	vmul.f32 $1.500000000e+01, v48;
	v21 =	vadd.f32 v1, v9;
	v22 =	vadd.f32 v5, v6  }
0xb5: {  	vm10 =	veq.s32 v14, $0x0;
	vm12 =	veq.s32 v14, $0x2;
	v33 =	vmul.f32 $1.442695020e+00, v58  }
0xb6: {  	v55 =	vmul.f32 v23, v27;
	v19 =	vadd.f32 v20, v19;
	v12 =	vpop (erf);
	v52 =	vadd.f32 v22, v21  }
0xb7: {  	vm14 =	veq.s32 v14, $0x3;
	v42 =	vmul.f32 v23, v30;
	v48 =	vmul.f32 v23, v15;
	v7 =	vpop (erf)  }
0xb8: {  	v56 =	vld [tilespmem:s15+$0x1020];
	v44 =	vmul.f32 v23, v16;
	v27 =	vadd.f32 v7, v12;
	v19 =	vadd.f32 v52, v19  }
0xb9: {  	vm15 =	veq.s32 v14, $0x4;
	v37 =	vmul.f32 v23, v4;
	v26 =	vtrunc.f32 v55  }
0xba: {  	v31 =	vld [tilespmem:s15+$0x3820];
	v28 =	vtrunc.f32 v42;
	v30 =	vtrunc.f32 v48;
	v19 =	vadd.f32 v27, v19  }
0xbb: {  	v59 =	vld [tilespmem:s15+$0x2820];
	vm5 =	veq.s32 v14, $0x5;
	v58 =	vtrunc.f32 v44;
	v26 =	vcvt.f32.s32 v26  }
0xbc: {  	v60 =	vld [tilespmem:s15+$0x3020];
	vm7 =	veq.s32 v14, $0x6;
	v29 =	vcvt.f32.s32 v28;
	(erf) = vrcp.f32 v19  }
0xbd: {  	vm9 =	veq.s32 v14, $0x7;
	v20 =	vmul.f32 $1.442695020e+00, v56;
	(erf) = vpow2.f32 v25  }
0xbe: {  	vm2 =	veq.s32 v14, $0x8;
	v57 =	vcvt.f32.s32 v30;
	(erf) = vpow2.f32 v0  }
0xbf: {  	v2 =	vsel vm10, $0x45800800, v32;
	v56 =	vmul.f32 $1.442695020e+00, v31;
	(erf) = vpow2.f32 v20  }
0xc0: {  	v46 =	vsel vm14, $0x45800800, v32;
	v35 =	vld [tilespmem:s15+$0x4020];
	v52 =	vmul.f32 $1.442695020e+00, v59;
	(erf) = vpow2.f32 v61  }
0xc1: {  	v54 =	vld [tilespmem:s15+$0x4820];
	vm0 =	vlt.s32 v26, $0xE;
	v19 =	vmul.f32 $1.442695020e+00, v60;
	(erf) = vpow2.f32 v33  }
0xc2: {  	vm11 =	vlt.s32 v29, $0xE;
	v62 =	vnsel vm0, $0xE, v26;
	(erf) = vpow2.f32 v52  }
0xc3: {  	v51 =	vnsel vm11, $0xE, v29;
	v29 =	vmul.f32 v23, v17;
	(erf) = vpow2.f32 v19  }
0xc4: {  	v39 =	vadd.s32 v53, v62;
	v53 =	vimm.f32 $1.000000000e+00;
	(erf) = vpow2.f32 v56  }
0xc5: {  	v62 =	vcvt.f32.s32 v58;
	v59 =	vmul.f32 $1.442695020e+00, v35;
	v35 =	vsel vm5, $0x45800800, v53;
	v19 =	vpop (erf)  }
0xc6: {  	v41 =	vld [tilespmem:s15+$0x30];
	v50 =	vsel vm15, $0x45800800, v32;
	[tilespmem:$0x1FE80] =	vst v35;
	v35 =	vmul.f32 v23, v11;
	v61 =	vmul.f32 $1.442695020e+00, v54;
	v15 =	vpop (erf)  }
0xc7: {  	vm13 =	vlt.s32 v57, $0xE;
	v43 =	vtrunc.f32 v29;
	(erf) = vpow2.f32 v59;
	v28 =	vpop (erf)  }
0xc8: {  	[tilespmem:$0x1FE70] =	vst v50;
	vm1 =	vlt.s32 v62, $0xE;
	v50 =	vtrunc.f32 v35;
	v16 =	vpop (erf);
	(erf) = vpow2.f32 v61  }
0xc9: {  	[tilespmem:$0x1FE60] =	vst v46;
	v60 =	vsel vm12, $0x45800800, v32;
	v32 =	vmul.f32 v23, v8;
	v46 =	vcvt.f32.s32 v50;
	v17 =	vpop (erf)  }
0xca: {  	v49 =	vnsel vm13, $0xE, v57;
	v47 =	vnsel vm1, $0xE, v62;
	v62 =	vld [tilespmem:s15+$0x1030];
	v20 =	vcvt.f32.s32 v43;
	v36 =	vpop (erf)  }
0xcb: {  	v25 =	vmul.f32 $1.442695020e+00, v41;
	v41 =	vld [tilespmem:s15+$0x3830];
	v4 =	vtrunc.f32 v32;
	vm10 =	vlt.s32 v46, $0xE;
	v54 =	vpop (erf)  }
0xcc: {  	v26 =	vcvt.f32.s32 v4;
	v24 =	vnsel vm10, $0xE, v46;
	vm4 =	vlt.s32 v20, $0xE;
	v58 =	vpop (erf)  }
0xcd: {  	v4 =	vld [tilespmem:s15+$0x1830];
	v33 =	vmul.f32 v23, v3;
	v56 =	vadd.f32 v28, v15;
	v57 =	vadd.f32 v17, v16;
	v59 =	vpop (erf)  }
0xce: {  	v52 =	vtrunc.f32 v37;
	v21 =	vadd.f32 v54, v36;
	v22 =	vadd.f32 v59, v58  }
0xcf: {  	v23 =	vld [tilespmem:s15+$0x830];
	v43 =	vnsel vm4, $0xE, v20;
	v20 =	vmul.f32 $1.442695020e+00, v62;
	v19 =	vmul.f32 $1.500000000e+01, v19  }
0xd0: {  	[tilespmem:$0x1FE50] =	vst v60;
	v30 =	vmul.f32 $1.442695020e+00, v41;
	v38 =	vadd.f32 v57, v56;
	v60 =	vpop (erf);
	v40 =	vadd.f32 v22, v21  }
0xd1: {  	[tilespmem:$0x1FE40] =	vst v47;
	v47 =	vld [tilespmem:s15+$0x2030];
	v62 =	vsel vm9, $0x45800800, v53;
	v8 =	vcvt.f32.s32 v52;
	v28 =	vmul.f32 v19, v18;
	v61 =	vpop (erf)  }
0xd2: {  	[tilespmem:$0x1FE30] =	vst v2;
	v18 =	vmul.f32 $1.442695020e+00, v4;
	v4 =	vld [tilespmem:s15+$0x4830];
	v52 =	vadd.f32 v61, v60;
	v11 =	vadd.f32 v40, v38  }
0xd3: {  	v2 =	vtrunc.f32 v33;
	[tilespmem:$0x1FEA0] =	vst v62;
	v62 =	vld [tilespmem:s15+$0xA010];
	vm6 =	vlt.s32 v8, $0xE;
	v46 =	vmul.f32 v19, v13  }
0xd4: {  	v23 =	vmul.f32 $1.442695020e+00, v23;
	v50 =	vtrunc.f32 v28;
	v38 =	vld [tilespmem:s15+$0x2830];
	v11 =	vadd.f32 v52, v11  }
0xd5: {  	v31 =	vtrunc.f32 v46;
	v56 =	vnsel vm6, $0xE, v8;
	v8 =	vcvt.f32.s32 v2;
	v40 =	vld [tilespmem:s15+$0x3030]  }
0xd6: {  	vm0 =	veq.s32 v14, $0x9;
	v57 =	vmul.f32 $1.442695020e+00, v47;
	(erf) = vrcp.f32 v11  }
0xd7: {  	vm8 =	vlt.s32 v26, $0xE;
	v41 =	vmul.f32 $1.442695020e+00, v4;
	(erf) = vpow2.f32 v25  }
0xd8: {  	v21 =	vnsel vm8, $0xE, v26;
	v26 =	vmul.f32 v19, v10;
	(erf) = vpow2.f32 v23  }
0xd9: {  	v51 =	vadd.s32 v34, v51;
	v2 =	vld [tilespmem:s15+$0x4030];
	v3 =	vmul.f32 $1.442695020e+00, v38;
	(erf) = vpow2.f32 v20  }
0xda: {  	vm1 =	veq.s32 v62, $0x0;
	v11 =	vmul.f32 $1.442695020e+00, v40;
	(erf) = vpow2.f32 v18  }
0xdb: {  	vm9 =	veq.s32 v62, $0x6;
	v38 =	vcvt.f32.s32 v50;
	(erf) = vpow2.f32 v57  }
0xdc: {  	vm10 =	veq.s32 v62, $0x8;
	v40 =	vtrunc.f32 v26;
	(erf) = vpow2.f32 v3  }
0xdd: {  	vm11 =	vlt.s32 v8, $0xE;
	v25 =	vmul.f32 v19, v5;
	(erf) = vpow2.f32 v11  }
0xde: {  	v52 =	vsel vm7, $0x45800800, v53;
	v23 =	vmul.f32 $1.442695020e+00, v2;
	(erf) = vpow2.f32 v30  }
0xdf: {  	v57 =	vnsel vm11, $0xE, v8;
	v8 =	vcvt.f32.s32 v40;
	v30 =	vmul.f32 v19, v12;
	v18 =	vpop (erf)  }
0xe0: {  	vm6 =	veq.s32 v62, $0x4;
	v22 =	vpop (erf);
	(erf) = vpow2.f32 v23;
	v23 =	vmul.f32 v19, v9  }
0xe1: {  	vm12 =	vlt.s32 v38, $0xE;
	v2 =	vmul.f32 $1.500000000e+01, v18;
	v50 =	vpop (erf);
	(erf) = vpow2.f32 v41  }
0xe2: {  	[tilespmem:$0x1FE90] =	vst v52;
	v4 =	vnsel vm12, $0xE, v38;
	v41 =	vmul.f32 v19, v1;
	v52 =	vpop (erf);
	v38 =	vtrunc.f32 v23  }
0xe3: {  	vm3 =	vlt.s32 v8, $0xE;
	v9 =	vcvt.f32.s32 v31;
	v18 =	vmul.f32 v2, v15;
	v20 =	vpop (erf)  }
0xe4: {  	v3 =	vnsel vm3, $0xE, v8;
	v14 =	vmul.f32 v2, v16;
	v40 =	vtrunc.f32 v41;
	v47 =	vpop (erf)  }
0xe5: {  	v5 =	vadd.f32 v50, v22;
	v0 =	vcvt.f32.s32 v38;
	v1 =	vcvt.f32.s32 v40;
	v38 =	vpop (erf)  }
0xe6: {  	vm4 =	vlt.s32 v9, $0xE;
	v40 =	vmul.f32 v19, v6;
	v19 =	vmul.f32 v19, v7;
	v7 =	vld [tilespmem:s15+$0x40];
	v31 =	vpop (erf)  }
0xe7: {  	v8 =	vmul.f32 v2, v17;
	v12 =	vmul.f32 v2, v54;
	v6 =	vadd.f32 v20, v52;
	v27 =	vpop (erf)  }
0xe8: {  	v15 =	vmul.f32 v2, v61;
	v61 =	vld [tilespmem:s15+$0x1840];
	v13 =	vadd.f32 v38, v47;
	v50 =	vadd.f32 v27, v31  }
0xe9: {  	v16 =	vmul.f32 v2, v58;
	v11 =	vnsel vm4, $0xE, v9;
	v9 =	vmul.f32 v2, v59  }
0xea: {  	v5 =	vadd.f32 v6, v5;
	v58 =	vtrunc.f32 v40;
	v10 =	vpop (erf);
	v6 =	vadd.f32 v50, v13;
	v50 =	vld [tilespmem:s15+$0x840]  }
0xeb: {  	vm8 =	veq.s32 v62, $0x7;
	v7 =	vmul.f32 $1.442695020e+00, v7;
	v17 =	vpop (erf);
	v13 =	vmul.f32 v2, v36  }
0xec: {  	[tilespmem:$0x1FEB0] =	vst v10;
	v36 =	vadd.f32 v17, v10;
	v10 =	vmul.f32 v2, v60;
	v5 =	vadd.f32 v6, v5;
	v6 =	vld [tilespmem:s15+$0x1040]  }
0xed: {  	vm3 =	veq.s32 v62, $0x2;
	[tilespmem:$0x1FED0] =	vst v17;
	v17 =	vld [tilespmem:s15+$0x2040];
	v60 =	vtrunc.f32 v25;
	v2 =	vmul.f32 $1.442695020e+00, v61  }
0xee: {  	v59 =	vld [tilespmem:s15+$0x2840];
	v5 =	vadd.f32 v36, v5;
	v36 =	vcvt.f32.s32 v60;
	v60 =	vtrunc.f32 v18  }
0xef: {  	v3 =	vadd.s32 v34, v3;
	v61 =	vld [tilespmem:s15+$0x3040];
	v54 =	vmul.f32 $1.442695020e+00, v50;
	v50 =	vcvt.f32.s32 v58  }
0xf0: {  	vm4 =	veq.s32 v62, $0x3;
	[tilespmem:$0x1FEC0] =	vst v18;
	v18 =	vld [tilespmem:$0x1FFA0];
	v58 =	vtrunc.f32 v30;
	(erf) = vrcp.f32 v5  }
0xf1: {  	v34 =	vld [tilespmem:$0x1FFB0];
	vm5 =	vlt.s32 v0, $0xE;
	(erf) = vpow2.f32 v7;
	v6 =	vmul.f32 $1.442695020e+00, v6  }
0xf2: {  	v0 =	vnsel vm5, $0xE, v0;
	v5 =	vmul.f32 $1.442695020e+00, v17;
	v17 =	vld [tilespmem:s15+$0x3840];
	(erf) = vpow2.f32 v54  }
0xf3: {  	vm5 =	veq.s32 v62, $0x5;
	v7 =	vmul.f32 $1.442695020e+00, v59;
	(erf) = vpow2.f32 v6  }
0xf4: {  	[tilespmem:$0x1FEE0] =	vst v14;
	vm7 =	vlt.s32 v50, $0xE;
	v6 =	vmul.f32 $1.442695020e+00, v61;
	v61 =	vtrunc.f32 v14;
	v14 =	vld [tilespmem:$0x1FE30]  }
0xf5: {  	v50 =	vnsel vm7, $0xE, v50;
	vm7 =	veq.s32 v62, $0x9;
	v43 =	vadd.s32 v18, v43;
	v18 =	vld [tilespmem:$0x1FFA0]  }
0xf6: {  	[tilespmem:$0x1FEF0] =	vst v8;
	v62 =	vtrunc.f32 v8;
	v8 =	vadd.s32 v34, v50;
	v34 =	vld [tilespmem:s15+$0xA020];
	(erf) = vpow2.f32 v2  }
0xf7: {  	(erf) = vpow2.f32 v5;
	v2 =	vmul.f32 $1.442695020e+00, v17;
	v17 =	vld [tilespmem:$0x1FE40]  }
0xf8: {  	v5 =	vcvt.f32.s32 v58;
	v58 =	vld [tilespmem:$0x1FFD0];
	(erf) = vpow2.f32 v7  }
0xf9: {  	(erf) = vpow2.f32 v6;
	[tilespmem:v39+s30+$0x0] =	vst.idx.add.f32.msk $0xffff, v14  }
0xfa: {  	(erf) = vpow2.f32 v2;
	v2 =	vcvt.f32.s32 v62;
	v62 =	vld [tilespmem:$0x1FFE0]  }
0xfb: {  	v14 =	vld [tilespmem:$0x1FF60]  }
0xfc: {  	vm11 =	vlt.s32 v36, $0xE;
	v59 =	vtrunc.f32 v19;
	v54 =	vcvt.f32.s32 v60;
	[tilespmem:v39+s3+$0x0] =	vst.idx.add.f32.msk $0xffff, v55  }
0xfd: {  	v36 =	vnsel vm11, $0xE, v36;
	vm11 =	vlt.s32 v5, $0xE;
	v6 =	vcvt.f32.s32 v61;
	v39 =	vld [tilespmem:$0x1FFD0]  }
0xfe: {  	v5 =	vnsel vm11, $0xE, v5;
	vm11 =	vlt.s32 v54, $0xE;
	v61 =	vadd.s32 v63, v17;
	v63 =	vld [tilespmem:$0x1FFF0]  }
0xff: {  	v7 =	vcvt.f32.s32 v59;
	v59 =	vnsel vm11, $0xE, v54;
	v54 =	vld [tilespmem:$0x1FFB0]  }
0x100: {  	[tilespmem:$0x1FF00] =	vst v13;
	v55 =	vtrunc.f32 v13;
	v13 =	vld [tilespmem:$0x1FFF0]  }
0x101: {  	v17 =	vld [tilespmem:$0x1FF90]  }
0x102: {  	v21 =	vadd.s32 v58, v21;
	v58 =	vadd.s32 v39, v36;
	v36 =	vld [tilespmem:$0x1FF60]  }
0x103: {  	v63 =	vadd.s32 v63, v57;
	v57 =	vadd.s32 v45, v11;
	v11 =	vld [tilespmem:$0x1FE50]  }
0x104: {  	v62 =	vadd.s32 v62, v24;
	v24 =	vadd.s32 v14, v4;
	v14 =	vld [tilespmem:$0x1FE60]  }
0x105: {  	v49 =	vadd.s32 v45, v49;
	v45 =	vld [tilespmem:$0x1FFE0]  }
0x106: {  	v39 =	vld [tilespmem:$0x1FE70]  }
0x107: {  	v4 =	vcvt.f32.s32 v55;
	v55 =	vadd.s32 v36, v59;
	v59 =	vld [tilespmem:$0x1FE80]  }
0x108: {  	[tilespmem:v51+s30+$0x0] =	vst.idx.add.f32.msk $0xffff, v11  }
0x109: {  	[tilespmem:v51+s3+$0x0] =	vst.idx.add.f32.msk $0xffff, v42  }
0x10a: {  	v0 =	vadd.s32 v17, v0;
	v17 =	vadd.s32 v45, v5;
	v45 =	vsel vm1, $0x45800800, v53;
	v42 =	vld [tilespmem:s15+$0x4040]  }
0x10b: {  	[tilespmem:v24+s30+$0x0] =	vst.idx.add.f32.msk $0xffff, v45  }
0x10c: {  	[tilespmem:v49+s30+$0x0] =	vst.idx.add.f32.msk $0xffff, v14  }
0x10d: {  	[tilespmem:v24+s3+$0x0] =	vst.idx.add.f32.msk $0xffff, v28  }
0x10e: {  	v28 =	vld [tilespmem:$0x1FFE0]  }
0x10f: {  	[tilespmem:v49+s3+$0x0] =	vst.idx.add.f32.msk $0xffff, v48  }
0x110: {  	v48 =	vld [tilespmem:$0x1FF70]  }
0x111: {  	v51 =	vsel vm3, $0x45800800, v53;
	v49 =	vld [tilespmem:$0x1FF80]  }
0x112: {  	[tilespmem:v3+s30+$0x0] =	vst.idx.add.f32.msk $0xffff, v51  }
0x113: {  	[tilespmem:v61+s30+$0x0] =	vst.idx.add.f32.msk $0xffff, v39  }
0x114: {  	[tilespmem:v3+s3+$0x0] =	vst.idx.add.f32.msk $0xffff, v26  }
0x115: {  	vm13 =	vlt.s32 v1, $0xE;
	[tilespmem:v61+s3+$0x0] =	vst.idx.add.f32.msk $0xffff, v44  }
0x116: {  	[tilespmem:$0x1FF20] =	vst v16;
	v1 =	vnsel vm13, $0xE, v1;
	v61 =	vtrunc.f32 v16;
	v16 =	vld [tilespmem:$0x1FF90]  }
0x117: {  	v56 =	vadd.s32 v54, v56;
	v54 =	vadd.s32 v18, v1;
	v1 =	vsel vm4, $0x45800800, v53;
	v44 =	vld [tilespmem:$0x1FFA0]  }
0x118: {  	[tilespmem:v57+s30+$0x0] =	vst.idx.add.f32.msk $0xffff, v1  }
0x119: {  	[tilespmem:v43+s30+$0x0] =	vst.idx.add.f32.msk $0xffff, v59  }
0x11a: {  	vm12 =	vlt.s32 v7, $0xE;
	[tilespmem:v57+s3+$0x0] =	vst.idx.add.f32.msk $0xffff, v46  }
0x11b: {  	v7 =	vnsel vm12, $0xE, v7;
	[tilespmem:v43+s3+$0x0] =	vst.idx.add.f32.msk $0xffff, v29  }
0x11c: {  	[tilespmem:$0x1FF10] =	vst v12;
	vm15 =	veq.s32 v34, $0x0;
	v18 =	vadd.s32 v13, v7;
	v7 =	vsel vm6, $0x45800800, v53;
	v29 =	vld [tilespmem:$0x1FE90]  }
0x11d: {  	vm12 =	vlt.s32 v6, $0xE;
	v59 =	vsel vm15, $0x45800800, v53;
	[tilespmem:v0+s30+$0x0] =	vst.idx.add.f32.msk $0xffff, v7  }
0x11e: {  	v12 =	vtrunc.f32 v12;
	vm13 =	vlt.s32 v2, $0xE;
	v6 =	vnsel vm12, $0xE, v6;
	[tilespmem:v55+s30+$0x0] =	vst.idx.add.f32.msk $0xffff, v59  }
0x11f: {  	v2 =	vnsel vm13, $0xE, v2;
	vm14 =	vlt.s32 v4, $0xE;
	v6 =	vadd.s32 v48, v6;
	v48 =	vld [tilespmem:$0x1FEA0]  }
0x120: {  	[tilespmem:$0x1FF30] =	vst v9;
	v5 =	vcvt.f32.s32 v12;
	v39 =	vadd.s32 v49, v2;
	v49 =	vtrunc.f32 v9;
	v9 =	vld [tilespmem:s15+$0x4840]  }
0x121: {  	v12 =	vnsel vm14, $0xE, v4;
	v4 =	vsel vm5, $0x45800800, v53;
	[tilespmem:v0+s3+$0x0] =	vst.idx.add.f32.msk $0xffff, v23  }
0x122: {  	vm4 =	vlt.s32 v5, $0xE;
	[tilespmem:v54+s30+$0x0] =	vst.idx.add.f32.msk $0xffff, v4  }
0x123: {  	v13 =	vnsel vm4, $0xE, v5;
	v5 =	vsel vm9, $0x45800800, v53;
	[tilespmem:v54+s3+$0x0] =	vst.idx.add.f32.msk $0xffff, v41  }
0x124: {  	[tilespmem:v8+s30+$0x0] =	vst.idx.add.f32.msk $0xffff, v5  }
0x125: {  	v5 =	vld [tilespmem:s15+$0x850]  }
0x126: {  	[tilespmem:v56+s30+$0x0] =	vst.idx.add.f32.msk $0xffff, v29  }
0x127: {  	[tilespmem:v8+s3+$0x0] =	vst.idx.add.f32.msk $0xffff, v40  }
0x128: {  	[tilespmem:v56+s3+$0x0] =	vst.idx.add.f32.msk $0xffff, v37  }
0x129: {  	v11 =	vsel vm8, $0x45800800, v53;
	v37 =	vadd.s32 v44, v13;
	v44 =	vld [tilespmem:$0x1FFB0]  }
0x12a: {  	[tilespmem:v58+s30+$0x0] =	vst.idx.add.f32.msk $0xffff, v11  }
0x12b: {  	[tilespmem:$0x1FF50] =	vst v15;
	v60 =	vsel vm2, $0x45800800, v53;
	v50 =	vsel vm0, $0x45800800, v53;
	v11 =	vld [tilespmem:s15+$0x3050]  }
0x12c: {  	vm11 =	veq.s32 v34, $0x3;
	vm12 =	veq.s32 v34, $0x4;
	vm13 =	veq.s32 v34, $0x5;
	[tilespmem:v21+s30+$0x0] =	vst.idx.add.f32.msk $0xffff, v48  }
0x12d: {  	[tilespmem:$0x1FF40] =	vst v10;
	vm6 =	veq.s32 v34, $0x2;
	v36 =	vsel vm10, $0x45800800, v53;
	v48 =	vtrunc.f32 v10;
	v10 =	vld [tilespmem:$0x1FFD0]  }
0x12e: {  	vm5 =	veq.s32 v34, $0x7;
	vm9 =	veq.s32 v34, $0x9;
	v14 =	vcvt.f32.s32 v61;
	[tilespmem:v58+s3+$0x0] =	vst.idx.add.f32.msk $0xffff, v25  }
0x12f: {  	v61 =	vsel vm7, $0x45800800, v53;
	vm15 =	veq.s32 v34, $0x6;
	v43 =	vmul.f32 $1.442695020e+00, v42;
	[tilespmem:v21+s3+$0x0] =	vst.idx.add.f32.msk $0xffff, v32  }
0x130: {  	vm7 =	veq.s32 v34, $0x8;
	v2 =	vadd.s32 v16, v12;
	v16 =	vcvt.f32.s32 v49;
	v49 =	vpop (erf);
	[tilespmem:v17+s30+$0x0] =	vst.idx.add.f32.msk $0xffff, v36  }
0x131: {  	vm14 =	vlt.s32 v14, $0xE;
	(erf) = vpow2.f32 v43;
	v42 =	vmul.f32 $1.500000000e+01, v49;
	[tilespmem:v62+s30+$0x0] =	vst.idx.add.f32.msk $0xffff, v60  }
0x132: {  	v14 =	vnsel vm14, $0xE, v14;
	v12 =	vsel vm6, $0x45800800, v53;
	v9 =	vmul.f32 $1.442695020e+00, v9;
	[tilespmem:v17+s3+$0x0] =	vst.idx.add.f32.msk $0xffff, v30  }
0x133: {  	vm4 =	vlt.s32 v16, $0xE;
	v22 =	vmul.f32 v42, v22;
	v21 =	vcvt.f32.s32 v48;
	v60 =	vpop (erf);
	[tilespmem:v62+s3+$0x0] =	vst.idx.add.f32.msk $0xffff, v35  }
0x134: {  	v13 =	vsel vm12, $0x45800800, v53;
	v24 =	vmul.f32 v42, v38;
	[tilespmem:v63+s30+$0x0] =	vst.idx.add.f32.msk $0xffff, v50;
	v50 =	vtrunc.f32 v15;
	v15 =	vpop (erf)  }
0x135: {  	v35 =	vnsel vm4, $0xE, v16;
	vm6 =	vlt.s32 v21, $0xE;
	[tilespmem:v18+s30+$0x0] =	vst.idx.add.f32.msk $0xffff, v61;
	v29 =	vadd.s32 v44, v14;
	v62 =	vpop (erf)  }
0x136: {  	v21 =	vnsel vm6, $0xE, v21;
	v32 =	vcvt.f32.s32 v50;
	(erf) = vpow2.f32 v9;
	v9 =	vld [tilespmem:$0x1FFF0];
	v45 =	vpop (erf)  }
0x137: {  	[tilespmem:v63+s3+$0x0] =	vst.idx.add.f32.msk $0xffff, v33;
	v43 =	vadd.s32 v10, v35;
	v48 =	vadd.s32 v28, v21;
	v63 =	vtrunc.f32 v22;
	v51 =	vpop (erf)  }
0x138: {  	[tilespmem:v18+s3+$0x0] =	vst.idx.add.f32.msk $0xffff, v19;
	v10 =	vadd.f32 v15, v60;
	v3 =	vcvt.f32.s32 v63;
	v15 =	vadd.f32 v45, v62;
	v44 =	vpop (erf)  }
0x139: {  	v19 =	vld [tilespmem:$0x1FEB0];
	v28 =	vmul.f32 v42, v20;
	v63 =	vmul.f32 v42, v52;
	vm8 =	vlt.s32 v32, $0xE;
	v35 =	vpop (erf)  }
0x13a: {  	v58 =	vld [tilespmem:$0x1FF90];
	v33 =	vnsel vm8, $0xE, v32;
	vm10 =	vlt.s32 v3, $0xE;
	v21 =	vadd.f32 v15, v10;
	v57 =	vpop (erf)  }
0x13b: {  	v17 =	vld [tilespmem:$0x1FFA0];
	v34 =	vadd.s32 v9, v33;
	v9 =	vadd.f32 v44, v51;
	v10 =	vadd.f32 v57, v35  }
0x13c: {  	v52 =	vld [tilespmem:s15+$0xA030];
	v50 =	vtrunc.f32 v28;
	v26 =	vtrunc.f32 v63;
	v20 =	vnsel vm10, $0xE, v3  }
0x13d: {  	v1 =	vcvt.f32.s32 v26;
	v3 =	vmul.f32 v42, v47;
	v26 =	vadd.f32 v10, v9;
	v9 =	vld [tilespmem:$0x1FF60]  }
0x13e: {  	v14 =	vsel vm13, $0x45800800, v53;
	v15 =	vcvt.f32.s32 v50;
	v25 =	vmul.f32 v42, v19;
	v32 =	vpop (erf);
	v10 =	vld [tilespmem:$0x1FF70]  }
0x13f: {  	vm12 =	vlt.s32 v1, $0xE;
	v46 =	vtrunc.f32 v3;
	v33 =	vpop (erf);
	v4 =	vadd.f32 v26, v21;
	v21 =	vld [tilespmem:$0x1FF80]  }
0x140: {  	v50 =	vld [tilespmem:s15+$0x50];
	vm13 =	vlt.s32 v15, $0xE;
	v7 =	vcvt.f32.s32 v46;
	v47 =	vadd.f32 v33, v32  }
0x141: {  	v61 =	vld [tilespmem:s15+$0x4050];
	v1 =	vnsel vm12, $0xE, v1;
	v0 =	vnsel vm13, $0xE, v15;
	v15 =	vtrunc.f32 v24  }
0x142: {  	v19 =	vld [tilespmem:$0x1FEE0];
	vm14 =	vlt.s32 v7, $0xE;
	v4 =	vadd.f32 v47, v4;
	v41 =	vadd.s32 v9, v20  }
0x143: {  	v46 =	vld [tilespmem:s15+$0x1850];
	v40 =	vadd.s32 v10, v1;
	v1 =	vnsel vm14, $0xE, v7;
	v7 =	vcvt.f32.s32 v15  }
0x144: {  	v15 =	vmul.f32 $1.442695020e+00, v5;
	v5 =	vld [tilespmem:s15+$0x2050];
	v10 =	vadd.s32 v21, v0;
	v21 =	vmul.f32 v42, v31  }
0x145: {  	v56 =	vsel vm11, $0x45800800, v53;
	vm11 =	veq.s32 v52, $0x0;
	v38 =	vmul.f32 $1.442695020e+00, v50;
	v20 =	vld [tilespmem:$0x1FFB0]  }
0x146: {  	(erf) = vrcp.f32 v4;
	v4 =	vld [tilespmem:s15+$0x1050];
	v31 =	vsel vm11, $0x45800800, v53;
	v47 =	vtrunc.f32 v21  }
0x147: {  	(erf) = vpow2.f32 v38;
	v38 =	vadd.s32 v58, v1;
	v1 =	vcvt.f32.s32 v47;
	v47 =	vld [tilespmem:s15+$0x2850]  }
0x148: {  	[tilespmem:v41+s30+$0x0] =	vst.idx.add.f32.msk $0xffff, v31  }
0x149: {  	v16 =	vsel vm15, $0x45800800, v53;
	vm15 =	veq.s32 v52, $0x2;
	v31 =	vld [tilespmem:$0x1FF80]  }
0x14a: {  	v50 =	vsel vm15, $0x45800800, v53;
	[tilespmem:v41+s3+$0x0] =	vst.idx.add.f32.msk $0xffff, v22  }
0x14b: {  	v4 =	vmul.f32 $1.442695020e+00, v4;
	[tilespmem:v40+s30+$0x0] =	vst.idx.add.f32.msk $0xffff, v50  }
0x14c: {  	v46 =	vmul.f32 $1.442695020e+00, v46;
	(erf) = vpow2.f32 v15;
	[tilespmem:v40+s3+$0x0] =	vst.idx.add.f32.msk $0xffff, v63  }
0x14d: {  	vm4 =	veq.s32 v52, $0x3;
	(erf) = vpow2.f32 v4;
	v63 =	vld [tilespmem:s15+$0x860]  }
0x14e: {  	v26 =	vsel vm4, $0x45800800, v53;
	(erf) = vpow2.f32 v46;
	v46 =	vld [tilespmem:$0x1FEC0]  }
0x14f: {  	v5 =	vmul.f32 $1.442695020e+00, v5;
	[tilespmem:v10+s30+$0x0] =	vst.idx.add.f32.msk $0xffff, v26  }
0x150: {  	v26 =	vld [tilespmem:s15+$0x1060]  }
0x151: {  	v49 =	vsel vm5, $0x45800800, v53;
	vm5 =	veq.s32 v52, $0x4;
	(erf) = vpow2.f32 v5;
	v5 =	vld [tilespmem:s15+$0x3850]  }
0x152: {  	v58 =	vsel vm5, $0x45800800, v53;
	vm6 =	vlt.s32 v7, $0xE;
	[tilespmem:v10+s3+$0x0] =	vst.idx.add.f32.msk $0xffff, v28  }
0x153: {  	v7 =	vnsel vm6, $0xE, v7;
	v36 =	vmul.f32 $1.442695020e+00, v47;
	[tilespmem:v38+s30+$0x0] =	vst.idx.add.f32.msk $0xffff, v58  }
0x154: {  	v30 =	vadd.s32 v17, v7;
	v58 =	vld [tilespmem:$0x1FFA0]  }
0x155: {  	v11 =	vmul.f32 $1.442695020e+00, v11;
	(erf) = vpow2.f32 v36;
	v36 =	vld [tilespmem:$0x1FFD0]  }
0x156: {  	v23 =	vsel vm7, $0x45800800, v53;
	[tilespmem:v38+s3+$0x0] =	vst.idx.add.f32.msk $0xffff, v3  }
0x157: {  	vm7 =	veq.s32 v52, $0x5;
	v0 =	vmul.f32 v42, v27;
	v59 =	vpop (erf);
	(erf) = vpow2.f32 v11;
	v11 =	vld [tilespmem:s15+$0x4850]  }
0x158: {  	v27 =	vsel vm7, $0x45800800, v53;
	v59 =	vmul.f32 $1.500000000e+01, v59;
	v10 =	vmul.f32 $1.442695020e+00, v63;
	v63 =	vld [tilespmem:s15+$0x3060]  }
0x159: {  	[tilespmem:v30+s30+$0x0] =	vst.idx.add.f32.msk $0xffff, v27  }
0x15a: {  	v3 =	vmul.f32 v59, v33;
	v33 =	vld [tilespmem:$0x1FFD0]  }
0x15b: {  	vm8 =	vlt.s32 v1, $0xE;
	[tilespmem:v55+s3+$0x0] =	vst.idx.add.f32.msk $0xffff, v46  }
0x15c: {  	v1 =	vnsel vm8, $0xE, v1;
	v55 =	vld [tilespmem:$0x1FED0]  }
0x15d: {  	v7 =	vadd.s32 v20, v1;
	v46 =	vld [tilespmem:$0x1FEF0]  }
0x15e: {  	v15 =	vtrunc.f32 v0;
	[tilespmem:v30+s3+$0x0] =	vst.idx.add.f32.msk $0xffff, v24  }
0x15f: {  	v18 =	vcvt.f32.s32 v15;
	v30 =	vld [tilespmem:$0x1FFE0]  }
0x160: {  	v54 =	vsel vm9, $0x45800800, v53;
	vm9 =	veq.s32 v52, $0x6;
	[tilespmem:v6+s30+$0x0] =	vst.idx.add.f32.msk $0xffff, v12  }
0x161: {  	v8 =	vsel vm9, $0x45800800, v53;
	vm10 =	vlt.s32 v18, $0xE;
	v47 =	vtrunc.f32 v25;
	v12 =	vld [tilespmem:$0x1FFE0]  }
0x162: {  	v9 =	vnsel vm10, $0xE, v18;
	v18 =	vcvt.f32.s32 v47;
	[tilespmem:v7+s30+$0x0] =	vst.idx.add.f32.msk $0xffff, v8  }
0x163: {  	[tilespmem:v6+s3+$0x0] =	vst.idx.add.f32.msk $0xffff, v19  }
0x164: {  	vm12 =	vlt.s32 v18, $0xE;
	v19 =	vld [tilespmem:$0x1FF10]  }
0x165: {  	v47 =	vnsel vm12, $0xE, v18;
	v18 =	vmul.f32 v59, v62;
	[tilespmem:v7+s3+$0x0] =	vst.idx.add.f32.msk $0xffff, v21  }
0x166: {  	v4 =	vmul.f32 v59, v60;
	v5 =	vmul.f32 $1.442695020e+00, v5;
	[tilespmem:v39+s30+$0x0] =	vst.idx.add.f32.msk $0xffff, v56  }
0x167: {  	v15 =	vtrunc.f32 v18;
	v56 =	vmul.f32 $1.442695020e+00, v61;
	v61 =	vld [tilespmem:$0x1FF00]  }
0x168: {  	(erf) = vpow2.f32 v5;
	v5 =	vmul.f32 v59, v45;
	v45 =	vld [tilespmem:$0x1FF20]  }
0x169: {  	v17 =	vcvt.f32.s32 v15;
	[tilespmem:v39+s3+$0x0] =	vst.idx.add.f32.msk $0xffff, v46  }
0x16a: {  	v36 =	vadd.s32 v36, v9;
	v20 =	vmul.f32 v42, v55;
	v55 =	vtrunc.f32 v4;
	[tilespmem:v2+s30+$0x0] =	vst.idx.add.f32.msk $0xffff, v13  }
0x16b: {  	v11 =	vmul.f32 $1.442695020e+00, v11;
	v9 =	vcvt.f32.s32 v55;
	v55 =	vld [tilespmem:s15+$0xA040]  }
0x16c: {  	v60 =	vpop (erf);
	(erf) = vpow2.f32 v56;
	vm5 =	vlt.s32 v17, $0xE;
	v39 =	vadd.s32 v12, v47;
	v47 =	vld [tilespmem:$0x1FFF0]  }
0x16d: {  	vm11 =	veq.s32 v52, $0x7;
	v62 =	vpop (erf);
	(erf) = vpow2.f32 v11;
	v11 =	vnsel vm5, $0xE, v17;
	v17 =	vld [tilespmem:$0x1FF50]  }
0x16e: {  	v1 =	vsel vm11, $0x45800800, v53;
	[tilespmem:v2+s3+$0x0] =	vst.idx.add.f32.msk $0xffff, v61  }
0x16f: {  	[tilespmem:v36+s30+$0x0] =	vst.idx.add.f32.msk $0xffff, v1  }
0x170: {  	v56 =	vpop (erf);
	[tilespmem:v37+s30+$0x0] =	vst.idx.add.f32.msk $0xffff, v14  }
0x171: {  	vm13 =	veq.s32 v52, $0x8;
	vm15 =	veq.s32 v52, $0x9;
	v52 =	vpop (erf);
	[tilespmem:v36+s3+$0x0] =	vst.idx.add.f32.msk $0xffff, v0  }
0x172: {  	v61 =	vadd.f32 v62, v60;
	v62 =	vadd.f32 v52, v56;
	[tilespmem:v37+s3+$0x0] =	vst.idx.add.f32.msk $0xffff, v19  }
0x173: {  	v42 =	vtrunc.f32 v20;
	[tilespmem:v29+s30+$0x0] =	vst.idx.add.f32.msk $0xffff, v16  }
0x174: {  	v6 =	vcvt.f32.s32 v42;
	v42 =	vsel vm13, $0x45800800, v53;
	v12 =	vadd.f32 v62, v61;
	v62 =	vld [tilespmem:$0x1FF30]  }
0x175: {  	[tilespmem:v39+s30+$0x0] =	vst.idx.add.f32.msk $0xffff, v42  }
0x176: {  	vm14 =	vlt.s32 v6, $0xE;
	[tilespmem:v29+s3+$0x0] =	vst.idx.add.f32.msk $0xffff, v45  }
0x177: {  	v37 =	vnsel vm14, $0xE, v6;
	v29 =	vld [tilespmem:$0x1FF60]  }
0x178: {  	v47 =	vadd.s32 v47, v37;
	[tilespmem:v43+s30+$0x0] =	vst.idx.add.f32.msk $0xffff, v49  }
0x179: {  	v46 =	vpop (erf);
	[tilespmem:v43+s3+$0x0] =	vst.idx.add.f32.msk $0xffff, v62  }
0x17a: {  	v37 =	vpop (erf);
	v43 =	vld [tilespmem:$0x1FF40]  }
0x17b: {  	[tilespmem:v39+s3+$0x0] =	vst.idx.add.f32.msk $0xffff, v25;
	v6 =	vpop (erf)  }
0x17c: {  	v2 =	vsel vm15, $0x45800800, v53;
	v19 =	vpop (erf);
	[tilespmem:v48+s30+$0x0] =	vst.idx.add.f32.msk $0xffff, v23  }
0x17d: {  	vm4 =	vlt.s32 v9, $0xE;
	v14 =	vadd.f32 v37, v46;
	v61 =	vadd.f32 v19, v6;
	[tilespmem:v47+s30+$0x0] =	vst.idx.add.f32.msk $0xffff, v2  }
0x17e: {  	v9 =	vnsel vm4, $0xE, v9;
	[tilespmem:v47+s3+$0x0] =	vst.idx.add.f32.msk $0xffff, v20  }
0x17f: {  	v15 =	vtrunc.f32 v5;
	v49 =	vadd.s32 v29, v9;
	v23 =	vpop (erf);
	v13 =	vadd.f32 v61, v14;
	[tilespmem:v48+s3+$0x0] =	vst.idx.add.f32.msk $0xffff, v43  }
0x180: {  	vm6 =	veq.s32 v55, $0x0;
	v9 =	vcvt.f32.s32 v15;
	v29 =	vpop (erf);
	v14 =	vmul.f32 v59, v32;
	v48 =	vld [tilespmem:$0x1FF70]  }
0x181: {  	v45 =	vsel vm6, $0x45800800, v53;
	v62 =	vadd.f32 v29, v23;
	v12 =	vadd.f32 v13, v12;
	[tilespmem:v34+s30+$0x0] =	vst.idx.add.f32.msk $0xffff, v54  }
0x182: {  	vm8 =	vlt.s32 v9, $0xE;
	v38 =	vtrunc.f32 v14;
	[tilespmem:v34+s3+$0x0] =	vst.idx.add.f32.msk $0xffff, v17;
	v17 =	vmul.f32 v59, v44  }
0x183: {  	v22 =	vcvt.f32.s32 v38;
	v38 =	vld [tilespmem:s15+$0x2060];
	v13 =	vadd.f32 v62, v12;
	v12 =	vmul.f32 v59, v35  }
0x184: {  	v15 =	vmul.f32 v59, v51;
	v9 =	vnsel vm8, $0xE, v9;
	[tilespmem:v49+s30+$0x0] =	vst.idx.add.f32.msk $0xffff, v45;
	v34 =	vtrunc.f32 v17  }
0x185: {  	v41 =	vadd.s32 v31, v9;
	v44 =	vtrunc.f32 v12;
	v9 =	vcvt.f32.s32 v34;
	v34 =	vld [tilespmem:$0x1FFB0]  }
0x186: {  	v35 =	vld [tilespmem:$0x1FF90];
	v50 =	vcvt.f32.s32 v44  }
0x187: {  	v61 =	vtrunc.f32 v15;
	[tilespmem:v49+s3+$0x0] =	vst.idx.add.f32.msk $0xffff, v4;
	v48 =	vadd.s32 v48, v11;
	vm12 =	vlt.s32 v9, $0xE  }
0x188: {  	v11 =	vcvt.f32.s32 v61;
	v61 =	vld [tilespmem:s15+$0x60];
	vm14 =	vlt.s32 v50, $0xE;
	v9 =	vnsel vm12, $0xE, v9  }
0x189: {  	v62 =	vnsel vm14, $0xE, v50;
	v28 =	vadd.s32 v58, v9;
	v58 =	vld [tilespmem:$0x1FFF0]  }
0x18a: {  	vm7 =	veq.s32 v55, $0x2;
	(erf) = vrcp.f32 v13;
	v9 =	vadd.s32 v34, v62;
	v34 =	vld [tilespmem:s15+$0x1860]  }
0x18b: {  	v51 =	vsel vm7, $0x45800800, v53;
	v62 =	vld [tilespmem:s15+$0x2860]  }
0x18c: {  	v26 =	vmul.f32 $1.442695020e+00, v26;
	v63 =	vmul.f32 $1.442695020e+00, v63;
	vm9 =	veq.s32 v55, $0x3;
	[tilespmem:v48+s30+$0x0] =	vst.idx.add.f32.msk $0xffff, v51  }
0x18d: {  	vm11 =	veq.s32 v55, $0x4;
	vm13 =	veq.s32 v55, $0x5;
	vm10 =	vlt.s32 v11, $0xE;
	[tilespmem:v48+s3+$0x0] =	vst.idx.add.f32.msk $0xffff, v18  }
0x18e: {  	v43 =	vsel vm9, $0x45800800, v53;
	v11 =	vnsel vm10, $0xE, v11;
	v61 =	vmul.f32 $1.442695020e+00, v61;
	v48 =	vld [tilespmem:s15+$0x70]  }
0x18f: {  	vm15 =	veq.s32 v55, $0x6;
	vm5 =	veq.s32 v55, $0x7;
	v35 =	vadd.s32 v35, v11;
	[tilespmem:v41+s30+$0x0] =	vst.idx.add.f32.msk $0xffff, v43  }
0x190: {  	v40 =	vsel vm11, $0x45800800, v53;
	v13 =	vmul.f32 v59, v57;
	(erf) = vpow2.f32 v61;
	v43 =	vld [tilespmem:s15+$0x1870]  }
0x191: {  	v32 =	vsel vm5, $0x45800800, v53;
	v54 =	vsel vm13, $0x45800800, v53;
	(erf) = vpow2.f32 v10;
	v10 =	vld [tilespmem:s15+$0x3860]  }
0x192: {  	vm6 =	vlt.s32 v22, $0xE;
	v44 =	vtrunc.f32 v3;
	v57 =	vtrunc.f32 v13;
	[tilespmem:v41+s3+$0x0] =	vst.idx.add.f32.msk $0xffff, v5  }
0x193: {  	v22 =	vnsel vm6, $0xE, v22;
	v31 =	vcvt.f32.s32 v44;
	v59 =	vpop (erf);
	(erf) = vpow2.f32 v26;
	v26 =	vld [tilespmem:s15+$0xA050]  }
0x194: {  	v30 =	vadd.s32 v30, v22;
	v11 =	vcvt.f32.s32 v57;
	v57 =	vmul.f32 $1.500000000e+01, v59;
	[tilespmem:v35+s30+$0x0] =	vst.idx.add.f32.msk $0xffff, v40  }
0x195: {  	v50 =	vsel vm15, $0x45800800, v53;
	v59 =	vmul.f32 $1.442695020e+00, v38;
	v61 =	vmul.f32 $1.442695020e+00, v62;
	v62 =	vld [tilespmem:s15+$0x4860]  }
0x196: {  	vm7 =	vlt.s32 v31, $0xE;
	v34 =	vmul.f32 $1.442695020e+00, v34;
	[tilespmem:v35+s3+$0x0] =	vst.idx.add.f32.msk $0xffff, v15;
	v16 =	vmul.f32 v57, v60  }
0x197: {  	v27 =	vnsel vm7, $0xE, v31;
	v60 =	vld [tilespmem:s15+$0x4060];
	v22 =	vmul.f32 v57, v56;
	v7 =	vmul.f32 v57, v52  }
0x198: {  	vm4 =	vlt.s32 v11, $0xE;
	v21 =	vmul.f32 v57, v46;
	v36 =	vmul.f32 v57, v6;
	[tilespmem:v28+s30+$0x0] =	vst.idx.add.f32.msk $0xffff, v54  }
0x199: {  	v11 =	vnsel vm4, $0xE, v11;
	v19 =	vmul.f32 v57, v19;
	v18 =	vmul.f32 v57, v23;
	[tilespmem:v28+s3+$0x0] =	vst.idx.add.f32.msk $0xffff, v17  }
0x19a: {  	v33 =	vadd.s32 v33, v11;
	v6 =	vmul.f32 v57, v29;
	v31 =	vtrunc.f32 v16;
	[tilespmem:v9+s30+$0x0] =	vst.idx.add.f32.msk $0xffff, v50  }
0x19b: {  	(erf) = vpow2.f32 v34;
	v56 =	vcvt.f32.s32 v31;
	v31 =	vadd.s32 v58, v27;
	v58 =	vld [tilespmem:$0x1FF70]  }
0x19c: {  	vm8 =	veq.s32 v55, $0x8;
	v43 =	vmul.f32 $1.442695020e+00, v43;
	v27 =	vmul.f32 v57, v37;
	v57 =	vld [tilespmem:s15+$0x2070]  }
0x19d: {  	vm9 =	veq.s32 v55, $0x9;
	(erf) = vpow2.f32 v59;
	v44 =	vmul.f32 $1.442695020e+00, v10;
	[tilespmem:v9+s3+$0x0] =	vst.idx.add.f32.msk $0xffff, v12  }
0x19e: {  	v11 =	vsel vm8, $0x45800800, v53;
	v59 =	vtrunc.f32 v22;
	v55 =	vtrunc.f32 v7;
	v12 =	vld [tilespmem:$0x1FFD0]  }
0x19f: {  	v38 =	vsel vm9, $0x45800800, v53;
	(erf) = vpow2.f32 v61;
	v61 =	vcvt.f32.s32 v59;
	[tilespmem:v33+s30+$0x0] =	vst.idx.add.f32.msk $0xffff, v32  }
0x1a0: {  	vm11 =	veq.s32 v26, $0x0;
	v1 =	vcvt.f32.s32 v55;
	vm10 =	vlt.s32 v56, $0xE;
	[tilespmem:v33+s3+$0x0] =	vst.idx.add.f32.msk $0xffff, v13  }
0x1a1: {  	(erf) = vpow2.f32 v63;
	v60 =	vmul.f32 $1.442695020e+00, v60;
	v63 =	vnsel vm10, $0xE, v56;
	v56 =	vld [tilespmem:$0x1FF60]  }
0x1a2: {  	vm13 =	veq.s32 v26, $0x2;
	v59 =	vtrunc.f32 v21;
	(erf) = vpow2.f32 v44;
	v34 =	vpop (erf);
	[tilespmem:v30+s30+$0x0] =	vst.idx.add.f32.msk $0xffff, v11  }
0x1a3: {  	vm15 =	veq.s32 v26, $0x3;
	v52 =	vpop (erf);
	(erf) = vpow2.f32 v60;
	v60 =	vcvt.f32.s32 v59;
	v59 =	vld [tilespmem:s15+$0x1070]  }
0x1a4: {  	vm5 =	veq.s32 v26, $0x4;
	vm7 =	veq.s32 v26, $0x5;
	v62 =	vmul.f32 $1.442695020e+00, v62;
	[tilespmem:v30+s3+$0x0] =	vst.idx.add.f32.msk $0xffff, v14  }
0x1a5: {  	vm12 =	vlt.s32 v61, $0xE;
	v55 =	vtrunc.f32 v27;
	v40 =	vmul.f32 $1.442695020e+00, v57;
	v57 =	vld [tilespmem:s15+$0x4070]  }
0x1a6: {  	v0 =	vnsel vm12, $0xE, v61;
	v44 =	vpop (erf);
	(erf) = vpow2.f32 v62;
	[tilespmem:v31+s30+$0x0] =	vst.idx.add.f32.msk $0xffff, v38;
	vm4 =	vlt.s32 v60, $0xE  }
0x1a7: {  	v51 =	vcvt.f32.s32 v55;
	v61 =	vadd.f32 v52, v34;
	[tilespmem:v31+s3+$0x0] =	vst.idx.add.f32.msk $0xffff, v3;
	v39 =	vpop (erf);
	v24 =	vnsel vm4, $0xE, v60  }
0x1a8: {  	v60 =	vtrunc.f32 v19;
	v10 =	vpop (erf);
	v46 =	vadd.s32 v56, v63;
	v62 =	vadd.f32 v39, v44;
	v56 =	vld [tilespmem:$0x1FF80]  }
0x1a9: {  	vm14 =	vlt.s32 v1, $0xE;
	v55 =	vmul.f32 $1.442695020e+00, v48;
	v48 =	vcvt.f32.s32 v60;
	v60 =	vld [tilespmem:s15+$0x4870];
	v20 =	vpop (erf)  }
0x1aa: {  	v8 =	vsel vm11, $0x45800800, v53;
	v1 =	vnsel vm14, $0xE, v1;
	v25 =	vpop (erf);
	v45 =	vadd.f32 v62, v61;
	v61 =	vld [tilespmem:s15+$0x2870]  }
0x1ab: {  	v42 =	vadd.s32 v58, v0;
	v62 =	vtrunc.f32 v36;
	v50 =	vmul.f32 $1.442695020e+00, v57;
	v57 =	vld [tilespmem:$0x1FFF0];
	v4 =	vpop (erf)  }
0x1ac: {  	v63 =	vadd.f32 v20, v10;
	v5 =	vcvt.f32.s32 v62;
	v62 =	vld [tilespmem:s15+$0x3070];
	v52 =	vadd.f32 v4, v25  }
0x1ad: {  	vm9 =	veq.s32 v26, $0x6;
	v2 =	vsel vm13, $0x45800800, v53;
	v37 =	vsel vm15, $0x45800800, v53;
	[tilespmem:v46+s30+$0x0] =	vst.idx.add.f32.msk $0xffff, v8  }
0x1ae: {  	v41 =	vsel vm5, $0x45800800, v53;
	v15 =	vsel vm7, $0x45800800, v53;
	v0 =	vpop (erf);
	v47 =	vadd.f32 v52, v63;
	v52 =	vld [tilespmem:s15+$0x870]  }
0x1af: {  	v35 =	vsel vm9, $0x45800800, v53;
	vm13 =	veq.s32 v26, $0x8;
	v49 =	vadd.s32 v56, v1;
	v1 =	vpop (erf);
	v63 =	vld [tilespmem:$0x1FF90]  }
0x1b0: {  	vm15 =	veq.s32 v26, $0x9;
	[tilespmem:v46+s3+$0x0] =	vst.idx.add.f32.msk $0xffff, v16;
	v58 =	vadd.f32 v1, v0;
	v45 =	vadd.f32 v47, v45  }
0x1b1: {  	vm11 =	veq.s32 v26, $0x7;
	v33 =	vsel vm13, $0x45800800, v53;
	v26 =	vsel vm15, $0x45800800, v53;
	[tilespmem:v42+s30+$0x0] =	vst.idx.add.f32.msk $0xffff, v2  }
0x1b2: {  	vm6 =	vlt.s32 v51, $0xE;
	vm10 =	vlt.s32 v48, $0xE;
	[tilespmem:v42+s3+$0x0] =	vst.idx.add.f32.msk $0xffff, v22;
	v45 =	vadd.f32 v58, v45  }
0x1b3: {  	v28 =	vmul.f32 $1.442695020e+00, v60;
	v58 =	vmul.f32 $1.442695020e+00, v59;
	v59 =	vnsel vm6, $0xE, v51;
	v51 =	vld [tilespmem:$0x1FFA0]  }
0x1b4: {  	vm8 =	vlt.s32 v5, $0xE;
	v29 =	vmul.f32 $1.442695020e+00, v61;
	[tilespmem:v49+s30+$0x0] =	vst.idx.add.f32.msk $0xffff, v37;
	(erf) = vrcp.f32 v45  }
0x1b5: {  	v23 =	vmul.f32 $1.442695020e+00, v62;
	v24 =	vadd.s32 v63, v24;
	v56 =	vmul.f32 $1.442695020e+00, v52;
	v52 =	vld [tilespmem:s15+$0x3870]  }
0x1b6: {  	[tilespmem:v49+s3+$0x0] =	vst.idx.add.f32.msk $0xffff, v7;
	(erf) = vpow2.f32 v55;
	v55 =	vnsel vm10, $0xE, v48;
	v48 =	vtrunc.f32 v6  }
0x1b7: {  	(erf) = vpow2.f32 v56;
	v56 =	vtrunc.f32 v18;
	v17 =	vadd.s32 v12, v55;
	v12 =	vld [tilespmem:s15+$0xA060]  }
0x1b8: {  	v9 =	vcvt.f32.s32 v48;
	v55 =	vld [tilespmem:$0x1FFE0];
	(erf) = vpow2.f32 v58;
	v45 =	vadd.s32 v51, v59  }
0x1b9: {  	v5 =	vnsel vm8, $0xE, v5;
	v58 =	vld [tilespmem:$0x1FFB0];
	v59 =	vcvt.f32.s32 v56;
	(erf) = vpow2.f32 v43  }
0x1ba: {  	v62 =	vmul.f32 $1.442695020e+00, v52;
	vm14 =	vlt.s32 v9, $0xE;
	[tilespmem:v24+s30+$0x0] =	vst.idx.add.f32.msk $0xffff, v41;
	(erf) = vpow2.f32 v40  }
0x1bb: {  	v43 =	vsel vm11, $0x45800800, v53;
	v56 =	vnsel vm14, $0xE, v9;
	[tilespmem:v24+s3+$0x0] =	vst.idx.add.f32.msk $0xffff, v21;
	(erf) = vpow2.f32 v29  }
0x1bc: {  	vm12 =	vlt.s32 v59, $0xE;
	v38 =	vadd.s32 v57, v56;
	v56 =	vld [tilespmem:$0x1FF70];
	(erf) = vpow2.f32 v23  }
0x1bd: {  	vm5 =	veq.s32 v12, $0x0;
	vm7 =	veq.s32 v12, $0x2;
	[tilespmem:v45+s30+$0x0] =	vst.idx.add.f32.msk $0xffff, v15;
	v61 =	vpop (erf);
	(erf) = vpow2.f32 v62  }
0x1be: {  	vm9 =	veq.s32 v12, $0x3;
	v47 =	vadd.s32 v58, v5;
	[tilespmem:v45+s3+$0x0] =	vst.idx.add.f32.msk $0xffff, v27;
	v23 =	vmul.f32 $1.500000000e+01, v61  }
0x1bf: {  	vm11 =	veq.s32 v12, $0x4;
	vm14 =	veq.s32 v12, $0x5;
	vm15 =	veq.s32 v12, $0x6;
	v45 =	vld [tilespmem:$0x1FF80];
	v32 =	vpop (erf)  }
0x1c0: {  	v5 =	vnsel vm12, $0xE, v59;
	v27 =	vld [tilespmem:s15+$0xA070];
	v51 =	vpop (erf);
	(erf) = vpow2.f32 v50;
	v29 =	vmul.f32 v23, v34  }
0x1c1: {  	v30 =	vpop (erf);
	(erf) = vpow2.f32 v28;
	v31 =	vmul.f32 v23, v44;
	v61 =	vadd.f32 v51, v32;
	v51 =	vld [tilespmem:$0x1FF60]  }
0x1c2: {  	v14 =	vsel vm5, $0x45800800, v53;
	v39 =	vmul.f32 v23, v39;
	v10 =	vmul.f32 v23, v10;
	v34 =	vld [tilespmem:$0x1FF70];
	v13 =	vpop (erf)  }
0x1c3: {  	v42 =	vsel vm14, $0x45800800, v53;
	v20 =	vmul.f32 v23, v20;
	v24 =	vmul.f32 v23, v25;
	[tilespmem:v47+s30+$0x0] =	vst.idx.add.f32.msk $0xffff, v35;
	v11 =	vpop (erf)  }
0x1c4: {  	vm5 =	veq.s32 v12, $0x7;
	v52 =	vtrunc.f32 v29;
	v59 =	vtrunc.f32 v31;
	[tilespmem:v47+s3+$0x0] =	vst.idx.add.f32.msk $0xffff, v36;
	v9 =	vpop (erf)  }
0x1c5: {  	v28 =	vadd.s32 v55, v5;
	v46 =	vtrunc.f32 v39;
	v25 =	vtrunc.f32 v24;
	v47 =	vld [tilespmem:$0x1FFB0];
	v8 =	vpop (erf)  }
0x1c6: {  	v62 =	vadd.f32 v13, v30;
	v54 =	vcvt.f32.s32 v52;
	v60 =	vcvt.f32.s32 v59;
	[tilespmem:v17+s30+$0x0] =	vst.idx.add.f32.msk $0xffff, v43;
	v3 =	vpop (erf)  }
0x1c7: {  	v22 =	vcvt.f32.s32 v46;
	v43 =	vld [tilespmem:$0x1FFA0];
	v48 =	vadd.f32 v9, v11;
	v50 =	vadd.f32 v3, v8  }
0x1c8: {  	v44 =	vsel vm15, $0x45800800, v53;
	v59 =	vtrunc.f32 v10;
	v25 =	vcvt.f32.s32 v25;
	[tilespmem:v17+s3+$0x0] =	vst.idx.add.f32.msk $0xffff, v19  }
0x1c9: {  	v16 =	vadd.f32 v62, v61;
	v62 =	vsel vm11, $0x45800800, v53;
	v17 =	vld [tilespmem:$0x1FFF0];
	v5 =	vpop (erf);
	v52 =	vadd.f32 v50, v48  }
0x1ca: {  	vm4 =	vlt.s32 v54, $0xE;
	vm6 =	vlt.s32 v60, $0xE;
	[tilespmem:v28+s30+$0x0] =	vst.idx.add.f32.msk $0xffff, v33;
	vm13 =	vlt.s32 v25, $0xE;
	v7 =	vpop (erf)  }
0x1cb: {  	v58 =	vnsel vm4, $0xE, v54;
	[tilespmem:v28+s3+$0x0] =	vst.idx.add.f32.msk $0xffff, v18;
	v55 =	vadd.f32 v7, v5;
	v16 =	vadd.f32 v52, v16  }
0x1cc: {  	vm8 =	vlt.s32 v22, $0xE;
	v36 =	vnsel vm13, $0xE, v25;
	v37 =	vadd.s32 v51, v58;
	[tilespmem:v38+s30+$0x0] =	vst.idx.add.f32.msk $0xffff, v26  }
0x1cd: {  	v2 =	vnsel vm6, $0xE, v60;
	v18 =	vadd.s32 v47, v36;
	v47 =	vld [tilespmem:$0x1FFB0];
	v58 =	vadd.f32 v55, v16  }
0x1ce: {  	v54 =	vsel vm7, $0x45800800, v53;
	v57 =	vnsel vm8, $0xE, v22;
	v2 =	vadd.s32 v56, v2;
	[tilespmem:v38+s3+$0x0] =	vst.idx.add.f32.msk $0xffff, v6  }
0x1cf: {  	v60 =	vsel vm9, $0x45800800, v53;
	v50 =	vsel vm5, $0x45800800, v53;
	v53 =	vld [tilespmem:$0x1FF60];
	(erf) = vrcp.f32 v58  }
0x1d0: {  	v4 =	vmul.f32 v23, v4;
	v21 =	vadd.s32 v45, v57;
	v52 =	vld [tilespmem:$0x1FFD0];
	v16 =	vcvt.f32.s32 v59  }
0x1d1: {  	v61 =	vtrunc.f32 v20;
	[tilespmem:v37+s30+$0x0] =	vst.idx.add.f32.msk $0xffff, v14  }
0x1d2: {  	v41 =	vtrunc.f32 v4;
	v15 =	vcvt.f32.s32 v61;
	[tilespmem:v37+s3+$0x0] =	vst.idx.add.f32.msk $0xffff, v29;
	vm10 =	vlt.s32 v16, $0xE  }
0x1d3: {  	v19 =	vcvt.f32.s32 v41;
	[tilespmem:v2+s30+$0x0] =	vst.idx.add.f32.msk $0xffff, v54;
	v16 =	vnsel vm10, $0xE, v16  }
0x1d4: {  	v1 =	vmul.f32 v23, v1;
	vm12 =	vlt.s32 v15, $0xE;
	[tilespmem:v2+s3+$0x0] =	vst.idx.add.f32.msk $0xffff, v31;
	v16 =	vadd.s32 v63, v16  }
0x1d5: {  	v0 =	vmul.f32 v23, v0;
	vm4 =	vlt.s32 v19, $0xE;
	v15 =	vnsel vm12, $0xE, v15;
	[tilespmem:v21+s30+$0x0] =	vst.idx.add.f32.msk $0xffff, v60  }
0x1d6: {  	v49 =	vtrunc.f32 v1;
	v19 =	vnsel vm4, $0xE, v19;
	v15 =	vadd.s32 v43, v15;
	v60 =	vld [tilespmem:$0x1FFE0]  }
0x1d7: {  	vm15 =	veq.s32 v27, $0x3;
	v46 =	vtrunc.f32 v0;
	v19 =	vadd.s32 v52, v19;
	v52 =	vld [tilespmem:$0x1FFD0]  }
0x1d8: {  	vm11 =	veq.s32 v27, $0x0;
	v26 =	vcvt.f32.s32 v49;
	v14 =	vcvt.f32.s32 v46;
	[tilespmem:v21+s3+$0x0] =	vst.idx.add.f32.msk $0xffff, v39;
	v48 =	vpop (erf)  }
0x1d9: {  	vm7 =	veq.s32 v12, $0x8;
	vm9 =	veq.s32 v12, $0x9;
	[tilespmem:v16+s30+$0x0] =	vst.idx.add.f32.msk $0xffff, v62;
	v23 =	vmul.f32 $1.500000000e+01, v48  }
0x1da: {  	vm13 =	veq.s32 v27, $0x2;
	vm8 =	vlt.s32 v26, $0xE;
	vm6 =	vlt.s32 v14, $0xE;
	[tilespmem:v16+s3+$0x0] =	vst.idx.add.f32.msk $0xffff, v10  }
0x1db: {  	vm5 =	veq.s32 v27, $0x4;
	v14 =	vnsel vm6, $0xE, v14;
	[tilespmem:v15+s30+$0x0] =	vst.idx.add.f32.msk $0xffff, v42;
	v54 =	vmul.f32 v23, v32  }
0x1dc: {  	v10 =	vadd.s32 v60, v14;
	v42 =	vld [tilespmem:$0x1FFA0];
	v55 =	vmul.f32 v23, v30;
	v13 =	vmul.f32 v23, v13  }
0x1dd: {  	v26 =	vnsel vm8, $0xE, v26;
	[tilespmem:v15+s3+$0x0] =	vst.idx.add.f32.msk $0xffff, v20;
	v11 =	vmul.f32 v23, v11;
	v9 =	vmul.f32 v23, v9  }
0x1de: {  	vm8 =	veq.s32 v27, $0x5;
	[tilespmem:v18+s30+$0x0] =	vst.idx.add.f32.msk $0xffff, v44;
	v8 =	vmul.f32 v23, v8;
	v57 =	vtrunc.f32 v54  }
0x1df: {  	v6 =	vadd.s32 v17, v26;
	[tilespmem:v18+s3+$0x0] =	vst.idx.add.f32.msk $0xffff, v24;
	v3 =	vmul.f32 v23, v3;
	v58 =	vcvt.f32.s32 v57  }
0x1e0: {  	v32 =	vimm.f32 $1.000000000e+00;
	v5 =	vmul.f32 v23, v5;
	[tilespmem:v19+s30+$0x0] =	vst.idx.add.f32.msk $0xffff, v50;
	v59 =	vtrunc.f32 v55  }
0x1e1: {  	v56 =	vsel vm7, $0x45800800, v32;
	[tilespmem:v19+s3+$0x0] =	vst.idx.add.f32.msk $0xffff, v4;
	v62 =	vcvt.f32.s32 v59;
	vm10 =	vlt.s32 v58, $0xE  }
0x1e2: {  	v7 =	vmul.f32 v23, v7;
	v26 =	vtrunc.f32 v13;
	[tilespmem:v10+s30+$0x0] =	vst.idx.add.f32.msk $0xffff, v56;
	v12 =	vnsel vm10, $0xE, v58  }
0x1e3: {  	v17 =	vcvt.f32.s32 v26;
	v56 =	vld [tilespmem:$0x1FFE0];
	vm12 =	vlt.s32 v62, $0xE;
	v29 =	vadd.s32 v53, v12  }
0x1e4: {  	v61 =	vsel vm9, $0x45800800, v32;
	v31 =	vtrunc.f32 v11;
	v59 =	vld [tilespmem:$0x1FFF0];
	v16 =	vnsel vm12, $0xE, v62  }
0x1e5: {  	v4 =	vcvt.f32.s32 v31;
	[tilespmem:v10+s3+$0x0] =	vst.idx.add.f32.msk $0xffff, v0;
	vm14 =	vlt.s32 v17, $0xE;
	v16 =	vadd.s32 v34, v16  }
0x1e6: {  	v25 =	vsel vm11, $0x45800800, v32;
	v36 =	vtrunc.f32 v9;
	[tilespmem:v6+s30+$0x0] =	vst.idx.add.f32.msk $0xffff, v61;
	v33 =	vnsel vm14, $0xE, v17  }
0x1e7: {  	v37 =	vcvt.f32.s32 v36;
	vm4 =	vlt.s32 v4, $0xE;
	[tilespmem:v6+s3+$0x0] =	vst.idx.add.f32.msk $0xffff, v1;
	v0 =	vadd.s32 v45, v33  }
0x1e8: {  	v30 =	vsel vm13, $0x45800800, v32;
	v38 =	vtrunc.f32 v8;
	v39 =	vnsel vm4, $0xE, v4;
	[tilespmem:v29+s30+$0x0] =	vst.idx.add.f32.msk $0xffff, v25  }
0x1e9: {  	v40 =	vcvt.f32.s32 v38;
	vm6 =	vlt.s32 v37, $0xE;
	v1 =	vadd.s32 v63, v39;
	[tilespmem:v29+s3+$0x0] =	vst.idx.add.f32.msk $0xffff, v54  }
0x1ea: {  	v35 =	vsel vm15, $0x45800800, v32;
	v43 =	vtrunc.f32 v3;
	v41 =	vnsel vm6, $0xE, v37;
	[tilespmem:v16+s30+$0x0] =	vst.idx.add.f32.msk $0xffff, v30  }
0x1eb: {  	vm7 =	vlt.s32 v40, $0xE;
	v6 =	vcvt.f32.s32 v43;
	v2 =	vadd.s32 v42, v41;
	[tilespmem:v16+s3+$0x0] =	vst.idx.add.f32.msk $0xffff, v55  }
0x1ec: {  	v44 =	vsel vm5, $0x45800800, v32;
	v46 =	vtrunc.f32 v5;
	v4 =	vnsel vm7, $0xE, v40;
	[tilespmem:v0+s30+$0x0] =	vst.idx.add.f32.msk $0xffff, v35  }
0x1ed: {  	v49 =	vcvt.f32.s32 v46;
	v48 =	vadd.s32 v47, v4;
	vm9 =	vlt.s32 v6, $0xE;
	[tilespmem:v0+s3+$0x0] =	vst.idx.add.f32.msk $0xffff, v13  }
0x1ee: {  	v50 =	vsel vm8, $0x45800800, v32;
	v51 =	vtrunc.f32 v7;
	v6 =	vnsel vm9, $0xE, v6;
	[tilespmem:v1+s30+$0x0] =	vst.idx.add.f32.msk $0xffff, v44  }
0x1ef: {  	vm10 =	vlt.s32 v49, $0xE;
	v54 =	vadd.s32 v52, v6;
	v55 =	vcvt.f32.s32 v51;
	[tilespmem:v1+s3+$0x0] =	vst.idx.add.f32.msk $0xffff, v11  }
0x1f0: {  	vm11 =	veq.s32 v27, $0x6;
	v4 =	vnsel vm10, $0xE, v49;
	[tilespmem:v2+s30+$0x0] =	vst.idx.add.f32.msk $0xffff, v50  }
0x1f1: {  	v57 =	vsel vm11, $0x45800800, v32;
	v4 =	vadd.s32 v56, v4;
	vm12 =	vlt.s32 v55, $0xE;
	[tilespmem:v2+s3+$0x0] =	vst.idx.add.f32.msk $0xffff, v9  }
0x1f2: {  	vm13 =	veq.s32 v27, $0x7;
	v58 =	vnsel vm12, $0xE, v55;
	[tilespmem:v48+s30+$0x0] =	vst.idx.add.f32.msk $0xffff, v57  }
0x1f3: {  	s13 =	sadd.s32 $0x8, s13;
	v60 =	vsel vm13, $0x45800800, v32;
	v2 =	vadd.s32 v59, v58;
	[tilespmem:v48+s3+$0x0] =	vst.idx.add.f32.msk $0xffff, v8  }
0x1f4: {  	p0 =	slt.u32 s13, $0x78;
	vm14 =	veq.s32 v27, $0x8;
	[tilespmem:v54+s30+$0x0] =	vst.idx.add.f32.msk $0xffff, v60  }
.Ltmp1:
0x1f5: {  	v61 =	vsel vm14, $0x45800800, v32;
	[tilespmem:v54+s3+$0x0] =	vst.idx.add.f32.msk $0xffff, v3;
	(pc) =	sbr.rel @p0 .LBB2_5-.Ltmp1, $4  }
0x1f6: {  	vm15 =	veq.s32 v27, $0x9;
	[tilespmem:v4+s30+$0x0] =	vst.idx.add.f32.msk $0xffff, v61  }
0x1f7: {  	v62 =	vsel vm15, $0x45800800, v32;
	[tilespmem:v4+s3+$0x0] =	vst.idx.add.f32.msk $0xffff, v5  }
0x1f8: {  	[tilespmem:v2+s30+$0x0] =	vst.idx.add.f32.msk $0xffff, v62  }
0x1f9: {  	s14 =	sadd.s32 $0x200, s14;
	[tilespmem:v2+s3+$0x0] =	vst.idx.add.f32.msk $0xffff, v7  }
0x1fa: {  	_ =	swait.ge [sflag:s7], $0x800  }
0x1fb: {  	[sflag:s7] =	ssyncset.done $0x0  }
0x1fc: {  	[sflag:s7] =	ssyncadd.s32 $0xFFFFF800  }
0x1fd: {  	_ =	swait.ge [sflag:s7], $0x800  }
0x1fe: {  	[sflag:s7] =	ssyncset.done $0x0  }
0x1ff: {  	[sflag:s7] =	ssyncadd.s32 $0xFFFFF800  }
0x200: {  	_ =	swait.ge [sflag:s7], $0x800  }
0x201: {  	[sflag:s7] =	ssyncset.done $0x0  }
0x202: {  	[sflag:s7] =	ssyncadd.s32 $0xFFFFF800  }
0x203: {  	_ =	swait.ge [sflag:s7], $0x800  }
0x204: {  	[sflag:s7] =	ssyncset.done $0x0  }
0x205: {  	[sflag:s7] =	ssyncadd.s32 $0xFFFFF800  }
0x206: {  	_ =	swait.ge [sflag:s7], $0x800  }
0x207: {  	[sflag:s7] =	ssyncset.done $0x0  }
0x208: {  	[sflag:s7] =	ssyncadd.s32 $0xFFFFF800  }
0x209: {  	_ =	swait.ge [sflag:s7], $0x800  }
0x20a: {  	[sflag:s7] =	ssyncset.done $0x0  }
0x20b: {  	[sflag:s7] =	ssyncadd.s32 $0xFFFFF800  }
0x20c: {  	_ =	swait.ge [sflag:s7], $0x800  }
0x20d: {  	[sflag:s7] =	ssyncset.done $0x0  }
0x20e: {  	[sflag:s7] =	ssyncadd.s32 $0xFFFFF800  }
0x20f: {  	_ =	swait.ge [sflag:s7], $0x800  }
0x210: {  	[sflag:s7] =	ssyncset.done $0x0  }
0x211: {  	[sflag:s7] =	ssyncadd.s32 $0xFFFFF800  }
0x212: {  	_ =	swait.ge [sflag:s7], $0x800  }
0x213: {  	[sflag:s7] =	ssyncset.done $0x0  }
0x214: {  	[sflag:s7] =	ssyncadd.s32 $0xFFFFF800  }
0x215: {  	_ =	swait.ge [sflag:s7], $0x800  }
0x216: {  	[sflag:s7] =	ssyncset.done $0x0  }
0x217: {  	p0 =	seq.s32 s11, $0x3;
	[sflag:s7] =	ssyncadd.s32 $0xFFFFF800  }
0x218: {  	s12 =	sadd.s32 @!p0 s12, s17;
	_ =	swait.ge [sflag:s7], $0x800  }
0x219: {  	s12 =	sshrl.u32 @!p0 s12, $0x3;
	[sflag:s7] =	ssyncset.done $0x0  }
0x21a: {  	s14 =	simm.s32 @!p0 $0x0;
	s13 =	sadd.s32 @!p0 s4, s12;
	[sflag:s7] =	ssyncadd.s32 $0xFFFFF800  }
0x21b: {  	[tilespmem:s14], [sflag:$0x1] =	stream.linear.gather @!p0 [hbm4b:s13+s14], $0x800, $0x38;
	[tilespmem:$0xD200] =	vst v63  }
0x21c: {  	s16 =	simm.s32 @!p0 $0x800;
	s15 =	sadd.s32 @!p0 $0x10000, s13  }
0x21d: {  	[tilespmem:s16], [sflag:$0x1] =	stream.linear.gather @!p0 [hbm4b:s15+s14], $0x800, $0x38;
	[tilespmem:$0xD200] =	vst v63  }
0x21e: {  	s15 =	sor.u32 @!p0 $0x20000, s12  }
0x21f: {  	s16 =	simm.s32 @!p0 $0x1000;
	s15 =	sadd.s32 @!p0 s4, s15  }
0x220: {  	[tilespmem:s16], [sflag:$0x1] =	stream.linear.gather @!p0 [hbm4b:s15+s14], $0x800, $0x38;
	[tilespmem:$0xD200] =	vst v63  }
0x221: {  	s15 =	sadd.s32 @!p0 $0x30000, s13;
	s16 =	simm.s32 @!p0 $0x1800  }
0x222: {  	[tilespmem:s16], [sflag:$0x1] =	stream.linear.gather @!p0 [hbm4b:s15+s14], $0x800, $0x38;
	[tilespmem:$0xD200] =	vst v63  }
0x223: {  	s15 =	sor.u32 @!p0 $0x40000, s12  }
0x224: {  	s16 =	simm.s32 @!p0 $0x2000;
	s15 =	sadd.s32 @!p0 s4, s15  }
0x225: {  	[tilespmem:s16], [sflag:$0x1] =	stream.linear.gather @!p0 [hbm4b:s15+s14], $0x800, $0x38;
	[tilespmem:$0xD200] =	vst v63  }
0x226: {  	s15 =	sadd.s32 @!p0 $0x50000, s13;
	s16 =	simm.s32 @!p0 $0x2800  }
0x227: {  	[tilespmem:s16], [sflag:$0x1] =	stream.linear.gather @!p0 [hbm4b:s15+s14], $0x800, $0x38;
	[tilespmem:$0xD200] =	vst v63  }
0x228: {  	s15 =	sor.u32 @!p0 $0x60000, s12  }
0x229: {  	s16 =	simm.s32 @!p0 $0x3000;
	s15 =	sadd.s32 @!p0 s4, s15  }
0x22a: {  	[tilespmem:s16], [sflag:$0x1] =	stream.linear.gather @!p0 [hbm4b:s15+s14], $0x800, $0x38;
	[tilespmem:$0xD200] =	vst v63  }
0x22b: {  	s15 =	sadd.s32 @!p0 $0x70000, s13;
	s16 =	simm.s32 @!p0 $0x3800  }
0x22c: {  	[tilespmem:s16], [sflag:$0x1] =	stream.linear.gather @!p0 [hbm4b:s15+s14], $0x800, $0x38;
	[tilespmem:$0xD200] =	vst v63  }
0x22d: {  	s15 =	sor.u32 @!p0 $0x80000, s12  }
0x22e: {  	s16 =	simm.s32 @!p0 $0x4000;
	s15 =	sadd.s32 @!p0 s4, s15  }
0x22f: {  	[tilespmem:s16], [sflag:$0x1] =	stream.linear.gather @!p0 [hbm4b:s15+s14], $0x800, $0x38;
	[tilespmem:$0xD200] =	vst v63  }
0x230: {  	s13 =	sadd.s32 @!p0 $0x90000, s13;
	s15 =	simm.s32 @!p0 $0x4800  }
0x231: {  	[tilespmem:s15], [sflag:$0x1] =	stream.linear.gather @!p0 [hbm4b:s13+s14], $0x800, $0x38;
	[tilespmem:$0xD200] =	vst v63  }
0x232: {  	s12 =	sadd.s32 @!p0 s1, s12;
	s13 =	simm.s32 @!p0 $0xA000  }
0x233: {  	[tilespmem:s13], [sflag:$0x1] =	stream.linear.gather @!p0 [hbm4b:s12+s14], $0x800, $0x38;
	[tilespmem:$0xD200] =	vst v63  }
0x234: {  	s12 =	simm.s32 $0xFFFFFFF8;
	s13 =	simm.s32 $0x0  }
.LBB2_7:
0x235: {  	s14 =	sshra.s32 s13, $0x2  }
0x236: {  	v0 =	vld [tilespmem:s14+$0x5000]  }
0x237: {  	v1 =	vld [tilespmem:s14+$0x5800]  }
0x238: {  	v2 =	vld [tilespmem:s14+$0x6000]  }
0x239: {  	v3 =	vld [tilespmem:s14+$0x6800]  }
0x23a: {  	v4 =	vld [tilespmem:s14+$0x7000]  }
0x23b: {  	v5 =	vld [tilespmem:s14+$0x7800];
	v0 =	vmul.f32 $1.442695020e+00, v0  }
0x23c: {  	v6 =	vld [tilespmem:s14+$0x8000];
	v1 =	vmul.f32 $1.442695020e+00, v1  }
0x23d: {  	v7 =	vld [tilespmem:s14+$0x8800];
	v50 =	vmul.f32 $1.442695020e+00, v2;
	(erf) = vpow2.f32 v0  }
0x23e: {  	v51 =	vmul.f32 $1.442695020e+00, v3;
	(erf) = vpow2.f32 v1  }
0x23f: {  	v52 =	vmul.f32 $1.442695020e+00, v4;
	(erf) = vpow2.f32 v50  }
0x240: {  	v54 =	vld [tilespmem:s14+$0x9000];
	v55 =	vmul.f32 $1.442695020e+00, v5;
	(erf) = vpow2.f32 v51  }
0x241: {  	v56 =	vld [tilespmem:s14+$0x9800];
	v57 =	vmul.f32 $1.442695020e+00, v6;
	(erf) = vpow2.f32 v52  }
0x242: {  	v58 =	vmul.f32 $1.442695020e+00, v7;
	(erf) = vpow2.f32 v55  }
0x243: {  	(erf) = vpow2.f32 v57  }
0x244: {  	(erf) = vpow2.f32 v58  }
0x245: {  	v59 =	vmul.f32 $1.442695020e+00, v54  }
0x246: {  	v61 =	vmul.f32 $1.442695020e+00, v56;
	v60 =	vpop (erf)  }
0x247: {  	(erf) = vpow2.f32 v59;
	v62 =	vpop (erf)  }
0x248: {  	(erf) = vpow2.f32 v61;
	v63 =	vpop (erf)  }
0x249: {  	v15 =	vpop (erf)  }
0x24a: {  	v16 =	vpop (erf)  }
0x24b: {  	v17 =	vpop (erf)  }
0x24c: {  	v4 =	vpop (erf)  }
0x24d: {  	v12 =	vadd.f32 v62, v60;
	v13 =	vadd.f32 v15, v63;
	v8 =	vpop (erf)  }
0x24e: {  	v14 =	vadd.f32 v17, v16;
	v18 =	vadd.f32 v8, v4;
	_ =	sdelay $0x1  }
0x24f: {  	v19 =	vld [tilespmem:s14+$0x5010];
	v1 =	vadd.f32 v13, v12;
	v11 =	vpop (erf);
	v5 =	vadd.f32 v18, v14  }
0x250: {  	v20 =	vld [tilespmem:s14+$0x5810];
	v3 =	vpop (erf)  }
0x251: {  	v21 =	vld [tilespmem:s14+$0x6010];
	v9 =	vadd.f32 v3, v11;
	v1 =	vadd.f32 v5, v1  }
0x252: {  	v10 =	vld [tilespmem:s14+$0x6810]  }
0x253: {  	v22 =	vld [tilespmem:s14+$0x7010];
	v1 =	vadd.f32 v9, v1  }
0x254: {  	v6 =	vmul.f32 $1.442695020e+00, v19;
	v12 =	vld [tilespmem:s14+$0x7810]  }
0x255: {  	v23 =	vld [tilespmem:s14+$0x8010];
	v7 =	vmul.f32 $1.442695020e+00, v20;
	(erf) = vrcp.f32 v1  }
0x256: {  	v13 =	vld [tilespmem:s14+$0x8810];
	v5 =	vmul.f32 $1.442695020e+00, v21;
	(erf) = vpow2.f32 v6  }
0x257: {  	v24 =	vmul.f32 $1.442695020e+00, v10;
	(erf) = vpow2.f32 v7  }
0x258: {  	v25 =	vmul.f32 $1.442695020e+00, v22;
	(erf) = vpow2.f32 v5  }
0x259: {  	v26 =	vld [tilespmem:s14+$0x9010];
	v27 =	vmul.f32 $1.442695020e+00, v12;
	(erf) = vpow2.f32 v24  }
0x25a: {  	v28 =	vld [tilespmem:s14+$0x9810];
	v1 =	vmul.f32 $1.442695020e+00, v23;
	(erf) = vpow2.f32 v25  }
0x25b: {  	v37 =	vld [tilespmem:s14+$0x5820];
	v29 =	vmul.f32 $1.442695020e+00, v13;
	(erf) = vpow2.f32 v27  }
0x25c: {  	v39 =	vld [tilespmem:s14+$0x6820];
	(erf) = vpow2.f32 v1  }
0x25d: {  	v41 =	vld [tilespmem:s14+$0x7020];
	(erf) = vpow2.f32 v29  }
0x25e: {  	v47 =	vld [tilespmem:s14+$0x9020];
	v31 =	vmul.f32 $1.442695020e+00, v26;
	v30 =	vpop (erf)  }
0x25f: {  	v33 =	vmul.f32 $1.442695020e+00, v28;
	v28 =	vld [tilespmem:s14+$0x7820];
	v18 =	vpop (erf)  }
0x260: {  	v14 =	vld [tilespmem:s14+$0xA800];
	(erf) = vpow2.f32 v31;
	v34 =	vpop (erf)  }
0x261: {  	v23 =	vld [tilespmem:s14+$0x5020];
	v10 =	vpop (erf);
	(erf) = vpow2.f32 v33  }
0x262: {  	v13 =	vpop (erf)  }
0x263: {  	v0 =	vmul.f32 $1.442695020e+00, v37;
	v44 =	vmul.f32 $1.442695020e+00, v39;
	v9 =	vpop (erf)  }
0x264: {  	v56 =	vld [tilespmem:s14+$0x9820];
	v46 =	vmul.f32 $1.442695020e+00, v41;
	v61 =	vmul.f32 $1.442695020e+00, v47;
	v1 =	vpop (erf)  }
0x265: {  	v54 =	vmul.f32 $1.442695020e+00, v28;
	vm15 =	veq.s32 v14, $0x4;
	v20 =	vmul.f32 $1.500000000e+01, v30;
	v40 =	vpop (erf)  }
0x266: {  	v23 =	vmul.f32 $1.442695020e+00, v23;
	v7 =	vadd.f32 v34, v18;
	v19 =	vadd.f32 v13, v10;
	v5 =	vpop (erf)  }
0x267: {  	v29 =	vld [tilespmem:s14+$0x8820];
	v58 =	vmul.f32 v20, v60;
	v21 =	vadd.f32 v1, v9;
	v22 =	vadd.f32 v5, v40  }
0x268: {  	v49 =	vsel vm15, $0x45800800, v32;
	v43 =	vmul.f32 v20, v63;
	v28 =	vmul.f32 v20, v16  }
0x269: {  	v63 =	vmul.f32 $1.442695020e+00, v56;
	v35 =	vadd.f32 v19, v7;
	v12 =	vpop (erf);
	v36 =	vadd.f32 v22, v21  }
0x26a: {  	vm10 =	veq.s32 v14, $0x0;
	[tilespmem:$0x1FD20] =	vst v49;
	v37 =	vmul.f32 v20, v4;
	v49 =	vmul.f32 v20, v8;
	v7 =	vpop (erf)  }
0x26b: {  	v38 =	vld [tilespmem:s14+$0x6020];
	v33 =	vmul.f32 v20, v3;
	v25 =	vadd.f32 v7, v12;
	v2 =	vadd.f32 v36, v35  }
0x26c: {  	vm12 =	veq.s32 v14, $0x2;
	v57 =	vmul.f32 $1.442695020e+00, v29;
	v29 =	vmul.f32 v20, v17  }
0x26d: {  	v24 =	vtrunc.f32 v58;
	v26 =	vtrunc.f32 v43;
	v2 =	vadd.f32 v25, v2  }
0x26e: {  	vm14 =	veq.s32 v14, $0x3;
	v60 =	vtrunc.f32 v28;
	v50 =	vtrunc.f32 v37  }
0x26f: {  	v42 =	vld [tilespmem:s14+$0x8020];
	vm5 =	veq.s32 v14, $0x5;
	v56 =	vtrunc.f32 v49;
	(erf) = vrcp.f32 v2  }
0x270: {  	v47 =	vsel vm14, $0x45800800, v32;
	v19 =	vmul.f32 $1.442695020e+00, v38;
	(erf) = vpow2.f32 v23  }
0x271: {  	vm7 =	veq.s32 v14, $0x6;
	[tilespmem:$0x1FD10] =	vst v47;
	v47 =	vtrunc.f32 v33;
	(erf) = vpow2.f32 v0  }
0x272: {  	vm9 =	veq.s32 v14, $0x7;
	v24 =	vcvt.f32.s32 v24;
	(erf) = vpow2.f32 v19  }
0x273: {  	vm2 =	veq.s32 v14, $0x8;
	v26 =	vcvt.f32.s32 v26;
	(erf) = vpow2.f32 v44  }
0x274: {  	v55 =	vsel vm10, $0x45800800, v32;
	v38 =	vld [tilespmem:s14+$0x5030];
	v2 =	vmul.f32 $1.442695020e+00, v42;
	(erf) = vpow2.f32 v46  }
0x275: {  	v62 =	vsel vm12, $0x45800800, v32;
	v6 =	vcvt.f32.s32 v60;
	(erf) = vpow2.f32 v54  }
0x276: {  	v32 =	vimm.f32 $1.000000000e+00;
	v8 =	vcvt.f32.s32 v50;
	(erf) = vpow2.f32 v2  }
0x277: {  	vm0 =	vlt.s32 v24, $0xE;
	vm11 =	vlt.s32 v26, $0xE;
	(erf) = vpow2.f32 v57  }
0x278: {  	v41 =	vld [tilespmem:s14+$0x5830];
	vm1 =	vlt.s32 v6, $0xE;
	v45 =	vnsel vm0, $0xE, v24;
	v22 =	vmul.f32 v20, v15;
	v19 =	vpop (erf)  }
0x279: {  	v39 =	vadd.s32 v53, v45;
	v45 =	vtrunc.f32 v29;
	v24 =	vmul.f32 $1.442695020e+00, v38;
	v15 =	vpop (erf)  }
0x27a: {  	vm6 =	vlt.s32 v8, $0xE;
	v27 =	vtrunc.f32 v22;
	(erf) = vpow2.f32 v61;
	v21 =	vpop (erf)  }
0x27b: {  	v51 =	vnsel vm11, $0xE, v26;
	v59 =	vcvt.f32.s32 v27;
	v16 =	vpop (erf);
	(erf) = vpow2.f32 v63  }
0x27c: {  	[tilespmem:$0x1FCF0] =	vst v55;
	v55 =	vnsel vm1, $0xE, v6;
	v35 =	vmul.f32 v20, v11;
	v46 =	vcvt.f32.s32 v45;
	v17 =	vpop (erf)  }
0x27d: {  	vm0 =	veq.s32 v14, $0x9;
	v20 =	vmul.f32 $1.442695020e+00, v41;
	v41 =	vld [tilespmem:s14+$0x9830];
	v25 =	vcvt.f32.s32 v56;
	v36 =	vpop (erf)  }
0x27e: {  	v56 =	vnsel vm6, $0xE, v8;
	vm13 =	vlt.s32 v59, $0xE;
	vm4 =	vlt.s32 v46, $0xE;
	v54 =	vpop (erf)  }
0x27f: {  	v8 =	vcvt.f32.s32 v47;
	v48 =	vnsel vm13, $0xE, v59;
	v42 =	vnsel vm4, $0xE, v46;
	v46 =	vld [tilespmem:s14+$0x6030];
	v59 =	vpop (erf)  }
0x280: {  	vm8 =	vlt.s32 v25, $0xE;
	v52 =	vadd.f32 v21, v15;
	v53 =	vadd.f32 v17, v16;
	v60 =	vpop (erf)  }
0x281: {  	v19 =	vmul.f32 $1.500000000e+01, v19;
	v57 =	vadd.f32 v54, v36;
	v4 =	vadd.f32 v60, v59  }
0x282: {  	v50 =	vld [tilespmem:s14+$0x6830];
	vm11 =	vlt.s32 v8, $0xE;
	v44 =	vtrunc.f32 v35;
	v2 =	vmul.f32 $1.442695020e+00, v41  }
0x283: {  	v34 =	vld [tilespmem:s14+$0x8030];
	v41 =	vmul.f32 v19, v1;
	v30 =	vadd.f32 v53, v52;
	v61 =	vpop (erf);
	v31 =	vadd.f32 v4, v57  }
0x284: {  	[tilespmem:$0x1FD00] =	vst v62;
	v26 =	vnsel vm11, $0xE, v8;
	v23 =	vmul.f32 $1.442695020e+00, v46;
	v46 =	vmul.f32 v19, v13;
	v53 =	vld [tilespmem:s14+$0x7030];
	v62 =	vpop (erf)  }
0x285: {  	v40 =	vmul.f32 v19, v40;
	v45 =	vadd.f32 v62, v61;
	v11 =	vadd.f32 v31, v30  }
0x286: {  	v63 =	vsel vm7, $0x45800800, v32;
	v6 =	vtrunc.f32 v46;
	v52 =	vcvt.f32.s32 v44  }
0x287: {  	[tilespmem:$0x1FD40] =	vst v63;
	v63 =	vld [tilespmem:s14+$0xA810];
	v57 =	vmul.f32 v19, v18;
	v18 =	vmul.f32 $1.442695020e+00, v50;
	v11 =	vadd.f32 v45, v11  }
0x288: {  	v21 =	vsel vm5, $0x45800800, v32;
	v50 =	vmul.f32 $1.442695020e+00, v34;
	v34 =	vmul.f32 v19, v10;
	v31 =	vld [tilespmem:s14+$0x7830]  }
0x289: {  	[tilespmem:$0x1FD30] =	vst v21;
	v21 =	vnsel vm8, $0xE, v25;
	v3 =	vmul.f32 $1.442695020e+00, v53;
	(erf) = vrcp.f32 v11  }
0x28a: {  	v38 =	vld [tilespmem:s14+$0x8830];
	v44 =	vsel vm9, $0x45800800, v32;
	v30 =	vtrunc.f32 v57;
	(erf) = vpow2.f32 v24  }
0x28b: {  	vm10 =	vlt.s32 v52, $0xE;
	v0 =	vtrunc.f32 v34;
	(erf) = vpow2.f32 v20  }
0x28c: {  	vm1 =	veq.s32 v63, $0x0;
	v4 =	vld [tilespmem:s14+$0x9030];
	v8 =	vcvt.f32.s32 v0;
	(erf) = vpow2.f32 v23  }
0x28d: {  	vm6 =	veq.s32 v63, $0x4;
	v0 =	vld [tilespmem:s14+$0x5840];
	v31 =	vmul.f32 $1.442695020e+00, v31;
	(erf) = vpow2.f32 v18  }
0x28e: {  	vm9 =	veq.s32 v63, $0x6;
	v53 =	vcvt.f32.s32 v30;
	(erf) = vpow2.f32 v3  }
0x28f: {  	v24 =	vnsel vm10, $0xE, v52;
	v52 =	vmul.f32 $1.442695020e+00, v38;
	(erf) = vpow2.f32 v31  }
0x290: {  	vm8 =	veq.s32 v63, $0x7;
	v30 =	vmul.f32 v19, v5;
	(erf) = vpow2.f32 v50  }
0x291: {  	vm12 =	vlt.s32 v53, $0xE;
	v20 =	vtrunc.f32 v41;
	(erf) = vpow2.f32 v52  }
0x292: {  	vm3 =	vlt.s32 v8, $0xE;
	v0 =	vmul.f32 $1.442695020e+00, v0;
	v23 =	vmul.f32 $1.442695020e+00, v4;
	v18 =	vpop (erf)  }
0x293: {  	vm10 =	veq.s32 v63, $0x8;
	v1 =	vcvt.f32.s32 v20;
	v20 =	vmul.f32 v19, v7;
	v45 =	vpop (erf)  }
0x294: {  	v4 =	vnsel vm12, $0xE, v53;
	v50 =	vmul.f32 v19, v9;
	(erf) = vpow2.f32 v23;
	v13 =	vpop (erf)  }
0x295: {  	v3 =	vnsel vm3, $0xE, v8;
	v9 =	vcvt.f32.s32 v6;
	(erf) = vpow2.f32 v2;
	v52 =	vpop (erf)  }
0x296: {  	vm3 =	veq.s32 v63, $0x2;
	v11 =	vtrunc.f32 v50;
	v53 =	vmul.f32 $1.500000000e+01, v18;
	v27 =	vpop (erf)  }
0x297: {  	vm13 =	vlt.s32 v1, $0xE;
	vm4 =	vlt.s32 v9, $0xE;
	v6 =	vcvt.f32.s32 v11;
	v47 =	vpop (erf)  }
0x298: {  	v9 =	vnsel vm4, $0xE, v9;
	vm4 =	veq.s32 v63, $0x3;
	v8 =	vmul.f32 v53, v17;
	v38 =	vpop (erf)  }
0x299: {  	v5 =	vadd.f32 v13, v45;
	v11 =	vmul.f32 v53, v60;
	v14 =	vmul.f32 v53, v61;
	v31 =	vpop (erf)  }
0x29a: {  	v18 =	vld [tilespmem:s14+$0x6040];
	vm5 =	vlt.s32 v6, $0xE;
	v13 =	vadd.f32 v27, v52;
	v25 =	vadd.f32 v38, v47;
	v23 =	vpop (erf)  }
0x29b: {  	v60 =	vtrunc.f32 v40;
	v61 =	vld [tilespmem:s14+$0x7840];
	v6 =	vnsel vm5, $0xE, v6;
	v2 =	vadd.f32 v23, v31  }
0x29c: {  	v17 =	vld [tilespmem:s14+$0x8040];
	v5 =	vadd.f32 v13, v5;
	[tilespmem:$0x1FD60] =	vst v23;
	v23 =	vmul.f32 v19, v12;
	v19 =	vmul.f32 v53, v15  }
0x29d: {  	v13 =	vmul.f32 v53, v16;
	v12 =	vld [tilespmem:s14+$0x5040];
	v15 =	vmul.f32 v53, v54;
	v10 =	vpop (erf);
	v7 =	vadd.f32 v2, v25  }
0x29e: {  	vm5 =	veq.s32 v63, $0x5;
	v54 =	vcvt.f32.s32 v60;
	[tilespmem:$0x1FD90] =	vst v19;
	v25 =	vpop (erf);
	v60 =	vtrunc.f32 v19;
	v19 =	vld [tilespmem:$0x1FFA0]  }
0x29f: {  	[tilespmem:$0x1FD80] =	vst v10;
	v2 =	vadd.f32 v25, v10;
	v10 =	vmul.f32 v53, v59;
	v59 =	vld [tilespmem:s14+$0x7040];
	v5 =	vadd.f32 v7, v5  }
0x2a0: {  	v16 =	vmul.f32 v53, v36;
	vm7 =	vlt.s32 v54, $0xE;
	[tilespmem:$0x1FDA0] =	vst v25;
	v53 =	vmul.f32 v53, v62;
	v25 =	vld [tilespmem:s14+$0x6840]  }
0x2a1: {  	v62 =	vtrunc.f32 v30;
	v7 =	vmul.f32 $1.442695020e+00, v18;
	v18 =	vld [tilespmem:s14+$0x8840];
	v5 =	vadd.f32 v2, v5  }
0x2a2: {  	[tilespmem:$0x1FDC0] =	vst v8;
	v2 =	vnsel vm13, $0xE, v1;
	v1 =	vcvt.f32.s32 v62;
	v62 =	vtrunc.f32 v8;
	v8 =	vld [tilespmem:$0x1FF70]  }
0x2a3: {  	v12 =	vmul.f32 $1.442695020e+00, v12;
	v42 =	vadd.s32 v19, v42;
	v19 =	vld [tilespmem:$0x1FFD0];
	(erf) = vrcp.f32 v5  }
0x2a4: {  	v5 =	vmul.f32 $1.442695020e+00, v59;
	v59 =	vnsel vm7, $0xE, v54;
	vm7 =	veq.s32 v63, $0x9;
	v63 =	vld [tilespmem:$0x1FCF0]  }
0x2a5: {  	[tilespmem:$0x1FD70] =	vst v20;
	v36 =	vmul.f32 $1.442695020e+00, v25;
	v54 =	vtrunc.f32 v20;
	v20 =	vld [tilespmem:$0x1FFB0]  }
0x2a6: {  	[tilespmem:$0x1FD50] =	vst v23;
	v25 =	vtrunc.f32 v23;
	v23 =	vld [tilespmem:$0x1FFD0];
	(erf) = vpow2.f32 v12  }
0x2a7: {  	(erf) = vpow2.f32 v0;
	v0 =	vld [tilespmem:s14+$0xA820]  }
0x2a8: {  	(erf) = vpow2.f32 v7;
	v7 =	vmul.f32 $1.442695020e+00, v17;
	v17 =	vld [tilespmem:$0x1FF80]  }
0x2a9: {  	(erf) = vpow2.f32 v36;
	v36 =	vmul.f32 $1.442695020e+00, v18;
	v18 =	vld [tilespmem:$0x1FF90]  }
0x2aa: {  	vm11 =	vlt.s32 v1, $0xE;
	v12 =	vmul.f32 $1.442695020e+00, v61;
	[tilespmem:v39+s30+$0x0] =	vst.idx.add.f32.msk $0xffff, v63  }
0x2ab: {  	v1 =	vnsel vm11, $0xE, v1;
	(erf) = vpow2.f32 v5;
	v5 =	vcvt.f32.s32 v25;
	v25 =	vld [tilespmem:$0x1FFE0]  }
0x2ac: {  	v61 =	vtrunc.f32 v13;
	v56 =	vadd.s32 v20, v56;
	v20 =	vld [tilespmem:$0x1FFE0];
	(erf) = vpow2.f32 v12  }
0x2ad: {  	v12 =	vcvt.f32.s32 v54;
	v54 =	vcvt.f32.s32 v60;
	[tilespmem:v39+s3+$0x0] =	vst.idx.add.f32.msk $0xffff, v58;
	v58 =	vadd.s32 v19, v1  }
0x2ae: {  	v39 =	vld [tilespmem:$0x1FFF0];
	(erf) = vpow2.f32 v7;
	vm11 =	vlt.s32 v5, $0xE;
	v7 =	vcvt.f32.s32 v61  }
0x2af: {  	v19 =	vld [tilespmem:$0x1FF70];
	(erf) = vpow2.f32 v36;
	vm12 =	vlt.s32 v12, $0xE;
	v36 =	vcvt.f32.s32 v62  }
0x2b0: {  	v48 =	vadd.s32 v17, v48;
	v17 =	vld [tilespmem:$0x1FFA0];
	v12 =	vnsel vm12, $0xE, v12;
	vm12 =	vlt.s32 v7, $0xE  }
0x2b1: {  	v62 =	vnsel vm12, $0xE, v7;
	v7 =	vadd.s32 v8, v51;
	v51 =	vadd.s32 v18, v55;
	v55 =	vld [tilespmem:$0x1FF60]  }
0x2b2: {  	v5 =	vnsel vm11, $0xE, v5;
	vm11 =	vlt.s32 v54, $0xE;
	v24 =	vadd.s32 v25, v24;
	v25 =	vld [tilespmem:$0x1FD00]  }
0x2b3: {  	v61 =	vnsel vm11, $0xE, v54;
	v54 =	vld [tilespmem:$0x1FFF0]  }
0x2b4: {  	v8 =	vld [tilespmem:$0x1FF80]  }
0x2b5: {  	v18 =	vld [tilespmem:$0x1FFB0]  }
0x2b6: {  	v63 =	vadd.s32 v23, v21;
	v21 =	vadd.s32 v55, v4;
	v4 =	vld [tilespmem:$0x1FF70]  }
0x2b7: {  	[tilespmem:v7+s30+$0x0] =	vst.idx.add.f32.msk $0xffff, v25  }
0x2b8: {  	v55 =	vld [tilespmem:$0x1FF60]  }
0x2b9: {  	[tilespmem:v7+s3+$0x0] =	vst.idx.add.f32.msk $0xffff, v43  }
0x2ba: {  	v43 =	vld [tilespmem:$0x1FD10]  }
0x2bb: {  	v18 =	vadd.s32 v18, v59;
	v59 =	vld [tilespmem:s14+$0x9040]  }
0x2bc: {  	[tilespmem:$0x1FE00] =	vst v11;
	v25 =	vadd.s32 v19, v62;
	v62 =	vtrunc.f32 v11;
	v11 =	vld [tilespmem:s14+$0x9840]  }
0x2bd: {  	v1 =	vsel vm1, $0x45800800, v32;
	v3 =	vadd.s32 v4, v3;
	v4 =	vadd.s32 v8, v9;
	v9 =	vld [tilespmem:$0x1FF90]  }
0x2be: {  	[tilespmem:v21+s30+$0x0] =	vst.idx.add.f32.msk $0xffff, v1  }
0x2bf: {  	[tilespmem:v48+s30+$0x0] =	vst.idx.add.f32.msk $0xffff, v43  }
0x2c0: {  	v43 =	vld [tilespmem:$0x1FF90]  }
0x2c1: {  	v23 =	vtrunc.f32 v16;
	[tilespmem:v21+s3+$0x0] =	vst.idx.add.f32.msk $0xffff, v57  }
0x2c2: {  	v20 =	vadd.s32 v20, v5;
	v5 =	vcvt.f32.s32 v23;
	v21 =	vld [tilespmem:$0x1FFF0]  }
0x2c3: {  	[tilespmem:v48+s3+$0x0] =	vst.idx.add.f32.msk $0xffff, v22  }
0x2c4: {  	vm14 =	vlt.s32 v5, $0xE;
	v60 =	vadd.s32 v54, v26;
	v26 =	vtrunc.f32 v15;
	v22 =	vld [tilespmem:$0x1FF80]  }
0x2c5: {  	v7 =	vsel vm3, $0x45800800, v32;
	v6 =	vadd.s32 v9, v6;
	v9 =	vcvt.f32.s32 v26;
	v26 =	vld [tilespmem:$0x1FD30]  }
0x2c6: {  	v48 =	vnsel vm14, $0xE, v5;
	[tilespmem:v3+s30+$0x0] =	vst.idx.add.f32.msk $0xffff, v7  }
0x2c7: {  	[tilespmem:$0x1FDE0] =	vst v15;
	v15 =	vadd.s32 v43, v48;
	v48 =	vld [tilespmem:$0x1FD40]  }
0x2c8: {  	v8 =	vsel vm4, $0x45800800, v32;
	[tilespmem:v3+s3+$0x0] =	vst.idx.add.f32.msk $0xffff, v34  }
0x2c9: {  	vm4 =	vlt.s32 v9, $0xE;
	[tilespmem:v4+s30+$0x0] =	vst.idx.add.f32.msk $0xffff, v8  }
0x2ca: {  	[tilespmem:$0x1FDD0] =	vst v16;
	v54 =	vadd.s32 v17, v2;
	v16 =	vnsel vm4, $0xE, v9;
	v9 =	vld [tilespmem:$0x1FD20]  }
0x2cb: {  	v23 =	vadd.s32 v39, v12;
	v12 =	vsel vm6, $0x45800800, v32;
	[tilespmem:v4+s3+$0x0] =	vst.idx.add.f32.msk $0xffff, v46  }
0x2cc: {  	[tilespmem:v6+s30+$0x0] =	vst.idx.add.f32.msk $0xffff, v12  }
0x2cd: {  	[tilespmem:v6+s3+$0x0] =	vst.idx.add.f32.msk $0xffff, v50  }
0x2ce: {  	v5 =	vsel vm5, $0x45800800, v32;
	v50 =	vld [tilespmem:s14+$0x5050]  }
0x2cf: {  	[tilespmem:v54+s30+$0x0] =	vst.idx.add.f32.msk $0xffff, v5  }
0x2d0: {  	v5 =	vld [tilespmem:s14+$0x5850]  }
0x2d1: {  	[tilespmem:v51+s30+$0x0] =	vst.idx.add.f32.msk $0xffff, v9  }
0x2d2: {  	[tilespmem:v54+s3+$0x0] =	vst.idx.add.f32.msk $0xffff, v41  }
0x2d3: {  	v54 =	vld [tilespmem:$0x1FF60]  }
0x2d4: {  	v55 =	vadd.s32 v55, v61;
	v9 =	vsel vm9, $0x45800800, v32;
	[tilespmem:v51+s3+$0x0] =	vst.idx.add.f32.msk $0xffff, v28  }
0x2d5: {  	[tilespmem:v18+s30+$0x0] =	vst.idx.add.f32.msk $0xffff, v9  }
0x2d6: {  	v9 =	vld [tilespmem:s14+$0x8050]  }
0x2d7: {  	vm15 =	veq.s32 v0, $0x0;
	[tilespmem:v42+s30+$0x0] =	vst.idx.add.f32.msk $0xffff, v26  }
0x2d8: {  	v51 =	vmul.f32 $1.442695020e+00, v59;
	v59 =	vsel vm15, $0x45800800, v32;
	[tilespmem:v18+s3+$0x0] =	vst.idx.add.f32.msk $0xffff, v40  }
0x2d9: {  	[tilespmem:v55+s30+$0x0] =	vst.idx.add.f32.msk $0xffff, v59  }
0x2da: {  	[tilespmem:v42+s3+$0x0] =	vst.idx.add.f32.msk $0xffff, v29  }
0x2db: {  	[tilespmem:$0x1FDF0] =	vst v10;
	v19 =	vsel vm8, $0x45800800, v32;
	v29 =	vld [tilespmem:$0x1FFB0]  }
0x2dc: {  	vm13 =	vlt.s32 v36, $0xE;
	v28 =	vtrunc.f32 v10;
	v10 =	vcvt.f32.s32 v62;
	[tilespmem:v58+s30+$0x0] =	vst.idx.add.f32.msk $0xffff, v19  }
0x2dd: {  	v36 =	vnsel vm13, $0xE, v36;
	v19 =	vld [tilespmem:s14+$0x7050]  }
0x2de: {  	v39 =	vadd.s32 v22, v36;
	vm4 =	vlt.s32 v10, $0xE;
	[tilespmem:v56+s30+$0x0] =	vst.idx.add.f32.msk $0xffff, v48  }
0x2df: {  	v22 =	vcvt.f32.s32 v28;
	v28 =	vnsel vm4, $0xE, v10;
	v10 =	vmul.f32 $1.442695020e+00, v11;
	v11 =	vld [tilespmem:$0x1FFD0]  }
0x2e0: {  	[tilespmem:v58+s3+$0x0] =	vst.idx.add.f32.msk $0xffff, v30  }
0x2e1: {  	[tilespmem:$0x1FDB0] =	vst v13;
	v30 =	vld [tilespmem:$0x1FD50]  }
0x2e2: {  	[tilespmem:v56+s3+$0x0] =	vst.idx.add.f32.msk $0xffff, v37  }
0x2e3: {  	[tilespmem:$0x1FE20] =	vst v53;
	v36 =	vsel vm10, $0x45800800, v32;
	v56 =	vld [tilespmem:$0x1FFA0]  }
0x2e4: {  	v53 =	vtrunc.f32 v53;
	[tilespmem:v20+s30+$0x0] =	vst.idx.add.f32.msk $0xffff, v36  }
0x2e5: {  	v13 =	vsel vm2, $0x45800800, v32;
	vm11 =	veq.s32 v0, $0x3;
	vm12 =	veq.s32 v0, $0x4;
	[tilespmem:v63+s30+$0x0] =	vst.idx.add.f32.msk $0xffff, v44  }
0x2e6: {  	vm6 =	veq.s32 v0, $0x2;
	vm13 =	veq.s32 v0, $0x5;
	v2 =	vsel vm0, $0x45800800, v32;
	[tilespmem:v63+s3+$0x0] =	vst.idx.add.f32.msk $0xffff, v49  }
0x2e7: {  	[tilespmem:$0x1FE10] =	vst v14;
	v17 =	vsel vm6, $0x45800800, v32;
	v61 =	vsel vm7, $0x45800800, v32;
	vm7 =	veq.s32 v0, $0x8;
	v63 =	vld [tilespmem:$0x1FFE0]  }
0x2e8: {  	vm5 =	veq.s32 v0, $0x7;
	vm9 =	veq.s32 v0, $0x9;
	vm14 =	vlt.s32 v22, $0xE;
	[tilespmem:v24+s30+$0x0] =	vst.idx.add.f32.msk $0xffff, v13  }
0x2e9: {  	vm15 =	veq.s32 v0, $0x6;
	v42 =	vtrunc.f32 v14;
	v22 =	vnsel vm14, $0xE, v22;
	[tilespmem:v24+s3+$0x0] =	vst.idx.add.f32.msk $0xffff, v35  }
0x2ea: {  	(erf) = vpow2.f32 v51;
	v44 =	vpop (erf);
	v29 =	vadd.s32 v29, v22;
	v22 =	vcvt.f32.s32 v42;
	[tilespmem:v20+s3+$0x0] =	vst.idx.add.f32.msk $0xffff, v30  }
0x2eb: {  	v49 =	vsel vm15, $0x45800800, v32;
	v42 =	vmul.f32 $1.500000000e+01, v44;
	v43 =	vadd.s32 v11, v28;
	[tilespmem:v60+s30+$0x0] =	vst.idx.add.f32.msk $0xffff, v2  }
0x2ec: {  	v37 =	vadd.s32 v56, v16;
	vm6 =	vlt.s32 v22, $0xE;
	v2 =	vcvt.f32.s32 v53;
	[tilespmem:v60+s3+$0x0] =	vst.idx.add.f32.msk $0xffff, v33;
	v60 =	vpop (erf)  }
0x2ed: {  	v28 =	vmul.f32 v42, v27;
	[tilespmem:v23+s30+$0x0] =	vst.idx.add.f32.msk $0xffff, v61;
	v14 =	vnsel vm6, $0xE, v22;
	v22 =	vmul.f32 v42, v45;
	v26 =	vpop (erf)  }
0x2ee: {  	v56 =	vsel vm11, $0x45800800, v32;
	v61 =	vld [tilespmem:$0x1FD70];
	v48 =	vadd.s32 v63, v14;
	v63 =	vmul.f32 v42, v52;
	v62 =	vpop (erf)  }
0x2ef: {  	v36 =	vld [tilespmem:$0x1FD60];
	vm8 =	vlt.s32 v2, $0xE;
	v12 =	vtrunc.f32 v28;
	v11 =	vtrunc.f32 v22;
	v45 =	vpop (erf)  }
0x2f0: {  	v20 =	vld [tilespmem:$0x1FD80];
	v24 =	vadd.f32 v26, v60;
	v14 =	vcvt.f32.s32 v11;
	v51 =	vpop (erf);
	v26 =	vadd.f32 v45, v62  }
0x2f1: {  	v52 =	vld [tilespmem:s14+$0xA830];
	(erf) = vpow2.f32 v10;
	v10 =	vnsel vm8, $0xE, v2;
	v27 =	vtrunc.f32 v63;
	v44 =	vpop (erf)  }
0x2f2: {  	vm10 =	vlt.s32 v14, $0xE;
	v35 =	vpop (erf);
	v2 =	vadd.f32 v26, v24;
	v26 =	vcvt.f32.s32 v12;
	v12 =	vld [tilespmem:$0x1FF70]  }
0x2f3: {  	v16 =	vsel vm12, $0x45800800, v32;
	v46 =	vcvt.f32.s32 v27;
	[tilespmem:v23+s3+$0x0] =	vst.idx.add.f32.msk $0xffff, v61;
	v0 =	vnsel vm10, $0xE, v14;
	v57 =	vpop (erf)  }
0x2f4: {  	v23 =	vld [tilespmem:s14+$0x8850];
	v14 =	vadd.f32 v44, v51;
	v41 =	vadd.s32 v54, v0;
	v24 =	vadd.f32 v57, v35  }
0x2f5: {  	v34 =	vadd.s32 v21, v10;
	vm12 =	vlt.s32 v46, $0xE;
	v0 =	vmul.f32 v42, v36;
	v36 =	vld [tilespmem:$0x1FFB0]  }
0x2f6: {  	v4 =	vnsel vm12, $0xE, v46;
	v27 =	vadd.f32 v24, v14;
	v24 =	vmul.f32 v42, v38;
	v38 =	vld [tilespmem:$0x1FF80]  }
0x2f7: {  	v21 =	vmul.f32 v42, v47;
	vm11 =	veq.s32 v52, $0x0;
	v40 =	vadd.s32 v12, v4;
	v12 =	vld [tilespmem:$0x1FF90]  }
0x2f8: {  	v54 =	vmul.f32 v42, v31;
	v31 =	vsel vm11, $0x45800800, v32;
	v2 =	vadd.f32 v27, v2;
	v27 =	vld [tilespmem:s14+$0x6050]  }
0x2f9: {  	v13 =	vsel vm13, $0x45800800, v32;
	v46 =	vtrunc.f32 v21;
	v3 =	vpop (erf);
	v18 =	vtrunc.f32 v24;
	[tilespmem:v41+s30+$0x0] =	vst.idx.add.f32.msk $0xffff, v31  }
0x2fa: {  	vm15 =	veq.s32 v52, $0x2;
	v7 =	vcvt.f32.s32 v46;
	v33 =	vpop (erf);
	v31 =	vld [tilespmem:$0x1FF90];
	v6 =	vcvt.f32.s32 v18  }
0x2fb: {  	v47 =	vadd.f32 v33, v3;
	v18 =	vmul.f32 $1.442695020e+00, v5;
	v5 =	vmul.f32 $1.442695020e+00, v19;
	v19 =	vld [tilespmem:s14+$0x9050]  }
0x2fc: {  	vm13 =	vlt.s32 v26, $0xE;
	v46 =	vmul.f32 $1.442695020e+00, v50;
	vm14 =	vlt.s32 v7, $0xE;
	[tilespmem:v41+s3+$0x0] =	vst.idx.add.f32.msk $0xffff, v22  }
0x2fd: {  	v11 =	vnsel vm13, $0xE, v26;
	v14 =	vnsel vm14, $0xE, v7;
	v2 =	vadd.f32 v47, v2;
	v47 =	vld [tilespmem:s14+$0x6850]  }
0x2fe: {  	v50 =	vsel vm15, $0x45800800, v32;
	v10 =	vadd.s32 v38, v11;
	v38 =	vadd.s32 v12, v14;
	v12 =	vld [tilespmem:$0x1FFA0]  }
0x2ff: {  	v58 =	vtrunc.f32 v54;
	(erf) = vrcp.f32 v2;
	[tilespmem:v40+s30+$0x0] =	vst.idx.add.f32.msk $0xffff, v50  }
0x300: {  	vm4 =	veq.s32 v52, $0x3;
	v14 =	vcvt.f32.s32 v58;
	(erf) = vpow2.f32 v46;
	v46 =	vld [tilespmem:s14+$0x7850]  }
0x301: {  	v2 =	vsel vm4, $0x45800800, v32;
	v27 =	vmul.f32 $1.442695020e+00, v27;
	[tilespmem:v40+s3+$0x0] =	vst.idx.add.f32.msk $0xffff, v63  }
0x302: {  	v63 =	vld [tilespmem:$0x1FFB0];
	vm8 =	vlt.s32 v14, $0xE;
	v7 =	vmul.f32 $1.442695020e+00, v47;
	v47 =	vtrunc.f32 v0  }
0x303: {  	(erf) = vpow2.f32 v18;
	v4 =	vnsel vm8, $0xE, v14;
	v14 =	vcvt.f32.s32 v47;
	v47 =	vld [tilespmem:$0x1FD90]  }
0x304: {  	vm6 =	vlt.s32 v6, $0xE;
	(erf) = vpow2.f32 v27;
	[tilespmem:v10+s30+$0x0] =	vst.idx.add.f32.msk $0xffff, v2  }
0x305: {  	v6 =	vnsel vm6, $0xE, v6;
	(erf) = vpow2.f32 v7;
	v7 =	vadd.s32 v36, v4;
	v36 =	vld [tilespmem:$0x1FFD0]  }
0x306: {  	v30 =	vadd.s32 v12, v6;
	v12 =	vmul.f32 $1.442695020e+00, v19;
	v19 =	vld [tilespmem:$0x1FDD0]  }
0x307: {  	v53 =	vsel vm5, $0x45800800, v32;
	vm5 =	veq.s32 v52, $0x4;
	[tilespmem:v10+s3+$0x0] =	vst.idx.add.f32.msk $0xffff, v28  }
0x308: {  	v58 =	vsel vm5, $0x45800800, v32;
	(erf) = vpow2.f32 v5;
	v5 =	vmul.f32 $1.442695020e+00, v23;
	v23 =	vld [tilespmem:$0x1FDB0]  }
0x309: {  	vm10 =	vlt.s32 v14, $0xE;
	[tilespmem:v38+s30+$0x0] =	vst.idx.add.f32.msk $0xffff, v58  }
0x30a: {  	v6 =	vnsel vm10, $0xE, v14;
	v14 =	vld [tilespmem:$0x1FDA0]  }
0x30b: {  	v46 =	vmul.f32 $1.442695020e+00, v46;
	[tilespmem:v38+s3+$0x0] =	vst.idx.add.f32.msk $0xffff, v21  }
0x30c: {  	v9 =	vmul.f32 $1.442695020e+00, v9;
	v38 =	vld [tilespmem:s14+$0x7060]  }
0x30d: {  	(erf) = vpow2.f32 v46;
	[tilespmem:v55+s3+$0x0] =	vst.idx.add.f32.msk $0xffff, v47  }
0x30e: {  	(erf) = vpow2.f32 v9;
	v9 =	vld [tilespmem:s14+$0x9850]  }
0x30f: {  	v1 =	vsel vm7, $0x45800800, v32;
	vm7 =	veq.s32 v52, $0x5;
	v47 =	vld [tilespmem:$0x1FDC0]  }
0x310: {  	v27 =	vsel vm7, $0x45800800, v32;
	[tilespmem:v25+s30+$0x0] =	vst.idx.add.f32.msk $0xffff, v17  }
0x311: {  	[tilespmem:v30+s30+$0x0] =	vst.idx.add.f32.msk $0xffff, v27  }
0x312: {  	[tilespmem:v25+s3+$0x0] =	vst.idx.add.f32.msk $0xffff, v23  }
0x313: {  	[tilespmem:v30+s3+$0x0] =	vst.idx.add.f32.msk $0xffff, v24  }
0x314: {  	v24 =	vld [tilespmem:s14+$0x9060]  }
0x315: {  	v26 =	vsel vm9, $0x45800800, v32;
	vm9 =	veq.s32 v52, $0x6;
	[tilespmem:v39+s30+$0x0] =	vst.idx.add.f32.msk $0xffff, v56  }
0x316: {  	v61 =	vsel vm9, $0x45800800, v32;
	v56 =	vld [tilespmem:$0x1FFE0]  }
0x317: {  	v36 =	vadd.s32 v36, v6;
	[tilespmem:v7+s30+$0x0] =	vst.idx.add.f32.msk $0xffff, v61  }
0x318: {  	v61 =	vld [tilespmem:$0x1FFE0]  }
0x319: {  	[tilespmem:v7+s3+$0x0] =	vst.idx.add.f32.msk $0xffff, v54  }
0x31a: {  	v20 =	vmul.f32 v42, v20;
	vm11 =	veq.s32 v52, $0x7;
	v18 =	vpop (erf);
	[tilespmem:v39+s3+$0x0] =	vst.idx.add.f32.msk $0xffff, v47  }
0x31b: {  	v59 =	vsel vm11, $0x45800800, v32;
	v11 =	vmul.f32 $1.500000000e+01, v18;
	[tilespmem:v15+s30+$0x0] =	vst.idx.add.f32.msk $0xffff, v16  }
0x31c: {  	v55 =	vtrunc.f32 v20;
	[tilespmem:v36+s30+$0x0] =	vst.idx.add.f32.msk $0xffff, v59  }
0x31d: {  	v8 =	vcvt.f32.s32 v55;
	v4 =	vmul.f32 v11, v60;
	v59 =	vld [tilespmem:$0x1FF60]  }
0x31e: {  	(erf) = vpow2.f32 v5;
	v42 =	vmul.f32 v42, v14;
	[tilespmem:v15+s3+$0x0] =	vst.idx.add.f32.msk $0xffff, v19  }
0x31f: {  	v18 =	vmul.f32 v11, v62;
	v60 =	vtrunc.f32 v4;
	v19 =	vld [tilespmem:$0x1FFF0]  }
0x320: {  	vm12 =	vlt.s32 v8, $0xE;
	v46 =	vtrunc.f32 v42;
	v14 =	vcvt.f32.s32 v60;
	[tilespmem:v37+s30+$0x0] =	vst.idx.add.f32.msk $0xffff, v13  }
0x321: {  	v55 =	vnsel vm12, $0xE, v8;
	v9 =	vmul.f32 $1.442695020e+00, v9;
	v60 =	vtrunc.f32 v18;
	v13 =	vld [tilespmem:$0x1FDE0]  }
0x322: {  	v6 =	vcvt.f32.s32 v46;
	v62 =	vcvt.f32.s32 v60;
	[tilespmem:v36+s3+$0x0] =	vst.idx.add.f32.msk $0xffff, v0;
	vm4 =	vlt.s32 v14, $0xE  }
0x323: {  	v16 =	vpop (erf);
	(erf) = vpow2.f32 v12;
	v39 =	vadd.s32 v56, v55;
	v55 =	vld [tilespmem:s14+$0xA840];
	v12 =	vnsel vm4, $0xE, v14  }
0x324: {  	vm5 =	vlt.s32 v62, $0xE;
	v14 =	vmul.f32 v11, v3;
	v3 =	vmul.f32 v11, v33;
	v33 =	vld [tilespmem:$0x1FFD0]  }
0x325: {  	v23 =	vpop (erf);
	(erf) = vpow2.f32 v9;
	vm14 =	vlt.s32 v6, $0xE;
	v9 =	vnsel vm5, $0xE, v62;
	v62 =	vld [tilespmem:$0x1FE00]  }
0x326: {  	v17 =	vnsel vm14, $0xE, v6;
	[tilespmem:v37+s3+$0x0] =	vst.idx.add.f32.msk $0xffff, v13  }
0x327: {  	v47 =	vadd.s32 v19, v17;
	[tilespmem:v29+s30+$0x0] =	vst.idx.add.f32.msk $0xffff, v49  }
0x328: {  	vm13 =	veq.s32 v52, $0x8;
	v21 =	vtrunc.f32 v14;
	v49 =	vld [tilespmem:$0x1FDF0]  }
0x329: {  	v25 =	vsel vm13, $0x45800800, v32;
	v56 =	vpop (erf);
	v2 =	vcvt.f32.s32 v21;
	v21 =	vld [tilespmem:$0x1FFF0]  }
0x32a: {  	vm15 =	veq.s32 v52, $0x9;
	v52 =	vpop (erf);
	[tilespmem:v39+s30+$0x0] =	vst.idx.add.f32.msk $0xffff, v25  }
0x32b: {  	v8 =	vsel vm15, $0x45800800, v32;
	v46 =	vpop (erf);
	[tilespmem:v39+s3+$0x0] =	vst.idx.add.f32.msk $0xffff, v20  }
0x32c: {  	v37 =	vpop (erf);
	[tilespmem:v47+s30+$0x0] =	vst.idx.add.f32.msk $0xffff, v8  }
0x32d: {  	v6 =	vpop (erf);
	[tilespmem:v29+s3+$0x0] =	vst.idx.add.f32.msk $0xffff, v49  }
0x32e: {  	v19 =	vpop (erf);
	v29 =	vld [tilespmem:$0x1FF60]  }
0x32f: {  	v17 =	vadd.f32 v37, v46;
	v60 =	vadd.f32 v19, v6;
	[tilespmem:v43+s30+$0x0] =	vst.idx.add.f32.msk $0xffff, v53  }
0x330: {  	[tilespmem:v43+s3+$0x0] =	vst.idx.add.f32.msk $0xffff, v62  }
0x331: {  	v5 =	vmul.f32 v11, v45;
	v43 =	vadd.f32 v60, v17;
	v60 =	vld [tilespmem:$0x1FE10]  }
0x332: {  	[tilespmem:v47+s3+$0x0] =	vst.idx.add.f32.msk $0xffff, v42  }
0x333: {  	v23 =	vadd.f32 v23, v16;
	v53 =	vtrunc.f32 v5;
	v62 =	vld [tilespmem:$0x1FF70]  }
0x334: {  	v49 =	vadd.s32 v29, v12;
	v12 =	vcvt.f32.s32 v53;
	v53 =	vld [tilespmem:$0x1FE20]  }
0x335: {  	v15 =	vmul.f32 v11, v51;
	v45 =	vadd.f32 v52, v56;
	[tilespmem:v48+s30+$0x0] =	vst.idx.add.f32.msk $0xffff, v1  }
0x336: {  	[tilespmem:v48+s3+$0x0] =	vst.idx.add.f32.msk $0xffff, v60  }
0x337: {  	v13 =	vadd.f32 v45, v23;
	v23 =	vpop (erf);
	v17 =	vtrunc.f32 v15;
	v60 =	vld [tilespmem:$0x1FF80]  }
0x338: {  	v29 =	vpop (erf);
	v48 =	vadd.s32 v62, v9;
	v9 =	vcvt.f32.s32 v17;
	v17 =	vmul.f32 v11, v44;
	[tilespmem:v34+s30+$0x0] =	vst.idx.add.f32.msk $0xffff, v26  }
0x339: {  	v1 =	vadd.f32 v43, v13;
	v26 =	vadd.f32 v29, v23;
	[tilespmem:v34+s3+$0x0] =	vst.idx.add.f32.msk $0xffff, v53  }
0x33a: {  	v38 =	vmul.f32 $1.442695020e+00, v38;
	vm6 =	veq.s32 v55, $0x0;
	v62 =	vtrunc.f32 v17;
	v53 =	vld [tilespmem:$0x1FFA0]  }
0x33b: {  	v45 =	vsel vm6, $0x45800800, v32;
	v1 =	vadd.f32 v26, v1;
	v26 =	vcvt.f32.s32 v62;
	v62 =	vld [tilespmem:s14+$0x5860]  }
0x33c: {  	vm7 =	veq.s32 v55, $0x2;
	vm9 =	veq.s32 v55, $0x3;
	vm8 =	vlt.s32 v12, $0xE;
	[tilespmem:v49+s30+$0x0] =	vst.idx.add.f32.msk $0xffff, v45  }
0x33d: {  	vm11 =	veq.s32 v55, $0x4;
	vm13 =	veq.s32 v55, $0x5;
	v12 =	vnsel vm8, $0xE, v12;
	[tilespmem:v49+s3+$0x0] =	vst.idx.add.f32.msk $0xffff, v4  }
0x33e: {  	vm15 =	veq.s32 v55, $0x6;
	v51 =	vsel vm7, $0x45800800, v32;
	v41 =	vadd.s32 v60, v12;
	v60 =	vld [tilespmem:s14+$0x5060]  }
0x33f: {  	vm5 =	veq.s32 v55, $0x7;
	vm6 =	vlt.s32 v2, $0xE;
	vm12 =	vlt.s32 v26, $0xE;
	[tilespmem:v48+s30+$0x0] =	vst.idx.add.f32.msk $0xffff, v51  }
0x340: {  	v2 =	vnsel vm6, $0xE, v2;
	v12 =	vmul.f32 v11, v35;
	v44 =	vnsel vm12, $0xE, v26;
	v26 =	vld [tilespmem:s14+$0x6060]  }
0x341: {  	v40 =	vsel vm11, $0x45800800, v32;
	v58 =	vsel vm13, $0x45800800, v32;
	v30 =	vadd.s32 v61, v2;
	[tilespmem:v48+s3+$0x0] =	vst.idx.add.f32.msk $0xffff, v18  }
0x342: {  	vm10 =	vlt.s32 v9, $0xE;
	(erf) = vrcp.f32 v1;
	v48 =	vld [tilespmem:s14+$0x5070];
	v34 =	vtrunc.f32 v12  }
0x343: {  	v13 =	vmul.f32 v11, v57;
	v22 =	vnsel vm10, $0xE, v9;
	v1 =	vcvt.f32.s32 v34;
	v34 =	vld [tilespmem:s14+$0x6860]  }
0x344: {  	v43 =	vsel vm9, $0x45800800, v32;
	v35 =	vadd.s32 v31, v22;
	v22 =	vmul.f32 $1.442695020e+00, v62;
	v62 =	vld [tilespmem:s14+$0x8860]  }
0x345: {  	vm9 =	veq.s32 v55, $0x9;
	v50 =	vtrunc.f32 v13;
	v10 =	vmul.f32 $1.442695020e+00, v60;
	v60 =	vld [tilespmem:s14+$0x7860]  }
0x346: {  	v57 =	vcvt.f32.s32 v50;
	v28 =	vadd.s32 v53, v44;
	v44 =	vtrunc.f32 v3;
	[tilespmem:v41+s30+$0x0] =	vst.idx.add.f32.msk $0xffff, v43  }
0x347: {  	v50 =	vsel vm15, $0x45800800, v32;
	vm8 =	veq.s32 v55, $0x8;
	v31 =	vcvt.f32.s32 v44;
	v43 =	vld [tilespmem:s14+$0x6870]  }
0x348: {  	vm4 =	vlt.s32 v57, $0xE;
	vm14 =	vlt.s32 v1, $0xE;
	v11 =	vmul.f32 $1.442695020e+00, v26;
	v26 =	vld [tilespmem:s14+$0xA850]  }
0x349: {  	v1 =	vnsel vm14, $0xE, v1;
	vm7 =	vlt.s32 v31, $0xE;
	[tilespmem:v41+s3+$0x0] =	vst.idx.add.f32.msk $0xffff, v5;
	(erf) = vpow2.f32 v10  }
0x34a: {  	v9 =	vadd.s32 v63, v1;
	v1 =	vnsel vm4, $0xE, v57;
	v10 =	vld [tilespmem:s14+$0x8060];
	(erf) = vpow2.f32 v22  }
0x34b: {  	v57 =	vsel vm5, $0x45800800, v32;
	[tilespmem:v35+s30+$0x0] =	vst.idx.add.f32.msk $0xffff, v40;
	v34 =	vmul.f32 $1.442695020e+00, v34;
	v62 =	vmul.f32 $1.442695020e+00, v62;
	v53 =	vpop (erf)  }
0x34c: {  	v27 =	vnsel vm7, $0xE, v31;
	[tilespmem:v35+s3+$0x0] =	vst.idx.add.f32.msk $0xffff, v15;
	(erf) = vpow2.f32 v11;
	v53 =	vmul.f32 $1.500000000e+01, v53  }
0x34d: {  	v33 =	vadd.s32 v33, v1;
	[tilespmem:v28+s30+$0x0] =	vst.idx.add.f32.msk $0xffff, v58;
	(erf) = vpow2.f32 v34;
	v44 =	vmul.f32 $1.442695020e+00, v60  }
0x34e: {  	v31 =	vadd.s32 v21, v27;
	v58 =	vld [tilespmem:s14+$0x9070];
	v34 =	vmul.f32 $1.442695020e+00, v24;
	v43 =	vmul.f32 $1.442695020e+00, v43  }
0x34f: {  	v11 =	vsel vm8, $0x45800800, v32;
	v60 =	vld [tilespmem:s14+$0x9860];
	(erf) = vpow2.f32 v38;
	v16 =	vmul.f32 v53, v16  }
0x350: {  	[tilespmem:v28+s3+$0x0] =	vst.idx.add.f32.msk $0xffff, v17;
	v38 =	vsel vm9, $0x45800800, v32;
	v10 =	vmul.f32 $1.442695020e+00, v10;
	(erf) = vpow2.f32 v44  }
0x351: {  	vm11 =	veq.s32 v26, $0x0;
	v22 =	vmul.f32 v53, v56;
	v7 =	vmul.f32 v53, v52;
	[tilespmem:v9+s30+$0x0] =	vst.idx.add.f32.msk $0xffff, v50  }
0x352: {  	vm13 =	veq.s32 v26, $0x2;
	v21 =	vmul.f32 v53, v46;
	v19 =	vmul.f32 v53, v19;
	v50 =	vld [tilespmem:$0x1FF90]  }
0x353: {  	vm15 =	veq.s32 v26, $0x3;
	v18 =	vmul.f32 v53, v23;
	[tilespmem:v9+s3+$0x0] =	vst.idx.add.f32.msk $0xffff, v12;
	(erf) = vpow2.f32 v10  }
0x354: {  	vm5 =	veq.s32 v26, $0x4;
	v12 =	vld [tilespmem:s14+$0xA860];
	v63 =	vtrunc.f32 v16;
	(erf) = vpow2.f32 v62  }
0x355: {  	vm7 =	veq.s32 v26, $0x5;
	v27 =	vtrunc.f32 v22;
	v61 =	vtrunc.f32 v21;
	[tilespmem:v33+s30+$0x0] =	vst.idx.add.f32.msk $0xffff, v57  }
0x356: {  	vm9 =	veq.s32 v26, $0x6;
	v63 =	vcvt.f32.s32 v63;
	v1 =	vmul.f32 $1.442695020e+00, v60;
	v60 =	vld [tilespmem:$0x1FF70];
	v24 =	vpop (erf)  }
0x357: {  	v8 =	vsel vm11, $0x45800800, v32;
	v36 =	vcvt.f32.s32 v27;
	[tilespmem:v33+s3+$0x0] =	vst.idx.add.f32.msk $0xffff, v13;
	v55 =	vpop (erf);
	(erf) = vpow2.f32 v34  }
0x358: {  	v2 =	vsel vm13, $0x45800800, v32;
	v62 =	vcvt.f32.s32 v61;
	v33 =	vld [tilespmem:$0x1FF80];
	v44 =	vpop (erf);
	(erf) = vpow2.f32 v1  }
0x359: {  	v56 =	vtrunc.f32 v7;
	v27 =	vmul.f32 v53, v37;
	[tilespmem:v30+s30+$0x0] =	vst.idx.add.f32.msk $0xffff, v11;
	vm10 =	vlt.s32 v63, $0xE;
	v39 =	vpop (erf)  }
0x35a: {  	vm12 =	vlt.s32 v36, $0xE;
	vm4 =	vlt.s32 v62, $0xE;
	[tilespmem:v30+s3+$0x0] =	vst.idx.add.f32.msk $0xffff, v14;
	v54 =	vnsel vm10, $0xE, v63;
	v10 =	vpop (erf)  }
0x35b: {  	v0 =	vnsel vm12, $0xE, v36;
	v1 =	vcvt.f32.s32 v56;
	v34 =	vnsel vm4, $0xE, v62;
	v62 =	vld [tilespmem:s14+$0x6070];
	v20 =	vpop (erf)  }
0x35c: {  	v63 =	vadd.f32 v55, v24;
	v36 =	vmul.f32 v53, v6;
	v46 =	vadd.s32 v59, v54;
	v59 =	vld [tilespmem:$0x1FF80];
	v25 =	vpop (erf)  }
0x35d: {  	v6 =	vmul.f32 v53, v29;
	v53 =	vld [tilespmem:$0x1FF60];
	vm14 =	vlt.s32 v1, $0xE;
	v52 =	vadd.f32 v39, v44;
	v4 =	vpop (erf)  }
0x35e: {  	[tilespmem:v31+s30+$0x0] =	vst.idx.add.f32.msk $0xffff, v38;
	v1 =	vnsel vm14, $0xE, v1;
	v54 =	vadd.f32 v20, v10;
	v55 =	vadd.f32 v4, v25  }
0x35f: {  	v41 =	vsel vm5, $0x45800800, v32;
	v15 =	vsel vm7, $0x45800800, v32;
	v35 =	vsel vm9, $0x45800800, v32;
	[tilespmem:v31+s3+$0x0] =	vst.idx.add.f32.msk $0xffff, v3  }
0x360: {  	v42 =	vadd.s32 v60, v0;
	v60 =	vld [tilespmem:s14+$0x5870];
	v45 =	vadd.f32 v52, v63;
	v0 =	vpop (erf);
	v47 =	vadd.f32 v55, v54  }
0x361: {  	vm11 =	veq.s32 v26, $0x7;
	v63 =	vtrunc.f32 v36;
	v52 =	vld [tilespmem:$0x1FFA0];
	v49 =	vadd.s32 v59, v1;
	v1 =	vpop (erf)  }
0x362: {  	v5 =	vcvt.f32.s32 v63;
	v63 =	vld [tilespmem:s14+$0x7870];
	v61 =	vadd.f32 v1, v0;
	v45 =	vadd.f32 v47, v45  }
0x363: {  	vm13 =	veq.s32 v26, $0x8;
	v37 =	vsel vm15, $0x45800800, v32;
	v56 =	vtrunc.f32 v27;
	v59 =	vld [tilespmem:s14+$0x7070]  }
0x364: {  	vm15 =	veq.s32 v26, $0x9;
	v51 =	vcvt.f32.s32 v56;
	v55 =	vld [tilespmem:$0x1FF90];
	v45 =	vadd.f32 v61, v45  }
0x365: {  	v26 =	vsel vm15, $0x45800800, v32;
	v56 =	vmul.f32 $1.442695020e+00, v60;
	v54 =	vmul.f32 $1.442695020e+00, v48;
	v48 =	vld [tilespmem:s14+$0x8070]  }
0x366: {  	vm5 =	veq.s32 v12, $0x0;
	[tilespmem:v46+s30+$0x0] =	vst.idx.add.f32.msk $0xffff, v8;
	v60 =	vmul.f32 $1.442695020e+00, v62;
	(erf) = vrcp.f32 v45  }
0x367: {  	vm6 =	vlt.s32 v51, $0xE;
	v62 =	vtrunc.f32 v19;
	[tilespmem:v46+s3+$0x0] =	vst.idx.add.f32.msk $0xffff, v16;
	v29 =	vmul.f32 $1.442695020e+00, v63  }
0x368: {  	vm8 =	vlt.s32 v5, $0xE;
	v40 =	vmul.f32 $1.442695020e+00, v59;
	(erf) = vpow2.f32 v54;
	v54 =	vld [tilespmem:s14+$0x8870]  }
0x369: {  	[tilespmem:v42+s30+$0x0] =	vst.idx.add.f32.msk $0xffff, v2;
	v61 =	vnsel vm6, $0xE, v51;
	v51 =	vcvt.f32.s32 v62;
	(erf) = vpow2.f32 v56  }
0x36a: {  	[tilespmem:v42+s3+$0x0] =	vst.idx.add.f32.msk $0xffff, v22;
	v34 =	vadd.s32 v55, v34;
	v23 =	vmul.f32 $1.442695020e+00, v48;
	(erf) = vpow2.f32 v60  }
0x36b: {  	v59 =	vld [tilespmem:$0x1FFB0];
	v45 =	vadd.s32 v52, v61;
	v56 =	vtrunc.f32 v18;
	(erf) = vpow2.f32 v43  }
0x36c: {  	vm10 =	vlt.s32 v51, $0xE;
	v61 =	vld [tilespmem:s14+$0x9870];
	v60 =	vcvt.f32.s32 v56;
	(erf) = vpow2.f32 v40  }
0x36d: {  	v55 =	vnsel vm10, $0xE, v51;
	v51 =	vld [tilespmem:$0x1FFD0];
	(erf) = vpow2.f32 v29;
	v63 =	vmul.f32 $1.442695020e+00, v54  }
0x36e: {  	vm7 =	veq.s32 v12, $0x2;
	v5 =	vnsel vm8, $0xE, v5;
	[tilespmem:v49+s30+$0x0] =	vst.idx.add.f32.msk $0xffff, v37;
	(erf) = vpow2.f32 v23  }
0x36f: {  	[tilespmem:v49+s3+$0x0] =	vst.idx.add.f32.msk $0xffff, v7;
	v52 =	vtrunc.f32 v6;
	vm12 =	vlt.s32 v60, $0xE;
	v62 =	vpop (erf);
	(erf) = vpow2.f32 v63  }
0x370: {  	v47 =	vadd.s32 v59, v5;
	v5 =	vnsel vm12, $0xE, v60;
	v54 =	vmul.f32 $1.442695020e+00, v58;
	v60 =	vld [tilespmem:$0x1FFF0]  }
0x371: {  	vm9 =	veq.s32 v12, $0x3;
	v9 =	vcvt.f32.s32 v52;
	v28 =	vmul.f32 $1.442695020e+00, v61;
	v58 =	vld [tilespmem:$0x1FFE0];
	v29 =	vpop (erf)  }
0x372: {  	vm15 =	veq.s32 v12, $0x6;
	[tilespmem:v34+s30+$0x0] =	vst.idx.add.f32.msk $0xffff, v41;
	v17 =	vadd.s32 v51, v55;
	v55 =	vpop (erf);
	(erf) = vpow2.f32 v54  }
0x373: {  	vm14 =	vlt.s32 v9, $0xE;
	[tilespmem:v34+s3+$0x0] =	vst.idx.add.f32.msk $0xffff, v21;
	v23 =	vmul.f32 $1.500000000e+01, v62;
	v30 =	vpop (erf);
	(erf) = vpow2.f32 v28  }
0x374: {  	v14 =	vsel vm5, $0x45800800, v32;
	vm5 =	veq.s32 v12, $0x7;
	v59 =	vnsel vm14, $0xE, v9;
	[tilespmem:v45+s30+$0x0] =	vst.idx.add.f32.msk $0xffff, v15;
	v13 =	vpop (erf)  }
0x375: {  	v43 =	vsel vm11, $0x45800800, v32;
	[tilespmem:v45+s3+$0x0] =	vst.idx.add.f32.msk $0xffff, v27;
	v38 =	vadd.s32 v60, v59;
	v24 =	vmul.f32 v23, v24;
	v11 =	vpop (erf)  }
0x376: {  	v49 =	vld [tilespmem:$0x1FFB0];
	v28 =	vadd.s32 v58, v5;
	v31 =	vmul.f32 v23, v44;
	v39 =	vmul.f32 v23, v39;
	v9 =	vpop (erf)  }
0x377: {  	[tilespmem:v47+s30+$0x0] =	vst.idx.add.f32.msk $0xffff, v35;
	v46 =	vadd.f32 v55, v29;
	v10 =	vmul.f32 v23, v10;
	v56 =	vtrunc.f32 v24;
	v8 =	vpop (erf)  }
0x378: {  	[tilespmem:v47+s3+$0x0] =	vst.idx.add.f32.msk $0xffff, v36;
	v25 =	vmul.f32 v23, v25;
	v51 =	vadd.f32 v13, v30;
	v57 =	vcvt.f32.s32 v56;
	v3 =	vpop (erf)  }
0x379: {  	v34 =	vld [tilespmem:$0x1FF70];
	v20 =	vmul.f32 v23, v20;
	v54 =	vadd.f32 v9, v11;
	v55 =	vadd.f32 v3, v8  }
0x37a: {  	[tilespmem:v17+s30+$0x0] =	vst.idx.add.f32.msk $0xffff, v43;
	v4 =	vmul.f32 v23, v4;
	v41 =	vtrunc.f32 v25;
	vm4 =	vlt.s32 v57, $0xE  }
0x37b: {  	[tilespmem:v17+s3+$0x0] =	vst.idx.add.f32.msk $0xffff, v19;
	v16 =	vadd.f32 v51, v46;
	v61 =	vnsel vm4, $0xE, v57;
	v5 =	vpop (erf);
	v57 =	vadd.f32 v55, v54  }
0x37c: {  	v48 =	vsel vm13, $0x45800800, v32;
	v62 =	vtrunc.f32 v31;
	v27 =	vcvt.f32.s32 v41;
	v46 =	vld [tilespmem:$0x1FFA0];
	v7 =	vpop (erf)  }
0x37d: {  	v63 =	vcvt.f32.s32 v62;
	[tilespmem:v28+s30+$0x0] =	vst.idx.add.f32.msk $0xffff, v48;
	v59 =	vadd.f32 v7, v5;
	v16 =	vadd.f32 v57, v16  }
0x37e: {  	v0 =	vmul.f32 v23, v0;
	vm13 =	vlt.s32 v27, $0xE;
	[tilespmem:v28+s3+$0x0] =	vst.idx.add.f32.msk $0xffff, v18;
	v56 =	vadd.s32 v53, v61  }
0x37f: {  	vm6 =	vlt.s32 v63, $0xE;
	v43 =	vnsel vm13, $0xE, v27;
	v27 =	vld [tilespmem:s14+$0xA870];
	v61 =	vadd.f32 v59, v16  }
0x380: {  	v52 =	vtrunc.f32 v39;
	v44 =	vtrunc.f32 v4;
	v2 =	vnsel vm6, $0xE, v63;
	[tilespmem:v38+s30+$0x0] =	vst.idx.add.f32.msk $0xffff, v26  }
0x381: {  	v22 =	vcvt.f32.s32 v52;
	v2 =	vadd.s32 v34, v2;
	[tilespmem:v38+s3+$0x0] =	vst.idx.add.f32.msk $0xffff, v6;
	(erf) = vrcp.f32 v61  }
0x382: {  	v58 =	vsel vm7, $0x45800800, v32;
	v62 =	vtrunc.f32 v10;
	v19 =	vcvt.f32.s32 v44;
	v55 =	vld [tilespmem:$0x1FFD0]  }
0x383: {  	vm8 =	vlt.s32 v22, $0xE;
	v48 =	vtrunc.f32 v0;
	[tilespmem:v56+s30+$0x0] =	vst.idx.add.f32.msk $0xffff, v14;
	v16 =	vcvt.f32.s32 v62  }
0x384: {  	v35 =	vtrunc.f32 v20;
	v60 =	vnsel vm8, $0xE, v22;
	v14 =	vcvt.f32.s32 v48;
	v48 =	vld [tilespmem:$0x1FFA0]  }
0x385: {  	vm4 =	vlt.s32 v19, $0xE;
	v21 =	vadd.s32 v33, v60;
	[tilespmem:v56+s3+$0x0] =	vst.idx.add.f32.msk $0xffff, v24;
	vm10 =	vlt.s32 v16, $0xE  }
0x386: {  	v15 =	vcvt.f32.s32 v35;
	v19 =	vnsel vm4, $0xE, v19;
	[tilespmem:v2+s30+$0x0] =	vst.idx.add.f32.msk $0xffff, v58;
	v16 =	vnsel vm10, $0xE, v16  }
0x387: {  	vm11 =	veq.s32 v12, $0x4;
	v19 =	vadd.s32 v55, v19;
	v55 =	vld [tilespmem:$0x1FFD0];
	v16 =	vadd.s32 v50, v16  }
0x388: {  	vm14 =	veq.s32 v12, $0x5;
	v1 =	vmul.f32 v23, v1;
	vm12 =	vlt.s32 v15, $0xE;
	[tilespmem:v2+s3+$0x0] =	vst.idx.add.f32.msk $0xffff, v31  }
0x389: {  	v42 =	vsel vm11, $0x45800800, v32;
	v63 =	vsel vm9, $0x45800800, v32;
	v15 =	vnsel vm12, $0xE, v15;
	v61 =	vld [tilespmem:$0x1FFE0]  }
0x38a: {  	vm7 =	veq.s32 v12, $0x8;
	v52 =	vtrunc.f32 v1;
	v15 =	vadd.s32 v46, v15;
	[tilespmem:v21+s30+$0x0] =	vst.idx.add.f32.msk $0xffff, v63;
	v51 =	vpop (erf)  }
0x38b: {  	v32 =	vimm.f32 $1.000000000e+00;
	vm9 =	veq.s32 v12, $0x9;
	[tilespmem:v21+s3+$0x0] =	vst.idx.add.f32.msk $0xffff, v39;
	v23 =	vmul.f32 $1.500000000e+01, v51  }
0x38c: {  	v45 =	vsel vm14, $0x45800800, v32;
	v47 =	vsel vm15, $0x45800800, v32;
	vm6 =	vlt.s32 v14, $0xE;
	[tilespmem:v16+s30+$0x0] =	vst.idx.add.f32.msk $0xffff, v42  }
0x38d: {  	v18 =	vadd.s32 v49, v43;
	v14 =	vnsel vm6, $0xE, v14;
	[tilespmem:v16+s3+$0x0] =	vst.idx.add.f32.msk $0xffff, v10;
	v56 =	vmul.f32 v23, v29  }
0x38e: {  	v54 =	vsel vm5, $0x45800800, v32;
	vm11 =	veq.s32 v27, $0x0;
	v10 =	vadd.s32 v61, v14;
	v61 =	vld [tilespmem:$0x1FFF0]  }
0x38f: {  	vm13 =	veq.s32 v27, $0x2;
	vm15 =	veq.s32 v27, $0x3;
	[tilespmem:v15+s30+$0x0] =	vst.idx.add.f32.msk $0xffff, v45;
	v29 =	vtrunc.f32 v56  }
0x390: {  	vm5 =	veq.s32 v27, $0x4;
	v24 =	vcvt.f32.s32 v52;
	v59 =	vcvt.f32.s32 v29;
	v29 =	vld [tilespmem:$0x1FFF0]  }
0x391: {  	v36 =	vsel vm13, $0x45800800, v32;
	v62 =	vsel vm9, $0x45800800, v32;
	v58 =	vsel vm7, $0x45800800, v32;
	[tilespmem:v15+s3+$0x0] =	vst.idx.add.f32.msk $0xffff, v20  }
0x392: {  	vm8 =	vlt.s32 v24, $0xE;
	[tilespmem:v18+s30+$0x0] =	vst.idx.add.f32.msk $0xffff, v47;
	v57 =	vmul.f32 v23, v30;
	vm10 =	vlt.s32 v59, $0xE  }
0x393: {  	v24 =	vnsel vm8, $0xE, v24;
	vm8 =	veq.s32 v27, $0x5;
	[tilespmem:v18+s3+$0x0] =	vst.idx.add.f32.msk $0xffff, v25;
	v12 =	vnsel vm10, $0xE, v59  }
0x394: {  	v13 =	vmul.f32 v23, v13;
	[tilespmem:v19+s30+$0x0] =	vst.idx.add.f32.msk $0xffff, v54;
	v60 =	vtrunc.f32 v57;
	v35 =	vadd.s32 v53, v12  }
0x395: {  	v11 =	vmul.f32 v23, v11;
	[tilespmem:v19+s3+$0x0] =	vst.idx.add.f32.msk $0xffff, v4;
	v63 =	vcvt.f32.s32 v60;
	v6 =	vadd.s32 v29, v24  }
0x396: {  	v39 =	vsel vm15, $0x45800800, v32;
	v30 =	vsel vm11, $0x45800800, v32;
	v31 =	vtrunc.f32 v13;
	[tilespmem:v10+s30+$0x0] =	vst.idx.add.f32.msk $0xffff, v58  }
0x397: {  	v37 =	vtrunc.f32 v11;
	v17 =	vcvt.f32.s32 v31;
	v58 =	vld [tilespmem:$0x1FFE0];
	vm12 =	vlt.s32 v63, $0xE  }
0x398: {  	v9 =	vmul.f32 v23, v9;
	v4 =	vcvt.f32.s32 v37;
	[tilespmem:v10+s3+$0x0] =	vst.idx.add.f32.msk $0xffff, v0;
	v16 =	vnsel vm12, $0xE, v63  }
0x399: {  	v8 =	vmul.f32 v23, v8;
	vm14 =	vlt.s32 v17, $0xE;
	v16 =	vadd.s32 v34, v16;
	[tilespmem:v35+s30+$0x0] =	vst.idx.add.f32.msk $0xffff, v30  }
0x39a: {  	v40 =	vtrunc.f32 v9;
	vm4 =	vlt.s32 v4, $0xE;
	v38 =	vnsel vm14, $0xE, v17;
	[tilespmem:v6+s30+$0x0] =	vst.idx.add.f32.msk $0xffff, v62  }
0x39b: {  	v41 =	vcvt.f32.s32 v40;
	v43 =	vnsel vm4, $0xE, v4;
	v0 =	vadd.s32 v33, v38;
	[tilespmem:v6+s3+$0x0] =	vst.idx.add.f32.msk $0xffff, v1  }
0x39c: {  	v3 =	vmul.f32 v23, v3;
	v42 =	vtrunc.f32 v8;
	v1 =	vadd.s32 v50, v43;
	v50 =	vld [tilespmem:$0x1FFB0]  }
0x39d: {  	v47 =	vsel vm5, $0x45800800, v32;
	v44 =	vcvt.f32.s32 v42;
	vm6 =	vlt.s32 v41, $0xE;
	[tilespmem:v35+s3+$0x0] =	vst.idx.add.f32.msk $0xffff, v56  }
0x39e: {  	v5 =	vmul.f32 v23, v5;
	v46 =	vtrunc.f32 v3;
	v45 =	vnsel vm6, $0xE, v41;
	[tilespmem:v16+s30+$0x0] =	vst.idx.add.f32.msk $0xffff, v36  }
0x39f: {  	vm7 =	vlt.s32 v44, $0xE;
	v2 =	vadd.s32 v48, v45;
	v6 =	vcvt.f32.s32 v46;
	[tilespmem:v16+s3+$0x0] =	vst.idx.add.f32.msk $0xffff, v57  }
0x3a0: {  	v7 =	vmul.f32 v23, v7;
	v49 =	vtrunc.f32 v5;
	v4 =	vnsel vm7, $0xE, v44;
	[tilespmem:v0+s30+$0x0] =	vst.idx.add.f32.msk $0xffff, v39  }
0x3a1: {  	v51 =	vcvt.f32.s32 v49;
	vm9 =	vlt.s32 v6, $0xE;
	[tilespmem:v0+s3+$0x0] =	vst.idx.add.f32.msk $0xffff, v13;
	v0 =	vadd.s32 v50, v4  }
0x3a2: {  	v52 =	vsel vm8, $0x45800800, v32;
	v54 =	vtrunc.f32 v7;
	v6 =	vnsel vm9, $0xE, v6;
	[tilespmem:v1+s30+$0x0] =	vst.idx.add.f32.msk $0xffff, v47  }
0x3a3: {  	vm10 =	vlt.s32 v51, $0xE;
	v56 =	vcvt.f32.s32 v54;
	[tilespmem:v1+s3+$0x0] =	vst.idx.add.f32.msk $0xffff, v11;
	v1 =	vadd.s32 v55, v6  }
0x3a4: {  	vm11 =	veq.s32 v27, $0x6;
	v4 =	vnsel vm10, $0xE, v51;
	[tilespmem:v2+s30+$0x0] =	vst.idx.add.f32.msk $0xffff, v52  }
0x3a5: {  	v57 =	vsel vm11, $0x45800800, v32;
	vm12 =	vlt.s32 v56, $0xE;
	v4 =	vadd.s32 v58, v4;
	[tilespmem:v2+s3+$0x0] =	vst.idx.add.f32.msk $0xffff, v9  }
0x3a6: {  	vm13 =	veq.s32 v27, $0x7;
	v59 =	vnsel vm12, $0xE, v56;
	[tilespmem:v0+s30+$0x0] =	vst.idx.add.f32.msk $0xffff, v57  }
0x3a7: {  	s12 =	sadd.s32 $0x8, s12;
	v60 =	vsel vm13, $0x45800800, v32;
	v2 =	vadd.s32 v61, v59;
	[tilespmem:v0+s3+$0x0] =	vst.idx.add.f32.msk $0xffff, v8  }
0x3a8: {  	p0 =	slt.u32 s12, $0x78;
	vm14 =	veq.s32 v27, $0x8;
	[tilespmem:v1+s30+$0x0] =	vst.idx.add.f32.msk $0xffff, v60  }
.Ltmp2:
0x3a9: {  	v62 =	vsel vm14, $0x45800800, v32;
	[tilespmem:v1+s3+$0x0] =	vst.idx.add.f32.msk $0xffff, v3;
	(pc) =	sbr.rel @p0 .LBB2_7-.Ltmp2, $4  }
0x3aa: {  	vm15 =	veq.s32 v27, $0x9;
	[tilespmem:v4+s30+$0x0] =	vst.idx.add.f32.msk $0xffff, v62  }
0x3ab: {  	v63 =	vsel vm15, $0x45800800, v32;
	[tilespmem:v4+s3+$0x0] =	vst.idx.add.f32.msk $0xffff, v5  }
0x3ac: {  	[tilespmem:v2+s30+$0x0] =	vst.idx.add.f32.msk $0xffff, v63  }
0x3ad: {  	s13 =	sadd.s32 $0x200, s13;
	[tilespmem:v2+s3+$0x0] =	vst.idx.add.f32.msk $0xffff, v7  }
0x3ae: {  	s11 =	sadd.s32 $0x1, s11  }
0x3af: {  	p0 =	sne.s32 s11, $0x4  }
.Ltmp3:
0x3b0: {  	_ = 	snop;
	(pc) =	sbr.rel @p0 .LBB2_4-.Ltmp3, $1  }
0x3b1: {  	_ =	sdelay $0x3  }
0x3b2: {  	s10 =	simm.s32 $0x0  }
0x3b3: {  	s10 =	sand.u32 $0xE0, s10  }
0x3b4: {  	v1 =	vld [tilespmem:s10+$0xBC00];
	_ =	sdelay $0x2  }
0x3b5: {  	v22 =	vld [tilespmem:s10+$0xBF00]  }
0x3b6: {  	v13 =	vld [tilespmem:s10+$0xBE00]  }
0x3b7: {  	v14 =	vld [tilespmem:s10+$0xBD00];
	[tilespmem:$0x1FCE0] =	vst v1  }
0x3b8: {  	v7 =	vld [tilespmem:s10+$0xBB00];
	_ =	sdelay $0x4  }
0x3b9: {  	[tilespmem:$0x1FCC0] =	vst v7  }
0x3ba: {  	v4 =	vld [tilespmem:s10+$0xBA00];
	_ =	sdelay $0x4  }
0x3bb: {  	[tilespmem:$0x1FC90] =	vst v4  }
0x3bc: {  	v6 =	vld [tilespmem:s10+$0xB900];
	_ =	sdelay $0x4  }
0x3bd: {  	v50 =	vld [tilespmem:$0x1FFC0];
	[tilespmem:$0x1FCD0] =	vst v6  }
0x3be: {  	v8 =	vld [tilespmem:s10+$0xB800];
	_ =	sdelay $0x3  }
0x3bf: {  	v2 =	vand.u32 $0x7FFFFFFF, v14  }
0x3c0: {  	v1 =	vand.u32 $0x7FFFFFFF, v1;
	v3 =	vand.u32 $0x7FFFFFFF, v13;
	v17 =	vmul.f32 v2, v50;
	[tilespmem:$0x1FCB0] =	vst v8  }
0x3c1: {  	v10 =	vmul.f32 v3, v50;
	v12 =	vmul.f32 v1, v50;
	v9 =	vld [tilespmem:s10+$0xB700]  }
0x3c2: {  	v17 =	vfloor.f32 v17  }
0x3c3: {  	v10 =	vfloor.f32 v10;
	v12 =	vfloor.f32 v12;
	v5 =	vand.u32 $0x7FFFFFFF, v7  }
0x3c4: {  	v10 =	vmul.f32 $4.096000000e+03, v10;
	v24 =	vmul.f32 v5, v50;
	v4 =	vand.u32 $0x7FFFFFFF, v4  }
0x3c5: {  	v12 =	vmul.f32 $4.096000000e+03, v12;
	v19 =	vmul.f32 v4, v50  }
0x3c6: {  	v17 =	vmul.f32 $4.096000000e+03, v17;
	v24 =	vfloor.f32 v24;
	[tilespmem:$0x1FCA0] =	vst v9  }
0x3c7: {  	v0 =	vand.u32 $0x7FFFFFFF, v22;
	v24 =	vmul.f32 $4.096000000e+03, v24;
	v19 =	vfloor.f32 v19;
	v28 =	vld [tilespmem:s10+$0xB600]  }
0x3c8: {  	v7 =	vand.u32 $0x7FFFFFFF, v8;
	v8 =	vand.u32 $0x7FFFFFFF, v6;
	v6 =	vmul.f32 v0, v50;
	v23 =	vld [tilespmem:s10+$0xB500]  }
0x3c9: {  	v27 =	vmul.f32 v7, v50;
	v29 =	vmul.f32 v8, v50;
	v25 =	vld [tilespmem:s10+$0xB400]  }
0x3ca: {  	v17 =	vsub.f32 v2, v17;
	v43 =	vmul.f32 $4.096000000e+03, v19;
	v6 =	vfloor.f32 v6;
	v26 =	vld [tilespmem:s10+$0xB300]  }
0x3cb: {  	v29 =	vfloor.f32 v29;
	v27 =	vfloor.f32 v27;
	v9 =	vand.u32 $0x7FFFFFFF, v9;
	v30 =	vld [tilespmem:s10+$0xB200]  }
0x3cc: {  	s11 =	simm.s32 $0xB810;
	vm0 =	veq.f32 v17, $4.096000000e+03;
	v48 =	vmul.f32 $4.096000000e+03, v27;
	v46 =	vld [tilespmem:s10+$0xB100];
	v32 =	vmul.f32 v9, v50  }
0x3cd: {  	v17 =	vsel vm0, $0x0, v17;
	v6 =	vmul.f32 $4.096000000e+03, v6;
	v47 =	vmul.f32 $4.096000000e+03, v29;
	v19 =	vld [tilespmem:s11+$0x100]  }
0x3ce: {  	v29 =	vsub.f32 v5, v24;
	v48 =	vsub.f32 v7, v48;
	v7 =	vld [tilespmem:s11+$0xFFFFFE00];
	v32 =	vfloor.f32 v32  }
0x3cf: {  	v5 =	vld [tilespmem:s11+$0xFFFFFF00];
	v32 =	vmul.f32 $4.096000000e+03, v32;
	v11 =	vand.u32 $0x7FFFFFFF, v28;
	v18 =	vand.u32 $0x7FFFFFFF, v23  }
0x3d0: {  	v36 =	vand.u32 $0x7FFFFFFF, v25;
	v38 =	vand.u32 $0x7FFFFFFF, v26;
	v42 =	vand.u32 $0x7FFFFFFF, v30  }
0x3d1: {  	v44 =	vand.u32 $0x7FFFFFFF, v46;
	v31 =	vmul.f32 v11, v50;
	v33 =	vmul.f32 v36, v50  }
0x3d2: {  	v54 =	vand.u32 $0x7FFFFFFF, v19;
	v34 =	vmul.f32 v18, v50;
	v35 =	vmul.f32 v42, v50  }
0x3d3: {  	v57 =	vand.u32 $0x7FFFFFFF, v7;
	v37 =	vmul.f32 v38, v50;
	v39 =	vmul.f32 v44, v50  }
0x3d4: {  	v41 =	vld [tilespmem:s11+$0xFFFFFC00];
	v60 =	vand.u32 $0x7FFFFFFF, v5;
	v59 =	vmul.f32 v54, v50;
	v61 =	vmul.f32 v57, v50  }
0x3d5: {  	v27 =	vsub.f32 v1, v12;
	v63 =	vmul.f32 v60, v50;
	v34 =	vfloor.f32 v34  }
0x3d6: {  	v16 =	vsub.f32 v0, v6;
	v31 =	vfloor.f32 v31;
	v40 =	vfloor.f32 v37  }
0x3d7: {  	v6 =	vsub.f32 v3, v10;
	v33 =	vfloor.f32 v33;
	v45 =	vfloor.f32 v39  }
0x3d8: {  	v20 =	vld [tilespmem:s11+$0x600];
	v32 =	vsub.f32 v9, v32;
	v35 =	vfloor.f32 v35;
	v61 =	vfloor.f32 v61  }
0x3d9: {  	v62 =	vand.u32 $0x7FFFFFFF, v41;
	v39 =	vld [tilespmem:s11+$0x700];
	v63 =	vfloor.f32 v63;
	v49 =	vmul.f32 $4.096000000e+03, v31  }
0x3da: {  	v37 =	vld [tilespmem:s11+$0x500];
	v0 =	vmul.f32 $4.096000000e+03, v34;
	v2 =	vmul.f32 $4.096000000e+03, v33;
	v31 =	vsub.f32 v8, v47  }
0x3db: {  	v47 =	vld [tilespmem:s11+$0x200];
	v3 =	vmul.f32 $4.096000000e+03, v40;
	v40 =	vsub.f32 v4, v43;
	v4 =	vmul.f32 $4.096000000e+03, v35  }
0x3dc: {  	v43 =	vld [tilespmem:s11+$0x400];
	v8 =	vmul.f32 $4.096000000e+03, v45;
	v35 =	vsub.f32 v18, v0;
	v24 =	vsub.f32 v11, v49  }
0x3dd: {  	v34 =	vld [tilespmem:s11+$0x300];
	v38 =	vsub.f32 v38, v3;
	v3 =	vand.u32 $0x7FFFFFFF, v20;
	v0 =	vmul.f32 v62, v50  }
0x3de: {  	v33 =	vmovc v13;
	v13 =	vld [tilespmem:s11+$0x0];
	v36 =	vsub.f32 v36, v2;
	v15 =	vsub.f32 v44, v8;
	v45 =	vmul.f32 v3, v50  }
0x3df: {  	v2 =	vand.u32 $0x7FFFFFFF, v37;
	v9 =	vand.u32 $0x7FFFFFFF, v39;
	v0 =	vfloor.f32 v0  }
0x3e0: {  	v11 =	vand.u32 $0x7FFFFFFF, v47;
	v49 =	vmul.f32 v9, v50;
	v53 =	vmul.f32 v2, v50  }
0x3e1: {  	v10 =	vand.u32 $0x7FFFFFFF, v43;
	v45 =	vfloor.f32 v45;
	v0 =	vmul.f32 $4.096000000e+03, v0  }
0x3e2: {  	v12 =	vand.u32 $0x7FFFFFFF, v34;
	v52 =	vmul.f32 v10, v50;
	v55 =	vmul.f32 v11, v50  }
0x3e3: {  	v18 =	vld [tilespmem:s11+$0xFFFFFD00];
	v56 =	vmul.f32 v12, v50;
	v8 =	vmul.f32 $4.096000000e+03, v45;
	v51 =	vand.u32 $0x7FFFFFFF, v13  }
0x3e4: {  	v17 =	vand.u32 $0x7FFFFFFF, v17;
	v49 =	vfloor.f32 v49;
	v58 =	vmul.f32 v51, v50  }
0x3e5: {  	v21 =	vsub.f32 v42, v4;
	v44 =	vld [tilespmem:s11+$0xFFFFF900];
	v45 =	vfloor.f32 v52;
	v52 =	vfloor.f32 v53  }
0x3e6: {  	v1 =	vsub.f32 v62, v0;
	v53 =	vfloor.f32 v55;
	v49 =	vmul.f32 $4.096000000e+03, v49  }
0x3e7: {  	v4 =	vsub.f32 v3, v8;
	v42 =	vfloor.f32 v56;
	v45 =	vmul.f32 $4.096000000e+03, v45  }
0x3e8: {  	v8 =	vand.u32 $0x7FFFFFFF, v18;
	v55 =	vmul.f32 $4.096000000e+03, v42;
	v42 =	vfloor.f32 v59  }
0x3e9: {  	v59 =	vmul.f32 $4.096000000e+03, v61;
	v3 =	vsub.f32 v9, v49;
	v9 =	vmul.f32 $4.096000000e+03, v52  }
0x3ea: {  	v56 =	vld [tilespmem:s11+$0xFFFFF800];
	v61 =	vand.u32 $0x7FFFFFFF, v44;
	v49 =	vmul.f32 v8, v50;
	v58 =	vfloor.f32 v58  }
0x3eb: {  	v52 =	vmul.f32 $4.096000000e+03, v53;
	v0 =	vmul.f32 v61, v50;
	v10 =	vsub.f32 v10, v45  }
0x3ec: {  	v53 =	vld [tilespmem:s11+$0xFFFFFB00];
	v58 =	vmul.f32 $4.096000000e+03, v58;
	v45 =	vsub.f32 v12, v55;
	v57 =	vsub.f32 v57, v59  }
0x3ed: {  	v9 =	vsub.f32 v2, v9;
	v2 =	vsub.f32 v11, v52;
	v52 =	vld [tilespmem:s11+$0xFFFFFA00];
	v11 =	vmul.f32 $4.096000000e+03, v42  }
0x3ee: {  	v49 =	vfloor.f32 v49;
	v0 =	vfloor.f32 v0;
	v55 =	vsub.f32 v51, v58  }
0x3ef: {  	v12 =	vand.u32 $0x7FFFFFFF, v56;
	v58 =	vmul.f32 $4.096000000e+03, v63;
	v0 =	vmul.f32 $4.096000000e+03, v0  }
0x3f0: {  	v49 =	vmul.f32 $4.096000000e+03, v49;
	v54 =	vsub.f32 v54, v11;
	v11 =	vmul.f32 v12, v50  }
0x3f1: {  	v63 =	vand.u32 $0x80000000, v41;
	v59 =	vand.u32 $0x7FFFFFFF, v53;
	v0 =	vsub.f32 v61, v0  }
0x3f2: {  	v58 =	vsub.f32 v60, v58;
	v11 =	vfloor.f32 v11;
	v60 =	vand.u32 $0x7FFFFFFF, v52  }
0x3f3: {  	v11 =	vmul.f32 $4.096000000e+03, v11;
	vm1 =	veq.f32 v0, $4.096000000e+03;
	v42 =	vmul.f32 v60, v50  }
0x3f4: {  	v8 =	vsub.f32 v8, v49;
	v51 =	vmul.f32 v59, v50;
	v0 =	vsel vm1, $0x0, v0  }
0x3f5: {  	v11 =	vsub.f32 v12, v11;
	v0 =	vand.u32 $0x7FFFFFFF, v0;
	v12 =	vfloor.f32 v42  }
0x3f6: {  	v42 =	vfloor.f32 v51;
	v51 =	vand.u32 $0x80000000, v14;
	v12 =	vmul.f32 $4.096000000e+03, v12  }
0x3f7: {  	v42 =	vmul.f32 $4.096000000e+03, v42;
	v51 =	vor.u32 v51, v17;
	vm0 =	veq.f32 v11, $4.096000000e+03  }
0x3f8: {  	v17 =	vand.u32 $0x80000000, v56;
	v11 =	vsel vm0, $0x0, v11;
	v12 =	vsub.f32 v60, v12  }
0x3f9: {  	v60 =	vand.u32 $0x80000000, v44;
	v59 =	vsub.f32 v59, v42;
	v11 =	vand.u32 $0x7FFFFFFF, v11  }
0x3fa: {  	v11 =	vor.u32 v17, v11;
	v17 =	vand.u32 $0x80000000, v52;
	vm0 =	veq.f32 v12, $4.096000000e+03  }
0x3fb: {  	v0 =	vor.u32 v60, v0;
	v42 =	vadd.f32 $4.096000000e+03, v11;
	v12 =	vsel vm0, $0x0, v12  }
0x3fc: {  	v61 =	vadd.f32 $4.096000000e+03, v0;
	vm0 =	vlt.f32 v11, $0.0e+00;
	v12 =	vand.u32 $0x7FFFFFFF, v12  }
0x3fd: {  	vm1 =	vlt.f32 v0, $0.0e+00;
	v42 =	vsel vm0, v42, v11;
	v12 =	vor.u32 v17, v12  }
0x3fe: {  	v11 =	vsel vm1, v61, v0;
	v56 =	vsub.f32 v56, v42;
	v62 =	vadd.f32 $4.096000000e+03, v12  }
0x3ff: {  	v60 =	vand.u32 $0x80000000, v18;
	v17 =	vsub.f32 v44, v11;
	vm0 =	vlt.f32 v12, $0.0e+00  }
0x400: {  	v56 =	vadd.f32 $0.0e+00, v56;
	v12 =	vsel vm0, v62, v12;
	vm0 =	veq.f32 v59, $4.096000000e+03  }
0x401: {  	v0 =	vand.u32 $0x80000000, v53;
	v62 =	vand.u32 $0x80000000, v33;
	v59 =	vsel vm0, $0x0, v59  }
0x402: {  	vm0 =	veq.f32 v1, $4.096000000e+03;
	v56 =	vadd.f32 v17, v56;
	v52 =	vsub.f32 v52, v12  }
0x403: {  	v1 =	vsel vm0, $0x0, v1;
	vm0 =	veq.f32 v8, $4.096000000e+03;
	v59 =	vand.u32 $0x7FFFFFFF, v59  }
0x404: {  	v0 =	vor.u32 v0, v59;
	v8 =	vsel vm0, $0x0, v8;
	v1 =	vand.u32 $0x7FFFFFFF, v1  }
0x405: {  	v56 =	vadd.f32 v52, v56;
	v1 =	vor.u32 v63, v1;
	v44 =	vadd.f32 $4.096000000e+03, v0  }
0x406: {  	v8 =	vand.u32 $0x7FFFFFFF, v8;
	vm0 =	vlt.f32 v0, $0.0e+00;
	v63 =	vand.u32 $0x80000000, v19  }
0x407: {  	v8 =	vor.u32 v60, v8;
	vm1 =	vlt.f32 v1, $0.0e+00;
	v44 =	vsel vm0, v44, v0  }
0x408: {  	v0 =	vadd.f32 $4.096000000e+03, v1;
	vm0 =	veq.f32 v57, $4.096000000e+03;
	v61 =	vadd.f32 $4.096000000e+03, v8  }
0x409: {  	v57 =	vsel vm0, $0x0, v57;
	v53 =	vsub.f32 v53, v44;
	vm0 =	veq.f32 v58, $4.096000000e+03  }
0x40a: {  	v52 =	vsel vm1, v0, v1;
	v0 =	vand.u32 $0x80000000, v7;
	v1 =	vand.u32 $0x7FFFFFFF, v57  }
0x40b: {  	v60 =	vsel vm0, $0x0, v58;
	vm0 =	vlt.f32 v8, $0.0e+00;
	v0 =	vor.u32 v0, v1  }
0x40c: {  	v1 =	vand.u32 $0x80000000, v5;
	v53 =	vadd.f32 v53, v56;
	v57 =	vand.u32 $0x7FFFFFFF, v60  }
0x40d: {  	v17 =	vsub.f32 v41, v52;
	v8 =	vsel vm0, v61, v8;
	vm0 =	veq.f32 v6, $4.096000000e+03  }
0x40e: {  	v1 =	vor.u32 v1, v57;
	v6 =	vsel vm0, $0x0, v6;
	vm0 =	veq.f32 v55, $4.096000000e+03  }
0x40f: {  	vm1 =	vlt.f32 v0, $0.0e+00;
	v18 =	vsub.f32 v18, v8;
	v53 =	vadd.f32 v17, v53  }
0x410: {  	v17 =	vadd.f32 $4.096000000e+03, v0;
	v55 =	vsel vm0, $0x0, v55;
	vm0 =	veq.f32 v54, $4.096000000e+03  }
0x411: {  	v6 =	vand.u32 $0x7FFFFFFF, v6;
	v57 =	vadd.f32 $4.096000000e+03, v1;
	v55 =	vand.u32 $0x7FFFFFFF, v55  }
0x412: {  	v54 =	vsel vm0, $0x0, v54;
	vm0 =	vlt.f32 v1, $0.0e+00;
	v17 =	vsel vm1, v17, v0  }
0x413: {  	v0 =	vand.u32 $0x80000000, v13;
	v54 =	vand.u32 $0x7FFFFFFF, v54;
	v53 =	vadd.f32 v18, v53  }
0x414: {  	v56 =	vsel vm0, v57, v1;
	vm0 =	veq.f32 v45, $4.096000000e+03;
	v0 =	vor.u32 v0, v55  }
0x415: {  	v18 =	vmovc v22;
	v41 =	vsub.f32 v7, v17;
	v54 =	vor.u32 v63, v54;
	v22 =	vor.u32 v62, v6  }
0x416: {  	v1 =	vsub.f32 v5, v56;
	v5 =	vand.u32 $0x80000000, v43;
	v45 =	vsel vm0, $0x0, v45  }
0x417: {  	vm0 =	veq.f32 v2, $4.096000000e+03;
	v6 =	vadd.f32 $4.096000000e+03, v0;
	v55 =	vadd.f32 $4.096000000e+03, v54  }
0x418: {  	vm1 =	vlt.f32 v0, $0.0e+00;
	vm2 =	vlt.f32 v54, $0.0e+00;
	v2 =	vsel vm0, $0x0, v2  }
0x419: {  	vm0 =	veq.f32 v10, $4.096000000e+03;
	v7 =	vsel vm1, v6, v0;
	v0 =	vadd.f32 v41, v53  }
0x41a: {  	v2 =	vand.u32 $0x7FFFFFFF, v2;
	v10 =	vsel vm0, $0x0, v10;
	v6 =	vsel vm2, v55, v54  }
0x41b: {  	v13 =	vsub.f32 v13, v7;
	v0 =	vadd.f32 v1, v0;
	v1 =	vand.u32 $0x80000000, v47  }
0x41c: {  	v58 =	vand.u32 $0x7FFFFFFF, v10;
	v1 =	vor.u32 v1, v2;
	v2 =	vand.u32 $0x80000000, v34  }
0x41d: {  	v0 =	vadd.f32 v13, v0;
	v10 =	vadd.f32 $4.096000000e+03, v1;
	v13 =	vand.u32 $0x7FFFFFFF, v45  }
0x41e: {  	v19 =	vsub.f32 v19, v6;
	vm0 =	vlt.f32 v1, $0.0e+00;
	v2 =	vor.u32 v2, v13  }
0x41f: {  	v10 =	vsel vm0, v10, v1;
	v1 =	vor.u32 v5, v58;
	vm0 =	veq.f32 v16, $4.096000000e+03  }
0x420: {  	v0 =	vadd.f32 v19, v0;
	v5 =	vadd.f32 $4.096000000e+03, v2;
	vm1 =	vlt.f32 v2, $0.0e+00  }
0x421: {  	v13 =	vsel vm0, $0x0, v16;
	vm0 =	veq.f32 v9, $4.096000000e+03;
	v19 =	vsub.f32 v47, v10  }
0x422: {  	v9 =	vsel vm0, $0x0, v9;
	v5 =	vsel vm1, v5, v2;
	v2 =	vand.u32 $0x80000000, v37  }
0x423: {  	v16 =	vld [tilespmem:s11+$0xFFFFF7F0];
	vm0 =	veq.f32 v4, $4.096000000e+03;
	vm1 =	vlt.f32 v1, $0.0e+00;
	v13 =	vand.u32 $0x7FFFFFFF, v13  }
0x424: {  	v9 =	vand.u32 $0x7FFFFFFF, v9;
	v0 =	vadd.f32 v19, v0;
	v19 =	vsub.f32 v34, v5  }
0x425: {  	v60 =	vsel vm0, $0x0, v4;
	v2 =	vor.u32 v2, v9;
	v9 =	vadd.f32 $4.096000000e+03, v1  }
0x426: {  	v59 =	vadd.f32 $4.096000000e+03, v2;
	vm0 =	vlt.f32 v2, $0.0e+00;
	v0 =	vadd.f32 v19, v0  }
0x427: {  	v19 =	vand.u32 $0x7FFFFFFF, v60;
	v4 =	vsel vm1, v9, v1;
	v9 =	vand.u32 $0x80000000, v18  }
0x428: {  	v53 =	vand.u32 $0x7FFFFFFF, v16;
	v1 =	vsel vm0, v59, v2;
	v2 =	vand.u32 $0x80000000, v20  }
0x429: {  	v61 =	vsub.f32 v43, v4;
	vm0 =	veq.f32 v3, $4.096000000e+03;
	v55 =	vmul.f32 v53, v50  }
0x42a: {  	v58 =	vld [tilespmem:$0x1FC90];
	v2 =	vor.u32 v2, v19;
	v19 =	vand.u32 $0x80000000, v39;
	v3 =	vsel vm0, $0x0, v3  }
0x42b: {  	v37 =	vsub.f32 v37, v1;
	v3 =	vand.u32 $0x7FFFFFFF, v3;
	v62 =	vadd.f32 $4.096000000e+03, v2  }
0x42c: {  	v0 =	vadd.f32 v61, v0;
	vm0 =	vlt.f32 v2, $0.0e+00;
	v63 =	vor.u32 v19, v3  }
0x42d: {  	v19 =	vor.u32 v9, v13;
	v9 =	vfloor.f32 v55;
	v3 =	vsel vm0, v62, v2  }
0x42e: {  	v2 =	vadd.f32 $4.096000000e+03, v63;
	v54 =	vadd.f32 v37, v0;
	vm0 =	vlt.f32 v63, $0.0e+00  }
0x42f: {  	v57 =	vmul.f32 $4.096000000e+03, v9;
	v9 =	vand.u32 $0x80000000, v58;
	v20 =	vsub.f32 v20, v3  }
0x430: {  	v0 =	vsel vm0, v2, v63;
	v2 =	vadd.f32 $0.0e+00, v42;
	vm0 =	veq.f32 v40, $4.096000000e+03  }
0x431: {  	v34 =	vsub.f32 v53, v57;
	v13 =	vadd.f32 v20, v54;
	v20 =	vsel vm0, $0x0, v40  }
0x432: {  	v2 =	vadd.f32 v11, v2;
	v11 =	vand.u32 $0x7FFFFFFF, v20;
	v20 =	vsub.f32 v39, v0  }
0x433: {  	v63 =	vand.u32 $0x80000000, v26;
	vm0 =	veq.f32 v15, $4.096000000e+03;
	v9 =	vor.u32 v9, v11  }
0x434: {  	v11 =	vadd.f32 v20, v13;
	v13 =	vsel vm0, $0x0, v15;
	v2 =	vadd.f32 v12, v2  }
0x435: {  	v12 =	vand.u32 $0x80000000, v46;
	vm0 =	veq.f32 v34, $4.096000000e+03;
	v13 =	vand.u32 $0x7FFFFFFF, v13  }
0x436: {  	v20 =	vand.u32 $0x80000000, v16;
	v12 =	vor.u32 v12, v13;
	v13 =	vsel vm0, $0x0, v34  }
0x437: {  	vm0 =	veq.f32 v21, $4.096000000e+03;
	v2 =	vadd.f32 v44, v2;
	v13 =	vand.u32 $0x7FFFFFFF, v13  }
0x438: {  	v59 =	vsel vm0, $0x0, v21;
	v13 =	vor.u32 v20, v13;
	v20 =	vand.u32 $0x80000000, v30  }
0x439: {  	v34 =	vand.u32 $0x7FFFFFFF, v59;
	v2 =	vadd.f32 v52, v2;
	v60 =	vadd.f32 $4.096000000e+03, v13  }
0x43a: {  	v61 =	vadd.f32 $4.096000000e+03, v12;
	vm0 =	vlt.f32 v13, $0.0e+00;
	v20 =	vor.u32 v20, v34  }
0x43b: {  	v2 =	vadd.f32 v8, v2;
	vm1 =	vlt.f32 v20, $0.0e+00;
	v8 =	vsel vm0, v60, v13  }
0x43c: {  	vm0 =	vlt.f32 v12, $0.0e+00;
	v13 =	vsub.f32 v16, v8;
	v8 =	vadd.f32 $0.0e+00, v8  }
0x43d: {  	v12 =	vsel vm0, v61, v12;
	vm0 =	veq.f32 v38, $4.096000000e+03;
	v2 =	vadd.f32 v17, v2  }
0x43e: {  	v49 =	vmovc v14;
	v62 =	vsel vm0, $0x0, v38;
	v14 =	vsub.f32 v46, v12;
	v8 =	vadd.f32 v12, v8  }
0x43f: {  	v34 =	vand.u32 $0x7FFFFFFF, v62;
	v12 =	vadd.f32 $4.096000000e+03, v20;
	v13 =	vadd.f32 $0.0e+00, v13  }
0x440: {  	vm0 =	veq.f32 v36, $4.096000000e+03;
	v2 =	vadd.f32 v56, v2;
	v34 =	vor.u32 v63, v34  }
0x441: {  	v12 =	vsel vm1, v12, v20;
	v20 =	vsel vm0, $0x0, v36;
	v13 =	vadd.f32 v14, v13  }
0x442: {  	v14 =	vand.u32 $0x80000000, v25;
	vm0 =	veq.f32 v35, $4.096000000e+03;
	vm1 =	vlt.f32 v34, $0.0e+00  }
0x443: {  	v2 =	vadd.f32 v7, v2;
	v20 =	vand.u32 $0x7FFFFFFF, v20;
	v30 =	vsub.f32 v30, v12  }
0x444: {  	v8 =	vadd.f32 v12, v8;
	v7 =	vsel vm0, $0x0, v35;
	vm0 =	veq.f32 v24, $4.096000000e+03  }
0x445: {  	v20 =	vor.u32 v14, v20;
	v14 =	vadd.f32 $4.096000000e+03, v34;
	v7 =	vand.u32 $0x7FFFFFFF, v7  }
0x446: {  	v2 =	vadd.f32 v6, v2;
	v6 =	vsel vm0, $0x0, v24;
	vm0 =	veq.f32 v32, $4.096000000e+03  }
0x447: {  	v13 =	vadd.f32 v30, v13;
	v6 =	vand.u32 $0x7FFFFFFF, v6;
	v12 =	vsel vm1, v14, v34  }
0x448: {  	v14 =	vand.u32 $0x80000000, v23;
	vm1 =	vlt.f32 v20, $0.0e+00;
	v2 =	vadd.f32 v10, v2  }
0x449: {  	v10 =	vsel vm0, $0x0, v32;
	v7 =	vor.u32 v14, v7;
	v14 =	vadd.f32 $4.096000000e+03, v20  }
0x44a: {  	v16 =	vld [tilespmem:$0x1FCA0];
	vm0 =	veq.f32 v48, $4.096000000e+03;
	v15 =	vsub.f32 v26, v12;
	v8 =	vadd.f32 v12, v8  }
0x44b: {  	v10 =	vand.u32 $0x7FFFFFFF, v10;
	v2 =	vadd.f32 v5, v2;
	v5 =	vsel vm0, $0x0, v48  }
0x44c: {  	vm0 =	veq.f32 v31, $4.096000000e+03;
	v12 =	vsel vm1, v14, v20;
	v13 =	vadd.f32 v15, v13  }
0x44d: {  	v20 =	vand.u32 $0x80000000, v28;
	vm1 =	vlt.f32 v7, $0.0e+00;
	v14 =	vsub.f32 v25, v12  }
0x44e: {  	v15 =	vld [tilespmem:$0x1FCB0];
	v5 =	vand.u32 $0x7FFFFFFF, v5;
	v6 =	vor.u32 v20, v6;
	v20 =	vadd.f32 $4.096000000e+03, v7  }
0x44f: {  	v8 =	vadd.f32 v12, v8;
	v12 =	vadd.f32 v14, v13;
	v13 =	vand.u32 $0x80000000, v16  }
0x450: {  	v7 =	vsel vm1, v20, v7;
	v10 =	vor.u32 v13, v10;
	v13 =	vadd.f32 $4.096000000e+03, v6  }
0x451: {  	v2 =	vadd.f32 v4, v2;
	vm1 =	vlt.f32 v6, $0.0e+00;
	v14 =	vld [tilespmem:$0x1FCD0];
	v20 =	vsub.f32 v23, v7  }
0x452: {  	v4 =	vsel vm0, $0x0, v31;
	v7 =	vadd.f32 v7, v8;
	v6 =	vsel vm1, v13, v6  }
0x453: {  	v8 =	vadd.f32 v20, v12;
	v12 =	vand.u32 $0x80000000, v15;
	v13 =	vsub.f32 v28, v6  }
0x454: {  	vm0 =	veq.f32 v29, $4.096000000e+03;
	v5 =	vor.u32 v12, v5;
	v12 =	vadd.f32 $4.096000000e+03, v10  }
0x455: {  	v4 =	vand.u32 $0x7FFFFFFF, v4;
	vm1 =	vlt.f32 v10, $0.0e+00;
	v8 =	vadd.f32 v13, v8;
	v13 =	vld [tilespmem:$0x1FCC0]  }
0x456: {  	v6 =	vadd.f32 v6, v7;
	v7 =	vsel vm1, v12, v10;
	v10 =	vand.u32 $0x80000000, v14  }
0x457: {  	v1 =	vadd.f32 v1, v2;
	v4 =	vor.u32 v10, v4;
	v10 =	vadd.f32 $4.096000000e+03, v5  }
0x458: {  	v2 =	vsel vm0, $0x0, v29;
	vm1 =	vlt.f32 v5, $0.0e+00;
	v12 =	vsub.f32 v16, v7  }
0x459: {  	v2 =	vand.u32 $0x7FFFFFFF, v2;
	v1 =	vadd.f32 v3, v1;
	v5 =	vsel vm1, v10, v5;
	v10 =	vld [tilespmem:$0x1FCE0]  }
0x45a: {  	v6 =	vadd.f32 v7, v6;
	v7 =	vadd.f32 v12, v8;
	v8 =	vand.u32 $0x80000000, v13  }
0x45b: {  	v31 =	vor.u32 v8, v2;
	v2 =	vadd.f32 $4.096000000e+03, v4  }
0x45c: {  	vm0 =	veq.f32 v27, $4.096000000e+03;
	v1 =	vadd.f32 v0, v1;
	vm1 =	vlt.f32 v4, $0.0e+00  }
0x45d: {  	v8 =	vsub.f32 v15, v5;
	v2 =	vsel vm1, v2, v4;
	v4 =	vsel vm0, $0x0, v27  }
0x45e: {  	v5 =	vadd.f32 v5, v6;
	v6 =	vand.u32 $0x80000000, v10;
	v4 =	vand.u32 $0x7FFFFFFF, v4  }
0x45f: {  	vm0 =	vlt.f32 v9, $0.0e+00;
	v38 =	vor.u32 v6, v4;
	v6 =	vadd.f32 $4.096000000e+03, v9  }
0x460: {  	v5 =	vadd.f32 v2, v5;
	v4 =	vsub.f32 v14, v2;
	v2 =	vmul.f32 $2.441406250e-04, v11  }
0x461: {  	s14 =	simm.s32 $0xD150;
	s15 =	simm.s32 $0x0;
	v12 =	vadd.f32 $4.096000000e+03, v31;
	v3 =	vadd.f32 v8, v7;
	v6 =	vsel vm0, v6, v9  }
0x462: {  	s13 =	simm.s32 $0xC810;
	s12 =	simm.s32 $0xD0B0;
	s16 =	simm.s32 $0x20;
	v0 =	vadd.f32 $4.096000000e+03, v38;
	[tilespmem:s14+$0x0] =	vst v2;
	vm0 =	vlt.f32 v31, $0.0e+00;
	v7 =	vsub.f32 v58, v6  }
.LBB2_10:
0x463: {  	s18 =	sand.u32 $0xE0, s16  }
0x464: {  	v2 =	vadd.f32 v4, v3;
	v3 =	vadd.f32 v6, v5;
	v5 =	vld [tilespmem:s18+$0xBF00]  }
0x465: {  	[tilespmem:s14+$0xFFFFFEC0] =	vst v1;
	v1 =	vld [tilespmem:s18+$0xBE00]  }
0x466: {  	v4 =	vsel vm0, v12, v31;
	v12 =	vld [tilespmem:s18+$0xBC00]  }
0x467: {  	v8 =	vadd.f32 $4.096000000e+03, v51;
	vm0 =	vlt.f32 v38, $0.0e+00;
	v23 =	vld [tilespmem:s18+$0xB700]  }
0x468: {  	v26 =	vld [tilespmem:s18+$0xB600];
	v2 =	vadd.f32 v7, v2;
	v3 =	vadd.f32 v4, v3;
	v0 =	vsel vm0, v0, v38  }
0x469: {  	v27 =	vld [tilespmem:s18+$0xB500];
	v6 =	vsub.f32 v13, v4;
	v7 =	vsub.f32 v10, v0  }
0x46a: {  	v25 =	vld [tilespmem:s18+$0xB400];
	vm0 =	vlt.f32 v51, $0.0e+00;
	v9 =	vadd.f32 $4.096000000e+03, v22;
	v0 =	vadd.f32 v0, v3  }
0x46b: {  	v21 =	vld [tilespmem:s18+$0xBA00];
	v3 =	vsel vm0, v8, v51;
	v8 =	vadd.f32 $4.096000000e+03, v19;
	v2 =	vadd.f32 v6, v2  }
0x46c: {  	vm0 =	vlt.f32 v22, $0.0e+00;
	v6 =	vsub.f32 v49, v3;
	v0 =	vadd.f32 v3, v0  }
0x46d: {  	v3 =	vsel vm0, v9, v22;
	vm0 =	vlt.f32 v19, $0.0e+00;
	v11 =	vand.u32 $0x7FFFFFFF, v12  }
0x46e: {  	v17 =	vmovc v1;
	v10 =	vmovc v5;
	v24 =	vand.u32 $0x7FFFFFFF, v23;
	v30 =	vand.u32 $0x7FFFFFFF, v26;
	v31 =	vand.u32 $0x7FFFFFFF, v27  }
0x46f: {  	v32 =	vand.u32 $0x7FFFFFFF, v25;
	[tilespmem:$0x1FC10] =	vst v10;
	v10 =	vand.u32 $0x7FFFFFFF, v10;
	v13 =	vand.u32 $0x7FFFFFFF, v17  }
0x470: {  	v4 =	vld [tilespmem:s18+$0xBD00];
	v45 =	vmovc v17;
	[tilespmem:$0x1FA80] =	vst v17;
	v17 =	vand.u32 $0x7FFFFFFF, v21;
	v36 =	vmul.f32 v24, v50;
	v39 =	vmul.f32 v31, v50  }
0x471: {  	v35 =	vmul.f32 v30, v50;
	v61 =	vmul.f32 v32, v50;
	v2 =	vadd.f32 v7, v2  }
0x472: {  	v15 =	vld [tilespmem:s18+$0xBB00];
	v7 =	vsub.f32 v33, v3;
	v36 =	vfloor.f32 v36;
	v39 =	vfloor.f32 v39  }
0x473: {  	v9 =	vld [tilespmem:s18+$0xB900];
	v35 =	vfloor.f32 v35;
	v38 =	vfloor.f32 v61;
	v1 =	vadd.f32 v6, v2  }
0x474: {  	v2 =	vadd.f32 v3, v0;
	v0 =	vand.u32 $0x80000000, v5;
	v5 =	vmul.f32 v13, v50  }
0x475: {  	v20 =	vmovc v4;
	v3 =	vsel vm0, v8, v19;
	v6 =	vmul.f32 v11, v50;
	v35 =	vmul.f32 $4.096000000e+03, v35  }
0x476: {  	v22 =	vmovc v12;
	[tilespmem:$0x1FCE0] =	vst v12;
	v12 =	vand.u32 $0x7FFFFFFF, v20;
	v36 =	vmul.f32 $4.096000000e+03, v36;
	v39 =	vmul.f32 $4.096000000e+03, v39  }
0x477: {  	v16 =	vld [tilespmem:s18+$0xB800];
	v38 =	vmul.f32 $4.096000000e+03, v38;
	v4 =	vsub.f32 v18, v3;
	v2 =	vadd.f32 v3, v2  }
0x478: {  	v18 =	vand.u32 $0x7FFFFFFF, v15;
	v19 =	vand.u32 $0x7FFFFFFF, v9;
	v3 =	vmul.f32 v10, v50  }
0x479: {  	v14 =	vmovc v15;
	v1 =	vadd.f32 v7, v1;
	v60 =	vmul.f32 v19, v50;
	v47 =	vfloor.f32 v5;
	[tilespmem:s14+$0xFFFFFEB0] =	vst v2  }
0x47a: {  	v63 =	vfloor.f32 v6;
	v5 =	vand.u32 $0x80000000, v14;
	v24 =	vsub.f32 v24, v36;
	v41 =	vld [tilespmem:s18+$0xB100]  }
0x47b: {  	v14 =	vand.u32 $0x80000000, v26;
	v31 =	vsub.f32 v31, v39;
	v32 =	vsub.f32 v32, v38;
	v29 =	vld [tilespmem:s18+$0xB200]  }
0x47c: {  	v30 =	vsub.f32 v30, v35;
	[tilespmem:$0x1FAD0] =	vst v14;
	v14 =	vand.u32 $0x80000000, v27;
	v2 =	vand.u32 $0x7FFFFFFF, v16;
	v28 =	vld [tilespmem:s18+$0xB300]  }
0x47d: {  	[tilespmem:$0x1FCC0] =	vst v15;
	v33 =	vfloor.f32 v60;
	vm9 =	veq.f32 v32, $4.096000000e+03;
	vm10 =	veq.f32 v31, $4.096000000e+03  }
0x47e: {  	v15 =	vmovc v9;
	[tilespmem:$0x1FC60] =	vst v9;
	vm11 =	veq.f32 v30, $4.096000000e+03;
	v9 =	vmul.f32 v2, v50;
	v33 =	vmul.f32 $4.096000000e+03, v33  }
0x47f: {  	v32 =	vsel vm9, $0x0, v32;
	v31 =	vsel vm10, $0x0, v31;
	v40 =	vand.u32 $0x7FFFFFFF, v41  }
0x480: {  	v55 =	vfloor.f32 v9;
	v37 =	vand.u32 $0x7FFFFFFF, v29;
	v44 =	vmul.f32 v40, v50  }
0x481: {  	v51 =	vmul.f32 $4.096000000e+03, v55;
	v34 =	vand.u32 $0x7FFFFFFF, v28;
	v42 =	vmul.f32 v37, v50  }
0x482: {  	v30 =	vsel vm11, $0x0, v30;
	v43 =	vmul.f32 v34, v50;
	v44 =	vfloor.f32 v44  }
0x483: {  	v2 =	vsub.f32 v2, v51;
	v42 =	vfloor.f32 v42;
	v57 =	vmul.f32 $4.096000000e+03, v44  }
0x484: {  	v19 =	vsub.f32 v19, v33;
	v43 =	vfloor.f32 v43;
	v56 =	vmul.f32 $4.096000000e+03, v42  }
0x485: {  	vm7 =	veq.f32 v2, $4.096000000e+03;
	v43 =	vmul.f32 $4.096000000e+03, v43;
	v36 =	vsub.f32 v40, v57  }
0x486: {  	[tilespmem:$0x1FB00] =	vst v14;
	v59 =	vsel vm7, $0x0, v2;
	v2 =	vand.u32 $0x7FFFFFFF, v32;
	v33 =	vsub.f32 v37, v56  }
0x487: {  	[tilespmem:$0x1FB30] =	vst v2;
	v2 =	vand.u32 $0x7FFFFFFF, v31;
	v58 =	vsub.f32 v34, v43;
	vm12 =	veq.f32 v36, $4.096000000e+03  }
0x488: {  	[tilespmem:$0x1FB10] =	vst v2;
	v2 =	vand.u32 $0x7FFFFFFF, v30;
	vm13 =	veq.f32 v33, $4.096000000e+03;
	v36 =	vsel vm12, $0x0, v36  }
0x489: {  	[tilespmem:$0x1FAE0] =	vst v2;
	vm14 =	veq.f32 v58, $4.096000000e+03;
	v33 =	vsel vm13, $0x0, v33;
	v2 =	vand.u32 $0x7FFFFFFF, v36  }
0x48a: {  	s11 =	sadd.s32 $0x20, s11;
	v49 =	vmul.f32 $4.096000000e+03, v63;
	v35 =	vsel vm14, $0x0, v58;
	[tilespmem:$0x1FB70] =	vst v2;
	v2 =	vand.u32 $0x7FFFFFFF, v33  }
0x48b: {  	v7 =	vmul.f32 v17, v50;
	v8 =	vmul.f32 v18, v50;
	v43 =	vld [tilespmem:s11+$0x600];
	[tilespmem:$0x1FBB0] =	vst v2;
	v2 =	vand.u32 $0x7FFFFFFF, v35  }
0x48c: {  	v1 =	vadd.f32 v4, v1;
	v14 =	vand.u32 $0x80000000, v25;
	v11 =	vsub.f32 v11, v49;
	[tilespmem:$0x1FB50] =	vst v2;
	v2 =	vld [tilespmem:$0x1FFC0]  }
0x48d: {  	v62 =	vfloor.f32 v3;
	v48 =	vfloor.f32 v8;
	[tilespmem:$0x1FB20] =	vst v14;
	v14 =	vand.u32 $0x80000000, v28  }
0x48e: {  	v3 =	vand.u32 $0x80000000, v22;
	vm5 =	veq.f32 v11, $4.096000000e+03;
	[tilespmem:$0x1FB40] =	vst v14;
	v14 =	vand.u32 $0x80000000, v29  }
0x48f: {  	v48 =	vmul.f32 $4.096000000e+03, v48;
	v11 =	vsel vm5, $0x0, v11;
	[tilespmem:$0x1FBA0] =	vst v14;
	v14 =	vand.u32 $0x80000000, v41  }
0x490: {  	v1 =	vmul.f32 $2.441406250e-04, v1;
	v11 =	vand.u32 $0x7FFFFFFF, v11;
	[tilespmem:$0x1FB60] =	vst v14;
	v14 =	vld [tilespmem:s11+$0x700];
	v35 =	vand.u32 $0x7FFFFFFF, v43  }
0x491: {  	v18 =	vsub.f32 v18, v48;
	v38 =	vor.u32 v3, v11;
	v3 =	vmul.f32 v35, v2;
	v2 =	vld [tilespmem:$0x1FFC0]  }
0x492: {  	v54 =	vfloor.f32 v7;
	[tilespmem:s14+$0xFFFFFFF0] =	vst v1;
	v1 =	vand.u32 $0x80000000, v45;
	v45 =	vmul.f32 $4.096000000e+03, v62  }
0x493: {  	v4 =	vmul.f32 v12, v50;
	vm4 =	veq.f32 v18, $4.096000000e+03;
	v50 =	vmul.f32 $4.096000000e+03, v54  }
0x494: {  	v6 =	vand.u32 $0x80000000, v15;
	v10 =	vsub.f32 v10, v45;
	v18 =	vsel vm4, $0x0, v18  }
0x495: {  	v52 =	vld [tilespmem:s11+$0x400];
	v61 =	vand.u32 $0x7FFFFFFF, v18;
	v17 =	vsub.f32 v17, v50;
	v36 =	vand.u32 $0x7FFFFFFF, v14  }
0x496: {  	vm2 =	veq.f32 v10, $4.096000000e+03;
	v31 =	vor.u32 v5, v61;
	v5 =	vmul.f32 v36, v2;
	v2 =	vld [tilespmem:$0x1FFC0]  }
0x497: {  	v7 =	vand.u32 $0x80000000, v21;
	v10 =	vsel vm2, $0x0, v10;
	vm3 =	veq.f32 v17, $4.096000000e+03  }
0x498: {  	vm8 =	veq.f32 v19, $4.096000000e+03;
	v10 =	vand.u32 $0x7FFFFFFF, v10;
	v17 =	vsel vm3, $0x0, v17  }
0x499: {  	v19 =	vsel vm8, $0x0, v19;
	v0 =	vor.u32 v0, v10;
	v60 =	vand.u32 $0x7FFFFFFF, v17  }
0x49a: {  	v63 =	vand.u32 $0x7FFFFFFF, v19;
	v34 =	vld [tilespmem:s11+$0x500];
	[tilespmem:$0x1FBF0] =	vst v0;
	v57 =	vand.u32 $0x7FFFFFFF, v52;
	v0 =	vor.u32 v7, v60  }
0x49b: {  	[tilespmem:$0x1FB80] =	vst v0;
	v0 =	vor.u32 v6, v63;
	v6 =	vmul.f32 v57, v2;
	v2 =	vld [tilespmem:$0x1FFC0];
	_ =	sdelay $0x3  }
0x49c: {  	v8 =	vand.u32 $0x80000000, v16;
	v54 =	vld [tilespmem:s11+$0x200];
	v37 =	vand.u32 $0x7FFFFFFF, v59;
	v32 =	vand.u32 $0x7FFFFFFF, v34  }
0x49d: {  	v39 =	vor.u32 v8, v37;
	v8 =	vmul.f32 v32, v2;
	v2 =	vld [tilespmem:$0x1FFC0];
	_ =	sdelay $0x1  }
0x49e: {  	vm6 =	veq.f32 v24, $4.096000000e+03  }
0x49f: {  	v24 =	vsel vm6, $0x0, v24  }
0x4a0: {  	v9 =	vand.u32 $0x80000000, v23;
	v62 =	vand.u32 $0x7FFFFFFF, v24;
	v45 =	vld [tilespmem:s11+$0x300];
	v37 =	vand.u32 $0x7FFFFFFF, v54  }
0x4a1: {  	v40 =	vor.u32 v9, v62;
	v9 =	vmul.f32 v37, v2;
	v2 =	vld [tilespmem:$0x1FFC0];
	_ =	sdelay $0x3  }
0x4a2: {  	v53 =	vand.u32 $0x7FFFFFFF, v45;
	v56 =	vld [tilespmem:s11+$0x0]  }
0x4a3: {  	v10 =	vmul.f32 v53, v2;
	v2 =	vld [tilespmem:$0x1FFC0];
	_ =	sdelay $0x2  }
0x4a4: {  	v47 =	vmul.f32 $4.096000000e+03, v47  }
0x4a5: {  	v55 =	vld [tilespmem:s11+$0x100];
	v18 =	vmov v14;
	[tilespmem:$0x1FAF0] =	vst v14;
	v14 =	vand.u32 $0x7FFFFFFF, v56  }
0x4a6: {  	v13 =	vsub.f32 v13, v47;
	v11 =	vmul.f32 v14, v2;
	v2 =	vld [tilespmem:$0x1FFC0];
	_ =	sdelay $0x1  }
0x4a7: {  	vm1 =	veq.f32 v13, $4.096000000e+03  }
0x4a8: {  	v46 =	vfloor.f32 v4;
	v13 =	vsel vm1, $0x0, v13  }
0x4a9: {  	v46 =	vmul.f32 $4.096000000e+03, v46;
	v13 =	vand.u32 $0x7FFFFFFF, v13;
	v15 =	vand.u32 $0x7FFFFFFF, v55;
	v58 =	vld [tilespmem:s11+$0xFFFFFE00]  }
0x4aa: {  	v1 =	vor.u32 v1, v13;
	v13 =	vmul.f32 v15, v2;
	v2 =	vld [tilespmem:$0x1FFC0]  }
0x4ab: {  	v12 =	vsub.f32 v12, v46;
	_ =	sdelay $0x1  }
0x4ac: {  	[tilespmem:$0x1FC50] =	vst v16;
	v24 =	vld [tilespmem:s11+$0xFFFFFF00];
	vm0 =	veq.f32 v12, $4.096000000e+03  }
0x4ad: {  	[tilespmem:$0x1FC70] =	vst v1;
	v1 =	vld [tilespmem:s11+$0xFFFFFB00];
	v12 =	vsel vm0, $0x0, v12;
	v16 =	vand.u32 $0x7FFFFFFF, v58  }
0x4ae: {  	v4 =	vand.u32 $0x80000000, v20;
	v12 =	vand.u32 $0x7FFFFFFF, v12;
	v48 =	vmul.f32 v16, v2;
	v2 =	vld [tilespmem:$0x1FFC0]  }
0x4af: {  	v12 =	vor.u32 v4, v12;
	v4 =	vld [tilespmem:s11+$0xFFFFF900]  }
0x4b0: {  	v62 =	vld [tilespmem:s11+$0xFFFFFC00]  }
0x4b1: {  	v60 =	vld [tilespmem:s11+$0xFFFFFD00]  }
0x4b2: {  	[tilespmem:$0x1FBC0] =	vst v41;
	v41 =	vand.u32 $0x7FFFFFFF, v24;
	v7 =	vld [tilespmem:s11+$0xFFFFF800]  }
0x4b3: {  	v49 =	vmul.f32 v41, v2;
	v2 =	vld [tilespmem:$0x1FFC0]  }
0x4b4: {  	[tilespmem:$0x1FB90] =	vst v0;
	v0 =	vld [tilespmem:s11+$0xFFFFFA00];
	_ =	sdelay $0x1  }
0x4b5: {  	[tilespmem:$0x1FC80] =	vst v21  }
0x4b6: {  	[tilespmem:$0x1FC40] =	vst v23;
	v44 =	vand.u32 $0x7FFFFFFF, v1;
	v51 =	vand.u32 $0x7FFFFFFF, v4;
	v42 =	vand.u32 $0x7FFFFFFF, v62  }
0x4b7: {  	[tilespmem:$0x1FBE0] =	vst v28;
	v17 =	vand.u32 $0x7FFFFFFF, v60;
	v23 =	vand.u32 $0x7FFFFFFF, v7;
	v21 =	vmul.f32 v42, v2;
	v2 =	vld [tilespmem:$0x1FFC0]  }
0x4b8: {  	[tilespmem:$0x1FBD0] =	vst v29;
	v46 =	vand.u32 $0x7FFFFFFF, v0;
	v28 =	vfloor.f32 v3;
	v29 =	vfloor.f32 v5  }
0x4b9: {  	v30 =	vand.u32 $0x80000000, v0;
	v28 =	vmul.f32 $4.096000000e+03, v28;
	v29 =	vmul.f32 $4.096000000e+03, v29  }
0x4ba: {  	v3 =	vand.u32 $0x80000000, v45;
	v59 =	vfloor.f32 v9;
	v61 =	vfloor.f32 v10  }
0x4bb: {  	v28 =	vsub.f32 v35, v28;
	v59 =	vmul.f32 $4.096000000e+03, v59;
	v61 =	vmul.f32 $4.096000000e+03, v61  }
0x4bc: {  	v5 =	vand.u32 $0x80000000, v54;
	v19 =	vfloor.f32 v11;
	v22 =	vmul.f32 v17, v2;
	v2 =	vld [tilespmem:$0x1FFC0]  }
0x4bd: {  	v29 =	vsub.f32 v36, v29;
	v59 =	vsub.f32 v37, v59;
	v19 =	vmul.f32 $4.096000000e+03, v19  }
0x4be: {  	v8 =	vfloor.f32 v8;
	v9 =	vand.u32 $0x80000000, v56;
	v61 =	vsub.f32 v53, v61  }
0x4bf: {  	v10 =	vand.u32 $0x80000000, v24;
	vm3 =	veq.f32 v59, $4.096000000e+03;
	v14 =	vsub.f32 v14, v19  }
0x4c0: {  	v11 =	vand.u32 $0x80000000, v58;
	vm4 =	veq.f32 v61, $4.096000000e+03;
	v50 =	vfloor.f32 v13  }
0x4c1: {  	vm7 =	veq.f32 v14, $4.096000000e+03;
	v50 =	vmul.f32 $4.096000000e+03, v50;
	v63 =	vmul.f32 v46, v2;
	v2 =	vld [tilespmem:$0x1FFC0]  }
0x4c2: {  	v35 =	vsel vm4, $0x0, v61;
	v14 =	vsel vm7, $0x0, v14;
	v48 =	vfloor.f32 v48  }
0x4c3: {  	v14 =	vand.u32 $0x7FFFFFFF, v14;
	v15 =	vsub.f32 v15, v50;
	v48 =	vmul.f32 $4.096000000e+03, v48  }
0x4c4: {  	v13 =	vand.u32 $0x80000000, v60;
	v9 =	vor.u32 v9, v14;
	v49 =	vfloor.f32 v49  }
0x4c5: {  	vm8 =	veq.f32 v15, $4.096000000e+03;
	v16 =	vsub.f32 v16, v48;
	v49 =	vmul.f32 $4.096000000e+03, v49  }
0x4c6: {  	[tilespmem:$0x1FC00] =	vst v25;
	v15 =	vsel vm8, $0x0, v15;
	v21 =	vfloor.f32 v21;
	v25 =	vmul.f32 v44, v2;
	v2 =	vld [tilespmem:$0x1FFC0]  }
0x4c7: {  	vm11 =	veq.f32 v16, $4.096000000e+03;
	v21 =	vmul.f32 $4.096000000e+03, v21;
	v22 =	vfloor.f32 v22  }
0x4c8: {  	v16 =	vsel vm11, $0x0, v16;
	v41 =	vsub.f32 v41, v49;
	v22 =	vmul.f32 $4.096000000e+03, v22  }
0x4c9: {  	v15 =	vand.u32 $0x7FFFFFFF, v15;
	v16 =	vand.u32 $0x7FFFFFFF, v16;
	v21 =	vsub.f32 v42, v21  }
0x4ca: {  	vm6 =	veq.f32 v41, $4.096000000e+03;
	v17 =	vsub.f32 v17, v22;
	v63 =	vfloor.f32 v63  }
0x4cb: {  	[tilespmem:$0x1FC30] =	vst v26;
	vm9 =	veq.f32 v21, $4.096000000e+03;
	v63 =	vmul.f32 $4.096000000e+03, v63;
	v26 =	vmul.f32 v23, v2;
	v2 =	vld [tilespmem:$0x1FFC0]  }
0x4cc: {  	v21 =	vsel vm9, $0x0, v21;
	vm10 =	veq.f32 v17, $4.096000000e+03;
	v25 =	vfloor.f32 v25  }
0x4cd: {  	v17 =	vsel vm10, $0x0, v17;
	v36 =	vsub.f32 v46, v63;
	v25 =	vmul.f32 $4.096000000e+03, v25  }
0x4ce: {  	v21 =	vand.u32 $0x7FFFFFFF, v21;
	v22 =	vand.u32 $0x80000000, v4;
	v17 =	vand.u32 $0x7FFFFFFF, v17  }
0x4cf: {  	vm13 =	veq.f32 v36, $4.096000000e+03;
	v25 =	vsub.f32 v44, v25;
	v26 =	vfloor.f32 v26  }
0x4d0: {  	v36 =	vsel vm13, $0x0, v36;
	v26 =	vmul.f32 $4.096000000e+03, v26;
	v33 =	vmul.f32 v51, v2  }
0x4d1: {  	v46 =	vand.u32 $0x80000000, v7;
	v42 =	vand.u32 $0x7FFFFFFF, v36;
	vm14 =	veq.f32 v25, $4.096000000e+03  }
0x4d2: {  	[tilespmem:$0x1FC20] =	vst v27;
	v2 =	vand.u32 $0x80000000, v18;
	v23 =	vsub.f32 v23, v26;
	v27 =	vfloor.f32 v33  }
0x4d3: {  	v25 =	vsel vm14, $0x0, v25;
	[tilespmem:$0x1FAC0] =	vst v2;
	v2 =	vand.u32 $0x80000000, v43;
	v19 =	vmul.f32 $4.096000000e+03, v27  }
0x4d4: {  	[tilespmem:$0x1FAB0] =	vst v2;
	v2 =	vand.u32 $0x80000000, v34;
	v33 =	vmul.f32 $4.096000000e+03, v8;
	vm15 =	veq.f32 v23, $4.096000000e+03  }
0x4d5: {  	v8 =	vand.u32 $0x80000000, v62;
	v23 =	vsel vm15, $0x0, v23;
	v19 =	vsub.f32 v51, v19  }
0x4d6: {  	[tilespmem:$0x1FAA0] =	vst v2;
	v2 =	vand.u32 $0x80000000, v52;
	v32 =	vsub.f32 v32, v33;
	v23 =	vand.u32 $0x7FFFFFFF, v23  }
0x4d7: {  	v27 =	vsel vm6, $0x0, v41;
	v23 =	vor.u32 v46, v23;
	vm12 =	veq.f32 v19, $4.096000000e+03  }
0x4d8: {  	vm0 =	veq.f32 v32, $4.096000000e+03;
	v26 =	vadd.f32 $4.096000000e+03, v23;
	v19 =	vsel vm12, $0x0, v19  }
0x4d9: {  	v32 =	vsel vm0, $0x0, v32;
	vm0 =	vlt.f32 v23, $0.0e+00;
	v19 =	vand.u32 $0x7FFFFFFF, v19  }
0x4da: {  	v33 =	vsel vm3, $0x0, v59;
	v59 =	vsel vm0, v26, v23;
	v19 =	vor.u32 v22, v19  }
0x4db: {  	[tilespmem:$0x1FA90] =	vst v2;
	v2 =	vand.u32 $0x80000000, v1;
	v7 =	vsub.f32 v7, v59;
	v23 =	vadd.f32 $4.096000000e+03, v19  }
0x4dc: {  	v22 =	vand.u32 $0x7FFFFFFF, v25;
	v25 =	vor.u32 v30, v42;
	vm0 =	vlt.f32 v19, $0.0e+00  }
0x4dd: {  	v2 =	vor.u32 v2, v22;
	v44 =	vsel vm0, v23, v19;
	v19 =	vadd.f32 $4.096000000e+03, v25  }
0x4de: {  	v7 =	vadd.f32 $0.0e+00, v7;
	vm0 =	vlt.f32 v25, $0.0e+00;
	v4 =	vsub.f32 v4, v44  }
0x4df: {  	v8 =	vor.u32 v8, v21;
	v46 =	vsel vm0, v19, v25;
	v19 =	vadd.f32 $4.096000000e+03, v2  }
0x4e0: {  	vm0 =	vlt.f32 v2, $0.0e+00;
	v4 =	vadd.f32 v4, v7;
	v0 =	vsub.f32 v0, v46  }
0x4e1: {  	v7 =	vor.u32 v13, v17;
	v48 =	vsel vm0, v19, v2;
	v2 =	vadd.f32 $4.096000000e+03, v8  }
0x4e2: {  	vm0 =	vlt.f32 v8, $0.0e+00;
	v0 =	vadd.f32 v0, v4;
	v1 =	vsub.f32 v1, v48  }
0x4e3: {  	v27 =	vand.u32 $0x7FFFFFFF, v27;
	v13 =	vsel vm0, v2, v8;
	v2 =	vadd.f32 $4.096000000e+03, v7  }
0x4e4: {  	v4 =	vor.u32 v11, v16;
	vm0 =	vlt.f32 v7, $0.0e+00;
	v0 =	vadd.f32 v1, v0  }
0x4e5: {  	v1 =	vsub.f32 v62, v13;
	v53 =	vsel vm0, v2, v7;
	v2 =	vadd.f32 $4.096000000e+03, v4  }
0x4e6: {  	v18 =	vfloor.f32 v6;
	v7 =	vor.u32 v10, v27;
	vm0 =	vlt.f32 v4, $0.0e+00  }
0x4e7: {  	v0 =	vadd.f32 v1, v0;
	v1 =	vsel vm0, v2, v4;
	v2 =	vadd.f32 $4.096000000e+03, v7  }
0x4e8: {  	v6 =	vand.u32 $0x80000000, v55;
	v18 =	vmul.f32 $4.096000000e+03, v18;
	vm0 =	vlt.f32 v7, $0.0e+00  }
0x4e9: {  	v8 =	vsub.f32 v60, v53;
	v4 =	vsel vm0, v2, v7;
	v2 =	vadd.f32 $4.096000000e+03, v9  }
0x4ea: {  	v33 =	vand.u32 $0x7FFFFFFF, v33;
	v7 =	vor.u32 v6, v15;
	vm0 =	vlt.f32 v9, $0.0e+00  }
0x4eb: {  	v0 =	vadd.f32 v8, v0;
	v6 =	vsel vm0, v2, v9;
	v2 =	vadd.f32 $4.096000000e+03, v7  }
0x4ec: {  	v8 =	vsub.f32 v58, v1;
	v9 =	vor.u32 v5, v33;
	vm0 =	vlt.f32 v7, $0.0e+00  }
0x4ed: {  	v41 =	vand.u32 $0x7FFFFFFF, v35;
	v5 =	vsel vm0, v2, v7;
	v2 =	vadd.f32 $4.096000000e+03, v9  }
0x4ee: {  	v0 =	vadd.f32 v8, v0;
	v8 =	vsub.f32 v24, v4;
	vm0 =	vlt.f32 v9, $0.0e+00  }
0x4ef: {  	v18 =	vsub.f32 v57, v18;
	v7 =	vor.u32 v3, v41;
	v3 =	vsel vm0, v2, v9;
	v9 =	vld [tilespmem:$0x1FA90]  }
0x4f0: {  	v0 =	vadd.f32 v8, v0;
	v8 =	vsub.f32 v56, v6  }
0x4f1: {  	vm5 =	veq.f32 v18, $4.096000000e+03  }
0x4f2: {  	v18 =	vsel vm5, $0x0, v18;
	v0 =	vadd.f32 v8, v0;
	v8 =	vsub.f32 v55, v5  }
0x4f3: {  	v18 =	vand.u32 $0x7FFFFFFF, v18;
	v2 =	vadd.f32 $4.096000000e+03, v7  }
0x4f4: {  	v10 =	vld [tilespmem:$0x1FAA0];
	vm0 =	vlt.f32 v7, $0.0e+00;
	v0 =	vadd.f32 v8, v0;
	v9 =	vor.u32 v9, v18  }
0x4f5: {  	v8 =	vsub.f32 v54, v3;
	v7 =	vsel vm0, v2, v7;
	v2 =	vadd.f32 $4.096000000e+03, v9  }
0x4f6: {  	vm2 =	veq.f32 v29, $4.096000000e+03;
	vm0 =	vlt.f32 v9, $0.0e+00  }
0x4f7: {  	v29 =	vsel vm2, $0x0, v29;
	v0 =	vadd.f32 v8, v0;
	v8 =	vsel vm0, v2, v9;
	v9 =	vld [tilespmem:$0x1FAB0]  }
0x4f8: {  	v57 =	vand.u32 $0x7FFFFFFF, v29;
	v29 =	vand.u32 $0x7FFFFFFF, v32  }
0x4f9: {  	vm1 =	veq.f32 v28, $4.096000000e+03;
	v10 =	vor.u32 v10, v29  }
0x4fa: {  	v28 =	vsel vm1, $0x0, v28;
	v2 =	vadd.f32 $4.096000000e+03, v10  }
0x4fb: {  	v28 =	vand.u32 $0x7FFFFFFF, v28;
	vm0 =	vlt.f32 v10, $0.0e+00  }
0x4fc: {  	v51 =	vmov v12;
	v12 =	vor.u32 v9, v28;
	v9 =	vsel vm0, v2, v10;
	v10 =	vld [tilespmem:$0x1FAC0]  }
0x4fd: {  	v11 =	vsub.f32 v45, v7;
	_ =	sdelay $0x1  }
0x4fe: {  	v0 =	vadd.f32 v11, v0;
	v11 =	vsub.f32 v52, v8  }
0x4ff: {  	v2 =	vadd.f32 $4.096000000e+03, v12  }
0x500: {  	v0 =	vadd.f32 v11, v0;
	vm0 =	vlt.f32 v12, $0.0e+00;
	v14 =	vor.u32 v10, v57  }
0x501: {  	v47 =	vld [tilespmem:s11+$0xFFFFF7F0];
	v11 =	vsub.f32 v34, v9;
	v10 =	vsel vm0, v2, v12;
	v2 =	vadd.f32 $4.096000000e+03, v14  }
0x502: {  	v50 =	vld [tilespmem:$0x1FFC0];
	vm0 =	vlt.f32 v14, $0.0e+00  }
0x503: {  	v0 =	vadd.f32 v11, v0;
	v11 =	vsel vm0, v2, v14;
	v2 =	vld [tilespmem:$0x1FAD0]  }
0x504: {  	v14 =	vld [tilespmem:$0x1FAE0];
	_ =	sdelay $0x1  }
0x505: {  	v49 =	vmov v20;
	v20 =	vld [tilespmem:$0x1FB30];
	v15 =	vand.u32 $0x7FFFFFFF, v47;
	v12 =	vsub.f32 v43, v10  }
0x506: {  	v16 =	vmul.f32 v15, v50;
	v18 =	vld [tilespmem:$0x1FB10]  }
0x507: {  	v0 =	vadd.f32 v12, v0;
	v12 =	vld [tilespmem:$0x1FAF0]  }
0x508: {  	v2 =	vor.u32 v2, v14;
	v14 =	vfloor.f32 v16;
	v16 =	vld [tilespmem:$0x1FB00]  }
0x509: {  	v19 =	vld [tilespmem:$0x1FB20];
	_ =	sdelay $0x2  }
0x50a: {  	v12 =	vsub.f32 v12, v11  }
0x50b: {  	v14 =	vmul.f32 $4.096000000e+03, v14;
	v16 =	vor.u32 v16, v18;
	v18 =	vadd.f32 $0.0e+00, v59  }
0x50c: {  	v19 =	vor.u32 v19, v20;
	v20 =	vadd.f32 v12, v0  }
0x50d: {  	v22 =	vld [tilespmem:$0x1FB70];
	v14 =	vsub.f32 v15, v14;
	v18 =	vadd.f32 v44, v18  }
0x50e: {  	v15 =	vmul.f32 $2.441406250e-04, v20;
	v20 =	vld [tilespmem:$0x1FB60]  }
0x50f: {  	vm0 =	veq.f32 v14, $4.096000000e+03;
	v18 =	vadd.f32 v46, v18  }
0x510: {  	v14 =	vsel vm0, $0x0, v14  }
0x511: {  	v17 =	vand.u32 $0x80000000, v47;
	v14 =	vand.u32 $0x7FFFFFFF, v14;
	v18 =	vadd.f32 v48, v18  }
0x512: {  	v30 =	vld [tilespmem:$0x1FBB0];
	v14 =	vor.u32 v17, v14  }
0x513: {  	v29 =	vld [tilespmem:$0x1FBA0];
	v20 =	vor.u32 v20, v22;
	v13 =	vadd.f32 v13, v18;
	v18 =	vadd.f32 $4.096000000e+03, v14  }
0x514: {  	vm0 =	vlt.f32 v14, $0.0e+00;
	v28 =	vadd.f32 $4.096000000e+03, v20  }
0x515: {  	v14 =	vsel vm0, v18, v14;
	vm0 =	vlt.f32 v20, $0.0e+00  }
0x516: {  	v20 =	vsel vm0, v28, v20;
	v28 =	vld [tilespmem:$0x1FBC0]  }
0x517: {  	v13 =	vadd.f32 v53, v13  }
0x518: {  	v29 =	vor.u32 v29, v30;
	v30 =	vadd.f32 $0.0e+00, v14;
	v14 =	vsub.f32 v47, v14;
	_ =	sdelay $0x1  }
0x519: {  	v0 =	vld [tilespmem:$0x1FB40];
	v1 =	vadd.f32 v1, v13;
	v13 =	vadd.f32 $0.0e+00, v14  }
0x51a: {  	v14 =	vadd.f32 v20, v30;
	v28 =	vsub.f32 v28, v20;
	v20 =	vld [tilespmem:$0x1FBD0]  }
0x51b: {  	v12 =	vld [tilespmem:$0x1FB50]  }
0x51c: {  	v18 =	vadd.f32 $4.096000000e+03, v29  }
0x51d: {  	vm0 =	vlt.f32 v29, $0.0e+00  }
0x51e: {  	v18 =	vsel vm0, v18, v29;
	v1 =	vadd.f32 v4, v1;
	v4 =	vadd.f32 v28, v13  }
0x51f: {  	v13 =	vadd.f32 v18, v14;
	v20 =	vsub.f32 v20, v18;
	v18 =	vld [tilespmem:$0x1FBE0]  }
0x520: {  	v21 =	vor.u32 v0, v12  }
0x521: {  	v63 =	vadd.f32 $4.096000000e+03, v21  }
0x522: {  	vm0 =	vlt.f32 v21, $0.0e+00  }
0x523: {  	v1 =	vadd.f32 v6, v1;
	v14 =	vsel vm0, v63, v21  }
0x524: {  	v6 =	vadd.f32 v14, v13;
	v18 =	vsub.f32 v18, v14;
	v14 =	vld [tilespmem:$0x1FC00]  }
0x525: {  	v17 =	vadd.f32 $4.096000000e+03, v19  }
0x526: {  	vm0 =	vlt.f32 v19, $0.0e+00  }
0x527: {  	v60 =	vadd.f32 $4.096000000e+03, v16;
	v13 =	vsel vm0, v17, v19;
	v4 =	vadd.f32 v20, v4  }
0x528: {  	v1 =	vadd.f32 v5, v1;
	v5 =	vadd.f32 v13, v6  }
0x529: {  	vm0 =	vlt.f32 v16, $0.0e+00;
	v4 =	vadd.f32 v18, v4;
	v14 =	vsub.f32 v14, v13;
	v13 =	vld [tilespmem:$0x1FC20]  }
0x52a: {  	v1 =	vadd.f32 v3, v1;
	v6 =	vsel vm0, v60, v16  }
0x52b: {  	v3 =	vadd.f32 v14, v4;
	v4 =	vadd.f32 v6, v5;
	v5 =	vld [tilespmem:$0x1FC30];
	_ =	sdelay $0x1  }
0x52c: {  	v61 =	vadd.f32 $4.096000000e+03, v2  }
0x52d: {  	vm0 =	vlt.f32 v2, $0.0e+00;
	v13 =	vsub.f32 v13, v6  }
0x52e: {  	v58 =	vld [tilespmem:$0x1FB90];
	v2 =	vsel vm0, v61, v2  }
0x52f: {  	s14 =	sadd.s32 $0x20, s14;
	v6 =	vld [tilespmem:$0x1FC40];
	v5 =	vsub.f32 v5, v2;
	v3 =	vadd.f32 v13, v3  }
0x530: {  	[tilespmem:s14+$0x0] =	vst v15;
	v15 =	vadd.f32 $4.096000000e+03, v40  }
0x531: {  	vm0 =	vlt.f32 v40, $0.0e+00;
	v2 =	vadd.f32 v2, v4;
	v3 =	vadd.f32 v5, v3;
	v5 =	vld [tilespmem:$0x1FC50]  }
0x532: {  	v23 =	vadd.f32 $4.096000000e+03, v39;
	v4 =	vsel vm0, v15, v40  }
0x533: {  	vm0 =	vlt.f32 v39, $0.0e+00;
	v2 =	vadd.f32 v4, v2  }
0x534: {  	v59 =	vadd.f32 $4.096000000e+03, v58;
	v6 =	vsub.f32 v6, v4;
	v4 =	vsel vm0, v23, v39  }
0x535: {  	v57 =	vld [tilespmem:$0x1FB80];
	v1 =	vadd.f32 v7, v1;
	v2 =	vadd.f32 v4, v2  }
0x536: {  	v33 =	vld [tilespmem:$0x1FA80];
	vm0 =	vlt.f32 v58, $0.0e+00;
	v3 =	vadd.f32 v6, v3;
	v5 =	vsub.f32 v5, v4  }
0x537: {  	s15 =	sadd.s32 $0x2, s15;
	v1 =	vadd.f32 v8, v1;
	v6 =	vsel vm0, v59, v58;
	v4 =	vld [tilespmem:$0x1FC60]  }
0x538: {  	p0 =	slt.u32 s15, $0x8;
	v3 =	vadd.f32 v5, v3;
	v5 =	vadd.f32 v6, v2;
	v2 =	vld [tilespmem:$0x1FC80]  }
.Ltmp4:
0x539: {  	v19 =	vld [tilespmem:$0x1FBF0];
	v1 =	vadd.f32 v9, v1;
	(pc) =	sbr.rel @p0 .LBB2_10-.Ltmp4, $4  }
0x53a: {  	v22 =	vadd.f32 $4.096000000e+03, v57;
	v18 =	vld [tilespmem:$0x1FC10]  }
0x53b: {  	v0 =	vadd.f32 $4.096000000e+03, v38;
	v1 =	vadd.f32 v10, v1;
	v10 =	vld [tilespmem:$0x1FCE0];
	vm0 =	vlt.f32 v57, $0.0e+00  }
0x53c: {  	v12 =	vadd.f32 $4.096000000e+03, v31;
	v13 =	vld [tilespmem:$0x1FCC0];
	v4 =	vsub.f32 v4, v6;
	v6 =	vsel vm0, v22, v57  }
0x53d: {  	s16 =	sadd.s32 $0x20, s16;
	v1 =	vadd.f32 v11, v1;
	v22 =	vld [tilespmem:$0x1FC70];
	vm0 =	vlt.f32 v31, $0.0e+00;
	v7 =	vsub.f32 v2, v6  }
0x53e: {  	_ = 	snop  }
0x53f: {  	v2 =	vadd.f32 v4, v3  }
0x540: {  	v3 =	vsel vm0, v12, v31  }
0x541: {  	vm12 =	vlt.f32 v38, $0.0e+00;
	v2 =	vadd.f32 v7, v2;
	v4 =	vsub.f32 v13, v3  }
0x542: {  	v5 =	vadd.f32 v6, v5;
	v6 =	vadd.f32 $4.096000000e+03, v51;
	v0 =	vsel vm12, v0, v38  }
0x543: {  	vm13 =	vlt.f32 v51, $0.0e+00;
	v7 =	vsub.f32 v10, v0;
	v2 =	vadd.f32 v4, v2  }
0x544: {  	v3 =	vadd.f32 v3, v5;
	v5 =	vsel vm13, v6, v51;
	v4 =	vadd.f32 $4.096000000e+03, v22  }
0x545: {  	v6 =	vsub.f32 v49, v5;
	vm14 =	vlt.f32 v22, $0.0e+00;
	v2 =	vadd.f32 v7, v2  }
0x546: {  	v0 =	vadd.f32 v0, v3;
	v3 =	vadd.f32 $4.096000000e+03, v19;
	v4 =	vsel vm14, v4, v22  }
0x547: {  	vm15 =	vlt.f32 v19, $0.0e+00;
	v7 =	vsub.f32 v33, v4;
	v2 =	vadd.f32 v6, v2  }
0x548: {  	v0 =	vadd.f32 v5, v0;
	v3 =	vsel vm15, v3, v19  }
0x549: {  	v5 =	vsub.f32 v18, v3;
	v2 =	vadd.f32 v7, v2  }
0x54a: {  	v0 =	vadd.f32 v4, v0  }
0x54b: {  	v2 =	vadd.f32 v5, v2  }
0x54c: {  	v0 =	vadd.f32 v3, v0  }
0x54d: {  	[tilespmem:s14+$0xFFFFFEC0] =	vst v1;
	v1 =	vmul.f32 $2.441406250e-04, v2  }
0x54e: {  	[tilespmem:s14+$0xFFFFFEB0] =	vst v0  }
0x54f: {  	[tilespmem:s14+$0xFFFFFFF0] =	vst v1  }
0x550: {  	v0 =	vld [tilespmem:s13+$0xFFFFF800]  }
0x551: {  	v1 =	vld [tilespmem:s13+$0xFFFFF7F0]  }
0x552: {  	v2 =	vld [tilespmem:s13+$0xFFFFF900]  }
0x553: {  	v3 =	vld [tilespmem:s10+$0xC100]  }
0x554: {  	v4 =	vld [tilespmem:s13+$0xFFFFFA00]  }
0x555: {  	v5 =	vld [tilespmem:s10+$0xC200]  }
0x556: {  	v6 =	vld [tilespmem:s13+$0xFFFFFB00]  }
0x557: {  	v7 =	vld [tilespmem:s10+$0xC300]  }
0x558: {  	v8 =	vld [tilespmem:s13+$0xFFFFFC00]  }
0x559: {  	v9 =	vld [tilespmem:s10+$0xC400]  }
0x55a: {  	v52 =	vld [tilespmem:s13+$0xFFFFFD00]  }
0x55b: {  	v11 =	vld [tilespmem:s10+$0xC500]  }
0x55c: {  	v53 =	vld [tilespmem:s13+$0xFFFFFE00]  }
0x55d: {  	v54 =	vld [tilespmem:s10+$0xC600]  }
0x55e: {  	v14 =	vld [tilespmem:s13+$0xFFFFFF00]  }
0x55f: {  	v15 =	vld [tilespmem:s10+$0xC700]  }
0x560: {  	v16 =	vld [tilespmem:s13+$0x0]  }
0x561: {  	v17 =	vld [tilespmem:s10+$0xC800]  }
0x562: {  	v55 =	vld [tilespmem:s13+$0x100]  }
0x563: {  	v56 =	vld [tilespmem:s10+$0xC900]  }
0x564: {  	v20 =	vld [tilespmem:s13+$0x200]  }
0x565: {  	v21 =	vld [tilespmem:s10+$0xCA00]  }
0x566: {  	v57 =	vld [tilespmem:s13+$0x300]  }
0x567: {  	v23 =	vld [tilespmem:s10+$0xCB00]  }
0x568: {  	v24 =	vld [tilespmem:s13+$0x400]  }
0x569: {  	v25 =	vld [tilespmem:s10+$0xCC00]  }
0x56a: {  	v26 =	vld [tilespmem:s13+$0x500]  }
0x56b: {  	v27 =	vld [tilespmem:s10+$0xCD00]  }
0x56c: {  	v28 =	vld [tilespmem:s13+$0x600]  }
0x56d: {  	v29 =	vld [tilespmem:s10+$0xCE00]  }
0x56e: {  	v30 =	vld [tilespmem:s13+$0x700];
	v0 =	vadd.f32 $0.0e+00, v0  }
0x56f: {  	s11 =	simm.s32 $0xC830;
	v58 =	vld [tilespmem:s10+$0xCF00];
	v1 =	vadd.f32 $0.0e+00, v1  }
0x570: {  	v59 =	vld [tilespmem:s11+$0xFFFFFC00];
	v0 =	vadd.f32 v2, v0  }
0x571: {  	v1 =	vadd.f32 v3, v1;
	v2 =	vld [tilespmem:s11+$0xFFFFF800]  }
0x572: {  	s10 =	simm.s32 $0x20;
	v3 =	vld [tilespmem:s11+$0xFFFFF7F0];
	v0 =	vadd.f32 v4, v0  }
0x573: {  	s18 =	sand.u32 $0xE0, s10;
	v1 =	vadd.f32 v5, v1;
	v4 =	vld [tilespmem:s11+$0xFFFFF900]  }
0x574: {  	v5 =	vld [tilespmem:s18+$0xC100];
	v0 =	vadd.f32 v6, v0  }
0x575: {  	v1 =	vadd.f32 v7, v1;
	v6 =	vld [tilespmem:s11+$0xFFFFFA00]  }
0x576: {  	v7 =	vld [tilespmem:s18+$0xC200];
	v2 =	vadd.f32 $0.0e+00, v2;
	v0 =	vadd.f32 v8, v0  }
0x577: {  	v3 =	vadd.f32 $0.0e+00, v3;
	v1 =	vadd.f32 v9, v1;
	v8 =	vld [tilespmem:s11+$0xFFFFFB00]  }
0x578: {  	v2 =	vadd.f32 v4, v2;
	v4 =	vld [tilespmem:s18+$0xC300];
	v0 =	vadd.f32 v52, v0  }
0x579: {  	v60 =	vld [tilespmem:s11+$0xFFFFFF00];
	v3 =	vadd.f32 v5, v3;
	v1 =	vadd.f32 v11, v1  }
0x57a: {  	v5 =	vld [tilespmem:s18+$0xC400];
	v2 =	vadd.f32 v6, v2;
	v0 =	vadd.f32 v53, v0  }
0x57b: {  	v6 =	vld [tilespmem:s11+$0xFFFFFD00];
	v3 =	vadd.f32 v7, v3;
	v1 =	vadd.f32 v54, v1  }
0x57c: {  	v7 =	vld [tilespmem:s18+$0xC500];
	v2 =	vadd.f32 v8, v2;
	v0 =	vadd.f32 v14, v0  }
0x57d: {  	v8 =	vld [tilespmem:s11+$0xFFFFFE00];
	v1 =	vadd.f32 v15, v1;
	v3 =	vadd.f32 v4, v3  }
0x57e: {  	v4 =	vld [tilespmem:s18+$0xC600];
	v2 =	vadd.f32 v59, v2;
	v0 =	vadd.f32 v16, v0  }
0x57f: {  	v61 =	vld [tilespmem:s11+$0x200];
	v1 =	vadd.f32 v17, v1;
	v3 =	vadd.f32 v5, v3  }
0x580: {  	v5 =	vld [tilespmem:s18+$0xC700];
	v2 =	vadd.f32 v6, v2;
	v0 =	vadd.f32 v55, v0  }
0x581: {  	v6 =	vld [tilespmem:s11+$0x0];
	v1 =	vadd.f32 v56, v1;
	v3 =	vadd.f32 v7, v3  }
0x582: {  	v7 =	vld [tilespmem:s18+$0xC800];
	v2 =	vadd.f32 v8, v2;
	v0 =	vadd.f32 v20, v0  }
0x583: {  	v8 =	vld [tilespmem:s11+$0x100];
	v1 =	vadd.f32 v21, v1;
	v3 =	vadd.f32 v4, v3  }
0x584: {  	v4 =	vld [tilespmem:s18+$0xC900];
	v2 =	vadd.f32 v60, v2;
	v0 =	vadd.f32 v57, v0  }
0x585: {  	v63 =	vld [tilespmem:s11+$0x500];
	v1 =	vadd.f32 v23, v1;
	v3 =	vadd.f32 v5, v3  }
0x586: {  	v5 =	vld [tilespmem:s18+$0xCA00];
	v2 =	vadd.f32 v6, v2;
	v0 =	vadd.f32 v24, v0  }
0x587: {  	v6 =	vld [tilespmem:s11+$0x300];
	v1 =	vadd.f32 v25, v1;
	v3 =	vadd.f32 v7, v3  }
0x588: {  	v7 =	vld [tilespmem:s18+$0xCB00];
	v2 =	vadd.f32 v8, v2;
	v0 =	vadd.f32 v26, v0  }
0x589: {  	v8 =	vld [tilespmem:s11+$0x400];
	v1 =	vadd.f32 v27, v1;
	v3 =	vadd.f32 v4, v3  }
0x58a: {  	v62 =	vld [tilespmem:s18+$0xCC00];
	v2 =	vadd.f32 v61, v2;
	v4 =	vadd.f32 v28, v0  }
0x58b: {  	v1 =	vadd.f32 v29, v1;
	v5 =	vadd.f32 v5, v3;
	v0 =	vld [tilespmem:s18+$0xCD00]  }
0x58c: {  	v3 =	vld [tilespmem:s11+$0x600];
	v2 =	vadd.f32 v6, v2;
	v4 =	vadd.f32 v30, v4  }
0x58d: {  	v6 =	vadd.f32 v58, v1;
	v5 =	vadd.f32 v7, v5;
	v1 =	vld [tilespmem:s18+$0xCE00]  }
0x58e: {  	v2 =	vadd.f32 v8, v2;
	[tilespmem:s12+$0x0] =	vst v4;
	v4 =	vld [tilespmem:s11+$0x700]  }
0x58f: {  	[tilespmem:s12+$0xFFFFFFF0] =	vst v6;
	v6 =	vadd.f32 v62, v5;
	v5 =	vld [tilespmem:s18+$0xCF00]  }
0x590: {  	v32 =	vimm.f32 $1.000000000e+00;
	s13 =	simm.s32 $0xC850;
	s11 =	simm.s32 $0x2;
	v7 =	vadd.f32 v63, v2;
	v53 =	vld [tilespmem:$0x1FF60]  }
.LBB2_12:
0x591: {  	v2 =	vld [tilespmem:s13+$0xFFFFF800];
	s11 =	sadd.s32 $0x2, s11;
	v0 =	vadd.f32 v0, v6  }
0x592: {  	s10 =	sadd.s32 $0x20, s10;
	v6 =	vld [tilespmem:s13+$0xFFFFF7F0];
	p0 =	slt.u32 s11, $0x8;
	v3 =	vadd.f32 v3, v7  }
0x593: {  	s14 =	sand.u32 $0xE0, s10;
	v7 =	vld [tilespmem:s13+$0xFFFFF900];
	v0 =	vadd.f32 v1, v0  }
0x594: {  	v1 =	vld [tilespmem:s14+$0xC100];
	v3 =	vadd.f32 v4, v3  }
0x595: {  	s12 =	sadd.s32 $0x20, s12;
	v4 =	vld [tilespmem:s13+$0xFFFFFA00];
	v0 =	vadd.f32 v5, v0  }
0x596: {  	v5 =	vld [tilespmem:s14+$0xC200];
	v2 =	vadd.f32 $0.0e+00, v2;
	[tilespmem:s12+$0x0] =	vst v3  }
0x597: {  	v3 =	vadd.f32 $0.0e+00, v6;
	v6 =	vld [tilespmem:s13+$0xFFFFFB00];
	[tilespmem:s12+$0xFFFFFFF0] =	vst v0  }
0x598: {  	v0 =	vld [tilespmem:s14+$0xC300];
	v2 =	vadd.f32 v7, v2  }
0x599: {  	v1 =	vadd.f32 v1, v3;
	v3 =	vld [tilespmem:s13+$0xFFFFFC00]  }
0x59a: {  	v7 =	vld [tilespmem:s14+$0xC400];
	v2 =	vadd.f32 v4, v2  }
0x59b: {  	v1 =	vadd.f32 v5, v1;
	v4 =	vld [tilespmem:s13+$0xFFFFFD00]  }
0x59c: {  	v5 =	vld [tilespmem:s14+$0xC500];
	v2 =	vadd.f32 v6, v2  }
0x59d: {  	v0 =	vadd.f32 v0, v1;
	v1 =	vld [tilespmem:s13+$0xFFFFFE00]  }
0x59e: {  	v6 =	vld [tilespmem:s14+$0xC600];
	v2 =	vadd.f32 v3, v2  }
0x59f: {  	v0 =	vadd.f32 v7, v0;
	v3 =	vld [tilespmem:s13+$0xFFFFFF00]  }
0x5a0: {  	v7 =	vld [tilespmem:s14+$0xC700];
	v2 =	vadd.f32 v4, v2  }
0x5a1: {  	v0 =	vadd.f32 v5, v0;
	v4 =	vld [tilespmem:s13+$0x0]  }
0x5a2: {  	v5 =	vld [tilespmem:s14+$0xC800];
	v1 =	vadd.f32 v1, v2  }
0x5a3: {  	v0 =	vadd.f32 v6, v0;
	v2 =	vld [tilespmem:s13+$0x100]  }
0x5a4: {  	v6 =	vld [tilespmem:s14+$0xC900];
	v1 =	vadd.f32 v3, v1  }
0x5a5: {  	v0 =	vadd.f32 v7, v0;
	v3 =	vld [tilespmem:s13+$0x200]  }
0x5a6: {  	v7 =	vld [tilespmem:s14+$0xCA00];
	v1 =	vadd.f32 v4, v1  }
0x5a7: {  	v0 =	vadd.f32 v5, v0;
	v4 =	vld [tilespmem:s13+$0x300]  }
0x5a8: {  	v5 =	vld [tilespmem:s14+$0xCB00];
	v1 =	vadd.f32 v2, v1  }
0x5a9: {  	v0 =	vadd.f32 v6, v0;
	v2 =	vld [tilespmem:s13+$0x400]  }
0x5aa: {  	v6 =	vld [tilespmem:s14+$0xCC00];
	v1 =	vadd.f32 v3, v1  }
0x5ab: {  	v3 =	vadd.f32 v7, v0;
	v7 =	vld [tilespmem:s13+$0x500]  }
.Ltmp5:
0x5ac: {  	v0 =	vld [tilespmem:s14+$0xCD00];
	v4 =	vadd.f32 v4, v1;
	(pc) =	sbr.rel @p0 .LBB2_12-.Ltmp5, $4  }
0x5ad: {  	v5 =	vadd.f32 v5, v3;
	v3 =	vld [tilespmem:s13+$0x600]  }
0x5ae: {  	v1 =	vld [tilespmem:s14+$0xCE00];
	v2 =	vadd.f32 v2, v4  }
0x5af: {  	v6 =	vadd.f32 v6, v5;
	v4 =	vld [tilespmem:s13+$0x700]  }
0x5b0: {  	s13 =	sadd.s32 $0x20, s13;
	v5 =	vld [tilespmem:s14+$0xCF00];
	v7 =	vadd.f32 v7, v2  }
0x5b1: {  	v0 =	vadd.f32 v0, v6  }
0x5b2: {  	v2 =	vadd.f32 v3, v7  }
0x5b3: {  	v0 =	vadd.f32 v1, v0  }
0x5b4: {  	v1 =	vadd.f32 v4, v2  }
0x5b5: {  	s10 =	sadd.s32 $0x20, s12;
	v0 =	vadd.f32 v5, v0  }
0x5b6: {  	[tilespmem:s10+$0x0] =	vst v1  }
0x5b7: {  	s9 =	sadd.s32 $0x1, s9;
	[tilespmem:s10+$0xFFFFFFF0] =	vst v0;
	v0 =	vimm.f32 $0.0e+00  }
0x5b8: {  	s16 =	simm.s32 $0x0;
	p0 =	sne.s32 s9, s19;
	[tilespmem:$0xD1E0] =	vst v0  }
.Ltmp6:
0x5b9: {  	s18 =	simm.s32 $0xD000;
	[tilespmem:$0xD1F0] =	vst v0;
	s11 =	rddreg [dreg:$0xd];
	(pc) =	sbr.rel @p0 .LBB2_1-.Ltmp6, $4  }
0x5ba: {  	[hbm4b:s11+s16] =	stream.linear.scatter [tilespmem:s18], [sflag:$0x3], $0x200, $0x38;
	[tilespmem:$0xD200] =	vst v63  }
0x5bb: {  	_ =	swait.ge [sflag:s8], $0x200  }
0x5bc: {  	[sflag:s8] =	ssyncset.done $0x0  }
0x5bd: {  	[sflag:s8] =	ssyncadd.s32 $0xFFFFFE00  }
0x5be: {  	_ =	sfence.sel $0x180000  }
0x5bf: {  	[bflag:$0x0] =	sbarrier.arrive $0xFFFF  }
0x5c0: {  	_ =	strace $0x90000047  }
0x5c1: {  	s0 =	stileid.u32;
	[bflag:$0x2] =	sbarrier.arrive $0xFFFF  }
0x5c2: {  	p0 =	sne.s32 s0, $0x0;
	s0 =	rddreg [dreg:$0x2]  }
0x5c3: {  	s0 =	sadd.s32 @!p0 $0x100000, s0  }
0x5c4: {  	[sflag:s0] =	ssyncadd.tile.s32 @!p0 $0x1;
	_ =	shalt  }
.Lfunc_end2:
_tile_overlayer_lowered:
.L_overlay_start_2:
0x5c5: {  	(tag) =	ssettag $0x2  }
0x5c6: {  	s0 =	rddreg [dreg:$0x0];
	s2 =	stileid.u32  }
0x5c7: {  	s1 =	rddreg [dreg:$0x1];
	p0 =	sne.s32 s2, $0x0  }
0x5c8: {  	s3 =	rddreg [dreg:$0x2];
	[bflag:$0x3] =	sbarrier.arrive $0xFFFF;
	s2 =	simm.s32 @!p0 $0x1C03  }
0x5c9: {  	[timem:s3], [sflag:s2] =	dma.local @!p0 [hbm:s0], s1  }
0x5ca: {  	s0 =	simm.s32 @!p0 $0x3  }
0x5cb: {  	_ =	swait.ge @!p0 [sflag:s0], s1  }
0x5cc: {  	s1 =	ssub.s32 @!p0 $0x0, s1;
	[sflag:s0] =	ssyncset.done @!p0 $0x0  }
0x5cd: {  	[sflag:s0] =	ssyncadd.s32 @!p0 s1  }
0x5ce: {  	[bflag:$0x3] =	sbarrier.arrive $0xFFFF  }
0x5cf: {  	_ =	shalt  }

</sc_bundles>
